<compile_context>
chip_gen: v7x
topology: tpu7x:2x2x1
jax: 0.10.2.dev20260603
libtpu: 0.0.44.dev20260713+nightly
codegen_flags: <defaults>
</compile_context>

<pallas_src>
import functools

import jax
import jax.numpy as jnp
from jax import lax
from jax.experimental import pallas as pl
from jax.experimental.pallas import tpu as pltpu
from jax.experimental.pallas import tpu_sc as plsc

N = 10000
D = 128
E = 320000
EL = 100000
CNT_W = 16

NUM_CORES = 2
NUM_TILES = 16
NW = NUM_CORES * NUM_TILES
CHUNK = 128

CPT = 160
E_PAD = NUM_TILES * CPT * CHUNK
NCHUNK = E_PAD // CHUNK
IDXB = 8

NP = 10240
ROWS_PER_TILE = NP // NUM_TILES
SLABS = ROWS_PER_TILE // CHUNK
PAD_DST = N

ELP = -(-EL // CHUNK) * CHUNK
NCHUNK_DEC = ELP // CHUNK
DEC_ITERS = -(-NCHUNK_DEC // NW)

_MESH = plsc.VectorSubcoreMesh(core_axis_name="c", subcore_axis_name="s")


@functools.partial(
    pl.kernel,
    out_type=(
        jax.ShapeDtypeStruct((NP, D), jnp.float32),
        jax.ShapeDtypeStruct((NP, D), jnp.float32),
    ),
    mesh=_MESH,
    compiler_params=pltpu.CompilerParams(needs_layout_passes=False, use_tc_tiling_on_sc=False),
    scratch_types=[
        pltpu.VMEM((CHUNK,), jnp.int32),
        pltpu.VMEM((CHUNK,), jnp.int32),
        pltpu.VMEM((CHUNK, D), jnp.float32),
        pltpu.VMEM((CHUNK, CNT_W), jnp.float32),
        pltpu.VMEM_SHARED((NP, D), jnp.float32),
        pltpu.VMEM_SHARED((NP, CNT_W), jnp.float32),
        pltpu.SemaphoreType.DMA,
    ],
)
def _sc_gnn(table_a, src_a, dst_a, table_b, src_b, dst_b,
            agg_to_out, agg_of_out,
            src_v, dst_v, rows_v, ones_v, acc_sh, cnt_sh, sem):
    c = lax.axis_index("c")
    s = lax.axis_index("s")
    base = s * ROWS_PER_TILE
    zero16 = jnp.zeros((16,), jnp.float32)
    one16 = jnp.ones((16,), jnp.float32)

    def fill(ref, width, val):
        def body(i, carry):
            for k in range(width // 16):
                ref[i, pl.ds(k * 16, 16)] = val
            return carry
        lax.fori_loop(0, CHUNK, body, 0)

    def relation(table, src, dst, out):
        fill(rows_v, D, zero16)
        fill(ones_v, CNT_W, zero16)
        for j in range(SLABS):
            pltpu.sync_copy(rows_v, acc_sh.at[pl.ds(base + j * CHUNK, CHUNK)])
            pltpu.sync_copy(ones_v, cnt_sh.at[pl.ds(base + j * CHUNK, CHUNK)])
        fill(ones_v, CNT_W, one16)
        plsc.subcore_barrier()

        def step(t, carry):
            eoff = (s * CPT + t) * CHUNK
            pltpu.sync_copy(src.at[pl.ds(eoff, CHUNK)], src_v)
            pltpu.sync_copy(dst.at[pl.ds(eoff, CHUNK)], dst_v)
            pltpu.async_copy(table.at[src_v], rows_v, sem).wait()
            pltpu.sync_copy(rows_v, acc_sh.at[dst_v], add=True)
            pltpu.sync_copy(ones_v, cnt_sh.at[dst_v], add=True)
            return carry

        lax.fori_loop(0, CPT, step, 0)
        plsc.subcore_barrier()

        for j in range(SLABS):
            off = base + j * CHUNK
            pltpu.sync_copy(acc_sh.at[pl.ds(off, CHUNK)], rows_v)
            pltpu.sync_copy(cnt_sh.at[pl.ds(off, CHUNK)], ones_v)

            def div(i, carry):
                cntv = jnp.maximum(ones_v[i, pl.ds(0, 16)], 1.0)
                for k in range(D // 16):
                    sl = pl.ds(k * 16, 16)
                    rows_v[i, sl] = rows_v[i, sl] / cntv
                return carry

            lax.fori_loop(0, CHUNK, div, 0)
            pltpu.sync_copy(rows_v, out.at[pl.ds(off, CHUNK)])

    @pl.when(c == 0)
    def _():
        relation(table_a, src_a, dst_a, agg_to_out)

    @pl.when(c == 1)
    def _():
        relation(table_b, src_b, dst_b, agg_of_out)


@functools.partial(
    pl.kernel,
    out_type=jax.ShapeDtypeStruct((ELP,), jnp.float32),
    mesh=_MESH,
    compiler_params=pltpu.CompilerParams(needs_layout_passes=False, use_tc_tiling_on_sc=False),
    scratch_types=[
        pltpu.VMEM((CHUNK,), jnp.int32),
        pltpu.VMEM((CHUNK,), jnp.int32),
        pltpu.VMEM((CHUNK, D), jnp.float32),
        pltpu.VMEM((CHUNK, D), jnp.float32),
        pltpu.VMEM((CHUNK,), jnp.float32),
        pltpu.SemaphoreType.DMA,
        pltpu.SemaphoreType.DMA,
    ],
)
def _sc_decoder(h_of, h_to, el0, el1, out,
                a_idx, b_idx, a_rows, b_rows, pred_v, sem_a, sem_b):
    c = lax.axis_index("c")
    s = lax.axis_index("s")
    wid = s * NUM_CORES + c

    def body(i, carry):
        chunk = wid + i * NW

        @pl.when(chunk < NCHUNK_DEC)
        def _():
            off = chunk * CHUNK
            pltpu.sync_copy(el0.at[pl.ds(off, CHUNK)], a_idx)
            pltpu.sync_copy(el1.at[pl.ds(off, CHUNK)], b_idx)
            cp_a = pltpu.async_copy(h_of.at[a_idx], a_rows, sem_a)
            cp_b = pltpu.async_copy(h_to.at[b_idx], b_rows, sem_b)
            cp_a.wait()
            cp_b.wait()

            lane = lax.iota(jnp.int32, 16)

            def group(g, carry2):
                rows = g * 16 + lane
                col = jnp.zeros((16,), jnp.int32)
                acc = (plsc.load_gather(a_rows, [rows, col]) *
                       plsc.load_gather(b_rows, [rows, col]))
                for k in range(1, D):
                    colk = jnp.full((16,), k, jnp.int32)
                    acc = acc + (plsc.load_gather(a_rows, [rows, colk]) *
                                 plsc.load_gather(b_rows, [rows, colk]))
                pred_v[pl.ds(g * 16, 16)] = acc
                return carry2

            lax.fori_loop(0, CHUNK // 16, group, 0)
            pltpu.sync_copy(pred_v, out.at[pl.ds(off, CHUNK)])

        return carry

    lax.fori_loop(0, DEC_ITERS, body, 0)


_BLK = 1000
_GRID = N // _BLK


def _tc1_body(x_ref, w_ref, b_ref, emb_ref, o_ref):
    o_ref[...] = (jnp.dot(x_ref[...], w_ref[...],
                          preferred_element_type=jnp.float32)
                  + b_ref[...] + emb_ref[...])


def _tc_linear(to_x, w, b, emb):
    return pl.pallas_call(
        _tc1_body,
        grid=(_GRID,),
        in_specs=[
            pl.BlockSpec((_BLK, D), lambda i: (i, 0)),
            pl.BlockSpec((D, D), lambda i: (0, 0)),
            pl.BlockSpec((D,), lambda i: (0,)),
            pl.BlockSpec((_BLK, D), lambda i: (i, 0)),
        ],
        out_specs=pl.BlockSpec((_BLK, D), lambda i: (i, 0)),
        out_shape=jax.ShapeDtypeStruct((N, D), jnp.float32),
    )(to_x, w, b, emb)


def _tc2_body(agg_of_ref, agg_to_ref, x_of_ref, x_to_ref,
              wso_ref, wmto_ref, wst_ref, wmot_ref, hof_ref, hto_ref):
    hof_ref[...] = jnp.maximum(
        jnp.dot(x_of_ref[...], wso_ref[...], preferred_element_type=jnp.float32)
        + jnp.dot(agg_of_ref[...], wmto_ref[...],
                  preferred_element_type=jnp.float32),
        0.0)
    hto_ref[...] = jnp.maximum(
        jnp.dot(x_to_ref[...], wst_ref[...], preferred_element_type=jnp.float32)
        + jnp.dot(agg_to_ref[...], wmot_ref[...],
                  preferred_element_type=jnp.float32),
        0.0)


def _tc_combine(agg_of, agg_to, x_of, x_to, wso, wmto, wst, wmot):
    blk = pl.BlockSpec((_BLK, D), lambda i: (i, 0))
    wblk = pl.BlockSpec((D, D), lambda i: (0, 0))
    return pl.pallas_call(
        _tc2_body,
        grid=(_GRID,),
        in_specs=[blk, blk, blk, blk, wblk, wblk, wblk, wblk],
        out_specs=(blk, blk),
        out_shape=(jax.ShapeDtypeStruct((N, D), jnp.float32),
                   jax.ShapeDtypeStruct((N, D), jnp.float32)),
    )(agg_of, agg_to, x_of, x_to, wso, wmto, wst, wmot)


def _pad_edges(ei):
    src = jnp.concatenate([ei[0], jnp.zeros((E_PAD - E,), jnp.int32)])
    dst = jnp.concatenate([ei[1], jnp.full((E_PAD - E,), PAD_DST, jnp.int32)])
    return src, dst


def kernel(of_node_id, to_node_id, to_x, edge_index_of_to, edge_index_to_of,
           edge_label_index, of_emb_table, to_emb_table, W_lin, b_lin,
           W_msg_of_to, W_self_to, W_msg_to_of, W_self_of):
    del of_node_id, to_node_id
    x_of = of_emb_table
    x_to = _tc_linear(to_x, W_lin, b_lin, to_emb_table)

    src_a, dst_a = _pad_edges(edge_index_of_to)
    src_b, dst_b = _pad_edges(edge_index_to_of)

    agg_to, agg_of = _sc_gnn(x_of, src_a, dst_a, x_to, src_b, dst_b)

    h_of, h_to = _tc_combine(agg_of[:N], agg_to[:N], x_of, x_to,
                             W_self_of, W_msg_to_of, W_self_to, W_msg_of_to)

    pad = ELP - EL
    el0 = jnp.pad(edge_label_index[0], (0, pad))
    el1 = jnp.pad(edge_label_index[1], (0, pad))
    pred = _sc_decoder(h_of, h_to, el0, el1)
    return pred[:EL]

# --- scband reference (transcript-rebuilt; emitter-appended) ---
"""Pipeline reference for scband-model-20512763806295 (READ-ONLY COPY).

The authoritative reference and input builder live on the scoring server;
editing this copy changes nothing except your own understanding.
"""

import jax, jax.numpy as jnp
import numpy as np

N_OF = 10000
N_TO = 10000
D_FEAT = 128
H = 128
E = 320000
E_LABEL = 100000


def segment_mean(msgs, seg, num):
    s = jax.ops.segment_sum(msgs, seg, num_segments=num)
    cnt = jax.ops.segment_sum(jnp.ones((msgs.shape[0], 1), msgs.dtype), seg, num_segments=num)
    return s / jnp.maximum(cnt, 1.0)


def setup_inputs(seed: int = 0) -> dict:
    key = jax.random.key(seed)
    ks = jax.random.split(key, 12)
    inp = {}
    inp["of_node_id"] = jnp.arange(N_OF, dtype=jnp.int32)
    inp["to_node_id"] = jnp.arange(N_TO, dtype=jnp.int32)
    inp["to_x"] = jax.random.normal(ks[0], (N_TO, D_FEAT), dtype=jnp.float32)
    inp["edge_index_of_to"] = jax.random.randint(ks[1], (2, E), 0, N_TO, dtype=jnp.int32)
    inp["edge_index_to_of"] = jax.random.randint(ks[2], (2, E), 0, N_OF, dtype=jnp.int32)
    inp["edge_label_index"] = jax.random.randint(ks[3], (2, E_LABEL), 0, N_OF, dtype=jnp.int32)
    # learned parameters
    sc = 1.0 / np.sqrt(H)
    inp["of_emb_table"] = jax.random.normal(ks[4], (N_OF, H), dtype=jnp.float32)
    inp["to_emb_table"] = jax.random.normal(ks[5], (N_TO, H), dtype=jnp.float32)
    inp["W_lin"] = jax.random.normal(ks[6], (D_FEAT, H), dtype=jnp.float32) * (1.0 / np.sqrt(D_FEAT))
    inp["b_lin"] = jnp.zeros((H,), dtype=jnp.float32)
    inp["W_msg_of_to"] = jax.random.normal(ks[7], (H, H), dtype=jnp.float32) * sc
    inp["W_self_to"] = jax.random.normal(ks[8], (H, H), dtype=jnp.float32) * sc
    inp["W_msg_to_of"] = jax.random.normal(ks[9], (H, H), dtype=jnp.float32) * sc
    inp["W_self_of"] = jax.random.normal(ks[10], (H, H), dtype=jnp.float32) * sc
    return inp


def reference(of_node_id, to_node_id, to_x, edge_index_of_to, edge_index_to_of, edge_label_index,
              of_emb_table, to_emb_table, W_lin, b_lin, W_msg_of_to, W_self_to, W_msg_to_of, W_self_of):
    # build x_dict (embedding lookups + linear projection of raw 'to' features)
    x_of = jnp.take(of_emb_table, of_node_id, axis=0)
    x_to = to_x @ W_lin + b_lin + jnp.take(to_emb_table, to_node_id, axis=0)
    # inner hetero GNN (one SAGE-mean layer per relation)
    src_ot, dst_ot = edge_index_of_to[0], edge_index_of_to[1]
    agg_to = segment_mean(jnp.take(x_of, src_ot, axis=0), dst_ot, x_to.shape[0])
    src_to, dst_to = edge_index_to_of[0], edge_index_to_of[1]
    agg_of = segment_mean(jnp.take(x_to, src_to, axis=0), dst_to, x_of.shape[0])
    h_of = jax.nn.relu(x_of @ W_self_of + agg_of @ W_msg_to_of)
    h_to = jax.nn.relu(x_to @ W_self_to + agg_to @ W_msg_of_to)
    # Classifier: dot product over labeled edges
    e_of = jnp.take(h_of, edge_label_index[0], axis=0)
    e_to = jnp.take(h_to, edge_label_index[1], axis=0)
    pred = (e_of * e_to).sum(axis=-1)
    return pred

if __name__ == "__main__":
    import jax
    _d = setup_inputs()
    print(jax.jit(kernel)(*tuple(_d.values())))

</pallas_src>

<mosaic_0001>
#map = affine_map<(d0, d1) -> (0, 0)>
#map1 = affine_map<(d0, d1) -> (0)>
module attributes {stable_mosaic.version = 14 : i64} {
  func.func @_sc_gnn(%arg0: i32, %arg1: i32, %arg2: memref<10000x128xf32, #tpu.memory_space<hbm>>, %arg3: memref<327680xi32, #tpu.memory_space<hbm>>, %arg4: memref<327680xi32, #tpu.memory_space<hbm>>, %arg5: memref<10000x128xf32, #tpu.memory_space<hbm>>, %arg6: memref<327680xi32, #tpu.memory_space<hbm>>, %arg7: memref<327680xi32, #tpu.memory_space<hbm>>, %arg8: memref<10240x128xf32, #tpu.memory_space<hbm>>, %arg9: memref<10240x128xf32, #tpu.memory_space<hbm>>, %arg10: memref<128xi32, #tpu.memory_space<vmem>>, %arg11: memref<128xi32, #tpu.memory_space<vmem>>, %arg12: memref<128x128xf32, #tpu.memory_space<vmem>>, %arg13: memref<128x16xf32, #tpu.memory_space<vmem>>, %arg14: memref<10240x128xf32, #tpu.memory_space<vmem_shared>>, %arg15: memref<10240x16xf32, #tpu.memory_space<vmem_shared>>, %arg16: memref<!tpu.dma_semaphore, #tpu.memory_space<semaphore_mem>>) attributes {dimension_semantics = [#tpu.dimension_semantics<core_parallel>, #tpu.dimension_semantics<subcore_parallel>], iteration_bounds = array<i64: 2, 16>, scalar_prefetch = 0 : i64, scratch_operands = 7 : i64, tpu.core_type = #tpu.core_type<sc_vector_subcore>, window_params = [{transform_indices = #map}, {transform_indices = #map1}, {transform_indices = #map1}, {transform_indices = #map}, {transform_indices = #map1}, {transform_indices = #map1}, {transform_indices = #map}, {transform_indices = #map}]} {
    %mul3A = arith.constant 640 : i32
    %mul3A_0 = arith.muli %arg1, %mul3A : i32
    %broadcast_in_dim3A = arith.constant 0.000000e+00 : f32
    %broadcast_in_dim3A_1 = vector.broadcast %broadcast_in_dim3A : f32 to vector<16xf32>
    %broadcast_in_dim3A_2 = arith.constant 1.000000e+00 : f32
    %broadcast_in_dim3A_3 = vector.broadcast %broadcast_in_dim3A_2 : f32 to vector<16xf32>
    %eq3A = arith.constant 0 : i32
    %eq3A_4 = arith.cmpi eq, %arg0, %eq3A : i32
    %convert_element_type3A = arith.extui %eq3A_4 : i1 to i32
    %cond3A = arith.constant 0 : i32
    %cond3A_5 = arith.cmpi ne, %convert_element_type3A, %cond3A : i32
    scf.if %cond3A_5 {
      %scan3A = arith.constant 0 : i32
      %scan3A_11 = arith.constant 0 : i32
      %scan3A_12 = arith.constant 128 : i32
      %scan3A_13 = arith.addi %scan3A_11, %scan3A_12 : i32
      %scan3A_14 = arith.constant 1 : i32
      scf.for %scan3A_94 = %scan3A_11 to %scan3A_13 step %scan3A_14  : i32 {
        %swap3A = arith.index_cast %scan3A_94 : i32 to index
        %swap3A_95 = arith.constant 0 : index
        %swap3A_96 = tpu.vector_load %arg12[%swap3A, %swap3A_95] {strides = array<i32>} : memref<128x128xf32, #tpu.memory_space<vmem>>, vector<16xf32>,
        tpu.vector_store %arg12[%swap3A, %swap3A_95], %broadcast_in_dim3A_1 {strides = array<i32>} : memref<128x128xf32, #tpu.memory_space<vmem>>, vector<16xf32>,
        %swap3A_97 = arith.index_cast %scan3A_94 : i32 to index
        %swap3A_98 = arith.constant 16 : index
        %swap3A_99 = tpu.vector_load %arg12[%swap3A_97, %swap3A_98] {strides = array<i32>} : memref<128x128xf32, #tpu.memory_space<vmem>>, vector<16xf32>,
        tpu.vector_store %arg12[%swap3A_97, %swap3A_98], %broadcast_in_dim3A_1 {strides = array<i32>} : memref<128x128xf32, #tpu.memory_space<vmem>>, vector<16xf32>,
        %swap3A_100 = arith.index_cast %scan3A_94 : i32 to index
        %swap3A_101 = arith.constant 32 : index
        %swap3A_102 = tpu.vector_load %arg12[%swap3A_100, %swap3A_101] {strides = array<i32>} : memref<128x128xf32, #tpu.memory_space<vmem>>, vector<16xf32>,
        tpu.vector_store %arg12[%swap3A_100, %swap3A_101], %broadcast_in_dim3A_1 {strides = array<i32>} : memref<128x128xf32, #tpu.memory_space<vmem>>, vector<16xf32>,
        %swap3A_103 = arith.index_cast %scan3A_94 : i32 to index
        %swap3A_104 = arith.constant 48 : index
        %swap3A_105 = tpu.vector_load %arg12[%swap3A_103, %swap3A_104] {strides = array<i32>} : memref<128x128xf32, #tpu.memory_space<vmem>>, vector<16xf32>,
        tpu.vector_store %arg12[%swap3A_103, %swap3A_104], %broadcast_in_dim3A_1 {strides = array<i32>} : memref<128x128xf32, #tpu.memory_space<vmem>>, vector<16xf32>,
        %swap3A_106 = arith.index_cast %scan3A_94 : i32 to index
        %swap3A_107 = arith.constant 64 : index
        %swap3A_108 = tpu.vector_load %arg12[%swap3A_106, %swap3A_107] {strides = array<i32>} : memref<128x128xf32, #tpu.memory_space<vmem>>, vector<16xf32>,
        tpu.vector_store %arg12[%swap3A_106, %swap3A_107], %broadcast_in_dim3A_1 {strides = array<i32>} : memref<128x128xf32, #tpu.memory_space<vmem>>, vector<16xf32>,
        %swap3A_109 = arith.index_cast %scan3A_94 : i32 to index
        %swap3A_110 = arith.constant 80 : index
        %swap3A_111 = tpu.vector_load %arg12[%swap3A_109, %swap3A_110] {strides = array<i32>} : memref<128x128xf32, #tpu.memory_space<vmem>>, vector<16xf32>,
        tpu.vector_store %arg12[%swap3A_109, %swap3A_110], %broadcast_in_dim3A_1 {strides = array<i32>} : memref<128x128xf32, #tpu.memory_space<vmem>>, vector<16xf32>,
        %swap3A_112 = arith.index_cast %scan3A_94 : i32 to index
        %swap3A_113 = arith.constant 96 : index
        %swap3A_114 = tpu.vector_load %arg12[%swap3A_112, %swap3A_113] {strides = array<i32>} : memref<128x128xf32, #tpu.memory_space<vmem>>, vector<16xf32>,
        tpu.vector_store %arg12[%swap3A_112, %swap3A_113], %broadcast_in_dim3A_1 {strides = array<i32>} : memref<128x128xf32, #tpu.memory_space<vmem>>, vector<16xf32>,
        %swap3A_115 = arith.index_cast %scan3A_94 : i32 to index
        %swap3A_116 = arith.constant 112 : index
        %swap3A_117 = tpu.vector_load %arg12[%swap3A_115, %swap3A_116] {strides = array<i32>} : memref<128x128xf32, #tpu.memory_space<vmem>>, vector<16xf32>,
        tpu.vector_store %arg12[%swap3A_115, %swap3A_116], %broadcast_in_dim3A_1 {strides = array<i32>} : memref<128x128xf32, #tpu.memory_space<vmem>>, vector<16xf32>,
      }
      %scan3A_15 = arith.constant 128 : i32
      %scan3A_16 = arith.constant 0 : i32
      %scan3A_17 = arith.constant 0 : i32
      %scan3A_18 = arith.constant 128 : i32
      %scan3A_19 = arith.addi %scan3A_17, %scan3A_18 : i32
      %scan3A_20 = arith.constant 1 : i32
      scf.for %scan3A_94 = %scan3A_17 to %scan3A_19 step %scan3A_20  : i32 {
        %swap3A = arith.index_cast %scan3A_94 : i32 to index
        %swap3A_95 = arith.constant 0 : index
        %swap3A_96 = tpu.vector_load %arg13[%swap3A, %swap3A_95] {strides = array<i32>} : memref<128x16xf32, #tpu.memory_space<vmem>>, vector<16xf32>,
        tpu.vector_store %arg13[%swap3A, %swap3A_95], %broadcast_in_dim3A_1 {strides = array<i32>} : memref<128x16xf32, #tpu.memory_space<vmem>>, vector<16xf32>,
      }
      %scan3A_21 = arith.constant 128 : i32
      %add3A = arith.constant 0 : i32
      %add3A_22 = arith.addi %mul3A_0, %add3A : i32
      "tpu.region"() ({
        %run_scoped3A = tpu.sem_alloc : memref<!tpu.dma_semaphore, #tpu.memory_space<semaphore_mem>>
        %dma_start3A = arith.constant 0 : i32
        %dma_start3A_94 = tpu.memref_slice %arg14[%add3A_22, %dma_start3A] : memref<10240x128xf32, #tpu.memory_space<vmem_shared>> -> memref<128x128xf32, #tpu.memory_space<vmem_shared>>
        %dma_start3A_95 = arith.constant 0 : i32
        %dma_start3A_96 = tpu.memref_slice %arg14[%add3A_22, %dma_start3A_95] : memref<10240x128xf32, #tpu.memory_space<vmem_shared>> -> memref<128x128xf32, #tpu.memory_space<vmem_shared>>
        tpu.enqueue_dma source(%arg12 : memref<128x128xf32, #tpu.memory_space<vmem>>) target(%dma_start3A_96 : memref<128x128xf32, #tpu.memory_space<vmem_shared>>) target_semaphore(%run_scoped3A : memref<!tpu.dma_semaphore, #tpu.memory_space<semaphore_mem>>)
        %dma_wait3A = arith.constant 0 : i32
        %dma_wait3A_97 = tpu.memref_slice %arg14[%add3A_22, %dma_wait3A] : memref<10240x128xf32, #tpu.memory_space<vmem_shared>> -> memref<128x128xf32, #tpu.memory_space<vmem_shared>>
        %dma_wait3A_98 = arith.constant 0 : i32
        %dma_wait3A_99 = tpu.memref_slice %arg14[%add3A_22, %dma_wait3A_98] : memref<10240x128xf32, #tpu.memory_space<vmem_shared>> -> memref<128x128xf32, #tpu.memory_space<vmem_shared>>
        tpu.wait_dma2 semaphore(%run_scoped3A : memref<!tpu.dma_semaphore, #tpu.memory_space<semaphore_mem>>) src(%arg12 : memref<128x128xf32, #tpu.memory_space<vmem>>) dst(%dma_wait3A_99 : memref<128x128xf32, #tpu.memory_space<vmem_shared>>)
        tpu.yield
      }) : () -> ()
      %add3A_23 = arith.constant 0 : i32
      %add3A_24 = arith.addi %mul3A_0, %add3A_23 : i32
      "tpu.region"() ({
        %run_scoped3A = tpu.sem_alloc : memref<!tpu.dma_semaphore, #tpu.memory_space<semaphore_mem>>
        %dma_start3A = arith.constant 0 : i32
        %dma_start3A_94 = tpu.memref_slice %arg15[%add3A_24, %dma_start3A] : memref<10240x16xf32, #tpu.memory_space<vmem_shared>> -> memref<128x16xf32, #tpu.memory_space<vmem_shared>>
        %dma_start3A_95 = arith.constant 0 : i32
        %dma_start3A_96 = tpu.memref_slice %arg15[%add3A_24, %dma_start3A_95] : memref<10240x16xf32, #tpu.memory_space<vmem_shared>> -> memref<128x16xf32, #tpu.memory_space<vmem_shared>>
        tpu.enqueue_dma source(%arg13 : memref<128x16xf32, #tpu.memory_space<vmem>>) target(%dma_start3A_96 : memref<128x16xf32, #tpu.memory_space<vmem_shared>>) target_semaphore(%run_scoped3A : memref<!tpu.dma_semaphore, #tpu.memory_space<semaphore_mem>>)
        %dma_wait3A = arith.constant 0 : i32
        %dma_wait3A_97 = tpu.memref_slice %arg15[%add3A_24, %dma_wait3A] : memref<10240x16xf32, #tpu.memory_space<vmem_shared>> -> memref<128x16xf32, #tpu.memory_space<vmem_shared>>
        %dma_wait3A_98 = arith.constant 0 : i32
        %dma_wait3A_99 = tpu.memref_slice %arg15[%add3A_24, %dma_wait3A_98] : memref<10240x16xf32, #tpu.memory_space<vmem_shared>> -> memref<128x16xf32, #tpu.memory_space<vmem_shared>>
        tpu.wait_dma2 semaphore(%run_scoped3A : memref<!tpu.dma_semaphore, #tpu.memory_space<semaphore_mem>>) src(%arg13 : memref<128x16xf32, #tpu.memory_space<vmem>>) dst(%dma_wait3A_99 : memref<128x16xf32, #tpu.memory_space<vmem_shared>>)
        tpu.yield
      }) : () -> ()
      %add3A_25 = arith.constant 128 : i32
      %add3A_26 = arith.addi %mul3A_0, %add3A_25 : i32
      "tpu.region"() ({
        %run_scoped3A = tpu.sem_alloc : memref<!tpu.dma_semaphore, #tpu.memory_space<semaphore_mem>>
        %dma_start3A = arith.constant 0 : i32
        %dma_start3A_94 = tpu.memref_slice %arg14[%add3A_26, %dma_start3A] : memref<10240x128xf32, #tpu.memory_space<vmem_shared>> -> memref<128x128xf32, #tpu.memory_space<vmem_shared>>
        %dma_start3A_95 = arith.constant 0 : i32
        %dma_start3A_96 = tpu.memref_slice %arg14[%add3A_26, %dma_start3A_95] : memref<10240x128xf32, #tpu.memory_space<vmem_shared>> -> memref<128x128xf32, #tpu.memory_space<vmem_shared>>
        tpu.enqueue_dma source(%arg12 : memref<128x128xf32, #tpu.memory_space<vmem>>) target(%dma_start3A_96 : memref<128x128xf32, #tpu.memory_space<vmem_shared>>) target_semaphore(%run_scoped3A : memref<!tpu.dma_semaphore, #tpu.memory_space<semaphore_mem>>)
        %dma_wait3A = arith.constant 0 : i32
        %dma_wait3A_97 = tpu.memref_slice %arg14[%add3A_26, %dma_wait3A] : memref<10240x128xf32, #tpu.memory_space<vmem_shared>> -> memref<128x128xf32, #tpu.memory_space<vmem_shared>>
        %dma_wait3A_98 = arith.constant 0 : i32
        %dma_wait3A_99 = tpu.memref_slice %arg14[%add3A_26, %dma_wait3A_98] : memref<10240x128xf32, #tpu.memory_space<vmem_shared>> -> memref<128x128xf32, #tpu.memory_space<vmem_shared>>
        tpu.wait_dma2 semaphore(%run_scoped3A : memref<!tpu.dma_semaphore, #tpu.memory_space<semaphore_mem>>) src(%arg12 : memref<128x128xf32, #tpu.memory_space<vmem>>) dst(%dma_wait3A_99 : memref<128x128xf32, #tpu.memory_space<vmem_shared>>)
        tpu.yield
      }) : () -> ()
      %add3A_27 = arith.constant 128 : i32
      %add3A_28 = arith.addi %mul3A_0, %add3A_27 : i32
      "tpu.region"() ({
        %run_scoped3A = tpu.sem_alloc : memref<!tpu.dma_semaphore, #tpu.memory_space<semaphore_mem>>
        %dma_start3A = arith.constant 0 : i32
        %dma_start3A_94 = tpu.memref_slice %arg15[%add3A_28, %dma_start3A] : memref<10240x16xf32, #tpu.memory_space<vmem_shared>> -> memref<128x16xf32, #tpu.memory_space<vmem_shared>>
        %dma_start3A_95 = arith.constant 0 : i32
        %dma_start3A_96 = tpu.memref_slice %arg15[%add3A_28, %dma_start3A_95] : memref<10240x16xf32, #tpu.memory_space<vmem_shared>> -> memref<128x16xf32, #tpu.memory_space<vmem_shared>>
        tpu.enqueue_dma source(%arg13 : memref<128x16xf32, #tpu.memory_space<vmem>>) target(%dma_start3A_96 : memref<128x16xf32, #tpu.memory_space<vmem_shared>>) target_semaphore(%run_scoped3A : memref<!tpu.dma_semaphore, #tpu.memory_space<semaphore_mem>>)
        %dma_wait3A = arith.constant 0 : i32
        %dma_wait3A_97 = tpu.memref_slice %arg15[%add3A_28, %dma_wait3A] : memref<10240x16xf32, #tpu.memory_space<vmem_shared>> -> memref<128x16xf32, #tpu.memory_space<vmem_shared>>
        %dma_wait3A_98 = arith.constant 0 : i32
        %dma_wait3A_99 = tpu.memref_slice %arg15[%add3A_28, %dma_wait3A_98] : memref<10240x16xf32, #tpu.memory_space<vmem_shared>> -> memref<128x16xf32, #tpu.memory_space<vmem_shared>>
        tpu.wait_dma2 semaphore(%run_scoped3A : memref<!tpu.dma_semaphore, #tpu.memory_space<semaphore_mem>>) src(%arg13 : memref<128x16xf32, #tpu.memory_space<vmem>>) dst(%dma_wait3A_99 : memref<128x16xf32, #tpu.memory_space<vmem_shared>>)
        tpu.yield
      }) : () -> ()
      %add3A_29 = arith.constant 256 : i32
      %add3A_30 = arith.addi %mul3A_0, %add3A_29 : i32
      "tpu.region"() ({
        %run_scoped3A = tpu.sem_alloc : memref<!tpu.dma_semaphore, #tpu.memory_space<semaphore_mem>>
        %dma_start3A = arith.constant 0 : i32
        %dma_start3A_94 = tpu.memref_slice %arg14[%add3A_30, %dma_start3A] : memref<10240x128xf32, #tpu.memory_space<vmem_shared>> -> memref<128x128xf32, #tpu.memory_space<vmem_shared>>
        %dma_start3A_95 = arith.constant 0 : i32
        %dma_start3A_96 = tpu.memref_slice %arg14[%add3A_30, %dma_start3A_95] : memref<10240x128xf32, #tpu.memory_space<vmem_shared>> -> memref<128x128xf32, #tpu.memory_space<vmem_shared>>
        tpu.enqueue_dma source(%arg12 : memref<128x128xf32, #tpu.memory_space<vmem>>) target(%dma_start3A_96 : memref<128x128xf32, #tpu.memory_space<vmem_shared>>) target_semaphore(%run_scoped3A : memref<!tpu.dma_semaphore, #tpu.memory_space<semaphore_mem>>)
        %dma_wait3A = arith.constant 0 : i32
        %dma_wait3A_97 = tpu.memref_slice %arg14[%add3A_30, %dma_wait3A] : memref<10240x128xf32, #tpu.memory_space<vmem_shared>> -> memref<128x128xf32, #tpu.memory_space<vmem_shared>>
        %dma_wait3A_98 = arith.constant 0 : i32
        %dma_wait3A_99 = tpu.memref_slice %arg14[%add3A_30, %dma_wait3A_98] : memref<10240x128xf32, #tpu.memory_space<vmem_shared>> -> memref<128x128xf32, #tpu.memory_space<vmem_shared>>
        tpu.wait_dma2 semaphore(%run_scoped3A : memref<!tpu.dma_semaphore, #tpu.memory_space<semaphore_mem>>) src(%arg12 : memref<128x128xf32, #tpu.memory_space<vmem>>) dst(%dma_wait3A_99 : memref<128x128xf32, #tpu.memory_space<vmem_shared>>)
        tpu.yield
      }) : () -> ()
      %add3A_31 = arith.constant 256 : i32
      %add3A_32 = arith.addi %mul3A_0, %add3A_31 : i32
      "tpu.region"() ({
        %run_scoped3A = tpu.sem_alloc : memref<!tpu.dma_semaphore, #tpu.memory_space<semaphore_mem>>
        %dma_start3A = arith.constant 0 : i32
        %dma_start3A_94 = tpu.memref_slice %arg15[%add3A_32, %dma_start3A] : memref<10240x16xf32, #tpu.memory_space<vmem_shared>> -> memref<128x16xf32, #tpu.memory_space<vmem_shared>>
        %dma_start3A_95 = arith.constant 0 : i32
        %dma_start3A_96 = tpu.memref_slice %arg15[%add3A_32, %dma_start3A_95] : memref<10240x16xf32, #tpu.memory_space<vmem_shared>> -> memref<128x16xf32, #tpu.memory_space<vmem_shared>>
        tpu.enqueue_dma source(%arg13 : memref<128x16xf32, #tpu.memory_space<vmem>>) target(%dma_start3A_96 : memref<128x16xf32, #tpu.memory_space<vmem_shared>>) target_semaphore(%run_scoped3A : memref<!tpu.dma_semaphore, #tpu.memory_space<semaphore_mem>>)
        %dma_wait3A = arith.constant 0 : i32
        %dma_wait3A_97 = tpu.memref_slice %arg15[%add3A_32, %dma_wait3A] : memref<10240x16xf32, #tpu.memory_space<vmem_shared>> -> memref<128x16xf32, #tpu.memory_space<vmem_shared>>
        %dma_wait3A_98 = arith.constant 0 : i32
        %dma_wait3A_99 = tpu.memref_slice %arg15[%add3A_32, %dma_wait3A_98] : memref<10240x16xf32, #tpu.memory_space<vmem_shared>> -> memref<128x16xf32, #tpu.memory_space<vmem_shared>>
        tpu.wait_dma2 semaphore(%run_scoped3A : memref<!tpu.dma_semaphore, #tpu.memory_space<semaphore_mem>>) src(%arg13 : memref<128x16xf32, #tpu.memory_space<vmem>>) dst(%dma_wait3A_99 : memref<128x16xf32, #tpu.memory_space<vmem_shared>>)
        tpu.yield
      }) : () -> ()
      %add3A_33 = arith.constant 384 : i32
      %add3A_34 = arith.addi %mul3A_0, %add3A_33 : i32
      "tpu.region"() ({
        %run_scoped3A = tpu.sem_alloc : memref<!tpu.dma_semaphore, #tpu.memory_space<semaphore_mem>>
        %dma_start3A = arith.constant 0 : i32
        %dma_start3A_94 = tpu.memref_slice %arg14[%add3A_34, %dma_start3A] : memref<10240x128xf32, #tpu.memory_space<vmem_shared>> -> memref<128x128xf32, #tpu.memory_space<vmem_shared>>
        %dma_start3A_95 = arith.constant 0 : i32
        %dma_start3A_96 = tpu.memref_slice %arg14[%add3A_34, %dma_start3A_95] : memref<10240x128xf32, #tpu.memory_space<vmem_shared>> -> memref<128x128xf32, #tpu.memory_space<vmem_shared>>
        tpu.enqueue_dma source(%arg12 : memref<128x128xf32, #tpu.memory_space<vmem>>) target(%dma_start3A_96 : memref<128x128xf32, #tpu.memory_space<vmem_shared>>) target_semaphore(%run_scoped3A : memref<!tpu.dma_semaphore, #tpu.memory_space<semaphore_mem>>)
        %dma_wait3A = arith.constant 0 : i32
        %dma_wait3A_97 = tpu.memref_slice %arg14[%add3A_34, %dma_wait3A] : memref<10240x128xf32, #tpu.memory_space<vmem_shared>> -> memref<128x128xf32, #tpu.memory_space<vmem_shared>>
        %dma_wait3A_98 = arith.constant 0 : i32
        %dma_wait3A_99 = tpu.memref_slice %arg14[%add3A_34, %dma_wait3A_98] : memref<10240x128xf32, #tpu.memory_space<vmem_shared>> -> memref<128x128xf32, #tpu.memory_space<vmem_shared>>
        tpu.wait_dma2 semaphore(%run_scoped3A : memref<!tpu.dma_semaphore, #tpu.memory_space<semaphore_mem>>) src(%arg12 : memref<128x128xf32, #tpu.memory_space<vmem>>) dst(%dma_wait3A_99 : memref<128x128xf32, #tpu.memory_space<vmem_shared>>)
        tpu.yield
      }) : () -> ()
      %add3A_35 = arith.constant 384 : i32
      %add3A_36 = arith.addi %mul3A_0, %add3A_35 : i32
      "tpu.region"() ({
        %run_scoped3A = tpu.sem_alloc : memref<!tpu.dma_semaphore, #tpu.memory_space<semaphore_mem>>
        %dma_start3A = arith.constant 0 : i32
        %dma_start3A_94 = tpu.memref_slice %arg15[%add3A_36, %dma_start3A] : memref<10240x16xf32, #tpu.memory_space<vmem_shared>> -> memref<128x16xf32, #tpu.memory_space<vmem_shared>>
        %dma_start3A_95 = arith.constant 0 : i32
        %dma_start3A_96 = tpu.memref_slice %arg15[%add3A_36, %dma_start3A_95] : memref<10240x16xf32, #tpu.memory_space<vmem_shared>> -> memref<128x16xf32, #tpu.memory_space<vmem_shared>>
        tpu.enqueue_dma source(%arg13 : memref<128x16xf32, #tpu.memory_space<vmem>>) target(%dma_start3A_96 : memref<128x16xf32, #tpu.memory_space<vmem_shared>>) target_semaphore(%run_scoped3A : memref<!tpu.dma_semaphore, #tpu.memory_space<semaphore_mem>>)
        %dma_wait3A = arith.constant 0 : i32
        %dma_wait3A_97 = tpu.memref_slice %arg15[%add3A_36, %dma_wait3A] : memref<10240x16xf32, #tpu.memory_space<vmem_shared>> -> memref<128x16xf32, #tpu.memory_space<vmem_shared>>
        %dma_wait3A_98 = arith.constant 0 : i32
        %dma_wait3A_99 = tpu.memref_slice %arg15[%add3A_36, %dma_wait3A_98] : memref<10240x16xf32, #tpu.memory_space<vmem_shared>> -> memref<128x16xf32, #tpu.memory_space<vmem_shared>>
        tpu.wait_dma2 semaphore(%run_scoped3A : memref<!tpu.dma_semaphore, #tpu.memory_space<semaphore_mem>>) src(%arg13 : memref<128x16xf32, #tpu.memory_space<vmem>>) dst(%dma_wait3A_99 : memref<128x16xf32, #tpu.memory_space<vmem_shared>>)
        tpu.yield
      }) : () -> ()
      %add3A_37 = arith.constant 512 : i32
      %add3A_38 = arith.addi %mul3A_0, %add3A_37 : i32
      "tpu.region"() ({
        %run_scoped3A = tpu.sem_alloc : memref<!tpu.dma_semaphore, #tpu.memory_space<semaphore_mem>>
        %dma_start3A = arith.constant 0 : i32
        %dma_start3A_94 = tpu.memref_slice %arg14[%add3A_38, %dma_start3A] : memref<10240x128xf32, #tpu.memory_space<vmem_shared>> -> memref<128x128xf32, #tpu.memory_space<vmem_shared>>
        %dma_start3A_95 = arith.constant 0 : i32
        %dma_start3A_96 = tpu.memref_slice %arg14[%add3A_38, %dma_start3A_95] : memref<10240x128xf32, #tpu.memory_space<vmem_shared>> -> memref<128x128xf32, #tpu.memory_space<vmem_shared>>
        tpu.enqueue_dma source(%arg12 : memref<128x128xf32, #tpu.memory_space<vmem>>) target(%dma_start3A_96 : memref<128x128xf32, #tpu.memory_space<vmem_shared>>) target_semaphore(%run_scoped3A : memref<!tpu.dma_semaphore, #tpu.memory_space<semaphore_mem>>)
        %dma_wait3A = arith.constant 0 : i32
        %dma_wait3A_97 = tpu.memref_slice %arg14[%add3A_38, %dma_wait3A] : memref<10240x128xf32, #tpu.memory_space<vmem_shared>> -> memref<128x128xf32, #tpu.memory_space<vmem_shared>>
        %dma_wait3A_98 = arith.constant 0 : i32
        %dma_wait3A_99 = tpu.memref_slice %arg14[%add3A_38, %dma_wait3A_98] : memref<10240x128xf32, #tpu.memory_space<vmem_shared>> -> memref<128x128xf32, #tpu.memory_space<vmem_shared>>
        tpu.wait_dma2 semaphore(%run_scoped3A : memref<!tpu.dma_semaphore, #tpu.memory_space<semaphore_mem>>) src(%arg12 : memref<128x128xf32, #tpu.memory_space<vmem>>) dst(%dma_wait3A_99 : memref<128x128xf32, #tpu.memory_space<vmem_shared>>)
        tpu.yield
      }) : () -> ()
      %add3A_39 = arith.constant 512 : i32
      %add3A_40 = arith.addi %mul3A_0, %add3A_39 : i32
      "tpu.region"() ({
        %run_scoped3A = tpu.sem_alloc : memref<!tpu.dma_semaphore, #tpu.memory_space<semaphore_mem>>
        %dma_start3A = arith.constant 0 : i32
        %dma_start3A_94 = tpu.memref_slice %arg15[%add3A_40, %dma_start3A] : memref<10240x16xf32, #tpu.memory_space<vmem_shared>> -> memref<128x16xf32, #tpu.memory_space<vmem_shared>>
        %dma_start3A_95 = arith.constant 0 : i32
        %dma_start3A_96 = tpu.memref_slice %arg15[%add3A_40, %dma_start3A_95] : memref<10240x16xf32, #tpu.memory_space<vmem_shared>> -> memref<128x16xf32, #tpu.memory_space<vmem_shared>>
        tpu.enqueue_dma source(%arg13 : memref<128x16xf32, #tpu.memory_space<vmem>>) target(%dma_start3A_96 : memref<128x16xf32, #tpu.memory_space<vmem_shared>>) target_semaphore(%run_scoped3A : memref<!tpu.dma_semaphore, #tpu.memory_space<semaphore_mem>>)
        %dma_wait3A = arith.constant 0 : i32
        %dma_wait3A_97 = tpu.memref_slice %arg15[%add3A_40, %dma_wait3A] : memref<10240x16xf32, #tpu.memory_space<vmem_shared>> -> memref<128x16xf32, #tpu.memory_space<vmem_shared>>
        %dma_wait3A_98 = arith.constant 0 : i32
        %dma_wait3A_99 = tpu.memref_slice %arg15[%add3A_40, %dma_wait3A_98] : memref<10240x16xf32, #tpu.memory_space<vmem_shared>> -> memref<128x16xf32, #tpu.memory_space<vmem_shared>>
        tpu.wait_dma2 semaphore(%run_scoped3A : memref<!tpu.dma_semaphore, #tpu.memory_space<semaphore_mem>>) src(%arg13 : memref<128x16xf32, #tpu.memory_space<vmem>>) dst(%dma_wait3A_99 : memref<128x16xf32, #tpu.memory_space<vmem_shared>>)
        tpu.yield
      }) : () -> ()
      %scan3A_41 = arith.constant 0 : i32
      %scan3A_42 = arith.constant 0 : i32
      %scan3A_43 = arith.constant 128 : i32
      %scan3A_44 = arith.addi %scan3A_42, %scan3A_43 : i32
      %scan3A_45 = arith.constant 1 : i32
      scf.for %scan3A_94 = %scan3A_42 to %scan3A_44 step %scan3A_45  : i32 {
        %swap3A = arith.index_cast %scan3A_94 : i32 to index
        %swap3A_95 = arith.constant 0 : index
        %swap3A_96 = tpu.vector_load %arg13[%swap3A, %swap3A_95] {strides = array<i32>} : memref<128x16xf32, #tpu.memory_space<vmem>>, vector<16xf32>,
        tpu.vector_store %arg13[%swap3A, %swap3A_95], %broadcast_in_dim3A_3 {strides = array<i32>} : memref<128x16xf32, #tpu.memory_space<vmem>>, vector<16xf32>,
      }
      %scan3A_46 = arith.constant 128 : i32
      %barrier3A = arith.constant 0 : index
      tpu.barrier barrier_id(%barrier3A)
      %scan3A_47 = arith.constant 0 : i32
      %scan3A_48 = arith.constant 0 : i32
      %scan3A_49 = arith.constant 160 : i32
      %scan3A_50 = arith.addi %scan3A_48, %scan3A_49 : i32
      %scan3A_51 = arith.constant 1 : i32
      scf.for %scan3A_94 = %scan3A_48 to %scan3A_50 step %scan3A_51  : i32 {
        %mul3A_95 = arith.constant 160 : i32
        %mul3A_96 = arith.muli %arg1, %mul3A_95 : i32
        %add3A_97 = arith.addi %mul3A_96, %scan3A_94 : i32
        %mul3A_98 = arith.constant 128 : i32
        %mul3A_99 = arith.muli %add3A_97, %mul3A_98 : i32
        "tpu.region"() ({
          %run_scoped3A = tpu.sem_alloc : memref<!tpu.dma_semaphore, #tpu.memory_space<semaphore_mem>>
          %dma_start3A_104 = tpu.memref_slice %arg3[%mul3A_99] : memref<327680xi32, #tpu.memory_space<hbm>> -> memref<128xi32, #tpu.memory_space<hbm>>
          %dma_start3A_105 = tpu.memref_slice %arg3[%mul3A_99] : memref<327680xi32, #tpu.memory_space<hbm>> -> memref<128xi32, #tpu.memory_space<hbm>>
          tpu.enqueue_dma source(%dma_start3A_105 : memref<128xi32, #tpu.memory_space<hbm>>) target(%arg10 : memref<128xi32, #tpu.memory_space<vmem>>) target_semaphore(%run_scoped3A : memref<!tpu.dma_semaphore, #tpu.memory_space<semaphore_mem>>)
          %dma_wait3A_106 = tpu.memref_slice %arg3[%mul3A_99] : memref<327680xi32, #tpu.memory_space<hbm>> -> memref<128xi32, #tpu.memory_space<hbm>>
          %dma_wait3A_107 = tpu.memref_slice %arg3[%mul3A_99] : memref<327680xi32, #tpu.memory_space<hbm>> -> memref<128xi32, #tpu.memory_space<hbm>>
          tpu.wait_dma2 semaphore(%run_scoped3A : memref<!tpu.dma_semaphore, #tpu.memory_space<semaphore_mem>>) src(%dma_wait3A_107 : memref<128xi32, #tpu.memory_space<hbm>>) dst(%arg10 : memref<128xi32, #tpu.memory_space<vmem>>)
          tpu.yield
        }) : () -> ()
        "tpu.region"() ({
          %run_scoped3A = tpu.sem_alloc : memref<!tpu.dma_semaphore, #tpu.memory_space<semaphore_mem>>
          %dma_start3A_104 = tpu.memref_slice %arg4[%mul3A_99] : memref<327680xi32, #tpu.memory_space<hbm>> -> memref<128xi32, #tpu.memory_space<hbm>>
          %dma_start3A_105 = tpu.memref_slice %arg4[%mul3A_99] : memref<327680xi32, #tpu.memory_space<hbm>> -> memref<128xi32, #tpu.memory_space<hbm>>
          tpu.enqueue_dma source(%dma_start3A_105 : memref<128xi32, #tpu.memory_space<hbm>>) target(%arg11 : memref<128xi32, #tpu.memory_space<vmem>>) target_semaphore(%run_scoped3A : memref<!tpu.dma_semaphore, #tpu.memory_space<semaphore_mem>>)
          %dma_wait3A_106 = tpu.memref_slice %arg4[%mul3A_99] : memref<327680xi32, #tpu.memory_space<hbm>> -> memref<128xi32, #tpu.memory_space<hbm>>
          %dma_wait3A_107 = tpu.memref_slice %arg4[%mul3A_99] : memref<327680xi32, #tpu.memory_space<hbm>> -> memref<128xi32, #tpu.memory_space<hbm>>
          tpu.wait_dma2 semaphore(%run_scoped3A : memref<!tpu.dma_semaphore, #tpu.memory_space<semaphore_mem>>) src(%dma_wait3A_107 : memref<128xi32, #tpu.memory_space<hbm>>) dst(%arg11 : memref<128xi32, #tpu.memory_space<vmem>>)
          tpu.yield
        }) : () -> ()
        %dma_start3A = arith.constant 0 : i32
        %dma_start3A_100 = arith.constant 0 : i32
        %dma_start3A_101 = tpu.memref_slice %arg2[%dma_start3A, %dma_start3A_100] : memref<10000x128xf32, #tpu.memory_space<hbm>> -> memref<10000x128xf32, #tpu.memory_space<hbm>>
        tpu.enqueue_indirect_dma source(%dma_start3A_101 : memref<10000x128xf32, #tpu.memory_space<hbm>>) target(%arg12 : memref<128x128xf32, #tpu.memory_space<vmem>>) offsets(%arg10 : memref<128xi32, #tpu.memory_space<vmem>>) semaphore(%arg16 : memref<!tpu.dma_semaphore, #tpu.memory_space<semaphore_mem>>)
        %dma_wait3A = arith.constant 0 : i32
        %dma_wait3A_102 = arith.constant 0 : i32
        %dma_wait3A_103 = tpu.memref_slice %arg2[%dma_wait3A, %dma_wait3A_102] : memref<10000x128xf32, #tpu.memory_space<hbm>> -> memref<10000x128xf32, #tpu.memory_space<hbm>>
        tpu.wait_indirect_dma semaphore(%arg16 : memref<!tpu.dma_semaphore, #tpu.memory_space<semaphore_mem>>) src(%dma_wait3A_103 : memref<10000x128xf32, #tpu.memory_space<hbm>>) dst(%arg12 : memref<128x128xf32, #tpu.memory_space<vmem>>)
        "tpu.region"() ({
          %run_scoped3A = tpu.sem_alloc : memref<!tpu.dma_semaphore, #tpu.memory_space<semaphore_mem>>
          %dma_start3A_104 = arith.constant 0 : i32
          %dma_start3A_105 = arith.constant 0 : i32
          %dma_start3A_106 = tpu.memref_slice %arg14[%dma_start3A_104, %dma_start3A_105] : memref<10240x128xf32, #tpu.memory_space<vmem_shared>> -> memref<10240x128xf32, #tpu.memory_space<vmem_shared>>
          tpu.enqueue_indirect_dma source(%arg12 : memref<128x128xf32, #tpu.memory_space<vmem>>) target(%dma_start3A_106 : memref<10240x128xf32, #tpu.memory_space<vmem_shared>>) offsets(%arg11 : memref<128xi32, #tpu.memory_space<vmem>>) semaphore(%run_scoped3A : memref<!tpu.dma_semaphore, #tpu.memory_space<semaphore_mem>>) {add = true}
          %dma_wait3A_107 = arith.constant 0 : i32
          %dma_wait3A_108 = arith.constant 0 : i32
          %dma_wait3A_109 = tpu.memref_slice %arg14[%dma_wait3A_107, %dma_wait3A_108] : memref<10240x128xf32, #tpu.memory_space<vmem_shared>> -> memref<10240x128xf32, #tpu.memory_space<vmem_shared>>
          tpu.wait_indirect_dma semaphore(%run_scoped3A : memref<!tpu.dma_semaphore, #tpu.memory_space<semaphore_mem>>) src(%arg12 : memref<128x128xf32, #tpu.memory_space<vmem>>) dst(%dma_wait3A_109 : memref<10240x128xf32, #tpu.memory_space<vmem_shared>>)
          tpu.yield
        }) : () -> ()
        "tpu.region"() ({
          %run_scoped3A = tpu.sem_alloc : memref<!tpu.dma_semaphore, #tpu.memory_space<semaphore_mem>>
          %dma_start3A_104 = arith.constant 0 : i32
          %dma_start3A_105 = arith.constant 0 : i32
          %dma_start3A_106 = tpu.memref_slice %arg15[%dma_start3A_104, %dma_start3A_105] : memref<10240x16xf32, #tpu.memory_space<vmem_shared>> -> memref<10240x16xf32, #tpu.memory_space<vmem_shared>>
          tpu.enqueue_indirect_dma source(%arg13 : memref<128x16xf32, #tpu.memory_space<vmem>>) target(%dma_start3A_106 : memref<10240x16xf32, #tpu.memory_space<vmem_shared>>) offsets(%arg11 : memref<128xi32, #tpu.memory_space<vmem>>) semaphore(%run_scoped3A : memref<!tpu.dma_semaphore, #tpu.memory_space<semaphore_mem>>) {add = true}
          %dma_wait3A_107 = arith.constant 0 : i32
          %dma_wait3A_108 = arith.constant 0 : i32
          %dma_wait3A_109 = tpu.memref_slice %arg15[%dma_wait3A_107, %dma_wait3A_108] : memref<10240x16xf32, #tpu.memory_space<vmem_shared>> -> memref<10240x16xf32, #tpu.memory_space<vmem_shared>>
          tpu.wait_indirect_dma semaphore(%run_scoped3A : memref<!tpu.dma_semaphore, #tpu.memory_space<semaphore_mem>>) src(%arg13 : memref<128x16xf32, #tpu.memory_space<vmem>>) dst(%dma_wait3A_109 : memref<10240x16xf32, #tpu.memory_space<vmem_shared>>)
          tpu.yield
        }) : () -> ()
      }
      %scan3A_52 = arith.constant 160 : i32
      %barrier3A_53 = arith.constant 0 : index
      tpu.barrier barrier_id(%barrier3A_53)
      %add3A_54 = arith.constant 0 : i32
      %add3A_55 = arith.addi %mul3A_0, %add3A_54 : i32
      "tpu.region"() ({
        %run_scoped3A = tpu.sem_alloc : memref<!tpu.dma_semaphore, #tpu.memory_space<semaphore_mem>>
        %dma_start3A = arith.constant 0 : i32
        %dma_start3A_94 = tpu.memref_slice %arg14[%add3A_55, %dma_start3A] : memref<10240x128xf32, #tpu.memory_space<vmem_shared>> -> memref<128x128xf32, #tpu.memory_space<vmem_shared>>
        %dma_start3A_95 = arith.constant 0 : i32
        %dma_start3A_96 = tpu.memref_slice %arg14[%add3A_55, %dma_start3A_95] : memref<10240x128xf32, #tpu.memory_space<vmem_shared>> -> memref<128x128xf32, #tpu.memory_space<vmem_shared>>
        tpu.enqueue_dma source(%dma_start3A_96 : memref<128x128xf32, #tpu.memory_space<vmem_shared>>) target(%arg12 : memref<128x128xf32, #tpu.memory_space<vmem>>) target_semaphore(%run_scoped3A : memref<!tpu.dma_semaphore, #tpu.memory_space<semaphore_mem>>)
        %dma_wait3A = arith.constant 0 : i32
        %dma_wait3A_97 = tpu.memref_slice %arg14[%add3A_55, %dma_wait3A] : memref<10240x128xf32, #tpu.memory_space<vmem_shared>> -> memref<128x128xf32, #tpu.memory_space<vmem_shared>>
        %dma_wait3A_98 = arith.constant 0 : i32
        %dma_wait3A_99 = tpu.memref_slice %arg14[%add3A_55, %dma_wait3A_98] : memref<10240x128xf32, #tpu.memory_space<vmem_shared>> -> memref<128x128xf32, #tpu.memory_space<vmem_shared>>
        tpu.wait_dma2 semaphore(%run_scoped3A : memref<!tpu.dma_semaphore, #tpu.memory_space<semaphore_mem>>) src(%dma_wait3A_99 : memref<128x128xf32, #tpu.memory_space<vmem_shared>>) dst(%arg12 : memref<128x128xf32, #tpu.memory_space<vmem>>)
        tpu.yield
      }) : () -> ()
      "tpu.region"() ({
        %run_scoped3A = tpu.sem_alloc : memref<!tpu.dma_semaphore, #tpu.memory_space<semaphore_mem>>
        %dma_start3A = arith.constant 0 : i32
        %dma_start3A_94 = tpu.memref_slice %arg15[%add3A_55, %dma_start3A] : memref<10240x16xf32, #tpu.memory_space<vmem_shared>> -> memref<128x16xf32, #tpu.memory_space<vmem_shared>>
        %dma_start3A_95 = arith.constant 0 : i32
        %dma_start3A_96 = tpu.memref_slice %arg15[%add3A_55, %dma_start3A_95] : memref<10240x16xf32, #tpu.memory_space<vmem_shared>> -> memref<128x16xf32, #tpu.memory_space<vmem_shared>>
        tpu.enqueue_dma source(%dma_start3A_96 : memref<128x16xf32, #tpu.memory_space<vmem_shared>>) target(%arg13 : memref<128x16xf32, #tpu.memory_space<vmem>>) target_semaphore(%run_scoped3A : memref<!tpu.dma_semaphore, #tpu.memory_space<semaphore_mem>>)
        %dma_wait3A = arith.constant 0 : i32
        %dma_wait3A_97 = tpu.memref_slice %arg15[%add3A_55, %dma_wait3A] : memref<10240x16xf32, #tpu.memory_space<vmem_shared>> -> memref<128x16xf32, #tpu.memory_space<vmem_shared>>
        %dma_wait3A_98 = arith.constant 0 : i32
        %dma_wait3A_99 = tpu.memref_slice %arg15[%add3A_55, %dma_wait3A_98] : memref<10240x16xf32, #tpu.memory_space<vmem_shared>> -> memref<128x16xf32, #tpu.memory_space<vmem_shared>>
        tpu.wait_dma2 semaphore(%run_scoped3A : memref<!tpu.dma_semaphore, #tpu.memory_space<semaphore_mem>>) src(%dma_wait3A_99 : memref<128x16xf32, #tpu.memory_space<vmem_shared>>) dst(%arg13 : memref<128x16xf32, #tpu.memory_space<vmem>>)
        tpu.yield
      }) : () -> ()
      %scan3A_56 = arith.constant 0 : i32
      %scan3A_57 = arith.constant 0 : i32
      %scan3A_58 = arith.constant 128 : i32
      %scan3A_59 = arith.addi %scan3A_57, %scan3A_58 : i32
      %scan3A_60 = arith.constant 1 : i32
      scf.for %scan3A_94 = %scan3A_57 to %scan3A_59 step %scan3A_60  : i32 {
        %get3A = arith.index_cast %scan3A_94 : i32 to index
        %get3A_95 = arith.constant 0 : index
        %get3A_96 = tpu.vector_load %arg13[%get3A, %get3A_95] {strides = array<i32>} : memref<128x16xf32, #tpu.memory_space<vmem>>, vector<16xf32>,
        %max3A = arith.constant 1.000000e+00 : f32
        %max3A_97 = vector.broadcast %max3A : f32 to vector<16xf32>
        %max3A_98 = arith.maximumf %get3A_96, %max3A_97 : vector<16xf32>
        %get3A_99 = arith.index_cast %scan3A_94 : i32 to index
        %get3A_100 = arith.constant 0 : index
        %get3A_101 = tpu.vector_load %arg12[%get3A_99, %get3A_100] {strides = array<i32>} : memref<128x128xf32, #tpu.memory_space<vmem>>, vector<16xf32>,
        %div3A = arith.divf %get3A_101, %max3A_98 : vector<16xf32>
        %swap3A = arith.index_cast %scan3A_94 : i32 to index
        %swap3A_102 = arith.constant 0 : index
        %swap3A_103 = tpu.vector_load %arg12[%swap3A, %swap3A_102] {strides = array<i32>} : memref<128x128xf32, #tpu.memory_space<vmem>>, vector<16xf32>,
        tpu.vector_store %arg12[%swap3A, %swap3A_102], %div3A {strides = array<i32>} : memref<128x128xf32, #tpu.memory_space<vmem>>, vector<16xf32>,
        %get3A_104 = arith.index_cast %scan3A_94 : i32 to index
        %get3A_105 = arith.constant 16 : index
        %get3A_106 = tpu.vector_load %arg12[%get3A_104, %get3A_105] {strides = array<i32>} : memref<128x128xf32, #tpu.memory_space<vmem>>, vector<16xf32>,
        %div3A_107 = arith.divf %get3A_106, %max3A_98 : vector<16xf32>
        %swap3A_108 = arith.index_cast %scan3A_94 : i32 to index
        %swap3A_109 = arith.constant 16 : index
        %swap3A_110 = tpu.vector_load %arg12[%swap3A_108, %swap3A_109] {strides = array<i32>} : memref<128x128xf32, #tpu.memory_space<vmem>>, vector<16xf32>,
        tpu.vector_store %arg12[%swap3A_108, %swap3A_109], %div3A_107 {strides = array<i32>} : memref<128x128xf32, #tpu.memory_space<vmem>>, vector<16xf32>,
        %get3A_111 = arith.index_cast %scan3A_94 : i32 to index
        %get3A_112 = arith.constant 32 : index
        %get3A_113 = tpu.vector_load %arg12[%get3A_111, %get3A_112] {strides = array<i32>} : memref<128x128xf32, #tpu.memory_space<vmem>>, vector<16xf32>,
        %div3A_114 = arith.divf %get3A_113, %max3A_98 : vector<16xf32>
        %swap3A_115 = arith.index_cast %scan3A_94 : i32 to index
        %swap3A_116 = arith.constant 32 : index
        %swap3A_117 = tpu.vector_load %arg12[%swap3A_115, %swap3A_116] {strides = array<i32>} : memref<128x128xf32, #tpu.memory_space<vmem>>, vector<16xf32>,
        tpu.vector_store %arg12[%swap3A_115, %swap3A_116], %div3A_114 {strides = array<i32>} : memref<128x128xf32, #tpu.memory_space<vmem>>, vector<16xf32>,
        %get3A_118 = arith.index_cast %scan3A_94 : i32 to index
        %get3A_119 = arith.constant 48 : index
        %get3A_120 = tpu.vector_load %arg12[%get3A_118, %get3A_119] {strides = array<i32>} : memref<128x128xf32, #tpu.memory_space<vmem>>, vector<16xf32>,
        %div3A_121 = arith.divf %get3A_120, %max3A_98 : vector<16xf32>
        %swap3A_122 = arith.index_cast %scan3A_94 : i32 to index
        %swap3A_123 = arith.constant 48 : index
        %swap3A_124 = tpu.vector_load %arg12[%swap3A_122, %swap3A_123] {strides = array<i32>} : memref<128x128xf32, #tpu.memory_space<vmem>>, vector<16xf32>,
        tpu.vector_store %arg12[%swap3A_122, %swap3A_123], %div3A_121 {strides = array<i32>} : memref<128x128xf32, #tpu.memory_space<vmem>>, vector<16xf32>,
        %get3A_125 = arith.index_cast %scan3A_94 : i32 to index
        %get3A_126 = arith.constant 64 : index
        %get3A_127 = tpu.vector_load %arg12[%get3A_125, %get3A_126] {strides = array<i32>} : memref<128x128xf32, #tpu.memory_space<vmem>>, vector<16xf32>,
        %div3A_128 = arith.divf %get3A_127, %max3A_98 : vector<16xf32>
        %swap3A_129 = arith.index_cast %scan3A_94 : i32 to index
        %swap3A_130 = arith.constant 64 : index
        %swap3A_131 = tpu.vector_load %arg12[%swap3A_129, %swap3A_130] {strides = array<i32>} : memref<128x128xf32, #tpu.memory_space<vmem>>, vector<16xf32>,
        tpu.vector_store %arg12[%swap3A_129, %swap3A_130], %div3A_128 {strides = array<i32>} : memref<128x128xf32, #tpu.memory_space<vmem>>, vector<16xf32>,
        %get3A_132 = arith.index_cast %scan3A_94 : i32 to index
        %get3A_133 = arith.constant 80 : index
        %get3A_134 = tpu.vector_load %arg12[%get3A_132, %get3A_133] {strides = array<i32>} : memref<128x128xf32, #tpu.memory_space<vmem>>, vector<16xf32>,
        %div3A_135 = arith.divf %get3A_134, %max3A_98 : vector<16xf32>
        %swap3A_136 = arith.index_cast %scan3A_94 : i32 to index
        %swap3A_137 = arith.constant 80 : index
        %swap3A_138 = tpu.vector_load %arg12[%swap3A_136, %swap3A_137] {strides = array<i32>} : memref<128x128xf32, #tpu.memory_space<vmem>>, vector<16xf32>,
        tpu.vector_store %arg12[%swap3A_136, %swap3A_137], %div3A_135 {strides = array<i32>} : memref<128x128xf32, #tpu.memory_space<vmem>>, vector<16xf32>,
        %get3A_139 = arith.index_cast %scan3A_94 : i32 to index
        %get3A_140 = arith.constant 96 : index
        %get3A_141 = tpu.vector_load %arg12[%get3A_139, %get3A_140] {strides = array<i32>} : memref<128x128xf32, #tpu.memory_space<vmem>>, vector<16xf32>,
        %div3A_142 = arith.divf %get3A_141, %max3A_98 : vector<16xf32>
        %swap3A_143 = arith.index_cast %scan3A_94 : i32 to index
        %swap3A_144 = arith.constant 96 : index
        %swap3A_145 = tpu.vector_load %arg12[%swap3A_143, %swap3A_144] {strides = array<i32>} : memref<128x128xf32, #tpu.memory_space<vmem>>, vector<16xf32>,
        tpu.vector_store %arg12[%swap3A_143, %swap3A_144], %div3A_142 {strides = array<i32>} : memref<128x128xf32, #tpu.memory_space<vmem>>, vector<16xf32>,
        %get3A_146 = arith.index_cast %scan3A_94 : i32 to index
        %get3A_147 = arith.constant 112 : index
        %get3A_148 = tpu.vector_load %arg12[%get3A_146, %get3A_147] {strides = array<i32>} : memref<128x128xf32, #tpu.memory_space<vmem>>, vector<16xf32>,
        %div3A_149 = arith.divf %get3A_148, %max3A_98 : vector<16xf32>
        %swap3A_150 = arith.index_cast %scan3A_94 : i32 to index
        %swap3A_151 = arith.constant 112 : index
        %swap3A_152 = tpu.vector_load %arg12[%swap3A_150, %swap3A_151] {strides = array<i32>} : memref<128x128xf32, #tpu.memory_space<vmem>>, vector<16xf32>,
        tpu.vector_store %arg12[%swap3A_150, %swap3A_151], %div3A_149 {strides = array<i32>} : memref<128x128xf32, #tpu.memory_space<vmem>>, vector<16xf32>,
      }
      %scan3A_61 = arith.constant 128 : i32
      "tpu.region"() ({
        %run_scoped3A = tpu.sem_alloc : memref<!tpu.dma_semaphore, #tpu.memory_space<semaphore_mem>>
        %dma_start3A = arith.constant 0 : i32
        %dma_start3A_94 = tpu.memref_slice %arg8[%add3A_55, %dma_start3A] : memref<10240x128xf32, #tpu.memory_space<hbm>> -> memref<128x128xf32, #tpu.memory_space<hbm>>
        %dma_start3A_95 = arith.constant 0 : i32
        %dma_start3A_96 = tpu.memref_slice %arg8[%add3A_55, %dma_start3A_95] : memref<10240x128xf32, #tpu.memory_space<hbm>> -> memref<128x128xf32, #tpu.memory_space<hbm>>
        tpu.enqueue_dma source(%arg12 : memref<128x128xf32, #tpu.memory_space<vmem>>) target(%dma_start3A_96 : memref<128x128xf32, #tpu.memory_space<hbm>>) target_semaphore(%run_scoped3A : memref<!tpu.dma_semaphore, #tpu.memory_space<semaphore_mem>>)
        %dma_wait3A = arith.constant 0 : i32
        %dma_wait3A_97 = tpu.memref_slice %arg8[%add3A_55, %dma_wait3A] : memref<10240x128xf32, #tpu.memory_space<hbm>> -> memref<128x128xf32, #tpu.memory_space<hbm>>
        %dma_wait3A_98 = arith.constant 0 : i32
        %dma_wait3A_99 = tpu.memref_slice %arg8[%add3A_55, %dma_wait3A_98] : memref<10240x128xf32, #tpu.memory_space<hbm>> -> memref<128x128xf32, #tpu.memory_space<hbm>>
        tpu.wait_dma2 semaphore(%run_scoped3A : memref<!tpu.dma_semaphore, #tpu.memory_space<semaphore_mem>>) src(%arg12 : memref<128x128xf32, #tpu.memory_space<vmem>>) dst(%dma_wait3A_99 : memref<128x128xf32, #tpu.memory_space<hbm>>)
        tpu.yield
      }) : () -> ()
      %add3A_62 = arith.constant 128 : i32
      %add3A_63 = arith.addi %mul3A_0, %add3A_62 : i32
      "tpu.region"() ({
        %run_scoped3A = tpu.sem_alloc : memref<!tpu.dma_semaphore, #tpu.memory_space<semaphore_mem>>
        %dma_start3A = arith.constant 0 : i32
        %dma_start3A_94 = tpu.memref_slice %arg14[%add3A_63, %dma_start3A] : memref<10240x128xf32, #tpu.memory_space<vmem_shared>> -> memref<128x128xf32, #tpu.memory_space<vmem_shared>>
        %dma_start3A_95 = arith.constant 0 : i32
        %dma_start3A_96 = tpu.memref_slice %arg14[%add3A_63, %dma_start3A_95] : memref<10240x128xf32, #tpu.memory_space<vmem_shared>> -> memref<128x128xf32, #tpu.memory_space<vmem_shared>>
        tpu.enqueue_dma source(%dma_start3A_96 : memref<128x128xf32, #tpu.memory_space<vmem_shared>>) target(%arg12 : memref<128x128xf32, #tpu.memory_space<vmem>>) target_semaphore(%run_scoped3A : memref<!tpu.dma_semaphore, #tpu.memory_space<semaphore_mem>>)
        %dma_wait3A = arith.constant 0 : i32
        %dma_wait3A_97 = tpu.memref_slice %arg14[%add3A_63, %dma_wait3A] : memref<10240x128xf32, #tpu.memory_space<vmem_shared>> -> memref<128x128xf32, #tpu.memory_space<vmem_shared>>
        %dma_wait3A_98 = arith.constant 0 : i32
        %dma_wait3A_99 = tpu.memref_slice %arg14[%add3A_63, %dma_wait3A_98] : memref<10240x128xf32, #tpu.memory_space<vmem_shared>> -> memref<128x128xf32, #tpu.memory_space<vmem_shared>>
        tpu.wait_dma2 semaphore(%run_scoped3A : memref<!tpu.dma_semaphore, #tpu.memory_space<semaphore_mem>>) src(%dma_wait3A_99 : memref<128x128xf32, #tpu.memory_space<vmem_shared>>) dst(%arg12 : memref<128x128xf32, #tpu.memory_space<vmem>>)
        tpu.yield
      }) : () -> ()
      "tpu.region"() ({
        %run_scoped3A = tpu.sem_alloc : memref<!tpu.dma_semaphore, #tpu.memory_space<semaphore_mem>>
        %dma_start3A = arith.constant 0 : i32
        %dma_start3A_94 = tpu.memref_slice %arg15[%add3A_63, %dma_start3A] : memref<10240x16xf32, #tpu.memory_space<vmem_shared>> -> memref<128x16xf32, #tpu.memory_space<vmem_shared>>
        %dma_start3A_95 = arith.constant 0 : i32
        %dma_start3A_96 = tpu.memref_slice %arg15[%add3A_63, %dma_start3A_95] : memref<10240x16xf32, #tpu.memory_space<vmem_shared>> -> memref<128x16xf32, #tpu.memory_space<vmem_shared>>
        tpu.enqueue_dma source(%dma_start3A_96 : memref<128x16xf32, #tpu.memory_space<vmem_shared>>) target(%arg13 : memref<128x16xf32, #tpu.memory_space<vmem>>) target_semaphore(%run_scoped3A : memref<!tpu.dma_semaphore, #tpu.memory_space<semaphore_mem>>)
        %dma_wait3A = arith.constant 0 : i32
        %dma_wait3A_97 = tpu.memref_slice %arg15[%add3A_63, %dma_wait3A] : memref<10240x16xf32, #tpu.memory_space<vmem_shared>> -> memref<128x16xf32, #tpu.memory_space<vmem_shared>>
        %dma_wait3A_98 = arith.constant 0 : i32
        %dma_wait3A_99 = tpu.memref_slice %arg15[%add3A_63, %dma_wait3A_98] : memref<10240x16xf32, #tpu.memory_space<vmem_shared>> -> memref<128x16xf32, #tpu.memory_space<vmem_shared>>
        tpu.wait_dma2 semaphore(%run_scoped3A : memref<!tpu.dma_semaphore, #tpu.memory_space<semaphore_mem>>) src(%dma_wait3A_99 : memref<128x16xf32, #tpu.memory_space<vmem_shared>>) dst(%arg13 : memref<128x16xf32, #tpu.memory_space<vmem>>)
        tpu.yield
      }) : () -> ()
      %scan3A_64 = arith.constant 0 : i32
      %scan3A_65 = arith.constant 0 : i32
      %scan3A_66 = arith.constant 128 : i32
      %scan3A_67 = arith.addi %scan3A_65, %scan3A_66 : i32
      %scan3A_68 = arith.constant 1 : i32
      scf.for %scan3A_94 = %scan3A_65 to %scan3A_67 step %scan3A_68  : i32 {
        %get3A = arith.index_cast %scan3A_94 : i32 to index
        %get3A_95 = arith.constant 0 : index
        %get3A_96 = tpu.vector_load %arg13[%get3A, %get3A_95] {strides = array<i32>} : memref<128x16xf32, #tpu.memory_space<vmem>>, vector<16xf32>,
        %max3A = arith.constant 1.000000e+00 : f32
        %max3A_97 = vector.broadcast %max3A : f32 to vector<16xf32>
        %max3A_98 = arith.maximumf %get3A_96, %max3A_97 : vector<16xf32>
        %get3A_99 = arith.index_cast %scan3A_94 : i32 to index
        %get3A_100 = arith.constant 0 : index
        %get3A_101 = tpu.vector_load %arg12[%get3A_99, %get3A_100] {strides = array<i32>} : memref<128x128xf32, #tpu.memory_space<vmem>>, vector<16xf32>,
        %div3A = arith.divf %get3A_101, %max3A_98 : vector<16xf32>
        %swap3A = arith.index_cast %scan3A_94 : i32 to index
        %swap3A_102 = arith.constant 0 : index
        %swap3A_103 = tpu.vector_load %arg12[%swap3A, %swap3A_102] {strides = array<i32>} : memref<128x128xf32, #tpu.memory_space<vmem>>, vector<16xf32>,
        tpu.vector_store %arg12[%swap3A, %swap3A_102], %div3A {strides = array<i32>} : memref<128x128xf32, #tpu.memory_space<vmem>>, vector<16xf32>,
        %get3A_104 = arith.index_cast %scan3A_94 : i32 to index
        %get3A_105 = arith.constant 16 : index
        %get3A_106 = tpu.vector_load %arg12[%get3A_104, %get3A_105] {strides = array<i32>} : memref<128x128xf32, #tpu.memory_space<vmem>>, vector<16xf32>,
        %div3A_107 = arith.divf %get3A_106, %max3A_98 : vector<16xf32>
        %swap3A_108 = arith.index_cast %scan3A_94 : i32 to index
        %swap3A_109 = arith.constant 16 : index
        %swap3A_110 = tpu.vector_load %arg12[%swap3A_108, %swap3A_109] {strides = array<i32>} : memref<128x128xf32, #tpu.memory_space<vmem>>, vector<16xf32>,
        tpu.vector_store %arg12[%swap3A_108, %swap3A_109], %div3A_107 {strides = array<i32>} : memref<128x128xf32, #tpu.memory_space<vmem>>, vector<16xf32>,
        %get3A_111 = arith.index_cast %scan3A_94 : i32 to index
        %get3A_112 = arith.constant 32 : index
        %get3A_113 = tpu.vector_load %arg12[%get3A_111, %get3A_112] {strides = array<i32>} : memref<128x128xf32, #tpu.memory_space<vmem>>, vector<16xf32>,
        %div3A_114 = arith.divf %get3A_113, %max3A_98 : vector<16xf32>
        %swap3A_115 = arith.index_cast %scan3A_94 : i32 to index
        %swap3A_116 = arith.constant 32 : index
        %swap3A_117 = tpu.vector_load %arg12[%swap3A_115, %swap3A_116] {strides = array<i32>} : memref<128x128xf32, #tpu.memory_space<vmem>>, vector<16xf32>,
        tpu.vector_store %arg12[%swap3A_115, %swap3A_116], %div3A_114 {strides = array<i32>} : memref<128x128xf32, #tpu.memory_space<vmem>>, vector<16xf32>,
        %get3A_118 = arith.index_cast %scan3A_94 : i32 to index
        %get3A_119 = arith.constant 48 : index
        %get3A_120 = tpu.vector_load %arg12[%get3A_118, %get3A_119] {strides = array<i32>} : memref<128x128xf32, #tpu.memory_space<vmem>>, vector<16xf32>,
        %div3A_121 = arith.divf %get3A_120, %max3A_98 : vector<16xf32>
        %swap3A_122 = arith.index_cast %scan3A_94 : i32 to index
        %swap3A_123 = arith.constant 48 : index
        %swap3A_124 = tpu.vector_load %arg12[%swap3A_122, %swap3A_123] {strides = array<i32>} : memref<128x128xf32, #tpu.memory_space<vmem>>, vector<16xf32>,
        tpu.vector_store %arg12[%swap3A_122, %swap3A_123], %div3A_121 {strides = array<i32>} : memref<128x128xf32, #tpu.memory_space<vmem>>, vector<16xf32>,
        %get3A_125 = arith.index_cast %scan3A_94 : i32 to index
        %get3A_126 = arith.constant 64 : index
        %get3A_127 = tpu.vector_load %arg12[%get3A_125, %get3A_126] {strides = array<i32>} : memref<128x128xf32, #tpu.memory_space<vmem>>, vector<16xf32>,
        %div3A_128 = arith.divf %get3A_127, %max3A_98 : vector<16xf32>
        %swap3A_129 = arith.index_cast %scan3A_94 : i32 to index
        %swap3A_130 = arith.constant 64 : index
        %swap3A_131 = tpu.vector_load %arg12[%swap3A_129, %swap3A_130] {strides = array<i32>} : memref<128x128xf32, #tpu.memory_space<vmem>>, vector<16xf32>,
        tpu.vector_store %arg12[%swap3A_129, %swap3A_130], %div3A_128 {strides = array<i32>} : memref<128x128xf32, #tpu.memory_space<vmem>>, vector<16xf32>,
        %get3A_132 = arith.index_cast %scan3A_94 : i32 to index
        %get3A_133 = arith.constant 80 : index
        %get3A_134 = tpu.vector_load %arg12[%get3A_132, %get3A_133] {strides = array<i32>} : memref<128x128xf32, #tpu.memory_space<vmem>>, vector<16xf32>,
        %div3A_135 = arith.divf %get3A_134, %max3A_98 : vector<16xf32>
        %swap3A_136 = arith.index_cast %scan3A_94 : i32 to index
        %swap3A_137 = arith.constant 80 : index
        %swap3A_138 = tpu.vector_load %arg12[%swap3A_136, %swap3A_137] {strides = array<i32>} : memref<128x128xf32, #tpu.memory_space<vmem>>, vector<16xf32>,
        tpu.vector_store %arg12[%swap3A_136, %swap3A_137], %div3A_135 {strides = array<i32>} : memref<128x128xf32, #tpu.memory_space<vmem>>, vector<16xf32>,
        %get3A_139 = arith.index_cast %scan3A_94 : i32 to index
        %get3A_140 = arith.constant 96 : index
        %get3A_141 = tpu.vector_load %arg12[%get3A_139, %get3A_140] {strides = array<i32>} : memref<128x128xf32, #tpu.memory_space<vmem>>, vector<16xf32>,
        %div3A_142 = arith.divf %get3A_141, %max3A_98 : vector<16xf32>
        %swap3A_143 = arith.index_cast %scan3A_94 : i32 to index
        %swap3A_144 = arith.constant 96 : index
        %swap3A_145 = tpu.vector_load %arg12[%swap3A_143, %swap3A_144] {strides = array<i32>} : memref<128x128xf32, #tpu.memory_space<vmem>>, vector<16xf32>,
        tpu.vector_store %arg12[%swap3A_143, %swap3A_144], %div3A_142 {strides = array<i32>} : memref<128x128xf32, #tpu.memory_space<vmem>>, vector<16xf32>,
        %get3A_146 = arith.index_cast %scan3A_94 : i32 to index
        %get3A_147 = arith.constant 112 : index
        %get3A_148 = tpu.vector_load %arg12[%get3A_146, %get3A_147] {strides = array<i32>} : memref<128x128xf32, #tpu.memory_space<vmem>>, vector<16xf32>,
        %div3A_149 = arith.divf %get3A_148, %max3A_98 : vector<16xf32>
        %swap3A_150 = arith.index_cast %scan3A_94 : i32 to index
        %swap3A_151 = arith.constant 112 : index
        %swap3A_152 = tpu.vector_load %arg12[%swap3A_150, %swap3A_151] {strides = array<i32>} : memref<128x128xf32, #tpu.memory_space<vmem>>, vector<16xf32>,
        tpu.vector_store %arg12[%swap3A_150, %swap3A_151], %div3A_149 {strides = array<i32>} : memref<128x128xf32, #tpu.memory_space<vmem>>, vector<16xf32>,
      }
      %scan3A_69 = arith.constant 128 : i32
      "tpu.region"() ({
        %run_scoped3A = tpu.sem_alloc : memref<!tpu.dma_semaphore, #tpu.memory_space<semaphore_mem>>
        %dma_start3A = arith.constant 0 : i32
        %dma_start3A_94 = tpu.memref_slice %arg8[%add3A_63, %dma_start3A] : memref<10240x128xf32, #tpu.memory_space<hbm>> -> memref<128x128xf32, #tpu.memory_space<hbm>>
        %dma_start3A_95 = arith.constant 0 : i32
        %dma_start3A_96 = tpu.memref_slice %arg8[%add3A_63, %dma_start3A_95] : memref<10240x128xf32, #tpu.memory_space<hbm>> -> memref<128x128xf32, #tpu.memory_space<hbm>>
        tpu.enqueue_dma source(%arg12 : memref<128x128xf32, #tpu.memory_space<vmem>>) target(%dma_start3A_96 : memref<128x128xf32, #tpu.memory_space<hbm>>) target_semaphore(%run_scoped3A : memref<!tpu.dma_semaphore, #tpu.memory_space<semaphore_mem>>)
        %dma_wait3A = arith.constant 0 : i32
        %dma_wait3A_97 = tpu.memref_slice %arg8[%add3A_63, %dma_wait3A] : memref<10240x128xf32, #tpu.memory_space<hbm>> -> memref<128x128xf32, #tpu.memory_space<hbm>>
        %dma_wait3A_98 = arith.constant 0 : i32
        %dma_wait3A_99 = tpu.memref_slice %arg8[%add3A_63, %dma_wait3A_98] : memref<10240x128xf32, #tpu.memory_space<hbm>> -> memref<128x128xf32, #tpu.memory_space<hbm>>
        tpu.wait_dma2 semaphore(%run_scoped3A : memref<!tpu.dma_semaphore, #tpu.memory_space<semaphore_mem>>) src(%arg12 : memref<128x128xf32, #tpu.memory_space<vmem>>) dst(%dma_wait3A_99 : memref<128x128xf32, #tpu.memory_space<hbm>>)
        tpu.yield
      }) : () -> ()
      %add3A_70 = arith.constant 256 : i32
      %add3A_71 = arith.addi %mul3A_0, %add3A_70 : i32
      "tpu.region"() ({
        %run_scoped3A = tpu.sem_alloc : memref<!tpu.dma_semaphore, #tpu.memory_space<semaphore_mem>>
        %dma_start3A = arith.constant 0 : i32
        %dma_start3A_94 = tpu.memref_slice %arg14[%add3A_71, %dma_start3A] : memref<10240x128xf32, #tpu.memory_space<vmem_shared>> -> memref<128x128xf32, #tpu.memory_space<vmem_shared>>
        %dma_start3A_95 = arith.constant 0 : i32
        %dma_start3A_96 = tpu.memref_slice %arg14[%add3A_71, %dma_start3A_95] : memref<10240x128xf32, #tpu.memory_space<vmem_shared>> -> memref<128x128xf32, #tpu.memory_space<vmem_shared>>
        tpu.enqueue_dma source(%dma_start3A_96 : memref<128x128xf32, #tpu.memory_space<vmem_shared>>) target(%arg12 : memref<128x128xf32, #tpu.memory_space<vmem>>) target_semaphore(%run_scoped3A : memref<!tpu.dma_semaphore, #tpu.memory_space<semaphore_mem>>)
        %dma_wait3A = arith.constant 0 : i32
        %dma_wait3A_97 = tpu.memref_slice %arg14[%add3A_71, %dma_wait3A] : memref<10240x128xf32, #tpu.memory_space<vmem_shared>> -> memref<128x128xf32, #tpu.memory_space<vmem_shared>>
        %dma_wait3A_98 = arith.constant 0 : i32
        %dma_wait3A_99 = tpu.memref_slice %arg14[%add3A_71, %dma_wait3A_98] : memref<10240x128xf32, #tpu.memory_space<vmem_shared>> -> memref<128x128xf32, #tpu.memory_space<vmem_shared>>
        tpu.wait_dma2 semaphore(%run_scoped3A : memref<!tpu.dma_semaphore, #tpu.memory_space<semaphore_mem>>) src(%dma_wait3A_99 : memref<128x128xf32, #tpu.memory_space<vmem_shared>>) dst(%arg12 : memref<128x128xf32, #tpu.memory_space<vmem>>)
        tpu.yield
      }) : () -> ()
      "tpu.region"() ({
        %run_scoped3A = tpu.sem_alloc : memref<!tpu.dma_semaphore, #tpu.memory_space<semaphore_mem>>
        %dma_start3A = arith.constant 0 : i32
        %dma_start3A_94 = tpu.memref_slice %arg15[%add3A_71, %dma_start3A] : memref<10240x16xf32, #tpu.memory_space<vmem_shared>> -> memref<128x16xf32, #tpu.memory_space<vmem_shared>>
        %dma_start3A_95 = arith.constant 0 : i32
        %dma_start3A_96 = tpu.memref_slice %arg15[%add3A_71, %dma_start3A_95] : memref<10240x16xf32, #tpu.memory_space<vmem_shared>> -> memref<128x16xf32, #tpu.memory_space<vmem_shared>>
        tpu.enqueue_dma source(%dma_start3A_96 : memref<128x16xf32, #tpu.memory_space<vmem_shared>>) target(%arg13 : memref<128x16xf32, #tpu.memory_space<vmem>>) target_semaphore(%run_scoped3A : memref<!tpu.dma_semaphore, #tpu.memory_space<semaphore_mem>>)
        %dma_wait3A = arith.constant 0 : i32
        %dma_wait3A_97 = tpu.memref_slice %arg15[%add3A_71, %dma_wait3A] : memref<10240x16xf32, #tpu.memory_space<vmem_shared>> -> memref<128x16xf32, #tpu.memory_space<vmem_shared>>
        %dma_wait3A_98 = arith.constant 0 : i32
        %dma_wait3A_99 = tpu.memref_slice %arg15[%add3A_71, %dma_wait3A_98] : memref<10240x16xf32, #tpu.memory_space<vmem_shared>> -> memref<128x16xf32, #tpu.memory_space<vmem_shared>>
        tpu.wait_dma2 semaphore(%run_scoped3A : memref<!tpu.dma_semaphore, #tpu.memory_space<semaphore_mem>>) src(%dma_wait3A_99 : memref<128x16xf32, #tpu.memory_space<vmem_shared>>) dst(%arg13 : memref<128x16xf32, #tpu.memory_space<vmem>>)
        tpu.yield
      }) : () -> ()
      %scan3A_72 = arith.constant 0 : i32
      %scan3A_73 = arith.constant 0 : i32
      %scan3A_74 = arith.constant 128 : i32
      %scan3A_75 = arith.addi %scan3A_73, %scan3A_74 : i32
      %scan3A_76 = arith.constant 1 : i32
      scf.for %scan3A_94 = %scan3A_73 to %scan3A_75 step %scan3A_76  : i32 {
        %get3A = arith.index_cast %scan3A_94 : i32 to index
        %get3A_95 = arith.constant 0 : index
        %get3A_96 = tpu.vector_load %arg13[%get3A, %get3A_95] {strides = array<i32>} : memref<128x16xf32, #tpu.memory_space<vmem>>, vector<16xf32>,
        %max3A = arith.constant 1.000000e+00 : f32
        %max3A_97 = vector.broadcast %max3A : f32 to vector<16xf32>
        %max3A_98 = arith.maximumf %get3A_96, %max3A_97 : vector<16xf32>
        %get3A_99 = arith.index_cast %scan3A_94 : i32 to index
        %get3A_100 = arith.constant 0 : index
        %get3A_101 = tpu.vector_load %arg12[%get3A_99, %get3A_100] {strides = array<i32>} : memref<128x128xf32, #tpu.memory_space<vmem>>, vector<16xf32>,
        %div3A = arith.divf %get3A_101, %max3A_98 : vector<16xf32>
        %swap3A = arith.index_cast %scan3A_94 : i32 to index
        %swap3A_102 = arith.constant 0 : index
        %swap3A_103 = tpu.vector_load %arg12[%swap3A, %swap3A_102] {strides = array<i32>} : memref<128x128xf32, #tpu.memory_space<vmem>>, vector<16xf32>,
        tpu.vector_store %arg12[%swap3A, %swap3A_102], %div3A {strides = array<i32>} : memref<128x128xf32, #tpu.memory_space<vmem>>, vector<16xf32>,
        %get3A_104 = arith.index_cast %scan3A_94 : i32 to index
        %get3A_105 = arith.constant 16 : index
        %get3A_106 = tpu.vector_load %arg12[%get3A_104, %get3A_105] {strides = array<i32>} : memref<128x128xf32, #tpu.memory_space<vmem>>, vector<16xf32>,
        %div3A_107 = arith.divf %get3A_106, %max3A_98 : vector<16xf32>
        %swap3A_108 = arith.index_cast %scan3A_94 : i32 to index
        %swap3A_109 = arith.constant 16 : index
        %swap3A_110 = tpu.vector_load %arg12[%swap3A_108, %swap3A_109] {strides = array<i32>} : memref<128x128xf32, #tpu.memory_space<vmem>>, vector<16xf32>,
        tpu.vector_store %arg12[%swap3A_108, %swap3A_109], %div3A_107 {strides = array<i32>} : memref<128x128xf32, #tpu.memory_space<vmem>>, vector<16xf32>,
        %get3A_111 = arith.index_cast %scan3A_94 : i32 to index
        %get3A_112 = arith.constant 32 : index
        %get3A_113 = tpu.vector_load %arg12[%get3A_111, %get3A_112] {strides = array<i32>} : memref<128x128xf32, #tpu.memory_space<vmem>>, vector<16xf32>,
        %div3A_114 = arith.divf %get3A_113, %max3A_98 : vector<16xf32>
        %swap3A_115 = arith.index_cast %scan3A_94 : i32 to index
        %swap3A_116 = arith.constant 32 : index
        %swap3A_117 = tpu.vector_load %arg12[%swap3A_115, %swap3A_116] {strides = array<i32>} : memref<128x128xf32, #tpu.memory_space<vmem>>, vector<16xf32>,
        tpu.vector_store %arg12[%swap3A_115, %swap3A_116], %div3A_114 {strides = array<i32>} : memref<128x128xf32, #tpu.memory_space<vmem>>, vector<16xf32>,
        %get3A_118 = arith.index_cast %scan3A_94 : i32 to index
        %get3A_119 = arith.constant 48 : index
        %get3A_120 = tpu.vector_load %arg12[%get3A_118, %get3A_119] {strides = array<i32>} : memref<128x128xf32, #tpu.memory_space<vmem>>, vector<16xf32>,
        %div3A_121 = arith.divf %get3A_120, %max3A_98 : vector<16xf32>
        %swap3A_122 = arith.index_cast %scan3A_94 : i32 to index
        %swap3A_123 = arith.constant 48 : index
        %swap3A_124 = tpu.vector_load %arg12[%swap3A_122, %swap3A_123] {strides = array<i32>} : memref<128x128xf32, #tpu.memory_space<vmem>>, vector<16xf32>,
        tpu.vector_store %arg12[%swap3A_122, %swap3A_123], %div3A_121 {strides = array<i32>} : memref<128x128xf32, #tpu.memory_space<vmem>>, vector<16xf32>,
        %get3A_125 = arith.index_cast %scan3A_94 : i32 to index
        %get3A_126 = arith.constant 64 : index
        %get3A_127 = tpu.vector_load %arg12[%get3A_125, %get3A_126] {strides = array<i32>} : memref<128x128xf32, #tpu.memory_space<vmem>>, vector<16xf32>,
        %div3A_128 = arith.divf %get3A_127, %max3A_98 : vector<16xf32>
        %swap3A_129 = arith.index_cast %scan3A_94 : i32 to index
        %swap3A_130 = arith.constant 64 : index
        %swap3A_131 = tpu.vector_load %arg12[%swap3A_129, %swap3A_130] {strides = array<i32>} : memref<128x128xf32, #tpu.memory_space<vmem>>, vector<16xf32>,
        tpu.vector_store %arg12[%swap3A_129, %swap3A_130], %div3A_128 {strides = array<i32>} : memref<128x128xf32, #tpu.memory_space<vmem>>, vector<16xf32>,
        %get3A_132 = arith.index_cast %scan3A_94 : i32 to index
        %get3A_133 = arith.constant 80 : index
        %get3A_134 = tpu.vector_load %arg12[%get3A_132, %get3A_133] {strides = array<i32>} : memref<128x128xf32, #tpu.memory_space<vmem>>, vector<16xf32>,
        %div3A_135 = arith.divf %get3A_134, %max3A_98 : vector<16xf32>
        %swap3A_136 = arith.index_cast %scan3A_94 : i32 to index
        %swap3A_137 = arith.constant 80 : index
        %swap3A_138 = tpu.vector_load %arg12[%swap3A_136, %swap3A_137] {strides = array<i32>} : memref<128x128xf32, #tpu.memory_space<vmem>>, vector<16xf32>,
        tpu.vector_store %arg12[%swap3A_136, %swap3A_137], %div3A_135 {strides = array<i32>} : memref<128x128xf32, #tpu.memory_space<vmem>>, vector<16xf32>,
        %get3A_139 = arith.index_cast %scan3A_94 : i32 to index
        %get3A_140 = arith.constant 96 : index
        %get3A_141 = tpu.vector_load %arg12[%get3A_139, %get3A_140] {strides = array<i32>} : memref<128x128xf32, #tpu.memory_space<vmem>>, vector<16xf32>,
        %div3A_142 = arith.divf %get3A_141, %max3A_98 : vector<16xf32>
        %swap3A_143 = arith.index_cast %scan3A_94 : i32 to index
        %swap3A_144 = arith.constant 96 : index
        %swap3A_145 = tpu.vector_load %arg12[%swap3A_143, %swap3A_144] {strides = array<i32>} : memref<128x128xf32, #tpu.memory_space<vmem>>, vector<16xf32>,
        tpu.vector_store %arg12[%swap3A_143, %swap3A_144], %div3A_142 {strides = array<i32>} : memref<128x128xf32, #tpu.memory_space<vmem>>, vector<16xf32>,
        %get3A_146 = arith.index_cast %scan3A_94 : i32 to index
        %get3A_147 = arith.constant 112 : index
        %get3A_148 = tpu.vector_load %arg12[%get3A_146, %get3A_147] {strides = array<i32>} : memref<128x128xf32, #tpu.memory_space<vmem>>, vector<16xf32>,
        %div3A_149 = arith.divf %get3A_148, %max3A_98 : vector<16xf32>
        %swap3A_150 = arith.index_cast %scan3A_94 : i32 to index
        %swap3A_151 = arith.constant 112 : index
        %swap3A_152 = tpu.vector_load %arg12[%swap3A_150, %swap3A_151] {strides = array<i32>} : memref<128x128xf32, #tpu.memory_space<vmem>>, vector<16xf32>,
        tpu.vector_store %arg12[%swap3A_150, %swap3A_151], %div3A_149 {strides = array<i32>} : memref<128x128xf32, #tpu.memory_space<vmem>>, vector<16xf32>,
      }
      %scan3A_77 = arith.constant 128 : i32
      "tpu.region"() ({
        %run_scoped3A = tpu.sem_alloc : memref<!tpu.dma_semaphore, #tpu.memory_space<semaphore_mem>>
        %dma_start3A = arith.constant 0 : i32
        %dma_start3A_94 = tpu.memref_slice %arg8[%add3A_71, %dma_start3A] : memref<10240x128xf32, #tpu.memory_space<hbm>> -> memref<128x128xf32, #tpu.memory_space<hbm>>
        %dma_start3A_95 = arith.constant 0 : i32
        %dma_start3A_96 = tpu.memref_slice %arg8[%add3A_71, %dma_start3A_95] : memref<10240x128xf32, #tpu.memory_space<hbm>> -> memref<128x128xf32, #tpu.memory_space<hbm>>
        tpu.enqueue_dma source(%arg12 : memref<128x128xf32, #tpu.memory_space<vmem>>) target(%dma_start3A_96 : memref<128x128xf32, #tpu.memory_space<hbm>>) target_semaphore(%run_scoped3A : memref<!tpu.dma_semaphore, #tpu.memory_space<semaphore_mem>>)
        %dma_wait3A = arith.constant 0 : i32
        %dma_wait3A_97 = tpu.memref_slice %arg8[%add3A_71, %dma_wait3A] : memref<10240x128xf32, #tpu.memory_space<hbm>> -> memref<128x128xf32, #tpu.memory_space<hbm>>
        %dma_wait3A_98 = arith.constant 0 : i32
        %dma_wait3A_99 = tpu.memref_slice %arg8[%add3A_71, %dma_wait3A_98] : memref<10240x128xf32, #tpu.memory_space<hbm>> -> memref<128x128xf32, #tpu.memory_space<hbm>>
        tpu.wait_dma2 semaphore(%run_scoped3A : memref<!tpu.dma_semaphore, #tpu.memory_space<semaphore_mem>>) src(%arg12 : memref<128x128xf32, #tpu.memory_space<vmem>>) dst(%dma_wait3A_99 : memref<128x128xf32, #tpu.memory_space<hbm>>)
        tpu.yield
      }) : () -> ()
      %add3A_78 = arith.constant 384 : i32
      %add3A_79 = arith.addi %mul3A_0, %add3A_78 : i32
      "tpu.region"() ({
        %run_scoped3A = tpu.sem_alloc : memref<!tpu.dma_semaphore, #tpu.memory_space<semaphore_mem>>
        %dma_start3A = arith.constant 0 : i32
        %dma_start3A_94 = tpu.memref_slice %arg14[%add3A_79, %dma_start3A] : memref<10240x128xf32, #tpu.memory_space<vmem_shared>> -> memref<128x128xf32, #tpu.memory_space<vmem_shared>>
        %dma_start3A_95 = arith.constant 0 : i32
        %dma_start3A_96 = tpu.memref_slice %arg14[%add3A_79, %dma_start3A_95] : memref<10240x128xf32, #tpu.memory_space<vmem_shared>> -> memref<128x128xf32, #tpu.memory_space<vmem_shared>>
        tpu.enqueue_dma source(%dma_start3A_96 : memref<128x128xf32, #tpu.memory_space<vmem_shared>>) target(%arg12 : memref<128x128xf32, #tpu.memory_space<vmem>>) target_semaphore(%run_scoped3A : memref<!tpu.dma_semaphore, #tpu.memory_space<semaphore_mem>>)
        %dma_wait3A = arith.constant 0 : i32
        %dma_wait3A_97 = tpu.memref_slice %arg14[%add3A_79, %dma_wait3A] : memref<10240x128xf32, #tpu.memory_space<vmem_shared>> -> memref<128x128xf32, #tpu.memory_space<vmem_shared>>
        %dma_wait3A_98 = arith.constant 0 : i32
        %dma_wait3A_99 = tpu.memref_slice %arg14[%add3A_79, %dma_wait3A_98] : memref<10240x128xf32, #tpu.memory_space<vmem_shared>> -> memref<128x128xf32, #tpu.memory_space<vmem_shared>>
        tpu.wait_dma2 semaphore(%run_scoped3A : memref<!tpu.dma_semaphore, #tpu.memory_space<semaphore_mem>>) src(%dma_wait3A_99 : memref<128x128xf32, #tpu.memory_space<vmem_shared>>) dst(%arg12 : memref<128x128xf32, #tpu.memory_space<vmem>>)
        tpu.yield
      }) : () -> ()
      "tpu.region"() ({
        %run_scoped3A = tpu.sem_alloc : memref<!tpu.dma_semaphore, #tpu.memory_space<semaphore_mem>>
        %dma_start3A = arith.constant 0 : i32
        %dma_start3A_94 = tpu.memref_slice %arg15[%add3A_79, %dma_start3A] : memref<10240x16xf32, #tpu.memory_space<vmem_shared>> -> memref<128x16xf32, #tpu.memory_space<vmem_shared>>
        %dma_start3A_95 = arith.constant 0 : i32
        %dma_start3A_96 = tpu.memref_slice %arg15[%add3A_79, %dma_start3A_95] : memref<10240x16xf32, #tpu.memory_space<vmem_shared>> -> memref<128x16xf32, #tpu.memory_space<vmem_shared>>
        tpu.enqueue_dma source(%dma_start3A_96 : memref<128x16xf32, #tpu.memory_space<vmem_shared>>) target(%arg13 : memref<128x16xf32, #tpu.memory_space<vmem>>) target_semaphore(%run_scoped3A : memref<!tpu.dma_semaphore, #tpu.memory_space<semaphore_mem>>)
        %dma_wait3A = arith.constant 0 : i32
        %dma_wait3A_97 = tpu.memref_slice %arg15[%add3A_79, %dma_wait3A] : memref<10240x16xf32, #tpu.memory_space<vmem_shared>> -> memref<128x16xf32, #tpu.memory_space<vmem_shared>>
        %dma_wait3A_98 = arith.constant 0 : i32
        %dma_wait3A_99 = tpu.memref_slice %arg15[%add3A_79, %dma_wait3A_98] : memref<10240x16xf32, #tpu.memory_space<vmem_shared>> -> memref<128x16xf32, #tpu.memory_space<vmem_shared>>
        tpu.wait_dma2 semaphore(%run_scoped3A : memref<!tpu.dma_semaphore, #tpu.memory_space<semaphore_mem>>) src(%dma_wait3A_99 : memref<128x16xf32, #tpu.memory_space<vmem_shared>>) dst(%arg13 : memref<128x16xf32, #tpu.memory_space<vmem>>)
        tpu.yield
      }) : () -> ()
      %scan3A_80 = arith.constant 0 : i32
      %scan3A_81 = arith.constant 0 : i32
      %scan3A_82 = arith.constant 128 : i32
      %scan3A_83 = arith.addi %scan3A_81, %scan3A_82 : i32
      %scan3A_84 = arith.constant 1 : i32
      scf.for %scan3A_94 = %scan3A_81 to %scan3A_83 step %scan3A_84  : i32 {
        %get3A = arith.index_cast %scan3A_94 : i32 to index
        %get3A_95 = arith.constant 0 : index
        %get3A_96 = tpu.vector_load %arg13[%get3A, %get3A_95] {strides = array<i32>} : memref<128x16xf32, #tpu.memory_space<vmem>>, vector<16xf32>,
        %max3A = arith.constant 1.000000e+00 : f32
        %max3A_97 = vector.broadcast %max3A : f32 to vector<16xf32>
        %max3A_98 = arith.maximumf %get3A_96, %max3A_97 : vector<16xf32>
        %get3A_99 = arith.index_cast %scan3A_94 : i32 to index
        %get3A_100 = arith.constant 0 : index
        %get3A_101 = tpu.vector_load %arg12[%get3A_99, %get3A_100] {strides = array<i32>} : memref<128x128xf32, #tpu.memory_space<vmem>>, vector<16xf32>,
        %div3A = arith.divf %get3A_101, %max3A_98 : vector<16xf32>
        %swap3A = arith.index_cast %scan3A_94 : i32 to index
        %swap3A_102 = arith.constant 0 : index
        %swap3A_103 = tpu.vector_load %arg12[%swap3A, %swap3A_102] {strides = array<i32>} : memref<128x128xf32, #tpu.memory_space<vmem>>, vector<16xf32>,
        tpu.vector_store %arg12[%swap3A, %swap3A_102], %div3A {strides = array<i32>} : memref<128x128xf32, #tpu.memory_space<vmem>>, vector<16xf32>,
        %get3A_104 = arith.index_cast %scan3A_94 : i32 to index
        %get3A_105 = arith.constant 16 : index
        %get3A_106 = tpu.vector_load %arg12[%get3A_104, %get3A_105] {strides = array<i32>} : memref<128x128xf32, #tpu.memory_space<vmem>>, vector<16xf32>,
        %div3A_107 = arith.divf %get3A_106, %max3A_98 : vector<16xf32>
        %swap3A_108 = arith.index_cast %scan3A_94 : i32 to index
        %swap3A_109 = arith.constant 16 : index
        %swap3A_110 = tpu.vector_load %arg12[%swap3A_108, %swap3A_109] {strides = array<i32>} : memref<128x128xf32, #tpu.memory_space<vmem>>, vector<16xf32>,
        tpu.vector_store %arg12[%swap3A_108, %swap3A_109], %div3A_107 {strides = array<i32>} : memref<128x128xf32, #tpu.memory_space<vmem>>, vector<16xf32>,
        %get3A_111 = arith.index_cast %scan3A_94 : i32 to index
        %get3A_112 = arith.constant 32 : index
        %get3A_113 = tpu.vector_load %arg12[%get3A_111, %get3A_112] {strides = array<i32>} : memref<128x128xf32, #tpu.memory_space<vmem>>, vector<16xf32>,
        %div3A_114 = arith.divf %get3A_113, %max3A_98 : vector<16xf32>
        %swap3A_115 = arith.index_cast %scan3A_94 : i32 to index
        %swap3A_116 = arith.constant 32 : index
        %swap3A_117 = tpu.vector_load %arg12[%swap3A_115, %swap3A_116] {strides = array<i32>} : memref<128x128xf32, #tpu.memory_space<vmem>>, vector<16xf32>,
        tpu.vector_store %arg12[%swap3A_115, %swap3A_116], %div3A_114 {strides = array<i32>} : memref<128x128xf32, #tpu.memory_space<vmem>>, vector<16xf32>,
        %get3A_118 = arith.index_cast %scan3A_94 : i32 to index
        %get3A_119 = arith.constant 48 : index
        %get3A_120 = tpu.vector_load %arg12[%get3A_118, %get3A_119] {strides = array<i32>} : memref<128x128xf32, #tpu.memory_space<vmem>>, vector<16xf32>,
        %div3A_121 = arith.divf %get3A_120, %max3A_98 : vector<16xf32>
        %swap3A_122 = arith.index_cast %scan3A_94 : i32 to index
        %swap3A_123 = arith.constant 48 : index
        %swap3A_124 = tpu.vector_load %arg12[%swap3A_122, %swap3A_123] {strides = array<i32>} : memref<128x128xf32, #tpu.memory_space<vmem>>, vector<16xf32>,
        tpu.vector_store %arg12[%swap3A_122, %swap3A_123], %div3A_121 {strides = array<i32>} : memref<128x128xf32, #tpu.memory_space<vmem>>, vector<16xf32>,
        %get3A_125 = arith.index_cast %scan3A_94 : i32 to index
        %get3A_126 = arith.constant 64 : index
        %get3A_127 = tpu.vector_load %arg12[%get3A_125, %get3A_126] {strides = array<i32>} : memref<128x128xf32, #tpu.memory_space<vmem>>, vector<16xf32>,
        %div3A_128 = arith.divf %get3A_127, %max3A_98 : vector<16xf32>
        %swap3A_129 = arith.index_cast %scan3A_94 : i32 to index
        %swap3A_130 = arith.constant 64 : index
        %swap3A_131 = tpu.vector_load %arg12[%swap3A_129, %swap3A_130] {strides = array<i32>} : memref<128x128xf32, #tpu.memory_space<vmem>>, vector<16xf32>,
        tpu.vector_store %arg12[%swap3A_129, %swap3A_130], %div3A_128 {strides = array<i32>} : memref<128x128xf32, #tpu.memory_space<vmem>>, vector<16xf32>,
        %get3A_132 = arith.index_cast %scan3A_94 : i32 to index
        %get3A_133 = arith.constant 80 : index
        %get3A_134 = tpu.vector_load %arg12[%get3A_132, %get3A_133] {strides = array<i32>} : memref<128x128xf32, #tpu.memory_space<vmem>>, vector<16xf32>,
        %div3A_135 = arith.divf %get3A_134, %max3A_98 : vector<16xf32>
        %swap3A_136 = arith.index_cast %scan3A_94 : i32 to index
        %swap3A_137 = arith.constant 80 : index
        %swap3A_138 = tpu.vector_load %arg12[%swap3A_136, %swap3A_137] {strides = array<i32>} : memref<128x128xf32, #tpu.memory_space<vmem>>, vector<16xf32>,
        tpu.vector_store %arg12[%swap3A_136, %swap3A_137], %div3A_135 {strides = array<i32>} : memref<128x128xf32, #tpu.memory_space<vmem>>, vector<16xf32>,
        %get3A_139 = arith.index_cast %scan3A_94 : i32 to index
        %get3A_140 = arith.constant 96 : index
        %get3A_141 = tpu.vector_load %arg12[%get3A_139, %get3A_140] {strides = array<i32>} : memref<128x128xf32, #tpu.memory_space<vmem>>, vector<16xf32>,
        %div3A_142 = arith.divf %get3A_141, %max3A_98 : vector<16xf32>
        %swap3A_143 = arith.index_cast %scan3A_94 : i32 to index
        %swap3A_144 = arith.constant 96 : index
        %swap3A_145 = tpu.vector_load %arg12[%swap3A_143, %swap3A_144] {strides = array<i32>} : memref<128x128xf32, #tpu.memory_space<vmem>>, vector<16xf32>,
        tpu.vector_store %arg12[%swap3A_143, %swap3A_144], %div3A_142 {strides = array<i32>} : memref<128x128xf32, #tpu.memory_space<vmem>>, vector<16xf32>,
        %get3A_146 = arith.index_cast %scan3A_94 : i32 to index
        %get3A_147 = arith.constant 112 : index
        %get3A_148 = tpu.vector_load %arg12[%get3A_146, %get3A_147] {strides = array<i32>} : memref<128x128xf32, #tpu.memory_space<vmem>>, vector<16xf32>,
        %div3A_149 = arith.divf %get3A_148, %max3A_98 : vector<16xf32>
        %swap3A_150 = arith.index_cast %scan3A_94 : i32 to index
        %swap3A_151 = arith.constant 112 : index
        %swap3A_152 = tpu.vector_load %arg12[%swap3A_150, %swap3A_151] {strides = array<i32>} : memref<128x128xf32, #tpu.memory_space<vmem>>, vector<16xf32>,
        tpu.vector_store %arg12[%swap3A_150, %swap3A_151], %div3A_149 {strides = array<i32>} : memref<128x128xf32, #tpu.memory_space<vmem>>, vector<16xf32>,
      }
      %scan3A_85 = arith.constant 128 : i32
      "tpu.region"() ({
        %run_scoped3A = tpu.sem_alloc : memref<!tpu.dma_semaphore, #tpu.memory_space<semaphore_mem>>
        %dma_start3A = arith.constant 0 : i32
        %dma_start3A_94 = tpu.memref_slice %arg8[%add3A_79, %dma_start3A] : memref<10240x128xf32, #tpu.memory_space<hbm>> -> memref<128x128xf32, #tpu.memory_space<hbm>>
        %dma_start3A_95 = arith.constant 0 : i32
        %dma_start3A_96 = tpu.memref_slice %arg8[%add3A_79, %dma_start3A_95] : memref<10240x128xf32, #tpu.memory_space<hbm>> -> memref<128x128xf32, #tpu.memory_space<hbm>>
        tpu.enqueue_dma source(%arg12 : memref<128x128xf32, #tpu.memory_space<vmem>>) target(%dma_start3A_96 : memref<128x128xf32, #tpu.memory_space<hbm>>) target_semaphore(%run_scoped3A : memref<!tpu.dma_semaphore, #tpu.memory_space<semaphore_mem>>)
        %dma_wait3A = arith.constant 0 : i32
        %dma_wait3A_97 = tpu.memref_slice %arg8[%add3A_79, %dma_wait3A] : memref<10240x128xf32, #tpu.memory_space<hbm>> -> memref<128x128xf32, #tpu.memory_space<hbm>>
        %dma_wait3A_98 = arith.constant 0 : i32
        %dma_wait3A_99 = tpu.memref_slice %arg8[%add3A_79, %dma_wait3A_98] : memref<10240x128xf32, #tpu.memory_space<hbm>> -> memref<128x128xf32, #tpu.memory_space<hbm>>
        tpu.wait_dma2 semaphore(%run_scoped3A : memref<!tpu.dma_semaphore, #tpu.memory_space<semaphore_mem>>) src(%arg12 : memref<128x128xf32, #tpu.memory_space<vmem>>) dst(%dma_wait3A_99 : memref<128x128xf32, #tpu.memory_space<hbm>>)
        tpu.yield
      }) : () -> ()
      %add3A_86 = arith.constant 512 : i32
      %add3A_87 = arith.addi %mul3A_0, %add3A_86 : i32
      "tpu.region"() ({
        %run_scoped3A = tpu.sem_alloc : memref<!tpu.dma_semaphore, #tpu.memory_space<semaphore_mem>>
        %dma_start3A = arith.constant 0 : i32
        %dma_start3A_94 = tpu.memref_slice %arg14[%add3A_87, %dma_start3A] : memref<10240x128xf32, #tpu.memory_space<vmem_shared>> -> memref<128x128xf32, #tpu.memory_space<vmem_shared>>
        %dma_start3A_95 = arith.constant 0 : i32
        %dma_start3A_96 = tpu.memref_slice %arg14[%add3A_87, %dma_start3A_95] : memref<10240x128xf32, #tpu.memory_space<vmem_shared>> -> memref<128x128xf32, #tpu.memory_space<vmem_shared>>
        tpu.enqueue_dma source(%dma_start3A_96 : memref<128x128xf32, #tpu.memory_space<vmem_shared>>) target(%arg12 : memref<128x128xf32, #tpu.memory_space<vmem>>) target_semaphore(%run_scoped3A : memref<!tpu.dma_semaphore, #tpu.memory_space<semaphore_mem>>)
        %dma_wait3A = arith.constant 0 : i32
        %dma_wait3A_97 = tpu.memref_slice %arg14[%add3A_87, %dma_wait3A] : memref<10240x128xf32, #tpu.memory_space<vmem_shared>> -> memref<128x128xf32, #tpu.memory_space<vmem_shared>>
        %dma_wait3A_98 = arith.constant 0 : i32
        %dma_wait3A_99 = tpu.memref_slice %arg14[%add3A_87, %dma_wait3A_98] : memref<10240x128xf32, #tpu.memory_space<vmem_shared>> -> memref<128x128xf32, #tpu.memory_space<vmem_shared>>
        tpu.wait_dma2 semaphore(%run_scoped3A : memref<!tpu.dma_semaphore, #tpu.memory_space<semaphore_mem>>) src(%dma_wait3A_99 : memref<128x128xf32, #tpu.memory_space<vmem_shared>>) dst(%arg12 : memref<128x128xf32, #tpu.memory_space<vmem>>)
        tpu.yield
      }) : () -> ()
      "tpu.region"() ({
        %run_scoped3A = tpu.sem_alloc : memref<!tpu.dma_semaphore, #tpu.memory_space<semaphore_mem>>
        %dma_start3A = arith.constant 0 : i32
        %dma_start3A_94 = tpu.memref_slice %arg15[%add3A_87, %dma_start3A] : memref<10240x16xf32, #tpu.memory_space<vmem_shared>> -> memref<128x16xf32, #tpu.memory_space<vmem_shared>>
        %dma_start3A_95 = arith.constant 0 : i32
        %dma_start3A_96 = tpu.memref_slice %arg15[%add3A_87, %dma_start3A_95] : memref<10240x16xf32, #tpu.memory_space<vmem_shared>> -> memref<128x16xf32, #tpu.memory_space<vmem_shared>>
        tpu.enqueue_dma source(%dma_start3A_96 : memref<128x16xf32, #tpu.memory_space<vmem_shared>>) target(%arg13 : memref<128x16xf32, #tpu.memory_space<vmem>>) target_semaphore(%run_scoped3A : memref<!tpu.dma_semaphore, #tpu.memory_space<semaphore_mem>>)
        %dma_wait3A = arith.constant 0 : i32
        %dma_wait3A_97 = tpu.memref_slice %arg15[%add3A_87, %dma_wait3A] : memref<10240x16xf32, #tpu.memory_space<vmem_shared>> -> memref<128x16xf32, #tpu.memory_space<vmem_shared>>
        %dma_wait3A_98 = arith.constant 0 : i32
        %dma_wait3A_99 = tpu.memref_slice %arg15[%add3A_87, %dma_wait3A_98] : memref<10240x16xf32, #tpu.memory_space<vmem_shared>> -> memref<128x16xf32, #tpu.memory_space<vmem_shared>>
        tpu.wait_dma2 semaphore(%run_scoped3A : memref<!tpu.dma_semaphore, #tpu.memory_space<semaphore_mem>>) src(%dma_wait3A_99 : memref<128x16xf32, #tpu.memory_space<vmem_shared>>) dst(%arg13 : memref<128x16xf32, #tpu.memory_space<vmem>>)
        tpu.yield
      }) : () -> ()
      %scan3A_88 = arith.constant 0 : i32
      %scan3A_89 = arith.constant 0 : i32
      %scan3A_90 = arith.constant 128 : i32
      %scan3A_91 = arith.addi %scan3A_89, %scan3A_90 : i32
      %scan3A_92 = arith.constant 1 : i32
      scf.for %scan3A_94 = %scan3A_89 to %scan3A_91 step %scan3A_92  : i32 {
        %get3A = arith.index_cast %scan3A_94 : i32 to index
        %get3A_95 = arith.constant 0 : index
        %get3A_96 = tpu.vector_load %arg13[%get3A, %get3A_95] {strides = array<i32>} : memref<128x16xf32, #tpu.memory_space<vmem>>, vector<16xf32>,
        %max3A = arith.constant 1.000000e+00 : f32
        %max3A_97 = vector.broadcast %max3A : f32 to vector<16xf32>
        %max3A_98 = arith.maximumf %get3A_96, %max3A_97 : vector<16xf32>
        %get3A_99 = arith.index_cast %scan3A_94 : i32 to index
        %get3A_100 = arith.constant 0 : index
        %get3A_101 = tpu.vector_load %arg12[%get3A_99, %get3A_100] {strides = array<i32>} : memref<128x128xf32, #tpu.memory_space<vmem>>, vector<16xf32>,
        %div3A = arith.divf %get3A_101, %max3A_98 : vector<16xf32>
        %swap3A = arith.index_cast %scan3A_94 : i32 to index
        %swap3A_102 = arith.constant 0 : index
        %swap3A_103 = tpu.vector_load %arg12[%swap3A, %swap3A_102] {strides = array<i32>} : memref<128x128xf32, #tpu.memory_space<vmem>>, vector<16xf32>,
        tpu.vector_store %arg12[%swap3A, %swap3A_102], %div3A {strides = array<i32>} : memref<128x128xf32, #tpu.memory_space<vmem>>, vector<16xf32>,
        %get3A_104 = arith.index_cast %scan3A_94 : i32 to index
        %get3A_105 = arith.constant 16 : index
        %get3A_106 = tpu.vector_load %arg12[%get3A_104, %get3A_105] {strides = array<i32>} : memref<128x128xf32, #tpu.memory_space<vmem>>, vector<16xf32>,
        %div3A_107 = arith.divf %get3A_106, %max3A_98 : vector<16xf32>
        %swap3A_108 = arith.index_cast %scan3A_94 : i32 to index
        %swap3A_109 = arith.constant 16 : index
        %swap3A_110 = tpu.vector_load %arg12[%swap3A_108, %swap3A_109] {strides = array<i32>} : memref<128x128xf32, #tpu.memory_space<vmem>>, vector<16xf32>,
        tpu.vector_store %arg12[%swap3A_108, %swap3A_109], %div3A_107 {strides = array<i32>} : memref<128x128xf32, #tpu.memory_space<vmem>>, vector<16xf32>,
        %get3A_111 = arith.index_cast %scan3A_94 : i32 to index
        %get3A_112 = arith.constant 32 : index
        %get3A_113 = tpu.vector_load %arg12[%get3A_111, %get3A_112] {strides = array<i32>} : memref<128x128xf32, #tpu.memory_space<vmem>>, vector<16xf32>,
        %div3A_114 = arith.divf %get3A_113, %max3A_98 : vector<16xf32>
        %swap3A_115 = arith.index_cast %scan3A_94 : i32 to index
        %swap3A_116 = arith.constant 32 : index
        %swap3A_117 = tpu.vector_load %arg12[%swap3A_115, %swap3A_116] {strides = array<i32>} : memref<128x128xf32, #tpu.memory_space<vmem>>, vector<16xf32>,
        tpu.vector_store %arg12[%swap3A_115, %swap3A_116], %div3A_114 {strides = array<i32>} : memref<128x128xf32, #tpu.memory_space<vmem>>, vector<16xf32>,
        %get3A_118 = arith.index_cast %scan3A_94 : i32 to index
        %get3A_119 = arith.constant 48 : index
        %get3A_120 = tpu.vector_load %arg12[%get3A_118, %get3A_119] {strides = array<i32>} : memref<128x128xf32, #tpu.memory_space<vmem>>, vector<16xf32>,
        %div3A_121 = arith.divf %get3A_120, %max3A_98 : vector<16xf32>
        %swap3A_122 = arith.index_cast %scan3A_94 : i32 to index
        %swap3A_123 = arith.constant 48 : index
        %swap3A_124 = tpu.vector_load %arg12[%swap3A_122, %swap3A_123] {strides = array<i32>} : memref<128x128xf32, #tpu.memory_space<vmem>>, vector<16xf32>,
        tpu.vector_store %arg12[%swap3A_122, %swap3A_123], %div3A_121 {strides = array<i32>} : memref<128x128xf32, #tpu.memory_space<vmem>>, vector<16xf32>,
        %get3A_125 = arith.index_cast %scan3A_94 : i32 to index
        %get3A_126 = arith.constant 64 : index
        %get3A_127 = tpu.vector_load %arg12[%get3A_125, %get3A_126] {strides = array<i32>} : memref<128x128xf32, #tpu.memory_space<vmem>>, vector<16xf32>,
        %div3A_128 = arith.divf %get3A_127, %max3A_98 : vector<16xf32>
        %swap3A_129 = arith.index_cast %scan3A_94 : i32 to index
        %swap3A_130 = arith.constant 64 : index
        %swap3A_131 = tpu.vector_load %arg12[%swap3A_129, %swap3A_130] {strides = array<i32>} : memref<128x128xf32, #tpu.memory_space<vmem>>, vector<16xf32>,
        tpu.vector_store %arg12[%swap3A_129, %swap3A_130], %div3A_128 {strides = array<i32>} : memref<128x128xf32, #tpu.memory_space<vmem>>, vector<16xf32>,
        %get3A_132 = arith.index_cast %scan3A_94 : i32 to index
        %get3A_133 = arith.constant 80 : index
        %get3A_134 = tpu.vector_load %arg12[%get3A_132, %get3A_133] {strides = array<i32>} : memref<128x128xf32, #tpu.memory_space<vmem>>, vector<16xf32>,
        %div3A_135 = arith.divf %get3A_134, %max3A_98 : vector<16xf32>
        %swap3A_136 = arith.index_cast %scan3A_94 : i32 to index
        %swap3A_137 = arith.constant 80 : index
        %swap3A_138 = tpu.vector_load %arg12[%swap3A_136, %swap3A_137] {strides = array<i32>} : memref<128x128xf32, #tpu.memory_space<vmem>>, vector<16xf32>,
        tpu.vector_store %arg12[%swap3A_136, %swap3A_137], %div3A_135 {strides = array<i32>} : memref<128x128xf32, #tpu.memory_space<vmem>>, vector<16xf32>,
        %get3A_139 = arith.index_cast %scan3A_94 : i32 to index
        %get3A_140 = arith.constant 96 : index
        %get3A_141 = tpu.vector_load %arg12[%get3A_139, %get3A_140] {strides = array<i32>} : memref<128x128xf32, #tpu.memory_space<vmem>>, vector<16xf32>,
        %div3A_142 = arith.divf %get3A_141, %max3A_98 : vector<16xf32>
        %swap3A_143 = arith.index_cast %scan3A_94 : i32 to index
        %swap3A_144 = arith.constant 96 : index
        %swap3A_145 = tpu.vector_load %arg12[%swap3A_143, %swap3A_144] {strides = array<i32>} : memref<128x128xf32, #tpu.memory_space<vmem>>, vector<16xf32>,
        tpu.vector_store %arg12[%swap3A_143, %swap3A_144], %div3A_142 {strides = array<i32>} : memref<128x128xf32, #tpu.memory_space<vmem>>, vector<16xf32>,
        %get3A_146 = arith.index_cast %scan3A_94 : i32 to index
        %get3A_147 = arith.constant 112 : index
        %get3A_148 = tpu.vector_load %arg12[%get3A_146, %get3A_147] {strides = array<i32>} : memref<128x128xf32, #tpu.memory_space<vmem>>, vector<16xf32>,
        %div3A_149 = arith.divf %get3A_148, %max3A_98 : vector<16xf32>
        %swap3A_150 = arith.index_cast %scan3A_94 : i32 to index
        %swap3A_151 = arith.constant 112 : index
        %swap3A_152 = tpu.vector_load %arg12[%swap3A_150, %swap3A_151] {strides = array<i32>} : memref<128x128xf32, #tpu.memory_space<vmem>>, vector<16xf32>,
        tpu.vector_store %arg12[%swap3A_150, %swap3A_151], %div3A_149 {strides = array<i32>} : memref<128x128xf32, #tpu.memory_space<vmem>>, vector<16xf32>,
      }
      %scan3A_93 = arith.constant 128 : i32
      "tpu.region"() ({
        %run_scoped3A = tpu.sem_alloc : memref<!tpu.dma_semaphore, #tpu.memory_space<semaphore_mem>>
        %dma_start3A = arith.constant 0 : i32
        %dma_start3A_94 = tpu.memref_slice %arg8[%add3A_87, %dma_start3A] : memref<10240x128xf32, #tpu.memory_space<hbm>> -> memref<128x128xf32, #tpu.memory_space<hbm>>
        %dma_start3A_95 = arith.constant 0 : i32
        %dma_start3A_96 = tpu.memref_slice %arg8[%add3A_87, %dma_start3A_95] : memref<10240x128xf32, #tpu.memory_space<hbm>> -> memref<128x128xf32, #tpu.memory_space<hbm>>
        tpu.enqueue_dma source(%arg12 : memref<128x128xf32, #tpu.memory_space<vmem>>) target(%dma_start3A_96 : memref<128x128xf32, #tpu.memory_space<hbm>>) target_semaphore(%run_scoped3A : memref<!tpu.dma_semaphore, #tpu.memory_space<semaphore_mem>>)
        %dma_wait3A = arith.constant 0 : i32
        %dma_wait3A_97 = tpu.memref_slice %arg8[%add3A_87, %dma_wait3A] : memref<10240x128xf32, #tpu.memory_space<hbm>> -> memref<128x128xf32, #tpu.memory_space<hbm>>
        %dma_wait3A_98 = arith.constant 0 : i32
        %dma_wait3A_99 = tpu.memref_slice %arg8[%add3A_87, %dma_wait3A_98] : memref<10240x128xf32, #tpu.memory_space<hbm>> -> memref<128x128xf32, #tpu.memory_space<hbm>>
        tpu.wait_dma2 semaphore(%run_scoped3A : memref<!tpu.dma_semaphore, #tpu.memory_space<semaphore_mem>>) src(%arg12 : memref<128x128xf32, #tpu.memory_space<vmem>>) dst(%dma_wait3A_99 : memref<128x128xf32, #tpu.memory_space<hbm>>)
        tpu.yield
      }) : () -> ()
    } else {
    }
    %eq3A_6 = arith.constant 1 : i32
    %eq3A_7 = arith.cmpi eq, %arg0, %eq3A_6 : i32
    %convert_element_type3A_8 = arith.extui %eq3A_7 : i1 to i32
    %cond3A_9 = arith.constant 0 : i32
    %cond3A_10 = arith.cmpi ne, %convert_element_type3A_8, %cond3A_9 : i32
    scf.if %cond3A_10 {
      %scan3A = arith.constant 0 : i32
      %scan3A_11 = arith.constant 0 : i32
      %scan3A_12 = arith.constant 128 : i32
      %scan3A_13 = arith.addi %scan3A_11, %scan3A_12 : i32
      %scan3A_14 = arith.constant 1 : i32
      scf.for %scan3A_94 = %scan3A_11 to %scan3A_13 step %scan3A_14  : i32 {
        %swap3A = arith.index_cast %scan3A_94 : i32 to index
        %swap3A_95 = arith.constant 0 : index
        %swap3A_96 = tpu.vector_load %arg12[%swap3A, %swap3A_95] {strides = array<i32>} : memref<128x128xf32, #tpu.memory_space<vmem>>, vector<16xf32>,
        tpu.vector_store %arg12[%swap3A, %swap3A_95], %broadcast_in_dim3A_1 {strides = array<i32>} : memref<128x128xf32, #tpu.memory_space<vmem>>, vector<16xf32>,
        %swap3A_97 = arith.index_cast %scan3A_94 : i32 to index
        %swap3A_98 = arith.constant 16 : index
        %swap3A_99 = tpu.vector_load %arg12[%swap3A_97, %swap3A_98] {strides = array<i32>} : memref<128x128xf32, #tpu.memory_space<vmem>>, vector<16xf32>,
        tpu.vector_store %arg12[%swap3A_97, %swap3A_98], %broadcast_in_dim3A_1 {strides = array<i32>} : memref<128x128xf32, #tpu.memory_space<vmem>>, vector<16xf32>,
        %swap3A_100 = arith.index_cast %scan3A_94 : i32 to index
        %swap3A_101 = arith.constant 32 : index
        %swap3A_102 = tpu.vector_load %arg12[%swap3A_100, %swap3A_101] {strides = array<i32>} : memref<128x128xf32, #tpu.memory_space<vmem>>, vector<16xf32>,
        tpu.vector_store %arg12[%swap3A_100, %swap3A_101], %broadcast_in_dim3A_1 {strides = array<i32>} : memref<128x128xf32, #tpu.memory_space<vmem>>, vector<16xf32>,
        %swap3A_103 = arith.index_cast %scan3A_94 : i32 to index
        %swap3A_104 = arith.constant 48 : index
        %swap3A_105 = tpu.vector_load %arg12[%swap3A_103, %swap3A_104] {strides = array<i32>} : memref<128x128xf32, #tpu.memory_space<vmem>>, vector<16xf32>,
        tpu.vector_store %arg12[%swap3A_103, %swap3A_104], %broadcast_in_dim3A_1 {strides = array<i32>} : memref<128x128xf32, #tpu.memory_space<vmem>>, vector<16xf32>,
        %swap3A_106 = arith.index_cast %scan3A_94 : i32 to index
        %swap3A_107 = arith.constant 64 : index
        %swap3A_108 = tpu.vector_load %arg12[%swap3A_106, %swap3A_107] {strides = array<i32>} : memref<128x128xf32, #tpu.memory_space<vmem>>, vector<16xf32>,
        tpu.vector_store %arg12[%swap3A_106, %swap3A_107], %broadcast_in_dim3A_1 {strides = array<i32>} : memref<128x128xf32, #tpu.memory_space<vmem>>, vector<16xf32>,
        %swap3A_109 = arith.index_cast %scan3A_94 : i32 to index
        %swap3A_110 = arith.constant 80 : index
        %swap3A_111 = tpu.vector_load %arg12[%swap3A_109, %swap3A_110] {strides = array<i32>} : memref<128x128xf32, #tpu.memory_space<vmem>>, vector<16xf32>,
        tpu.vector_store %arg12[%swap3A_109, %swap3A_110], %broadcast_in_dim3A_1 {strides = array<i32>} : memref<128x128xf32, #tpu.memory_space<vmem>>, vector<16xf32>,
        %swap3A_112 = arith.index_cast %scan3A_94 : i32 to index
        %swap3A_113 = arith.constant 96 : index
        %swap3A_114 = tpu.vector_load %arg12[%swap3A_112, %swap3A_113] {strides = array<i32>} : memref<128x128xf32, #tpu.memory_space<vmem>>, vector<16xf32>,
        tpu.vector_store %arg12[%swap3A_112, %swap3A_113], %broadcast_in_dim3A_1 {strides = array<i32>} : memref<128x128xf32, #tpu.memory_space<vmem>>, vector<16xf32>,
        %swap3A_115 = arith.index_cast %scan3A_94 : i32 to index
        %swap3A_116 = arith.constant 112 : index
        %swap3A_117 = tpu.vector_load %arg12[%swap3A_115, %swap3A_116] {strides = array<i32>} : memref<128x128xf32, #tpu.memory_space<vmem>>, vector<16xf32>,
        tpu.vector_store %arg12[%swap3A_115, %swap3A_116], %broadcast_in_dim3A_1 {strides = array<i32>} : memref<128x128xf32, #tpu.memory_space<vmem>>, vector<16xf32>,
      }
      %scan3A_15 = arith.constant 128 : i32
      %scan3A_16 = arith.constant 0 : i32
      %scan3A_17 = arith.constant 0 : i32
      %scan3A_18 = arith.constant 128 : i32
      %scan3A_19 = arith.addi %scan3A_17, %scan3A_18 : i32
      %scan3A_20 = arith.constant 1 : i32
      scf.for %scan3A_94 = %scan3A_17 to %scan3A_19 step %scan3A_20  : i32 {
        %swap3A = arith.index_cast %scan3A_94 : i32 to index
        %swap3A_95 = arith.constant 0 : index
        %swap3A_96 = tpu.vector_load %arg13[%swap3A, %swap3A_95] {strides = array<i32>} : memref<128x16xf32, #tpu.memory_space<vmem>>, vector<16xf32>,
        tpu.vector_store %arg13[%swap3A, %swap3A_95], %broadcast_in_dim3A_1 {strides = array<i32>} : memref<128x16xf32, #tpu.memory_space<vmem>>, vector<16xf32>,
      }
      %scan3A_21 = arith.constant 128 : i32
      %add3A = arith.constant 0 : i32
      %add3A_22 = arith.addi %mul3A_0, %add3A : i32
      "tpu.region"() ({
        %run_scoped3A = tpu.sem_alloc : memref<!tpu.dma_semaphore, #tpu.memory_space<semaphore_mem>>
        %dma_start3A = arith.constant 0 : i32
        %dma_start3A_94 = tpu.memref_slice %arg14[%add3A_22, %dma_start3A] : memref<10240x128xf32, #tpu.memory_space<vmem_shared>> -> memref<128x128xf32, #tpu.memory_space<vmem_shared>>
        %dma_start3A_95 = arith.constant 0 : i32
        %dma_start3A_96 = tpu.memref_slice %arg14[%add3A_22, %dma_start3A_95] : memref<10240x128xf32, #tpu.memory_space<vmem_shared>> -> memref<128x128xf32, #tpu.memory_space<vmem_shared>>
        tpu.enqueue_dma source(%arg12 : memref<128x128xf32, #tpu.memory_space<vmem>>) target(%dma_start3A_96 : memref<128x128xf32, #tpu.memory_space<vmem_shared>>) target_semaphore(%run_scoped3A : memref<!tpu.dma_semaphore, #tpu.memory_space<semaphore_mem>>)
        %dma_wait3A = arith.constant 0 : i32
        %dma_wait3A_97 = tpu.memref_slice %arg14[%add3A_22, %dma_wait3A] : memref<10240x128xf32, #tpu.memory_space<vmem_shared>> -> memref<128x128xf32, #tpu.memory_space<vmem_shared>>
        %dma_wait3A_98 = arith.constant 0 : i32
        %dma_wait3A_99 = tpu.memref_slice %arg14[%add3A_22, %dma_wait3A_98] : memref<10240x128xf32, #tpu.memory_space<vmem_shared>> -> memref<128x128xf32, #tpu.memory_space<vmem_shared>>
        tpu.wait_dma2 semaphore(%run_scoped3A : memref<!tpu.dma_semaphore, #tpu.memory_space<semaphore_mem>>) src(%arg12 : memref<128x128xf32, #tpu.memory_space<vmem>>) dst(%dma_wait3A_99 : memref<128x128xf32, #tpu.memory_space<vmem_shared>>)
        tpu.yield
      }) : () -> ()
      %add3A_23 = arith.constant 0 : i32
      %add3A_24 = arith.addi %mul3A_0, %add3A_23 : i32
      "tpu.region"() ({
        %run_scoped3A = tpu.sem_alloc : memref<!tpu.dma_semaphore, #tpu.memory_space<semaphore_mem>>
        %dma_start3A = arith.constant 0 : i32
        %dma_start3A_94 = tpu.memref_slice %arg15[%add3A_24, %dma_start3A] : memref<10240x16xf32, #tpu.memory_space<vmem_shared>> -> memref<128x16xf32, #tpu.memory_space<vmem_shared>>
        %dma_start3A_95 = arith.constant 0 : i32
        %dma_start3A_96 = tpu.memref_slice %arg15[%add3A_24, %dma_start3A_95] : memref<10240x16xf32, #tpu.memory_space<vmem_shared>> -> memref<128x16xf32, #tpu.memory_space<vmem_shared>>
        tpu.enqueue_dma source(%arg13 : memref<128x16xf32, #tpu.memory_space<vmem>>) target(%dma_start3A_96 : memref<128x16xf32, #tpu.memory_space<vmem_shared>>) target_semaphore(%run_scoped3A : memref<!tpu.dma_semaphore, #tpu.memory_space<semaphore_mem>>)
        %dma_wait3A = arith.constant 0 : i32
        %dma_wait3A_97 = tpu.memref_slice %arg15[%add3A_24, %dma_wait3A] : memref<10240x16xf32, #tpu.memory_space<vmem_shared>> -> memref<128x16xf32, #tpu.memory_space<vmem_shared>>
        %dma_wait3A_98 = arith.constant 0 : i32
        %dma_wait3A_99 = tpu.memref_slice %arg15[%add3A_24, %dma_wait3A_98] : memref<10240x16xf32, #tpu.memory_space<vmem_shared>> -> memref<128x16xf32, #tpu.memory_space<vmem_shared>>
        tpu.wait_dma2 semaphore(%run_scoped3A : memref<!tpu.dma_semaphore, #tpu.memory_space<semaphore_mem>>) src(%arg13 : memref<128x16xf32, #tpu.memory_space<vmem>>) dst(%dma_wait3A_99 : memref<128x16xf32, #tpu.memory_space<vmem_shared>>)
        tpu.yield
      }) : () -> ()
      %add3A_25 = arith.constant 128 : i32
      %add3A_26 = arith.addi %mul3A_0, %add3A_25 : i32
      "tpu.region"() ({
        %run_scoped3A = tpu.sem_alloc : memref<!tpu.dma_semaphore, #tpu.memory_space<semaphore_mem>>
        %dma_start3A = arith.constant 0 : i32
        %dma_start3A_94 = tpu.memref_slice %arg14[%add3A_26, %dma_start3A] : memref<10240x128xf32, #tpu.memory_space<vmem_shared>> -> memref<128x128xf32, #tpu.memory_space<vmem_shared>>
        %dma_start3A_95 = arith.constant 0 : i32
        %dma_start3A_96 = tpu.memref_slice %arg14[%add3A_26, %dma_start3A_95] : memref<10240x128xf32, #tpu.memory_space<vmem_shared>> -> memref<128x128xf32, #tpu.memory_space<vmem_shared>>
        tpu.enqueue_dma source(%arg12 : memref<128x128xf32, #tpu.memory_space<vmem>>) target(%dma_start3A_96 : memref<128x128xf32, #tpu.memory_space<vmem_shared>>) target_semaphore(%run_scoped3A : memref<!tpu.dma_semaphore, #tpu.memory_space<semaphore_mem>>)
        %dma_wait3A = arith.constant 0 : i32
        %dma_wait3A_97 = tpu.memref_slice %arg14[%add3A_26, %dma_wait3A] : memref<10240x128xf32, #tpu.memory_space<vmem_shared>> -> memref<128x128xf32, #tpu.memory_space<vmem_shared>>
        %dma_wait3A_98 = arith.constant 0 : i32
        %dma_wait3A_99 = tpu.memref_slice %arg14[%add3A_26, %dma_wait3A_98] : memref<10240x128xf32, #tpu.memory_space<vmem_shared>> -> memref<128x128xf32, #tpu.memory_space<vmem_shared>>
        tpu.wait_dma2 semaphore(%run_scoped3A : memref<!tpu.dma_semaphore, #tpu.memory_space<semaphore_mem>>) src(%arg12 : memref<128x128xf32, #tpu.memory_space<vmem>>) dst(%dma_wait3A_99 : memref<128x128xf32, #tpu.memory_space<vmem_shared>>)
        tpu.yield
      }) : () -> ()
      %add3A_27 = arith.constant 128 : i32
      %add3A_28 = arith.addi %mul3A_0, %add3A_27 : i32
      "tpu.region"() ({
        %run_scoped3A = tpu.sem_alloc : memref<!tpu.dma_semaphore, #tpu.memory_space<semaphore_mem>>
        %dma_start3A = arith.constant 0 : i32
        %dma_start3A_94 = tpu.memref_slice %arg15[%add3A_28, %dma_start3A] : memref<10240x16xf32, #tpu.memory_space<vmem_shared>> -> memref<128x16xf32, #tpu.memory_space<vmem_shared>>
        %dma_start3A_95 = arith.constant 0 : i32
        %dma_start3A_96 = tpu.memref_slice %arg15[%add3A_28, %dma_start3A_95] : memref<10240x16xf32, #tpu.memory_space<vmem_shared>> -> memref<128x16xf32, #tpu.memory_space<vmem_shared>>
        tpu.enqueue_dma source(%arg13 : memref<128x16xf32, #tpu.memory_space<vmem>>) target(%dma_start3A_96 : memref<128x16xf32, #tpu.memory_space<vmem_shared>>) target_semaphore(%run_scoped3A : memref<!tpu.dma_semaphore, #tpu.memory_space<semaphore_mem>>)
        %dma_wait3A = arith.constant 0 : i32
        %dma_wait3A_97 = tpu.memref_slice %arg15[%add3A_28, %dma_wait3A] : memref<10240x16xf32, #tpu.memory_space<vmem_shared>> -> memref<128x16xf32, #tpu.memory_space<vmem_shared>>
        %dma_wait3A_98 = arith.constant 0 : i32
        %dma_wait3A_99 = tpu.memref_slice %arg15[%add3A_28, %dma_wait3A_98] : memref<10240x16xf32, #tpu.memory_space<vmem_shared>> -> memref<128x16xf32, #tpu.memory_space<vmem_shared>>
        tpu.wait_dma2 semaphore(%run_scoped3A : memref<!tpu.dma_semaphore, #tpu.memory_space<semaphore_mem>>) src(%arg13 : memref<128x16xf32, #tpu.memory_space<vmem>>) dst(%dma_wait3A_99 : memref<128x16xf32, #tpu.memory_space<vmem_shared>>)
        tpu.yield
      }) : () -> ()
      %add3A_29 = arith.constant 256 : i32
      %add3A_30 = arith.addi %mul3A_0, %add3A_29 : i32
      "tpu.region"() ({
        %run_scoped3A = tpu.sem_alloc : memref<!tpu.dma_semaphore, #tpu.memory_space<semaphore_mem>>
        %dma_start3A = arith.constant 0 : i32
        %dma_start3A_94 = tpu.memref_slice %arg14[%add3A_30, %dma_start3A] : memref<10240x128xf32, #tpu.memory_space<vmem_shared>> -> memref<128x128xf32, #tpu.memory_space<vmem_shared>>
        %dma_start3A_95 = arith.constant 0 : i32
        %dma_start3A_96 = tpu.memref_slice %arg14[%add3A_30, %dma_start3A_95] : memref<10240x128xf32, #tpu.memory_space<vmem_shared>> -> memref<128x128xf32, #tpu.memory_space<vmem_shared>>
        tpu.enqueue_dma source(%arg12 : memref<128x128xf32, #tpu.memory_space<vmem>>) target(%dma_start3A_96 : memref<128x128xf32, #tpu.memory_space<vmem_shared>>) target_semaphore(%run_scoped3A : memref<!tpu.dma_semaphore, #tpu.memory_space<semaphore_mem>>)
        %dma_wait3A = arith.constant 0 : i32
        %dma_wait3A_97 = tpu.memref_slice %arg14[%add3A_30, %dma_wait3A] : memref<10240x128xf32, #tpu.memory_space<vmem_shared>> -> memref<128x128xf32, #tpu.memory_space<vmem_shared>>
        %dma_wait3A_98 = arith.constant 0 : i32
        %dma_wait3A_99 = tpu.memref_slice %arg14[%add3A_30, %dma_wait3A_98] : memref<10240x128xf32, #tpu.memory_space<vmem_shared>> -> memref<128x128xf32, #tpu.memory_space<vmem_shared>>
        tpu.wait_dma2 semaphore(%run_scoped3A : memref<!tpu.dma_semaphore, #tpu.memory_space<semaphore_mem>>) src(%arg12 : memref<128x128xf32, #tpu.memory_space<vmem>>) dst(%dma_wait3A_99 : memref<128x128xf32, #tpu.memory_space<vmem_shared>>)
        tpu.yield
      }) : () -> ()
      %add3A_31 = arith.constant 256 : i32
      %add3A_32 = arith.addi %mul3A_0, %add3A_31 : i32
      "tpu.region"() ({
        %run_scoped3A = tpu.sem_alloc : memref<!tpu.dma_semaphore, #tpu.memory_space<semaphore_mem>>
        %dma_start3A = arith.constant 0 : i32
        %dma_start3A_94 = tpu.memref_slice %arg15[%add3A_32, %dma_start3A] : memref<10240x16xf32, #tpu.memory_space<vmem_shared>> -> memref<128x16xf32, #tpu.memory_space<vmem_shared>>
        %dma_start3A_95 = arith.constant 0 : i32
        %dma_start3A_96 = tpu.memref_slice %arg15[%add3A_32, %dma_start3A_95] : memref<10240x16xf32, #tpu.memory_space<vmem_shared>> -> memref<128x16xf32, #tpu.memory_space<vmem_shared>>
        tpu.enqueue_dma source(%arg13 : memref<128x16xf32, #tpu.memory_space<vmem>>) target(%dma_start3A_96 : memref<128x16xf32, #tpu.memory_space<vmem_shared>>) target_semaphore(%run_scoped3A : memref<!tpu.dma_semaphore, #tpu.memory_space<semaphore_mem>>)
        %dma_wait3A = arith.constant 0 : i32
        %dma_wait3A_97 = tpu.memref_slice %arg15[%add3A_32, %dma_wait3A] : memref<10240x16xf32, #tpu.memory_space<vmem_shared>> -> memref<128x16xf32, #tpu.memory_space<vmem_shared>>
        %dma_wait3A_98 = arith.constant 0 : i32
        %dma_wait3A_99 = tpu.memref_slice %arg15[%add3A_32, %dma_wait3A_98] : memref<10240x16xf32, #tpu.memory_space<vmem_shared>> -> memref<128x16xf32, #tpu.memory_space<vmem_shared>>
        tpu.wait_dma2 semaphore(%run_scoped3A : memref<!tpu.dma_semaphore, #tpu.memory_space<semaphore_mem>>) src(%arg13 : memref<128x16xf32, #tpu.memory_space<vmem>>) dst(%dma_wait3A_99 : memref<128x16xf32, #tpu.memory_space<vmem_shared>>)
        tpu.yield
      }) : () -> ()
      %add3A_33 = arith.constant 384 : i32
      %add3A_34 = arith.addi %mul3A_0, %add3A_33 : i32
      "tpu.region"() ({
        %run_scoped3A = tpu.sem_alloc : memref<!tpu.dma_semaphore, #tpu.memory_space<semaphore_mem>>
        %dma_start3A = arith.constant 0 : i32
        %dma_start3A_94 = tpu.memref_slice %arg14[%add3A_34, %dma_start3A] : memref<10240x128xf32, #tpu.memory_space<vmem_shared>> -> memref<128x128xf32, #tpu.memory_space<vmem_shared>>
        %dma_start3A_95 = arith.constant 0 : i32
        %dma_start3A_96 = tpu.memref_slice %arg14[%add3A_34, %dma_start3A_95] : memref<10240x128xf32, #tpu.memory_space<vmem_shared>> -> memref<128x128xf32, #tpu.memory_space<vmem_shared>>
        tpu.enqueue_dma source(%arg12 : memref<128x128xf32, #tpu.memory_space<vmem>>) target(%dma_start3A_96 : memref<128x128xf32, #tpu.memory_space<vmem_shared>>) target_semaphore(%run_scoped3A : memref<!tpu.dma_semaphore, #tpu.memory_space<semaphore_mem>>)
        %dma_wait3A = arith.constant 0 : i32
        %dma_wait3A_97 = tpu.memref_slice %arg14[%add3A_34, %dma_wait3A] : memref<10240x128xf32, #tpu.memory_space<vmem_shared>> -> memref<128x128xf32, #tpu.memory_space<vmem_shared>>
        %dma_wait3A_98 = arith.constant 0 : i32
        %dma_wait3A_99 = tpu.memref_slice %arg14[%add3A_34, %dma_wait3A_98] : memref<10240x128xf32, #tpu.memory_space<vmem_shared>> -> memref<128x128xf32, #tpu.memory_space<vmem_shared>>
        tpu.wait_dma2 semaphore(%run_scoped3A : memref<!tpu.dma_semaphore, #tpu.memory_space<semaphore_mem>>) src(%arg12 : memref<128x128xf32, #tpu.memory_space<vmem>>) dst(%dma_wait3A_99 : memref<128x128xf32, #tpu.memory_space<vmem_shared>>)
        tpu.yield
      }) : () -> ()
      %add3A_35 = arith.constant 384 : i32
      %add3A_36 = arith.addi %mul3A_0, %add3A_35 : i32
      "tpu.region"() ({
        %run_scoped3A = tpu.sem_alloc : memref<!tpu.dma_semaphore, #tpu.memory_space<semaphore_mem>>
        %dma_start3A = arith.constant 0 : i32
        %dma_start3A_94 = tpu.memref_slice %arg15[%add3A_36, %dma_start3A] : memref<10240x16xf32, #tpu.memory_space<vmem_shared>> -> memref<128x16xf32, #tpu.memory_space<vmem_shared>>
        %dma_start3A_95 = arith.constant 0 : i32
        %dma_start3A_96 = tpu.memref_slice %arg15[%add3A_36, %dma_start3A_95] : memref<10240x16xf32, #tpu.memory_space<vmem_shared>> -> memref<128x16xf32, #tpu.memory_space<vmem_shared>>
        tpu.enqueue_dma source(%arg13 : memref<128x16xf32, #tpu.memory_space<vmem>>) target(%dma_start3A_96 : memref<128x16xf32, #tpu.memory_space<vmem_shared>>) target_semaphore(%run_scoped3A : memref<!tpu.dma_semaphore, #tpu.memory_space<semaphore_mem>>)
        %dma_wait3A = arith.constant 0 : i32
        %dma_wait3A_97 = tpu.memref_slice %arg15[%add3A_36, %dma_wait3A] : memref<10240x16xf32, #tpu.memory_space<vmem_shared>> -> memref<128x16xf32, #tpu.memory_space<vmem_shared>>
        %dma_wait3A_98 = arith.constant 0 : i32
        %dma_wait3A_99 = tpu.memref_slice %arg15[%add3A_36, %dma_wait3A_98] : memref<10240x16xf32, #tpu.memory_space<vmem_shared>> -> memref<128x16xf32, #tpu.memory_space<vmem_shared>>
        tpu.wait_dma2 semaphore(%run_scoped3A : memref<!tpu.dma_semaphore, #tpu.memory_space<semaphore_mem>>) src(%arg13 : memref<128x16xf32, #tpu.memory_space<vmem>>) dst(%dma_wait3A_99 : memref<128x16xf32, #tpu.memory_space<vmem_shared>>)
        tpu.yield
      }) : () -> ()
      %add3A_37 = arith.constant 512 : i32
      %add3A_38 = arith.addi %mul3A_0, %add3A_37 : i32
      "tpu.region"() ({
        %run_scoped3A = tpu.sem_alloc : memref<!tpu.dma_semaphore, #tpu.memory_space<semaphore_mem>>
        %dma_start3A = arith.constant 0 : i32
        %dma_start3A_94 = tpu.memref_slice %arg14[%add3A_38, %dma_start3A] : memref<10240x128xf32, #tpu.memory_space<vmem_shared>> -> memref<128x128xf32, #tpu.memory_space<vmem_shared>>
        %dma_start3A_95 = arith.constant 0 : i32
        %dma_start3A_96 = tpu.memref_slice %arg14[%add3A_38, %dma_start3A_95] : memref<10240x128xf32, #tpu.memory_space<vmem_shared>> -> memref<128x128xf32, #tpu.memory_space<vmem_shared>>
        tpu.enqueue_dma source(%arg12 : memref<128x128xf32, #tpu.memory_space<vmem>>) target(%dma_start3A_96 : memref<128x128xf32, #tpu.memory_space<vmem_shared>>) target_semaphore(%run_scoped3A : memref<!tpu.dma_semaphore, #tpu.memory_space<semaphore_mem>>)
        %dma_wait3A = arith.constant 0 : i32
        %dma_wait3A_97 = tpu.memref_slice %arg14[%add3A_38, %dma_wait3A] : memref<10240x128xf32, #tpu.memory_space<vmem_shared>> -> memref<128x128xf32, #tpu.memory_space<vmem_shared>>
        %dma_wait3A_98 = arith.constant 0 : i32
        %dma_wait3A_99 = tpu.memref_slice %arg14[%add3A_38, %dma_wait3A_98] : memref<10240x128xf32, #tpu.memory_space<vmem_shared>> -> memref<128x128xf32, #tpu.memory_space<vmem_shared>>
        tpu.wait_dma2 semaphore(%run_scoped3A : memref<!tpu.dma_semaphore, #tpu.memory_space<semaphore_mem>>) src(%arg12 : memref<128x128xf32, #tpu.memory_space<vmem>>) dst(%dma_wait3A_99 : memref<128x128xf32, #tpu.memory_space<vmem_shared>>)
        tpu.yield
      }) : () -> ()
      %add3A_39 = arith.constant 512 : i32
      %add3A_40 = arith.addi %mul3A_0, %add3A_39 : i32
      "tpu.region"() ({
        %run_scoped3A = tpu.sem_alloc : memref<!tpu.dma_semaphore, #tpu.memory_space<semaphore_mem>>
        %dma_start3A = arith.constant 0 : i32
        %dma_start3A_94 = tpu.memref_slice %arg15[%add3A_40, %dma_start3A] : memref<10240x16xf32, #tpu.memory_space<vmem_shared>> -> memref<128x16xf32, #tpu.memory_space<vmem_shared>>
        %dma_start3A_95 = arith.constant 0 : i32
        %dma_start3A_96 = tpu.memref_slice %arg15[%add3A_40, %dma_start3A_95] : memref<10240x16xf32, #tpu.memory_space<vmem_shared>> -> memref<128x16xf32, #tpu.memory_space<vmem_shared>>
        tpu.enqueue_dma source(%arg13 : memref<128x16xf32, #tpu.memory_space<vmem>>) target(%dma_start3A_96 : memref<128x16xf32, #tpu.memory_space<vmem_shared>>) target_semaphore(%run_scoped3A : memref<!tpu.dma_semaphore, #tpu.memory_space<semaphore_mem>>)
        %dma_wait3A = arith.constant 0 : i32
        %dma_wait3A_97 = tpu.memref_slice %arg15[%add3A_40, %dma_wait3A] : memref<10240x16xf32, #tpu.memory_space<vmem_shared>> -> memref<128x16xf32, #tpu.memory_space<vmem_shared>>
        %dma_wait3A_98 = arith.constant 0 : i32
        %dma_wait3A_99 = tpu.memref_slice %arg15[%add3A_40, %dma_wait3A_98] : memref<10240x16xf32, #tpu.memory_space<vmem_shared>> -> memref<128x16xf32, #tpu.memory_space<vmem_shared>>
        tpu.wait_dma2 semaphore(%run_scoped3A : memref<!tpu.dma_semaphore, #tpu.memory_space<semaphore_mem>>) src(%arg13 : memref<128x16xf32, #tpu.memory_space<vmem>>) dst(%dma_wait3A_99 : memref<128x16xf32, #tpu.memory_space<vmem_shared>>)
        tpu.yield
      }) : () -> ()
      %scan3A_41 = arith.constant 0 : i32
      %scan3A_42 = arith.constant 0 : i32
      %scan3A_43 = arith.constant 128 : i32
      %scan3A_44 = arith.addi %scan3A_42, %scan3A_43 : i32
      %scan3A_45 = arith.constant 1 : i32
      scf.for %scan3A_94 = %scan3A_42 to %scan3A_44 step %scan3A_45  : i32 {
        %swap3A = arith.index_cast %scan3A_94 : i32 to index
        %swap3A_95 = arith.constant 0 : index
        %swap3A_96 = tpu.vector_load %arg13[%swap3A, %swap3A_95] {strides = array<i32>} : memref<128x16xf32, #tpu.memory_space<vmem>>, vector<16xf32>,
        tpu.vector_store %arg13[%swap3A, %swap3A_95], %broadcast_in_dim3A_3 {strides = array<i32>} : memref<128x16xf32, #tpu.memory_space<vmem>>, vector<16xf32>,
      }
      %scan3A_46 = arith.constant 128 : i32
      %barrier3A = arith.constant 0 : index
      tpu.barrier barrier_id(%barrier3A)
      %scan3A_47 = arith.constant 0 : i32
      %scan3A_48 = arith.constant 0 : i32
      %scan3A_49 = arith.constant 160 : i32
      %scan3A_50 = arith.addi %scan3A_48, %scan3A_49 : i32
      %scan3A_51 = arith.constant 1 : i32
      scf.for %scan3A_94 = %scan3A_48 to %scan3A_50 step %scan3A_51  : i32 {
        %mul3A_95 = arith.constant 160 : i32
        %mul3A_96 = arith.muli %arg1, %mul3A_95 : i32
        %add3A_97 = arith.addi %mul3A_96, %scan3A_94 : i32
        %mul3A_98 = arith.constant 128 : i32
        %mul3A_99 = arith.muli %add3A_97, %mul3A_98 : i32
        "tpu.region"() ({
          %run_scoped3A = tpu.sem_alloc : memref<!tpu.dma_semaphore, #tpu.memory_space<semaphore_mem>>
          %dma_start3A_104 = tpu.memref_slice %arg6[%mul3A_99] : memref<327680xi32, #tpu.memory_space<hbm>> -> memref<128xi32, #tpu.memory_space<hbm>>
          %dma_start3A_105 = tpu.memref_slice %arg6[%mul3A_99] : memref<327680xi32, #tpu.memory_space<hbm>> -> memref<128xi32, #tpu.memory_space<hbm>>
          tpu.enqueue_dma source(%dma_start3A_105 : memref<128xi32, #tpu.memory_space<hbm>>) target(%arg10 : memref<128xi32, #tpu.memory_space<vmem>>) target_semaphore(%run_scoped3A : memref<!tpu.dma_semaphore, #tpu.memory_space<semaphore_mem>>)
          %dma_wait3A_106 = tpu.memref_slice %arg6[%mul3A_99] : memref<327680xi32, #tpu.memory_space<hbm>> -> memref<128xi32, #tpu.memory_space<hbm>>
          %dma_wait3A_107 = tpu.memref_slice %arg6[%mul3A_99] : memref<327680xi32, #tpu.memory_space<hbm>> -> memref<128xi32, #tpu.memory_space<hbm>>
          tpu.wait_dma2 semaphore(%run_scoped3A : memref<!tpu.dma_semaphore, #tpu.memory_space<semaphore_mem>>) src(%dma_wait3A_107 : memref<128xi32, #tpu.memory_space<hbm>>) dst(%arg10 : memref<128xi32, #tpu.memory_space<vmem>>)
          tpu.yield
        }) : () -> ()
        "tpu.region"() ({
          %run_scoped3A = tpu.sem_alloc : memref<!tpu.dma_semaphore, #tpu.memory_space<semaphore_mem>>
          %dma_start3A_104 = tpu.memref_slice %arg7[%mul3A_99] : memref<327680xi32, #tpu.memory_space<hbm>> -> memref<128xi32, #tpu.memory_space<hbm>>
          %dma_start3A_105 = tpu.memref_slice %arg7[%mul3A_99] : memref<327680xi32, #tpu.memory_space<hbm>> -> memref<128xi32, #tpu.memory_space<hbm>>
          tpu.enqueue_dma source(%dma_start3A_105 : memref<128xi32, #tpu.memory_space<hbm>>) target(%arg11 : memref<128xi32, #tpu.memory_space<vmem>>) target_semaphore(%run_scoped3A : memref<!tpu.dma_semaphore, #tpu.memory_space<semaphore_mem>>)
          %dma_wait3A_106 = tpu.memref_slice %arg7[%mul3A_99] : memref<327680xi32, #tpu.memory_space<hbm>> -> memref<128xi32, #tpu.memory_space<hbm>>
          %dma_wait3A_107 = tpu.memref_slice %arg7[%mul3A_99] : memref<327680xi32, #tpu.memory_space<hbm>> -> memref<128xi32, #tpu.memory_space<hbm>>
          tpu.wait_dma2 semaphore(%run_scoped3A : memref<!tpu.dma_semaphore, #tpu.memory_space<semaphore_mem>>) src(%dma_wait3A_107 : memref<128xi32, #tpu.memory_space<hbm>>) dst(%arg11 : memref<128xi32, #tpu.memory_space<vmem>>)
          tpu.yield
        }) : () -> ()
        %dma_start3A = arith.constant 0 : i32
        %dma_start3A_100 = arith.constant 0 : i32
        %dma_start3A_101 = tpu.memref_slice %arg5[%dma_start3A, %dma_start3A_100] : memref<10000x128xf32, #tpu.memory_space<hbm>> -> memref<10000x128xf32, #tpu.memory_space<hbm>>
        tpu.enqueue_indirect_dma source(%dma_start3A_101 : memref<10000x128xf32, #tpu.memory_space<hbm>>) target(%arg12 : memref<128x128xf32, #tpu.memory_space<vmem>>) offsets(%arg10 : memref<128xi32, #tpu.memory_space<vmem>>) semaphore(%arg16 : memref<!tpu.dma_semaphore, #tpu.memory_space<semaphore_mem>>)
        %dma_wait3A = arith.constant 0 : i32
        %dma_wait3A_102 = arith.constant 0 : i32
        %dma_wait3A_103 = tpu.memref_slice %arg5[%dma_wait3A, %dma_wait3A_102] : memref<10000x128xf32, #tpu.memory_space<hbm>> -> memref<10000x128xf32, #tpu.memory_space<hbm>>
        tpu.wait_indirect_dma semaphore(%arg16 : memref<!tpu.dma_semaphore, #tpu.memory_space<semaphore_mem>>) src(%dma_wait3A_103 : memref<10000x128xf32, #tpu.memory_space<hbm>>) dst(%arg12 : memref<128x128xf32, #tpu.memory_space<vmem>>)
        "tpu.region"() ({
          %run_scoped3A = tpu.sem_alloc : memref<!tpu.dma_semaphore, #tpu.memory_space<semaphore_mem>>
          %dma_start3A_104 = arith.constant 0 : i32
          %dma_start3A_105 = arith.constant 0 : i32
          %dma_start3A_106 = tpu.memref_slice %arg14[%dma_start3A_104, %dma_start3A_105] : memref<10240x128xf32, #tpu.memory_space<vmem_shared>> -> memref<10240x128xf32, #tpu.memory_space<vmem_shared>>
          tpu.enqueue_indirect_dma source(%arg12 : memref<128x128xf32, #tpu.memory_space<vmem>>) target(%dma_start3A_106 : memref<10240x128xf32, #tpu.memory_space<vmem_shared>>) offsets(%arg11 : memref<128xi32, #tpu.memory_space<vmem>>) semaphore(%run_scoped3A : memref<!tpu.dma_semaphore, #tpu.memory_space<semaphore_mem>>) {add = true}
          %dma_wait3A_107 = arith.constant 0 : i32
          %dma_wait3A_108 = arith.constant 0 : i32
          %dma_wait3A_109 = tpu.memref_slice %arg14[%dma_wait3A_107, %dma_wait3A_108] : memref<10240x128xf32, #tpu.memory_space<vmem_shared>> -> memref<10240x128xf32, #tpu.memory_space<vmem_shared>>
          tpu.wait_indirect_dma semaphore(%run_scoped3A : memref<!tpu.dma_semaphore, #tpu.memory_space<semaphore_mem>>) src(%arg12 : memref<128x128xf32, #tpu.memory_space<vmem>>) dst(%dma_wait3A_109 : memref<10240x128xf32, #tpu.memory_space<vmem_shared>>)
          tpu.yield
        }) : () -> ()
        "tpu.region"() ({
          %run_scoped3A = tpu.sem_alloc : memref<!tpu.dma_semaphore, #tpu.memory_space<semaphore_mem>>
          %dma_start3A_104 = arith.constant 0 : i32
          %dma_start3A_105 = arith.constant 0 : i32
          %dma_start3A_106 = tpu.memref_slice %arg15[%dma_start3A_104, %dma_start3A_105] : memref<10240x16xf32, #tpu.memory_space<vmem_shared>> -> memref<10240x16xf32, #tpu.memory_space<vmem_shared>>
          tpu.enqueue_indirect_dma source(%arg13 : memref<128x16xf32, #tpu.memory_space<vmem>>) target(%dma_start3A_106 : memref<10240x16xf32, #tpu.memory_space<vmem_shared>>) offsets(%arg11 : memref<128xi32, #tpu.memory_space<vmem>>) semaphore(%run_scoped3A : memref<!tpu.dma_semaphore, #tpu.memory_space<semaphore_mem>>) {add = true}
          %dma_wait3A_107 = arith.constant 0 : i32
          %dma_wait3A_108 = arith.constant 0 : i32
          %dma_wait3A_109 = tpu.memref_slice %arg15[%dma_wait3A_107, %dma_wait3A_108] : memref<10240x16xf32, #tpu.memory_space<vmem_shared>> -> memref<10240x16xf32, #tpu.memory_space<vmem_shared>>
          tpu.wait_indirect_dma semaphore(%run_scoped3A : memref<!tpu.dma_semaphore, #tpu.memory_space<semaphore_mem>>) src(%arg13 : memref<128x16xf32, #tpu.memory_space<vmem>>) dst(%dma_wait3A_109 : memref<10240x16xf32, #tpu.memory_space<vmem_shared>>)
          tpu.yield
        }) : () -> ()
      }
      %scan3A_52 = arith.constant 160 : i32
      %barrier3A_53 = arith.constant 0 : index
      tpu.barrier barrier_id(%barrier3A_53)
      %add3A_54 = arith.constant 0 : i32
      %add3A_55 = arith.addi %mul3A_0, %add3A_54 : i32
      "tpu.region"() ({
        %run_scoped3A = tpu.sem_alloc : memref<!tpu.dma_semaphore, #tpu.memory_space<semaphore_mem>>
        %dma_start3A = arith.constant 0 : i32
        %dma_start3A_94 = tpu.memref_slice %arg14[%add3A_55, %dma_start3A] : memref<10240x128xf32, #tpu.memory_space<vmem_shared>> -> memref<128x128xf32, #tpu.memory_space<vmem_shared>>
        %dma_start3A_95 = arith.constant 0 : i32
        %dma_start3A_96 = tpu.memref_slice %arg14[%add3A_55, %dma_start3A_95] : memref<10240x128xf32, #tpu.memory_space<vmem_shared>> -> memref<128x128xf32, #tpu.memory_space<vmem_shared>>
        tpu.enqueue_dma source(%dma_start3A_96 : memref<128x128xf32, #tpu.memory_space<vmem_shared>>) target(%arg12 : memref<128x128xf32, #tpu.memory_space<vmem>>) target_semaphore(%run_scoped3A : memref<!tpu.dma_semaphore, #tpu.memory_space<semaphore_mem>>)
        %dma_wait3A = arith.constant 0 : i32
        %dma_wait3A_97 = tpu.memref_slice %arg14[%add3A_55, %dma_wait3A] : memref<10240x128xf32, #tpu.memory_space<vmem_shared>> -> memref<128x128xf32, #tpu.memory_space<vmem_shared>>
        %dma_wait3A_98 = arith.constant 0 : i32
        %dma_wait3A_99 = tpu.memref_slice %arg14[%add3A_55, %dma_wait3A_98] : memref<10240x128xf32, #tpu.memory_space<vmem_shared>> -> memref<128x128xf32, #tpu.memory_space<vmem_shared>>
        tpu.wait_dma2 semaphore(%run_scoped3A : memref<!tpu.dma_semaphore, #tpu.memory_space<semaphore_mem>>) src(%dma_wait3A_99 : memref<128x128xf32, #tpu.memory_space<vmem_shared>>) dst(%arg12 : memref<128x128xf32, #tpu.memory_space<vmem>>)
        tpu.yield
      }) : () -> ()
      "tpu.region"() ({
        %run_scoped3A = tpu.sem_alloc : memref<!tpu.dma_semaphore, #tpu.memory_space<semaphore_mem>>
        %dma_start3A = arith.constant 0 : i32
        %dma_start3A_94 = tpu.memref_slice %arg15[%add3A_55, %dma_start3A] : memref<10240x16xf32, #tpu.memory_space<vmem_shared>> -> memref<128x16xf32, #tpu.memory_space<vmem_shared>>
        %dma_start3A_95 = arith.constant 0 : i32
        %dma_start3A_96 = tpu.memref_slice %arg15[%add3A_55, %dma_start3A_95] : memref<10240x16xf32, #tpu.memory_space<vmem_shared>> -> memref<128x16xf32, #tpu.memory_space<vmem_shared>>
        tpu.enqueue_dma source(%dma_start3A_96 : memref<128x16xf32, #tpu.memory_space<vmem_shared>>) target(%arg13 : memref<128x16xf32, #tpu.memory_space<vmem>>) target_semaphore(%run_scoped3A : memref<!tpu.dma_semaphore, #tpu.memory_space<semaphore_mem>>)
        %dma_wait3A = arith.constant 0 : i32
        %dma_wait3A_97 = tpu.memref_slice %arg15[%add3A_55, %dma_wait3A] : memref<10240x16xf32, #tpu.memory_space<vmem_shared>> -> memref<128x16xf32, #tpu.memory_space<vmem_shared>>
        %dma_wait3A_98 = arith.constant 0 : i32
        %dma_wait3A_99 = tpu.memref_slice %arg15[%add3A_55, %dma_wait3A_98] : memref<10240x16xf32, #tpu.memory_space<vmem_shared>> -> memref<128x16xf32, #tpu.memory_space<vmem_shared>>
        tpu.wait_dma2 semaphore(%run_scoped3A : memref<!tpu.dma_semaphore, #tpu.memory_space<semaphore_mem>>) src(%dma_wait3A_99 : memref<128x16xf32, #tpu.memory_space<vmem_shared>>) dst(%arg13 : memref<128x16xf32, #tpu.memory_space<vmem>>)
        tpu.yield
      }) : () -> ()
      %scan3A_56 = arith.constant 0 : i32
      %scan3A_57 = arith.constant 0 : i32
      %scan3A_58 = arith.constant 128 : i32
      %scan3A_59 = arith.addi %scan3A_57, %scan3A_58 : i32
      %scan3A_60 = arith.constant 1 : i32
      scf.for %scan3A_94 = %scan3A_57 to %scan3A_59 step %scan3A_60  : i32 {
        %get3A = arith.index_cast %scan3A_94 : i32 to index
        %get3A_95 = arith.constant 0 : index
        %get3A_96 = tpu.vector_load %arg13[%get3A, %get3A_95] {strides = array<i32>} : memref<128x16xf32, #tpu.memory_space<vmem>>, vector<16xf32>,
        %max3A = arith.constant 1.000000e+00 : f32
        %max3A_97 = vector.broadcast %max3A : f32 to vector<16xf32>
        %max3A_98 = arith.maximumf %get3A_96, %max3A_97 : vector<16xf32>
        %get3A_99 = arith.index_cast %scan3A_94 : i32 to index
        %get3A_100 = arith.constant 0 : index
        %get3A_101 = tpu.vector_load %arg12[%get3A_99, %get3A_100] {strides = array<i32>} : memref<128x128xf32, #tpu.memory_space<vmem>>, vector<16xf32>,
        %div3A = arith.divf %get3A_101, %max3A_98 : vector<16xf32>
        %swap3A = arith.index_cast %scan3A_94 : i32 to index
        %swap3A_102 = arith.constant 0 : index
        %swap3A_103 = tpu.vector_load %arg12[%swap3A, %swap3A_102] {strides = array<i32>} : memref<128x128xf32, #tpu.memory_space<vmem>>, vector<16xf32>,
        tpu.vector_store %arg12[%swap3A, %swap3A_102], %div3A {strides = array<i32>} : memref<128x128xf32, #tpu.memory_space<vmem>>, vector<16xf32>,
        %get3A_104 = arith.index_cast %scan3A_94 : i32 to index
        %get3A_105 = arith.constant 16 : index
        %get3A_106 = tpu.vector_load %arg12[%get3A_104, %get3A_105] {strides = array<i32>} : memref<128x128xf32, #tpu.memory_space<vmem>>, vector<16xf32>,
        %div3A_107 = arith.divf %get3A_106, %max3A_98 : vector<16xf32>
        %swap3A_108 = arith.index_cast %scan3A_94 : i32 to index
        %swap3A_109 = arith.constant 16 : index
        %swap3A_110 = tpu.vector_load %arg12[%swap3A_108, %swap3A_109] {strides = array<i32>} : memref<128x128xf32, #tpu.memory_space<vmem>>, vector<16xf32>,
        tpu.vector_store %arg12[%swap3A_108, %swap3A_109], %div3A_107 {strides = array<i32>} : memref<128x128xf32, #tpu.memory_space<vmem>>, vector<16xf32>,
        %get3A_111 = arith.index_cast %scan3A_94 : i32 to index
        %get3A_112 = arith.constant 32 : index
        %get3A_113 = tpu.vector_load %arg12[%get3A_111, %get3A_112] {strides = array<i32>} : memref<128x128xf32, #tpu.memory_space<vmem>>, vector<16xf32>,
        %div3A_114 = arith.divf %get3A_113, %max3A_98 : vector<16xf32>
        %swap3A_115 = arith.index_cast %scan3A_94 : i32 to index
        %swap3A_116 = arith.constant 32 : index
        %swap3A_117 = tpu.vector_load %arg12[%swap3A_115, %swap3A_116] {strides = array<i32>} : memref<128x128xf32, #tpu.memory_space<vmem>>, vector<16xf32>,
        tpu.vector_store %arg12[%swap3A_115, %swap3A_116], %div3A_114 {strides = array<i32>} : memref<128x128xf32, #tpu.memory_space<vmem>>, vector<16xf32>,
        %get3A_118 = arith.index_cast %scan3A_94 : i32 to index
        %get3A_119 = arith.constant 48 : index
        %get3A_120 = tpu.vector_load %arg12[%get3A_118, %get3A_119] {strides = array<i32>} : memref<128x128xf32, #tpu.memory_space<vmem>>, vector<16xf32>,
        %div3A_121 = arith.divf %get3A_120, %max3A_98 : vector<16xf32>
        %swap3A_122 = arith.index_cast %scan3A_94 : i32 to index
        %swap3A_123 = arith.constant 48 : index
        %swap3A_124 = tpu.vector_load %arg12[%swap3A_122, %swap3A_123] {strides = array<i32>} : memref<128x128xf32, #tpu.memory_space<vmem>>, vector<16xf32>,
        tpu.vector_store %arg12[%swap3A_122, %swap3A_123], %div3A_121 {strides = array<i32>} : memref<128x128xf32, #tpu.memory_space<vmem>>, vector<16xf32>,
        %get3A_125 = arith.index_cast %scan3A_94 : i32 to index
        %get3A_126 = arith.constant 64 : index
        %get3A_127 = tpu.vector_load %arg12[%get3A_125, %get3A_126] {strides = array<i32>} : memref<128x128xf32, #tpu.memory_space<vmem>>, vector<16xf32>,
        %div3A_128 = arith.divf %get3A_127, %max3A_98 : vector<16xf32>
        %swap3A_129 = arith.index_cast %scan3A_94 : i32 to index
        %swap3A_130 = arith.constant 64 : index
        %swap3A_131 = tpu.vector_load %arg12[%swap3A_129, %swap3A_130] {strides = array<i32>} : memref<128x128xf32, #tpu.memory_space<vmem>>, vector<16xf32>,
        tpu.vector_store %arg12[%swap3A_129, %swap3A_130], %div3A_128 {strides = array<i32>} : memref<128x128xf32, #tpu.memory_space<vmem>>, vector<16xf32>,
        %get3A_132 = arith.index_cast %scan3A_94 : i32 to index
        %get3A_133 = arith.constant 80 : index
        %get3A_134 = tpu.vector_load %arg12[%get3A_132, %get3A_133] {strides = array<i32>} : memref<128x128xf32, #tpu.memory_space<vmem>>, vector<16xf32>,
        %div3A_135 = arith.divf %get3A_134, %max3A_98 : vector<16xf32>
        %swap3A_136 = arith.index_cast %scan3A_94 : i32 to index
        %swap3A_137 = arith.constant 80 : index
        %swap3A_138 = tpu.vector_load %arg12[%swap3A_136, %swap3A_137] {strides = array<i32>} : memref<128x128xf32, #tpu.memory_space<vmem>>, vector<16xf32>,
        tpu.vector_store %arg12[%swap3A_136, %swap3A_137], %div3A_135 {strides = array<i32>} : memref<128x128xf32, #tpu.memory_space<vmem>>, vector<16xf32>,
        %get3A_139 = arith.index_cast %scan3A_94 : i32 to index
        %get3A_140 = arith.constant 96 : index
        %get3A_141 = tpu.vector_load %arg12[%get3A_139, %get3A_140] {strides = array<i32>} : memref<128x128xf32, #tpu.memory_space<vmem>>, vector<16xf32>,
        %div3A_142 = arith.divf %get3A_141, %max3A_98 : vector<16xf32>
        %swap3A_143 = arith.index_cast %scan3A_94 : i32 to index
        %swap3A_144 = arith.constant 96 : index
        %swap3A_145 = tpu.vector_load %arg12[%swap3A_143, %swap3A_144] {strides = array<i32>} : memref<128x128xf32, #tpu.memory_space<vmem>>, vector<16xf32>,
        tpu.vector_store %arg12[%swap3A_143, %swap3A_144], %div3A_142 {strides = array<i32>} : memref<128x128xf32, #tpu.memory_space<vmem>>, vector<16xf32>,
        %get3A_146 = arith.index_cast %scan3A_94 : i32 to index
        %get3A_147 = arith.constant 112 : index
        %get3A_148 = tpu.vector_load %arg12[%get3A_146, %get3A_147] {strides = array<i32>} : memref<128x128xf32, #tpu.memory_space<vmem>>, vector<16xf32>,
        %div3A_149 = arith.divf %get3A_148, %max3A_98 : vector<16xf32>
        %swap3A_150 = arith.index_cast %scan3A_94 : i32 to index
        %swap3A_151 = arith.constant 112 : index
        %swap3A_152 = tpu.vector_load %arg12[%swap3A_150, %swap3A_151] {strides = array<i32>} : memref<128x128xf32, #tpu.memory_space<vmem>>, vector<16xf32>,
        tpu.vector_store %arg12[%swap3A_150, %swap3A_151], %div3A_149 {strides = array<i32>} : memref<128x128xf32, #tpu.memory_space<vmem>>, vector<16xf32>,
      }
      %scan3A_61 = arith.constant 128 : i32
      "tpu.region"() ({
        %run_scoped3A = tpu.sem_alloc : memref<!tpu.dma_semaphore, #tpu.memory_space<semaphore_mem>>
        %dma_start3A = arith.constant 0 : i32
        %dma_start3A_94 = tpu.memref_slice %arg9[%add3A_55, %dma_start3A] : memref<10240x128xf32, #tpu.memory_space<hbm>> -> memref<128x128xf32, #tpu.memory_space<hbm>>
        %dma_start3A_95 = arith.constant 0 : i32
        %dma_start3A_96 = tpu.memref_slice %arg9[%add3A_55, %dma_start3A_95] : memref<10240x128xf32, #tpu.memory_space<hbm>> -> memref<128x128xf32, #tpu.memory_space<hbm>>
        tpu.enqueue_dma source(%arg12 : memref<128x128xf32, #tpu.memory_space<vmem>>) target(%dma_start3A_96 : memref<128x128xf32, #tpu.memory_space<hbm>>) target_semaphore(%run_scoped3A : memref<!tpu.dma_semaphore, #tpu.memory_space<semaphore_mem>>)
        %dma_wait3A = arith.constant 0 : i32
        %dma_wait3A_97 = tpu.memref_slice %arg9[%add3A_55, %dma_wait3A] : memref<10240x128xf32, #tpu.memory_space<hbm>> -> memref<128x128xf32, #tpu.memory_space<hbm>>
        %dma_wait3A_98 = arith.constant 0 : i32
        %dma_wait3A_99 = tpu.memref_slice %arg9[%add3A_55, %dma_wait3A_98] : memref<10240x128xf32, #tpu.memory_space<hbm>> -> memref<128x128xf32, #tpu.memory_space<hbm>>
        tpu.wait_dma2 semaphore(%run_scoped3A : memref<!tpu.dma_semaphore, #tpu.memory_space<semaphore_mem>>) src(%arg12 : memref<128x128xf32, #tpu.memory_space<vmem>>) dst(%dma_wait3A_99 : memref<128x128xf32, #tpu.memory_space<hbm>>)
        tpu.yield
      }) : () -> ()
      %add3A_62 = arith.constant 128 : i32
      %add3A_63 = arith.addi %mul3A_0, %add3A_62 : i32
      "tpu.region"() ({
        %run_scoped3A = tpu.sem_alloc : memref<!tpu.dma_semaphore, #tpu.memory_space<semaphore_mem>>
        %dma_start3A = arith.constant 0 : i32
        %dma_start3A_94 = tpu.memref_slice %arg14[%add3A_63, %dma_start3A] : memref<10240x128xf32, #tpu.memory_space<vmem_shared>> -> memref<128x128xf32, #tpu.memory_space<vmem_shared>>
        %dma_start3A_95 = arith.constant 0 : i32
        %dma_start3A_96 = tpu.memref_slice %arg14[%add3A_63, %dma_start3A_95] : memref<10240x128xf32, #tpu.memory_space<vmem_shared>> -> memref<128x128xf32, #tpu.memory_space<vmem_shared>>
        tpu.enqueue_dma source(%dma_start3A_96 : memref<128x128xf32, #tpu.memory_space<vmem_shared>>) target(%arg12 : memref<128x128xf32, #tpu.memory_space<vmem>>) target_semaphore(%run_scoped3A : memref<!tpu.dma_semaphore, #tpu.memory_space<semaphore_mem>>)
        %dma_wait3A = arith.constant 0 : i32
        %dma_wait3A_97 = tpu.memref_slice %arg14[%add3A_63, %dma_wait3A] : memref<10240x128xf32, #tpu.memory_space<vmem_shared>> -> memref<128x128xf32, #tpu.memory_space<vmem_shared>>
        %dma_wait3A_98 = arith.constant 0 : i32
        %dma_wait3A_99 = tpu.memref_slice %arg14[%add3A_63, %dma_wait3A_98] : memref<10240x128xf32, #tpu.memory_space<vmem_shared>> -> memref<128x128xf32, #tpu.memory_space<vmem_shared>>
        tpu.wait_dma2 semaphore(%run_scoped3A : memref<!tpu.dma_semaphore, #tpu.memory_space<semaphore_mem>>) src(%dma_wait3A_99 : memref<128x128xf32, #tpu.memory_space<vmem_shared>>) dst(%arg12 : memref<128x128xf32, #tpu.memory_space<vmem>>)
        tpu.yield
      }) : () -> ()
      "tpu.region"() ({
        %run_scoped3A = tpu.sem_alloc : memref<!tpu.dma_semaphore, #tpu.memory_space<semaphore_mem>>
        %dma_start3A = arith.constant 0 : i32
        %dma_start3A_94 = tpu.memref_slice %arg15[%add3A_63, %dma_start3A] : memref<10240x16xf32, #tpu.memory_space<vmem_shared>> -> memref<128x16xf32, #tpu.memory_space<vmem_shared>>
        %dma_start3A_95 = arith.constant 0 : i32
        %dma_start3A_96 = tpu.memref_slice %arg15[%add3A_63, %dma_start3A_95] : memref<10240x16xf32, #tpu.memory_space<vmem_shared>> -> memref<128x16xf32, #tpu.memory_space<vmem_shared>>
        tpu.enqueue_dma source(%dma_start3A_96 : memref<128x16xf32, #tpu.memory_space<vmem_shared>>) target(%arg13 : memref<128x16xf32, #tpu.memory_space<vmem>>) target_semaphore(%run_scoped3A : memref<!tpu.dma_semaphore, #tpu.memory_space<semaphore_mem>>)
        %dma_wait3A = arith.constant 0 : i32
        %dma_wait3A_97 = tpu.memref_slice %arg15[%add3A_63, %dma_wait3A] : memref<10240x16xf32, #tpu.memory_space<vmem_shared>> -> memref<128x16xf32, #tpu.memory_space<vmem_shared>>
        %dma_wait3A_98 = arith.constant 0 : i32
        %dma_wait3A_99 = tpu.memref_slice %arg15[%add3A_63, %dma_wait3A_98] : memref<10240x16xf32, #tpu.memory_space<vmem_shared>> -> memref<128x16xf32, #tpu.memory_space<vmem_shared>>
        tpu.wait_dma2 semaphore(%run_scoped3A : memref<!tpu.dma_semaphore, #tpu.memory_space<semaphore_mem>>) src(%dma_wait3A_99 : memref<128x16xf32, #tpu.memory_space<vmem_shared>>) dst(%arg13 : memref<128x16xf32, #tpu.memory_space<vmem>>)
        tpu.yield
      }) : () -> ()
      %scan3A_64 = arith.constant 0 : i32
      %scan3A_65 = arith.constant 0 : i32
      %scan3A_66 = arith.constant 128 : i32
      %scan3A_67 = arith.addi %scan3A_65, %scan3A_66 : i32
      %scan3A_68 = arith.constant 1 : i32
      scf.for %scan3A_94 = %scan3A_65 to %scan3A_67 step %scan3A_68  : i32 {
        %get3A = arith.index_cast %scan3A_94 : i32 to index
        %get3A_95 = arith.constant 0 : index
        %get3A_96 = tpu.vector_load %arg13[%get3A, %get3A_95] {strides = array<i32>} : memref<128x16xf32, #tpu.memory_space<vmem>>, vector<16xf32>,
        %max3A = arith.constant 1.000000e+00 : f32
        %max3A_97 = vector.broadcast %max3A : f32 to vector<16xf32>
        %max3A_98 = arith.maximumf %get3A_96, %max3A_97 : vector<16xf32>
        %get3A_99 = arith.index_cast %scan3A_94 : i32 to index
        %get3A_100 = arith.constant 0 : index
        %get3A_101 = tpu.vector_load %arg12[%get3A_99, %get3A_100] {strides = array<i32>} : memref<128x128xf32, #tpu.memory_space<vmem>>, vector<16xf32>,
        %div3A = arith.divf %get3A_101, %max3A_98 : vector<16xf32>
        %swap3A = arith.index_cast %scan3A_94 : i32 to index
        %swap3A_102 = arith.constant 0 : index
        %swap3A_103 = tpu.vector_load %arg12[%swap3A, %swap3A_102] {strides = array<i32>} : memref<128x128xf32, #tpu.memory_space<vmem>>, vector<16xf32>,
        tpu.vector_store %arg12[%swap3A, %swap3A_102], %div3A {strides = array<i32>} : memref<128x128xf32, #tpu.memory_space<vmem>>, vector<16xf32>,
        %get3A_104 = arith.index_cast %scan3A_94 : i32 to index
        %get3A_105 = arith.constant 16 : index
        %get3A_106 = tpu.vector_load %arg12[%get3A_104, %get3A_105] {strides = array<i32>} : memref<128x128xf32, #tpu.memory_space<vmem>>, vector<16xf32>,
        %div3A_107 = arith.divf %get3A_106, %max3A_98 : vector<16xf32>
        %swap3A_108 = arith.index_cast %scan3A_94 : i32 to index
        %swap3A_109 = arith.constant 16 : index
        %swap3A_110 = tpu.vector_load %arg12[%swap3A_108, %swap3A_109] {strides = array<i32>} : memref<128x128xf32, #tpu.memory_space<vmem>>, vector<16xf32>,
        tpu.vector_store %arg12[%swap3A_108, %swap3A_109], %div3A_107 {strides = array<i32>} : memref<128x128xf32, #tpu.memory_space<vmem>>, vector<16xf32>,
        %get3A_111 = arith.index_cast %scan3A_94 : i32 to index
        %get3A_112 = arith.constant 32 : index
        %get3A_113 = tpu.vector_load %arg12[%get3A_111, %get3A_112] {strides = array<i32>} : memref<128x128xf32, #tpu.memory_space<vmem>>, vector<16xf32>,
        %div3A_114 = arith.divf %get3A_113, %max3A_98 : vector<16xf32>
        %swap3A_115 = arith.index_cast %scan3A_94 : i32 to index
        %swap3A_116 = arith.constant 32 : index
        %swap3A_117 = tpu.vector_load %arg12[%swap3A_115, %swap3A_116] {strides = array<i32>} : memref<128x128xf32, #tpu.memory_space<vmem>>, vector<16xf32>,
        tpu.vector_store %arg12[%swap3A_115, %swap3A_116], %div3A_114 {strides = array<i32>} : memref<128x128xf32, #tpu.memory_space<vmem>>, vector<16xf32>,
        %get3A_118 = arith.index_cast %scan3A_94 : i32 to index
        %get3A_119 = arith.constant 48 : index
        %get3A_120 = tpu.vector_load %arg12[%get3A_118, %get3A_119] {strides = array<i32>} : memref<128x128xf32, #tpu.memory_space<vmem>>, vector<16xf32>,
        %div3A_121 = arith.divf %get3A_120, %max3A_98 : vector<16xf32>
        %swap3A_122 = arith.index_cast %scan3A_94 : i32 to index
        %swap3A_123 = arith.constant 48 : index
        %swap3A_124 = tpu.vector_load %arg12[%swap3A_122, %swap3A_123] {strides = array<i32>} : memref<128x128xf32, #tpu.memory_space<vmem>>, vector<16xf32>,
        tpu.vector_store %arg12[%swap3A_122, %swap3A_123], %div3A_121 {strides = array<i32>} : memref<128x128xf32, #tpu.memory_space<vmem>>, vector<16xf32>,
        %get3A_125 = arith.index_cast %scan3A_94 : i32 to index
        %get3A_126 = arith.constant 64 : index
        %get3A_127 = tpu.vector_load %arg12[%get3A_125, %get3A_126] {strides = array<i32>} : memref<128x128xf32, #tpu.memory_space<vmem>>, vector<16xf32>,
        %div3A_128 = arith.divf %get3A_127, %max3A_98 : vector<16xf32>
        %swap3A_129 = arith.index_cast %scan3A_94 : i32 to index
        %swap3A_130 = arith.constant 64 : index
        %swap3A_131 = tpu.vector_load %arg12[%swap3A_129, %swap3A_130] {strides = array<i32>} : memref<128x128xf32, #tpu.memory_space<vmem>>, vector<16xf32>,
        tpu.vector_store %arg12[%swap3A_129, %swap3A_130], %div3A_128 {strides = array<i32>} : memref<128x128xf32, #tpu.memory_space<vmem>>, vector<16xf32>,
        %get3A_132 = arith.index_cast %scan3A_94 : i32 to index
        %get3A_133 = arith.constant 80 : index
        %get3A_134 = tpu.vector_load %arg12[%get3A_132, %get3A_133] {strides = array<i32>} : memref<128x128xf32, #tpu.memory_space<vmem>>, vector<16xf32>,
        %div3A_135 = arith.divf %get3A_134, %max3A_98 : vector<16xf32>
        %swap3A_136 = arith.index_cast %scan3A_94 : i32 to index
        %swap3A_137 = arith.constant 80 : index
        %swap3A_138 = tpu.vector_load %arg12[%swap3A_136, %swap3A_137] {strides = array<i32>} : memref<128x128xf32, #tpu.memory_space<vmem>>, vector<16xf32>,
        tpu.vector_store %arg12[%swap3A_136, %swap3A_137], %div3A_135 {strides = array<i32>} : memref<128x128xf32, #tpu.memory_space<vmem>>, vector<16xf32>,
        %get3A_139 = arith.index_cast %scan3A_94 : i32 to index
        %get3A_140 = arith.constant 96 : index
        %get3A_141 = tpu.vector_load %arg12[%get3A_139, %get3A_140] {strides = array<i32>} : memref<128x128xf32, #tpu.memory_space<vmem>>, vector<16xf32>,
        %div3A_142 = arith.divf %get3A_141, %max3A_98 : vector<16xf32>
        %swap3A_143 = arith.index_cast %scan3A_94 : i32 to index
        %swap3A_144 = arith.constant 96 : index
        %swap3A_145 = tpu.vector_load %arg12[%swap3A_143, %swap3A_144] {strides = array<i32>} : memref<128x128xf32, #tpu.memory_space<vmem>>, vector<16xf32>,
        tpu.vector_store %arg12[%swap3A_143, %swap3A_144], %div3A_142 {strides = array<i32>} : memref<128x128xf32, #tpu.memory_space<vmem>>, vector<16xf32>,
        %get3A_146 = arith.index_cast %scan3A_94 : i32 to index
        %get3A_147 = arith.constant 112 : index
        %get3A_148 = tpu.vector_load %arg12[%get3A_146, %get3A_147] {strides = array<i32>} : memref<128x128xf32, #tpu.memory_space<vmem>>, vector<16xf32>,
        %div3A_149 = arith.divf %get3A_148, %max3A_98 : vector<16xf32>
        %swap3A_150 = arith.index_cast %scan3A_94 : i32 to index
        %swap3A_151 = arith.constant 112 : index
        %swap3A_152 = tpu.vector_load %arg12[%swap3A_150, %swap3A_151] {strides = array<i32>} : memref<128x128xf32, #tpu.memory_space<vmem>>, vector<16xf32>,
        tpu.vector_store %arg12[%swap3A_150, %swap3A_151], %div3A_149 {strides = array<i32>} : memref<128x128xf32, #tpu.memory_space<vmem>>, vector<16xf32>,
      }
      %scan3A_69 = arith.constant 128 : i32
      "tpu.region"() ({
        %run_scoped3A = tpu.sem_alloc : memref<!tpu.dma_semaphore, #tpu.memory_space<semaphore_mem>>
        %dma_start3A = arith.constant 0 : i32
        %dma_start3A_94 = tpu.memref_slice %arg9[%add3A_63, %dma_start3A] : memref<10240x128xf32, #tpu.memory_space<hbm>> -> memref<128x128xf32, #tpu.memory_space<hbm>>
        %dma_start3A_95 = arith.constant 0 : i32
        %dma_start3A_96 = tpu.memref_slice %arg9[%add3A_63, %dma_start3A_95] : memref<10240x128xf32, #tpu.memory_space<hbm>> -> memref<128x128xf32, #tpu.memory_space<hbm>>
        tpu.enqueue_dma source(%arg12 : memref<128x128xf32, #tpu.memory_space<vmem>>) target(%dma_start3A_96 : memref<128x128xf32, #tpu.memory_space<hbm>>) target_semaphore(%run_scoped3A : memref<!tpu.dma_semaphore, #tpu.memory_space<semaphore_mem>>)
        %dma_wait3A = arith.constant 0 : i32
        %dma_wait3A_97 = tpu.memref_slice %arg9[%add3A_63, %dma_wait3A] : memref<10240x128xf32, #tpu.memory_space<hbm>> -> memref<128x128xf32, #tpu.memory_space<hbm>>
        %dma_wait3A_98 = arith.constant 0 : i32
        %dma_wait3A_99 = tpu.memref_slice %arg9[%add3A_63, %dma_wait3A_98] : memref<10240x128xf32, #tpu.memory_space<hbm>> -> memref<128x128xf32, #tpu.memory_space<hbm>>
        tpu.wait_dma2 semaphore(%run_scoped3A : memref<!tpu.dma_semaphore, #tpu.memory_space<semaphore_mem>>) src(%arg12 : memref<128x128xf32, #tpu.memory_space<vmem>>) dst(%dma_wait3A_99 : memref<128x128xf32, #tpu.memory_space<hbm>>)
        tpu.yield
      }) : () -> ()
      %add3A_70 = arith.constant 256 : i32
      %add3A_71 = arith.addi %mul3A_0, %add3A_70 : i32
      "tpu.region"() ({
        %run_scoped3A = tpu.sem_alloc : memref<!tpu.dma_semaphore, #tpu.memory_space<semaphore_mem>>
        %dma_start3A = arith.constant 0 : i32
        %dma_start3A_94 = tpu.memref_slice %arg14[%add3A_71, %dma_start3A] : memref<10240x128xf32, #tpu.memory_space<vmem_shared>> -> memref<128x128xf32, #tpu.memory_space<vmem_shared>>
        %dma_start3A_95 = arith.constant 0 : i32
        %dma_start3A_96 = tpu.memref_slice %arg14[%add3A_71, %dma_start3A_95] : memref<10240x128xf32, #tpu.memory_space<vmem_shared>> -> memref<128x128xf32, #tpu.memory_space<vmem_shared>>
        tpu.enqueue_dma source(%dma_start3A_96 : memref<128x128xf32, #tpu.memory_space<vmem_shared>>) target(%arg12 : memref<128x128xf32, #tpu.memory_space<vmem>>) target_semaphore(%run_scoped3A : memref<!tpu.dma_semaphore, #tpu.memory_space<semaphore_mem>>)
        %dma_wait3A = arith.constant 0 : i32
        %dma_wait3A_97 = tpu.memref_slice %arg14[%add3A_71, %dma_wait3A] : memref<10240x128xf32, #tpu.memory_space<vmem_shared>> -> memref<128x128xf32, #tpu.memory_space<vmem_shared>>
        %dma_wait3A_98 = arith.constant 0 : i32
        %dma_wait3A_99 = tpu.memref_slice %arg14[%add3A_71, %dma_wait3A_98] : memref<10240x128xf32, #tpu.memory_space<vmem_shared>> -> memref<128x128xf32, #tpu.memory_space<vmem_shared>>
        tpu.wait_dma2 semaphore(%run_scoped3A : memref<!tpu.dma_semaphore, #tpu.memory_space<semaphore_mem>>) src(%dma_wait3A_99 : memref<128x128xf32, #tpu.memory_space<vmem_shared>>) dst(%arg12 : memref<128x128xf32, #tpu.memory_space<vmem>>)
        tpu.yield
      }) : () -> ()
      "tpu.region"() ({
        %run_scoped3A = tpu.sem_alloc : memref<!tpu.dma_semaphore, #tpu.memory_space<semaphore_mem>>
        %dma_start3A = arith.constant 0 : i32
        %dma_start3A_94 = tpu.memref_slice %arg15[%add3A_71, %dma_start3A] : memref<10240x16xf32, #tpu.memory_space<vmem_shared>> -> memref<128x16xf32, #tpu.memory_space<vmem_shared>>
        %dma_start3A_95 = arith.constant 0 : i32
        %dma_start3A_96 = tpu.memref_slice %arg15[%add3A_71, %dma_start3A_95] : memref<10240x16xf32, #tpu.memory_space<vmem_shared>> -> memref<128x16xf32, #tpu.memory_space<vmem_shared>>
        tpu.enqueue_dma source(%dma_start3A_96 : memref<128x16xf32, #tpu.memory_space<vmem_shared>>) target(%arg13 : memref<128x16xf32, #tpu.memory_space<vmem>>) target_semaphore(%run_scoped3A : memref<!tpu.dma_semaphore, #tpu.memory_space<semaphore_mem>>)
        %dma_wait3A = arith.constant 0 : i32
        %dma_wait3A_97 = tpu.memref_slice %arg15[%add3A_71, %dma_wait3A] : memref<10240x16xf32, #tpu.memory_space<vmem_shared>> -> memref<128x16xf32, #tpu.memory_space<vmem_shared>>
        %dma_wait3A_98 = arith.constant 0 : i32
        %dma_wait3A_99 = tpu.memref_slice %arg15[%add3A_71, %dma_wait3A_98] : memref<10240x16xf32, #tpu.memory_space<vmem_shared>> -> memref<128x16xf32, #tpu.memory_space<vmem_shared>>
        tpu.wait_dma2 semaphore(%run_scoped3A : memref<!tpu.dma_semaphore, #tpu.memory_space<semaphore_mem>>) src(%dma_wait3A_99 : memref<128x16xf32, #tpu.memory_space<vmem_shared>>) dst(%arg13 : memref<128x16xf32, #tpu.memory_space<vmem>>)
        tpu.yield
      }) : () -> ()
      %scan3A_72 = arith.constant 0 : i32
      %scan3A_73 = arith.constant 0 : i32
      %scan3A_74 = arith.constant 128 : i32
      %scan3A_75 = arith.addi %scan3A_73, %scan3A_74 : i32
      %scan3A_76 = arith.constant 1 : i32
      scf.for %scan3A_94 = %scan3A_73 to %scan3A_75 step %scan3A_76  : i32 {
        %get3A = arith.index_cast %scan3A_94 : i32 to index
        %get3A_95 = arith.constant 0 : index
        %get3A_96 = tpu.vector_load %arg13[%get3A, %get3A_95] {strides = array<i32>} : memref<128x16xf32, #tpu.memory_space<vmem>>, vector<16xf32>,
        %max3A = arith.constant 1.000000e+00 : f32
        %max3A_97 = vector.broadcast %max3A : f32 to vector<16xf32>
        %max3A_98 = arith.maximumf %get3A_96, %max3A_97 : vector<16xf32>
        %get3A_99 = arith.index_cast %scan3A_94 : i32 to index
        %get3A_100 = arith.constant 0 : index
        %get3A_101 = tpu.vector_load %arg12[%get3A_99, %get3A_100] {strides = array<i32>} : memref<128x128xf32, #tpu.memory_space<vmem>>, vector<16xf32>,
        %div3A = arith.divf %get3A_101, %max3A_98 : vector<16xf32>
        %swap3A = arith.index_cast %scan3A_94 : i32 to index
        %swap3A_102 = arith.constant 0 : index
        %swap3A_103 = tpu.vector_load %arg12[%swap3A, %swap3A_102] {strides = array<i32>} : memref<128x128xf32, #tpu.memory_space<vmem>>, vector<16xf32>,
        tpu.vector_store %arg12[%swap3A, %swap3A_102], %div3A {strides = array<i32>} : memref<128x128xf32, #tpu.memory_space<vmem>>, vector<16xf32>,
        %get3A_104 = arith.index_cast %scan3A_94 : i32 to index
        %get3A_105 = arith.constant 16 : index
        %get3A_106 = tpu.vector_load %arg12[%get3A_104, %get3A_105] {strides = array<i32>} : memref<128x128xf32, #tpu.memory_space<vmem>>, vector<16xf32>,
        %div3A_107 = arith.divf %get3A_106, %max3A_98 : vector<16xf32>
        %swap3A_108 = arith.index_cast %scan3A_94 : i32 to index
        %swap3A_109 = arith.constant 16 : index
        %swap3A_110 = tpu.vector_load %arg12[%swap3A_108, %swap3A_109] {strides = array<i32>} : memref<128x128xf32, #tpu.memory_space<vmem>>, vector<16xf32>,
        tpu.vector_store %arg12[%swap3A_108, %swap3A_109], %div3A_107 {strides = array<i32>} : memref<128x128xf32, #tpu.memory_space<vmem>>, vector<16xf32>,
        %get3A_111 = arith.index_cast %scan3A_94 : i32 to index
        %get3A_112 = arith.constant 32 : index
        %get3A_113 = tpu.vector_load %arg12[%get3A_111, %get3A_112] {strides = array<i32>} : memref<128x128xf32, #tpu.memory_space<vmem>>, vector<16xf32>,
        %div3A_114 = arith.divf %get3A_113, %max3A_98 : vector<16xf32>
        %swap3A_115 = arith.index_cast %scan3A_94 : i32 to index
        %swap3A_116 = arith.constant 32 : index
        %swap3A_117 = tpu.vector_load %arg12[%swap3A_115, %swap3A_116] {strides = array<i32>} : memref<128x128xf32, #tpu.memory_space<vmem>>, vector<16xf32>,
        tpu.vector_store %arg12[%swap3A_115, %swap3A_116], %div3A_114 {strides = array<i32>} : memref<128x128xf32, #tpu.memory_space<vmem>>, vector<16xf32>,
        %get3A_118 = arith.index_cast %scan3A_94 : i32 to index
        %get3A_119 = arith.constant 48 : index
        %get3A_120 = tpu.vector_load %arg12[%get3A_118, %get3A_119] {strides = array<i32>} : memref<128x128xf32, #tpu.memory_space<vmem>>, vector<16xf32>,
        %div3A_121 = arith.divf %get3A_120, %max3A_98 : vector<16xf32>
        %swap3A_122 = arith.index_cast %scan3A_94 : i32 to index
        %swap3A_123 = arith.constant 48 : index
        %swap3A_124 = tpu.vector_load %arg12[%swap3A_122, %swap3A_123] {strides = array<i32>} : memref<128x128xf32, #tpu.memory_space<vmem>>, vector<16xf32>,
        tpu.vector_store %arg12[%swap3A_122, %swap3A_123], %div3A_121 {strides = array<i32>} : memref<128x128xf32, #tpu.memory_space<vmem>>, vector<16xf32>,
        %get3A_125 = arith.index_cast %scan3A_94 : i32 to index
        %get3A_126 = arith.constant 64 : index
        %get3A_127 = tpu.vector_load %arg12[%get3A_125, %get3A_126] {strides = array<i32>} : memref<128x128xf32, #tpu.memory_space<vmem>>, vector<16xf32>,
        %div3A_128 = arith.divf %get3A_127, %max3A_98 : vector<16xf32>
        %swap3A_129 = arith.index_cast %scan3A_94 : i32 to index
        %swap3A_130 = arith.constant 64 : index
        %swap3A_131 = tpu.vector_load %arg12[%swap3A_129, %swap3A_130] {strides = array<i32>} : memref<128x128xf32, #tpu.memory_space<vmem>>, vector<16xf32>,
        tpu.vector_store %arg12[%swap3A_129, %swap3A_130], %div3A_128 {strides = array<i32>} : memref<128x128xf32, #tpu.memory_space<vmem>>, vector<16xf32>,
        %get3A_132 = arith.index_cast %scan3A_94 : i32 to index
        %get3A_133 = arith.constant 80 : index
        %get3A_134 = tpu.vector_load %arg12[%get3A_132, %get3A_133] {strides = array<i32>} : memref<128x128xf32, #tpu.memory_space<vmem>>, vector<16xf32>,
        %div3A_135 = arith.divf %get3A_134, %max3A_98 : vector<16xf32>
        %swap3A_136 = arith.index_cast %scan3A_94 : i32 to index
        %swap3A_137 = arith.constant 80 : index
        %swap3A_138 = tpu.vector_load %arg12[%swap3A_136, %swap3A_137] {strides = array<i32>} : memref<128x128xf32, #tpu.memory_space<vmem>>, vector<16xf32>,
        tpu.vector_store %arg12[%swap3A_136, %swap3A_137], %div3A_135 {strides = array<i32>} : memref<128x128xf32, #tpu.memory_space<vmem>>, vector<16xf32>,
        %get3A_139 = arith.index_cast %scan3A_94 : i32 to index
        %get3A_140 = arith.constant 96 : index
        %get3A_141 = tpu.vector_load %arg12[%get3A_139, %get3A_140] {strides = array<i32>} : memref<128x128xf32, #tpu.memory_space<vmem>>, vector<16xf32>,
        %div3A_142 = arith.divf %get3A_141, %max3A_98 : vector<16xf32>
        %swap3A_143 = arith.index_cast %scan3A_94 : i32 to index
        %swap3A_144 = arith.constant 96 : index
        %swap3A_145 = tpu.vector_load %arg12[%swap3A_143, %swap3A_144] {strides = array<i32>} : memref<128x128xf32, #tpu.memory_space<vmem>>, vector<16xf32>,
        tpu.vector_store %arg12[%swap3A_143, %swap3A_144], %div3A_142 {strides = array<i32>} : memref<128x128xf32, #tpu.memory_space<vmem>>, vector<16xf32>,
        %get3A_146 = arith.index_cast %scan3A_94 : i32 to index
        %get3A_147 = arith.constant 112 : index
        %get3A_148 = tpu.vector_load %arg12[%get3A_146, %get3A_147] {strides = array<i32>} : memref<128x128xf32, #tpu.memory_space<vmem>>, vector<16xf32>,
        %div3A_149 = arith.divf %get3A_148, %max3A_98 : vector<16xf32>
        %swap3A_150 = arith.index_cast %scan3A_94 : i32 to index
        %swap3A_151 = arith.constant 112 : index
        %swap3A_152 = tpu.vector_load %arg12[%swap3A_150, %swap3A_151] {strides = array<i32>} : memref<128x128xf32, #tpu.memory_space<vmem>>, vector<16xf32>,
        tpu.vector_store %arg12[%swap3A_150, %swap3A_151], %div3A_149 {strides = array<i32>} : memref<128x128xf32, #tpu.memory_space<vmem>>, vector<16xf32>,
      }
      %scan3A_77 = arith.constant 128 : i32
      "tpu.region"() ({
        %run_scoped3A = tpu.sem_alloc : memref<!tpu.dma_semaphore, #tpu.memory_space<semaphore_mem>>
        %dma_start3A = arith.constant 0 : i32
        %dma_start3A_94 = tpu.memref_slice %arg9[%add3A_71, %dma_start3A] : memref<10240x128xf32, #tpu.memory_space<hbm>> -> memref<128x128xf32, #tpu.memory_space<hbm>>
        %dma_start3A_95 = arith.constant 0 : i32
        %dma_start3A_96 = tpu.memref_slice %arg9[%add3A_71, %dma_start3A_95] : memref<10240x128xf32, #tpu.memory_space<hbm>> -> memref<128x128xf32, #tpu.memory_space<hbm>>
        tpu.enqueue_dma source(%arg12 : memref<128x128xf32, #tpu.memory_space<vmem>>) target(%dma_start3A_96 : memref<128x128xf32, #tpu.memory_space<hbm>>) target_semaphore(%run_scoped3A : memref<!tpu.dma_semaphore, #tpu.memory_space<semaphore_mem>>)
        %dma_wait3A = arith.constant 0 : i32
        %dma_wait3A_97 = tpu.memref_slice %arg9[%add3A_71, %dma_wait3A] : memref<10240x128xf32, #tpu.memory_space<hbm>> -> memref<128x128xf32, #tpu.memory_space<hbm>>
        %dma_wait3A_98 = arith.constant 0 : i32
        %dma_wait3A_99 = tpu.memref_slice %arg9[%add3A_71, %dma_wait3A_98] : memref<10240x128xf32, #tpu.memory_space<hbm>> -> memref<128x128xf32, #tpu.memory_space<hbm>>
        tpu.wait_dma2 semaphore(%run_scoped3A : memref<!tpu.dma_semaphore, #tpu.memory_space<semaphore_mem>>) src(%arg12 : memref<128x128xf32, #tpu.memory_space<vmem>>) dst(%dma_wait3A_99 : memref<128x128xf32, #tpu.memory_space<hbm>>)
        tpu.yield
      }) : () -> ()
      %add3A_78 = arith.constant 384 : i32
      %add3A_79 = arith.addi %mul3A_0, %add3A_78 : i32
      "tpu.region"() ({
        %run_scoped3A = tpu.sem_alloc : memref<!tpu.dma_semaphore, #tpu.memory_space<semaphore_mem>>
        %dma_start3A = arith.constant 0 : i32
        %dma_start3A_94 = tpu.memref_slice %arg14[%add3A_79, %dma_start3A] : memref<10240x128xf32, #tpu.memory_space<vmem_shared>> -> memref<128x128xf32, #tpu.memory_space<vmem_shared>>
        %dma_start3A_95 = arith.constant 0 : i32
        %dma_start3A_96 = tpu.memref_slice %arg14[%add3A_79, %dma_start3A_95] : memref<10240x128xf32, #tpu.memory_space<vmem_shared>> -> memref<128x128xf32, #tpu.memory_space<vmem_shared>>
        tpu.enqueue_dma source(%dma_start3A_96 : memref<128x128xf32, #tpu.memory_space<vmem_shared>>) target(%arg12 : memref<128x128xf32, #tpu.memory_space<vmem>>) target_semaphore(%run_scoped3A : memref<!tpu.dma_semaphore, #tpu.memory_space<semaphore_mem>>)
        %dma_wait3A = arith.constant 0 : i32
        %dma_wait3A_97 = tpu.memref_slice %arg14[%add3A_79, %dma_wait3A] : memref<10240x128xf32, #tpu.memory_space<vmem_shared>> -> memref<128x128xf32, #tpu.memory_space<vmem_shared>>
        %dma_wait3A_98 = arith.constant 0 : i32
        %dma_wait3A_99 = tpu.memref_slice %arg14[%add3A_79, %dma_wait3A_98] : memref<10240x128xf32, #tpu.memory_space<vmem_shared>> -> memref<128x128xf32, #tpu.memory_space<vmem_shared>>
        tpu.wait_dma2 semaphore(%run_scoped3A : memref<!tpu.dma_semaphore, #tpu.memory_space<semaphore_mem>>) src(%dma_wait3A_99 : memref<128x128xf32, #tpu.memory_space<vmem_shared>>) dst(%arg12 : memref<128x128xf32, #tpu.memory_space<vmem>>)
        tpu.yield
      }) : () -> ()
      "tpu.region"() ({
        %run_scoped3A = tpu.sem_alloc : memref<!tpu.dma_semaphore, #tpu.memory_space<semaphore_mem>>
        %dma_start3A = arith.constant 0 : i32
        %dma_start3A_94 = tpu.memref_slice %arg15[%add3A_79, %dma_start3A] : memref<10240x16xf32, #tpu.memory_space<vmem_shared>> -> memref<128x16xf32, #tpu.memory_space<vmem_shared>>
        %dma_start3A_95 = arith.constant 0 : i32
        %dma_start3A_96 = tpu.memref_slice %arg15[%add3A_79, %dma_start3A_95] : memref<10240x16xf32, #tpu.memory_space<vmem_shared>> -> memref<128x16xf32, #tpu.memory_space<vmem_shared>>
        tpu.enqueue_dma source(%dma_start3A_96 : memref<128x16xf32, #tpu.memory_space<vmem_shared>>) target(%arg13 : memref<128x16xf32, #tpu.memory_space<vmem>>) target_semaphore(%run_scoped3A : memref<!tpu.dma_semaphore, #tpu.memory_space<semaphore_mem>>)
        %dma_wait3A = arith.constant 0 : i32
        %dma_wait3A_97 = tpu.memref_slice %arg15[%add3A_79, %dma_wait3A] : memref<10240x16xf32, #tpu.memory_space<vmem_shared>> -> memref<128x16xf32, #tpu.memory_space<vmem_shared>>
        %dma_wait3A_98 = arith.constant 0 : i32
        %dma_wait3A_99 = tpu.memref_slice %arg15[%add3A_79, %dma_wait3A_98] : memref<10240x16xf32, #tpu.memory_space<vmem_shared>> -> memref<128x16xf32, #tpu.memory_space<vmem_shared>>
        tpu.wait_dma2 semaphore(%run_scoped3A : memref<!tpu.dma_semaphore, #tpu.memory_space<semaphore_mem>>) src(%dma_wait3A_99 : memref<128x16xf32, #tpu.memory_space<vmem_shared>>) dst(%arg13 : memref<128x16xf32, #tpu.memory_space<vmem>>)
        tpu.yield
      }) : () -> ()
      %scan3A_80 = arith.constant 0 : i32
      %scan3A_81 = arith.constant 0 : i32
      %scan3A_82 = arith.constant 128 : i32
      %scan3A_83 = arith.addi %scan3A_81, %scan3A_82 : i32
      %scan3A_84 = arith.constant 1 : i32
      scf.for %scan3A_94 = %scan3A_81 to %scan3A_83 step %scan3A_84  : i32 {
        %get3A = arith.index_cast %scan3A_94 : i32 to index
        %get3A_95 = arith.constant 0 : index
        %get3A_96 = tpu.vector_load %arg13[%get3A, %get3A_95] {strides = array<i32>} : memref<128x16xf32, #tpu.memory_space<vmem>>, vector<16xf32>,
        %max3A = arith.constant 1.000000e+00 : f32
        %max3A_97 = vector.broadcast %max3A : f32 to vector<16xf32>
        %max3A_98 = arith.maximumf %get3A_96, %max3A_97 : vector<16xf32>
        %get3A_99 = arith.index_cast %scan3A_94 : i32 to index
        %get3A_100 = arith.constant 0 : index
        %get3A_101 = tpu.vector_load %arg12[%get3A_99, %get3A_100] {strides = array<i32>} : memref<128x128xf32, #tpu.memory_space<vmem>>, vector<16xf32>,
        %div3A = arith.divf %get3A_101, %max3A_98 : vector<16xf32>
        %swap3A = arith.index_cast %scan3A_94 : i32 to index
        %swap3A_102 = arith.constant 0 : index
        %swap3A_103 = tpu.vector_load %arg12[%swap3A, %swap3A_102] {strides = array<i32>} : memref<128x128xf32, #tpu.memory_space<vmem>>, vector<16xf32>,
        tpu.vector_store %arg12[%swap3A, %swap3A_102], %div3A {strides = array<i32>} : memref<128x128xf32, #tpu.memory_space<vmem>>, vector<16xf32>,
        %get3A_104 = arith.index_cast %scan3A_94 : i32 to index
        %get3A_105 = arith.constant 16 : index
        %get3A_106 = tpu.vector_load %arg12[%get3A_104, %get3A_105] {strides = array<i32>} : memref<128x128xf32, #tpu.memory_space<vmem>>, vector<16xf32>,
        %div3A_107 = arith.divf %get3A_106, %max3A_98 : vector<16xf32>
        %swap3A_108 = arith.index_cast %scan3A_94 : i32 to index
        %swap3A_109 = arith.constant 16 : index
        %swap3A_110 = tpu.vector_load %arg12[%swap3A_108, %swap3A_109] {strides = array<i32>} : memref<128x128xf32, #tpu.memory_space<vmem>>, vector<16xf32>,
        tpu.vector_store %arg12[%swap3A_108, %swap3A_109], %div3A_107 {strides = array<i32>} : memref<128x128xf32, #tpu.memory_space<vmem>>, vector<16xf32>,
        %get3A_111 = arith.index_cast %scan3A_94 : i32 to index
        %get3A_112 = arith.constant 32 : index
        %get3A_113 = tpu.vector_load %arg12[%get3A_111, %get3A_112] {strides = array<i32>} : memref<128x128xf32, #tpu.memory_space<vmem>>, vector<16xf32>,
        %div3A_114 = arith.divf %get3A_113, %max3A_98 : vector<16xf32>
        %swap3A_115 = arith.index_cast %scan3A_94 : i32 to index
        %swap3A_116 = arith.constant 32 : index
        %swap3A_117 = tpu.vector_load %arg12[%swap3A_115, %swap3A_116] {strides = array<i32>} : memref<128x128xf32, #tpu.memory_space<vmem>>, vector<16xf32>,
        tpu.vector_store %arg12[%swap3A_115, %swap3A_116], %div3A_114 {strides = array<i32>} : memref<128x128xf32, #tpu.memory_space<vmem>>, vector<16xf32>,
        %get3A_118 = arith.index_cast %scan3A_94 : i32 to index
        %get3A_119 = arith.constant 48 : index
        %get3A_120 = tpu.vector_load %arg12[%get3A_118, %get3A_119] {strides = array<i32>} : memref<128x128xf32, #tpu.memory_space<vmem>>, vector<16xf32>,
        %div3A_121 = arith.divf %get3A_120, %max3A_98 : vector<16xf32>
        %swap3A_122 = arith.index_cast %scan3A_94 : i32 to index
        %swap3A_123 = arith.constant 48 : index
        %swap3A_124 = tpu.vector_load %arg12[%swap3A_122, %swap3A_123] {strides = array<i32>} : memref<128x128xf32, #tpu.memory_space<vmem>>, vector<16xf32>,
        tpu.vector_store %arg12[%swap3A_122, %swap3A_123], %div3A_121 {strides = array<i32>} : memref<128x128xf32, #tpu.memory_space<vmem>>, vector<16xf32>,
        %get3A_125 = arith.index_cast %scan3A_94 : i32 to index
        %get3A_126 = arith.constant 64 : index
        %get3A_127 = tpu.vector_load %arg12[%get3A_125, %get3A_126] {strides = array<i32>} : memref<128x128xf32, #tpu.memory_space<vmem>>, vector<16xf32>,
        %div3A_128 = arith.divf %get3A_127, %max3A_98 : vector<16xf32>
        %swap3A_129 = arith.index_cast %scan3A_94 : i32 to index
        %swap3A_130 = arith.constant 64 : index
        %swap3A_131 = tpu.vector_load %arg12[%swap3A_129, %swap3A_130] {strides = array<i32>} : memref<128x128xf32, #tpu.memory_space<vmem>>, vector<16xf32>,
        tpu.vector_store %arg12[%swap3A_129, %swap3A_130], %div3A_128 {strides = array<i32>} : memref<128x128xf32, #tpu.memory_space<vmem>>, vector<16xf32>,
        %get3A_132 = arith.index_cast %scan3A_94 : i32 to index
        %get3A_133 = arith.constant 80 : index
        %get3A_134 = tpu.vector_load %arg12[%get3A_132, %get3A_133] {strides = array<i32>} : memref<128x128xf32, #tpu.memory_space<vmem>>, vector<16xf32>,
        %div3A_135 = arith.divf %get3A_134, %max3A_98 : vector<16xf32>
        %swap3A_136 = arith.index_cast %scan3A_94 : i32 to index
        %swap3A_137 = arith.constant 80 : index
        %swap3A_138 = tpu.vector_load %arg12[%swap3A_136, %swap3A_137] {strides = array<i32>} : memref<128x128xf32, #tpu.memory_space<vmem>>, vector<16xf32>,
        tpu.vector_store %arg12[%swap3A_136, %swap3A_137], %div3A_135 {strides = array<i32>} : memref<128x128xf32, #tpu.memory_space<vmem>>, vector<16xf32>,
        %get3A_139 = arith.index_cast %scan3A_94 : i32 to index
        %get3A_140 = arith.constant 96 : index
        %get3A_141 = tpu.vector_load %arg12[%get3A_139, %get3A_140] {strides = array<i32>} : memref<128x128xf32, #tpu.memory_space<vmem>>, vector<16xf32>,
        %div3A_142 = arith.divf %get3A_141, %max3A_98 : vector<16xf32>
        %swap3A_143 = arith.index_cast %scan3A_94 : i32 to index
        %swap3A_144 = arith.constant 96 : index
        %swap3A_145 = tpu.vector_load %arg12[%swap3A_143, %swap3A_144] {strides = array<i32>} : memref<128x128xf32, #tpu.memory_space<vmem>>, vector<16xf32>,
        tpu.vector_store %arg12[%swap3A_143, %swap3A_144], %div3A_142 {strides = array<i32>} : memref<128x128xf32, #tpu.memory_space<vmem>>, vector<16xf32>,
        %get3A_146 = arith.index_cast %scan3A_94 : i32 to index
        %get3A_147 = arith.constant 112 : index
        %get3A_148 = tpu.vector_load %arg12[%get3A_146, %get3A_147] {strides = array<i32>} : memref<128x128xf32, #tpu.memory_space<vmem>>, vector<16xf32>,
        %div3A_149 = arith.divf %get3A_148, %max3A_98 : vector<16xf32>
        %swap3A_150 = arith.index_cast %scan3A_94 : i32 to index
        %swap3A_151 = arith.constant 112 : index
        %swap3A_152 = tpu.vector_load %arg12[%swap3A_150, %swap3A_151] {strides = array<i32>} : memref<128x128xf32, #tpu.memory_space<vmem>>, vector<16xf32>,
        tpu.vector_store %arg12[%swap3A_150, %swap3A_151], %div3A_149 {strides = array<i32>} : memref<128x128xf32, #tpu.memory_space<vmem>>, vector<16xf32>,
      }
      %scan3A_85 = arith.constant 128 : i32
      "tpu.region"() ({
        %run_scoped3A = tpu.sem_alloc : memref<!tpu.dma_semaphore, #tpu.memory_space<semaphore_mem>>
        %dma_start3A = arith.constant 0 : i32
        %dma_start3A_94 = tpu.memref_slice %arg9[%add3A_79, %dma_start3A] : memref<10240x128xf32, #tpu.memory_space<hbm>> -> memref<128x128xf32, #tpu.memory_space<hbm>>
        %dma_start3A_95 = arith.constant 0 : i32
        %dma_start3A_96 = tpu.memref_slice %arg9[%add3A_79, %dma_start3A_95] : memref<10240x128xf32, #tpu.memory_space<hbm>> -> memref<128x128xf32, #tpu.memory_space<hbm>>
        tpu.enqueue_dma source(%arg12 : memref<128x128xf32, #tpu.memory_space<vmem>>) target(%dma_start3A_96 : memref<128x128xf32, #tpu.memory_space<hbm>>) target_semaphore(%run_scoped3A : memref<!tpu.dma_semaphore, #tpu.memory_space<semaphore_mem>>)
        %dma_wait3A = arith.constant 0 : i32
        %dma_wait3A_97 = tpu.memref_slice %arg9[%add3A_79, %dma_wait3A] : memref<10240x128xf32, #tpu.memory_space<hbm>> -> memref<128x128xf32, #tpu.memory_space<hbm>>
        %dma_wait3A_98 = arith.constant 0 : i32
        %dma_wait3A_99 = tpu.memref_slice %arg9[%add3A_79, %dma_wait3A_98] : memref<10240x128xf32, #tpu.memory_space<hbm>> -> memref<128x128xf32, #tpu.memory_space<hbm>>
        tpu.wait_dma2 semaphore(%run_scoped3A : memref<!tpu.dma_semaphore, #tpu.memory_space<semaphore_mem>>) src(%arg12 : memref<128x128xf32, #tpu.memory_space<vmem>>) dst(%dma_wait3A_99 : memref<128x128xf32, #tpu.memory_space<hbm>>)
        tpu.yield
      }) : () -> ()
      %add3A_86 = arith.constant 512 : i32
      %add3A_87 = arith.addi %mul3A_0, %add3A_86 : i32
      "tpu.region"() ({
        %run_scoped3A = tpu.sem_alloc : memref<!tpu.dma_semaphore, #tpu.memory_space<semaphore_mem>>
        %dma_start3A = arith.constant 0 : i32
        %dma_start3A_94 = tpu.memref_slice %arg14[%add3A_87, %dma_start3A] : memref<10240x128xf32, #tpu.memory_space<vmem_shared>> -> memref<128x128xf32, #tpu.memory_space<vmem_shared>>
        %dma_start3A_95 = arith.constant 0 : i32
        %dma_start3A_96 = tpu.memref_slice %arg14[%add3A_87, %dma_start3A_95] : memref<10240x128xf32, #tpu.memory_space<vmem_shared>> -> memref<128x128xf32, #tpu.memory_space<vmem_shared>>
        tpu.enqueue_dma source(%dma_start3A_96 : memref<128x128xf32, #tpu.memory_space<vmem_shared>>) target(%arg12 : memref<128x128xf32, #tpu.memory_space<vmem>>) target_semaphore(%run_scoped3A : memref<!tpu.dma_semaphore, #tpu.memory_space<semaphore_mem>>)
        %dma_wait3A = arith.constant 0 : i32
        %dma_wait3A_97 = tpu.memref_slice %arg14[%add3A_87, %dma_wait3A] : memref<10240x128xf32, #tpu.memory_space<vmem_shared>> -> memref<128x128xf32, #tpu.memory_space<vmem_shared>>
        %dma_wait3A_98 = arith.constant 0 : i32
        %dma_wait3A_99 = tpu.memref_slice %arg14[%add3A_87, %dma_wait3A_98] : memref<10240x128xf32, #tpu.memory_space<vmem_shared>> -> memref<128x128xf32, #tpu.memory_space<vmem_shared>>
        tpu.wait_dma2 semaphore(%run_scoped3A : memref<!tpu.dma_semaphore, #tpu.memory_space<semaphore_mem>>) src(%dma_wait3A_99 : memref<128x128xf32, #tpu.memory_space<vmem_shared>>) dst(%arg12 : memref<128x128xf32, #tpu.memory_space<vmem>>)
        tpu.yield
      }) : () -> ()
      "tpu.region"() ({
        %run_scoped3A = tpu.sem_alloc : memref<!tpu.dma_semaphore, #tpu.memory_space<semaphore_mem>>
        %dma_start3A = arith.constant 0 : i32
        %dma_start3A_94 = tpu.memref_slice %arg15[%add3A_87, %dma_start3A] : memref<10240x16xf32, #tpu.memory_space<vmem_shared>> -> memref<128x16xf32, #tpu.memory_space<vmem_shared>>
        %dma_start3A_95 = arith.constant 0 : i32
        %dma_start3A_96 = tpu.memref_slice %arg15[%add3A_87, %dma_start3A_95] : memref<10240x16xf32, #tpu.memory_space<vmem_shared>> -> memref<128x16xf32, #tpu.memory_space<vmem_shared>>
        tpu.enqueue_dma source(%dma_start3A_96 : memref<128x16xf32, #tpu.memory_space<vmem_shared>>) target(%arg13 : memref<128x16xf32, #tpu.memory_space<vmem>>) target_semaphore(%run_scoped3A : memref<!tpu.dma_semaphore, #tpu.memory_space<semaphore_mem>>)
        %dma_wait3A = arith.constant 0 : i32
        %dma_wait3A_97 = tpu.memref_slice %arg15[%add3A_87, %dma_wait3A] : memref<10240x16xf32, #tpu.memory_space<vmem_shared>> -> memref<128x16xf32, #tpu.memory_space<vmem_shared>>
        %dma_wait3A_98 = arith.constant 0 : i32
        %dma_wait3A_99 = tpu.memref_slice %arg15[%add3A_87, %dma_wait3A_98] : memref<10240x16xf32, #tpu.memory_space<vmem_shared>> -> memref<128x16xf32, #tpu.memory_space<vmem_shared>>
        tpu.wait_dma2 semaphore(%run_scoped3A : memref<!tpu.dma_semaphore, #tpu.memory_space<semaphore_mem>>) src(%dma_wait3A_99 : memref<128x16xf32, #tpu.memory_space<vmem_shared>>) dst(%arg13 : memref<128x16xf32, #tpu.memory_space<vmem>>)
        tpu.yield
      }) : () -> ()
      %scan3A_88 = arith.constant 0 : i32
      %scan3A_89 = arith.constant 0 : i32
      %scan3A_90 = arith.constant 128 : i32
      %scan3A_91 = arith.addi %scan3A_89, %scan3A_90 : i32
      %scan3A_92 = arith.constant 1 : i32
      scf.for %scan3A_94 = %scan3A_89 to %scan3A_91 step %scan3A_92  : i32 {
        %get3A = arith.index_cast %scan3A_94 : i32 to index
        %get3A_95 = arith.constant 0 : index
        %get3A_96 = tpu.vector_load %arg13[%get3A, %get3A_95] {strides = array<i32>} : memref<128x16xf32, #tpu.memory_space<vmem>>, vector<16xf32>,
        %max3A = arith.constant 1.000000e+00 : f32
        %max3A_97 = vector.broadcast %max3A : f32 to vector<16xf32>
        %max3A_98 = arith.maximumf %get3A_96, %max3A_97 : vector<16xf32>
        %get3A_99 = arith.index_cast %scan3A_94 : i32 to index
        %get3A_100 = arith.constant 0 : index
        %get3A_101 = tpu.vector_load %arg12[%get3A_99, %get3A_100] {strides = array<i32>} : memref<128x128xf32, #tpu.memory_space<vmem>>, vector<16xf32>,
        %div3A = arith.divf %get3A_101, %max3A_98 : vector<16xf32>
        %swap3A = arith.index_cast %scan3A_94 : i32 to index
        %swap3A_102 = arith.constant 0 : index
        %swap3A_103 = tpu.vector_load %arg12[%swap3A, %swap3A_102] {strides = array<i32>} : memref<128x128xf32, #tpu.memory_space<vmem>>, vector<16xf32>,
        tpu.vector_store %arg12[%swap3A, %swap3A_102], %div3A {strides = array<i32>} : memref<128x128xf32, #tpu.memory_space<vmem>>, vector<16xf32>,
        %get3A_104 = arith.index_cast %scan3A_94 : i32 to index
        %get3A_105 = arith.constant 16 : index
        %get3A_106 = tpu.vector_load %arg12[%get3A_104, %get3A_105] {strides = array<i32>} : memref<128x128xf32, #tpu.memory_space<vmem>>, vector<16xf32>,
        %div3A_107 = arith.divf %get3A_106, %max3A_98 : vector<16xf32>
        %swap3A_108 = arith.index_cast %scan3A_94 : i32 to index
        %swap3A_109 = arith.constant 16 : index
        %swap3A_110 = tpu.vector_load %arg12[%swap3A_108, %swap3A_109] {strides = array<i32>} : memref<128x128xf32, #tpu.memory_space<vmem>>, vector<16xf32>,
        tpu.vector_store %arg12[%swap3A_108, %swap3A_109], %div3A_107 {strides = array<i32>} : memref<128x128xf32, #tpu.memory_space<vmem>>, vector<16xf32>,
        %get3A_111 = arith.index_cast %scan3A_94 : i32 to index
        %get3A_112 = arith.constant 32 : index
        %get3A_113 = tpu.vector_load %arg12[%get3A_111, %get3A_112] {strides = array<i32>} : memref<128x128xf32, #tpu.memory_space<vmem>>, vector<16xf32>,
        %div3A_114 = arith.divf %get3A_113, %max3A_98 : vector<16xf32>
        %swap3A_115 = arith.index_cast %scan3A_94 : i32 to index
        %swap3A_116 = arith.constant 32 : index
        %swap3A_117 = tpu.vector_load %arg12[%swap3A_115, %swap3A_116] {strides = array<i32>} : memref<128x128xf32, #tpu.memory_space<vmem>>, vector<16xf32>,
        tpu.vector_store %arg12[%swap3A_115, %swap3A_116], %div3A_114 {strides = array<i32>} : memref<128x128xf32, #tpu.memory_space<vmem>>, vector<16xf32>,
        %get3A_118 = arith.index_cast %scan3A_94 : i32 to index
        %get3A_119 = arith.constant 48 : index
        %get3A_120 = tpu.vector_load %arg12[%get3A_118, %get3A_119] {strides = array<i32>} : memref<128x128xf32, #tpu.memory_space<vmem>>, vector<16xf32>,
        %div3A_121 = arith.divf %get3A_120, %max3A_98 : vector<16xf32>
        %swap3A_122 = arith.index_cast %scan3A_94 : i32 to index
        %swap3A_123 = arith.constant 48 : index
        %swap3A_124 = tpu.vector_load %arg12[%swap3A_122, %swap3A_123] {strides = array<i32>} : memref<128x128xf32, #tpu.memory_space<vmem>>, vector<16xf32>,
        tpu.vector_store %arg12[%swap3A_122, %swap3A_123], %div3A_121 {strides = array<i32>} : memref<128x128xf32, #tpu.memory_space<vmem>>, vector<16xf32>,
        %get3A_125 = arith.index_cast %scan3A_94 : i32 to index
        %get3A_126 = arith.constant 64 : index
        %get3A_127 = tpu.vector_load %arg12[%get3A_125, %get3A_126] {strides = array<i32>} : memref<128x128xf32, #tpu.memory_space<vmem>>, vector<16xf32>,
        %div3A_128 = arith.divf %get3A_127, %max3A_98 : vector<16xf32>
        %swap3A_129 = arith.index_cast %scan3A_94 : i32 to index
        %swap3A_130 = arith.constant 64 : index
        %swap3A_131 = tpu.vector_load %arg12[%swap3A_129, %swap3A_130] {strides = array<i32>} : memref<128x128xf32, #tpu.memory_space<vmem>>, vector<16xf32>,
        tpu.vector_store %arg12[%swap3A_129, %swap3A_130], %div3A_128 {strides = array<i32>} : memref<128x128xf32, #tpu.memory_space<vmem>>, vector<16xf32>,
        %get3A_132 = arith.index_cast %scan3A_94 : i32 to index
        %get3A_133 = arith.constant 80 : index
        %get3A_134 = tpu.vector_load %arg12[%get3A_132, %get3A_133] {strides = array<i32>} : memref<128x128xf32, #tpu.memory_space<vmem>>, vector<16xf32>,
        %div3A_135 = arith.divf %get3A_134, %max3A_98 : vector<16xf32>
        %swap3A_136 = arith.index_cast %scan3A_94 : i32 to index
        %swap3A_137 = arith.constant 80 : index
        %swap3A_138 = tpu.vector_load %arg12[%swap3A_136, %swap3A_137] {strides = array<i32>} : memref<128x128xf32, #tpu.memory_space<vmem>>, vector<16xf32>,
        tpu.vector_store %arg12[%swap3A_136, %swap3A_137], %div3A_135 {strides = array<i32>} : memref<128x128xf32, #tpu.memory_space<vmem>>, vector<16xf32>,
        %get3A_139 = arith.index_cast %scan3A_94 : i32 to index
        %get3A_140 = arith.constant 96 : index
        %get3A_141 = tpu.vector_load %arg12[%get3A_139, %get3A_140] {strides = array<i32>} : memref<128x128xf32, #tpu.memory_space<vmem>>, vector<16xf32>,
        %div3A_142 = arith.divf %get3A_141, %max3A_98 : vector<16xf32>
        %swap3A_143 = arith.index_cast %scan3A_94 : i32 to index
        %swap3A_144 = arith.constant 96 : index
        %swap3A_145 = tpu.vector_load %arg12[%swap3A_143, %swap3A_144] {strides = array<i32>} : memref<128x128xf32, #tpu.memory_space<vmem>>, vector<16xf32>,
        tpu.vector_store %arg12[%swap3A_143, %swap3A_144], %div3A_142 {strides = array<i32>} : memref<128x128xf32, #tpu.memory_space<vmem>>, vector<16xf32>,
        %get3A_146 = arith.index_cast %scan3A_94 : i32 to index
        %get3A_147 = arith.constant 112 : index
        %get3A_148 = tpu.vector_load %arg12[%get3A_146, %get3A_147] {strides = array<i32>} : memref<128x128xf32, #tpu.memory_space<vmem>>, vector<16xf32>,
        %div3A_149 = arith.divf %get3A_148, %max3A_98 : vector<16xf32>
        %swap3A_150 = arith.index_cast %scan3A_94 : i32 to index
        %swap3A_151 = arith.constant 112 : index
        %swap3A_152 = tpu.vector_load %arg12[%swap3A_150, %swap3A_151] {strides = array<i32>} : memref<128x128xf32, #tpu.memory_space<vmem>>, vector<16xf32>,
        tpu.vector_store %arg12[%swap3A_150, %swap3A_151], %div3A_149 {strides = array<i32>} : memref<128x128xf32, #tpu.memory_space<vmem>>, vector<16xf32>,
      }
      %scan3A_93 = arith.constant 128 : i32
      "tpu.region"() ({
        %run_scoped3A = tpu.sem_alloc : memref<!tpu.dma_semaphore, #tpu.memory_space<semaphore_mem>>
        %dma_start3A = arith.constant 0 : i32
        %dma_start3A_94 = tpu.memref_slice %arg9[%add3A_87, %dma_start3A] : memref<10240x128xf32, #tpu.memory_space<hbm>> -> memref<128x128xf32, #tpu.memory_space<hbm>>
        %dma_start3A_95 = arith.constant 0 : i32
        %dma_start3A_96 = tpu.memref_slice %arg9[%add3A_87, %dma_start3A_95] : memref<10240x128xf32, #tpu.memory_space<hbm>> -> memref<128x128xf32, #tpu.memory_space<hbm>>
        tpu.enqueue_dma source(%arg12 : memref<128x128xf32, #tpu.memory_space<vmem>>) target(%dma_start3A_96 : memref<128x128xf32, #tpu.memory_space<hbm>>) target_semaphore(%run_scoped3A : memref<!tpu.dma_semaphore, #tpu.memory_space<semaphore_mem>>)
        %dma_wait3A = arith.constant 0 : i32
        %dma_wait3A_97 = tpu.memref_slice %arg9[%add3A_87, %dma_wait3A] : memref<10240x128xf32, #tpu.memory_space<hbm>> -> memref<128x128xf32, #tpu.memory_space<hbm>>
        %dma_wait3A_98 = arith.constant 0 : i32
        %dma_wait3A_99 = tpu.memref_slice %arg9[%add3A_87, %dma_wait3A_98] : memref<10240x128xf32, #tpu.memory_space<hbm>> -> memref<128x128xf32, #tpu.memory_space<hbm>>
        tpu.wait_dma2 semaphore(%run_scoped3A : memref<!tpu.dma_semaphore, #tpu.memory_space<semaphore_mem>>) src(%arg12 : memref<128x128xf32, #tpu.memory_space<vmem>>) dst(%dma_wait3A_99 : memref<128x128xf32, #tpu.memory_space<hbm>>)
        tpu.yield
      }) : () -> ()
    } else {
    }
    return
  }
}

#map = affine_map<(d0, d1) -> (0, 0)>
#map1 = affine_map<(d0, d1) -> (0)>
module attributes {stable_mosaic.version = 14 : i64} {
  func.func @_sc_decoder(%arg0: i32, %arg1: i32, %arg2: memref<10000x128xf32, #tpu.memory_space<hbm>>, %arg3: memref<10000x128xf32, #tpu.memory_space<hbm>>, %arg4: memref<100096xi32, #tpu.memory_space<hbm>>, %arg5: memref<100096xi32, #tpu.memory_space<hbm>>, %arg6: memref<100096xf32, #tpu.memory_space<hbm>>, %arg7: memref<128xi32, #tpu.memory_space<vmem>>, %arg8: memref<128xi32, #tpu.memory_space<vmem>>, %arg9: memref<128x128xf32, #tpu.memory_space<vmem>>, %arg10: memref<128x128xf32, #tpu.memory_space<vmem>>, %arg11: memref<128xf32, #tpu.memory_space<vmem>>, %arg12: memref<!tpu.dma_semaphore, #tpu.memory_space<semaphore_mem>>, %arg13: memref<!tpu.dma_semaphore, #tpu.memory_space<semaphore_mem>>) attributes {dimension_semantics = [#tpu.dimension_semantics<core_parallel>, #tpu.dimension_semantics<subcore_parallel>], iteration_bounds = array<i64: 2, 16>, scalar_prefetch = 0 : i64, scratch_operands = 7 : i64, tpu.core_type = #tpu.core_type<sc_vector_subcore>, window_params = [{transform_indices = #map}, {transform_indices = #map}, {transform_indices = #map1}, {transform_indices = #map1}, {transform_indices = #map1}]} {
    %mul3A = arith.constant 2 : i32
    %mul3A_0 = arith.muli %arg1, %mul3A : i32
    %add3A = arith.addi %mul3A_0, %arg0 : i32
    %scan3A = arith.constant 0 : i32
    %scan3A_1 = arith.constant 0 : i32
    %scan3A_2 = arith.constant 25 : i32
    %scan3A_3 = arith.addi %scan3A_1, %scan3A_2 : i32
    %scan3A_4 = arith.constant 1 : i32
    scf.for %scan3A_6 = %scan3A_1 to %scan3A_3 step %scan3A_4  : i32 {
      %mul3A_7 = arith.constant 32 : i32
      %mul3A_8 = arith.muli %scan3A_6, %mul3A_7 : i32
      %add3A_9 = arith.addi %add3A, %mul3A_8 : i32
      %lt3A = arith.constant 782 : i32
      %lt3A_10 = arith.cmpi slt, %add3A_9, %lt3A : i32
      %convert_element_type3A = arith.extui %lt3A_10 : i1 to i32
      %cond3A = arith.constant 0 : i32
      %cond3A_11 = arith.cmpi ne, %convert_element_type3A, %cond3A : i32
      scf.if %cond3A_11 {
        %mul3A_12 = arith.constant 128 : i32
        %mul3A_13 = arith.muli %add3A_9, %mul3A_12 : i32
        "tpu.region"() ({
          %run_scoped3A = tpu.sem_alloc : memref<!tpu.dma_semaphore, #tpu.memory_space<semaphore_mem>>
          %dma_start3A_30 = tpu.memref_slice %arg4[%mul3A_13] : memref<100096xi32, #tpu.memory_space<hbm>> -> memref<128xi32, #tpu.memory_space<hbm>>
          %dma_start3A_31 = tpu.memref_slice %arg4[%mul3A_13] : memref<100096xi32, #tpu.memory_space<hbm>> -> memref<128xi32, #tpu.memory_space<hbm>>
          tpu.enqueue_dma source(%dma_start3A_31 : memref<128xi32, #tpu.memory_space<hbm>>) target(%arg7 : memref<128xi32, #tpu.memory_space<vmem>>) target_semaphore(%run_scoped3A : memref<!tpu.dma_semaphore, #tpu.memory_space<semaphore_mem>>)
          %dma_wait3A_32 = tpu.memref_slice %arg4[%mul3A_13] : memref<100096xi32, #tpu.memory_space<hbm>> -> memref<128xi32, #tpu.memory_space<hbm>>
          %dma_wait3A_33 = tpu.memref_slice %arg4[%mul3A_13] : memref<100096xi32, #tpu.memory_space<hbm>> -> memref<128xi32, #tpu.memory_space<hbm>>
          tpu.wait_dma2 semaphore(%run_scoped3A : memref<!tpu.dma_semaphore, #tpu.memory_space<semaphore_mem>>) src(%dma_wait3A_33 : memref<128xi32, #tpu.memory_space<hbm>>) dst(%arg7 : memref<128xi32, #tpu.memory_space<vmem>>)
          tpu.yield
        }) : () -> ()
        "tpu.region"() ({
          %run_scoped3A = tpu.sem_alloc : memref<!tpu.dma_semaphore, #tpu.memory_space<semaphore_mem>>
          %dma_start3A_30 = tpu.memref_slice %arg5[%mul3A_13] : memref<100096xi32, #tpu.memory_space<hbm>> -> memref<128xi32, #tpu.memory_space<hbm>>
          %dma_start3A_31 = tpu.memref_slice %arg5[%mul3A_13] : memref<100096xi32, #tpu.memory_space<hbm>> -> memref<128xi32, #tpu.memory_space<hbm>>
          tpu.enqueue_dma source(%dma_start3A_31 : memref<128xi32, #tpu.memory_space<hbm>>) target(%arg8 : memref<128xi32, #tpu.memory_space<vmem>>) target_semaphore(%run_scoped3A : memref<!tpu.dma_semaphore, #tpu.memory_space<semaphore_mem>>)
          %dma_wait3A_32 = tpu.memref_slice %arg5[%mul3A_13] : memref<100096xi32, #tpu.memory_space<hbm>> -> memref<128xi32, #tpu.memory_space<hbm>>
          %dma_wait3A_33 = tpu.memref_slice %arg5[%mul3A_13] : memref<100096xi32, #tpu.memory_space<hbm>> -> memref<128xi32, #tpu.memory_space<hbm>>
          tpu.wait_dma2 semaphore(%run_scoped3A : memref<!tpu.dma_semaphore, #tpu.memory_space<semaphore_mem>>) src(%dma_wait3A_33 : memref<128xi32, #tpu.memory_space<hbm>>) dst(%arg8 : memref<128xi32, #tpu.memory_space<vmem>>)
          tpu.yield
        }) : () -> ()
        %dma_start3A = arith.constant 0 : i32
        %dma_start3A_14 = arith.constant 0 : i32
        %dma_start3A_15 = tpu.memref_slice %arg2[%dma_start3A, %dma_start3A_14] : memref<10000x128xf32, #tpu.memory_space<hbm>> -> memref<10000x128xf32, #tpu.memory_space<hbm>>
        tpu.enqueue_indirect_dma source(%dma_start3A_15 : memref<10000x128xf32, #tpu.memory_space<hbm>>) target(%arg9 : memref<128x128xf32, #tpu.memory_space<vmem>>) offsets(%arg7 : memref<128xi32, #tpu.memory_space<vmem>>) semaphore(%arg12 : memref<!tpu.dma_semaphore, #tpu.memory_space<semaphore_mem>>)
        %dma_start3A_16 = arith.constant 0 : i32
        %dma_start3A_17 = arith.constant 0 : i32
        %dma_start3A_18 = tpu.memref_slice %arg3[%dma_start3A_16, %dma_start3A_17] : memref<10000x128xf32, #tpu.memory_space<hbm>> -> memref<10000x128xf32, #tpu.memory_space<hbm>>
        tpu.enqueue_indirect_dma source(%dma_start3A_18 : memref<10000x128xf32, #tpu.memory_space<hbm>>) target(%arg10 : memref<128x128xf32, #tpu.memory_space<vmem>>) offsets(%arg8 : memref<128xi32, #tpu.memory_space<vmem>>) semaphore(%arg13 : memref<!tpu.dma_semaphore, #tpu.memory_space<semaphore_mem>>)
        %dma_wait3A = arith.constant 0 : i32
        %dma_wait3A_19 = arith.constant 0 : i32
        %dma_wait3A_20 = tpu.memref_slice %arg2[%dma_wait3A, %dma_wait3A_19] : memref<10000x128xf32, #tpu.memory_space<hbm>> -> memref<10000x128xf32, #tpu.memory_space<hbm>>
        tpu.wait_indirect_dma semaphore(%arg12 : memref<!tpu.dma_semaphore, #tpu.memory_space<semaphore_mem>>) src(%dma_wait3A_20 : memref<10000x128xf32, #tpu.memory_space<hbm>>) dst(%arg9 : memref<128x128xf32, #tpu.memory_space<vmem>>)
        %dma_wait3A_21 = arith.constant 0 : i32
        %dma_wait3A_22 = arith.constant 0 : i32
        %dma_wait3A_23 = tpu.memref_slice %arg3[%dma_wait3A_21, %dma_wait3A_22] : memref<10000x128xf32, #tpu.memory_space<hbm>> -> memref<10000x128xf32, #tpu.memory_space<hbm>>
        tpu.wait_indirect_dma semaphore(%arg13 : memref<!tpu.dma_semaphore, #tpu.memory_space<semaphore_mem>>) src(%dma_wait3A_23 : memref<10000x128xf32, #tpu.memory_space<hbm>>) dst(%arg10 : memref<128x128xf32, #tpu.memory_space<vmem>>)
        %iota3A = tpu.iota {dimensions = array<i32: 0>} : vector<16xi32>
        %scan3A_24 = arith.constant 0 : i32
        %scan3A_25 = arith.constant 0 : i32
        %scan3A_26 = arith.constant 8 : i32
        %scan3A_27 = arith.addi %scan3A_25, %scan3A_26 : i32
        %scan3A_28 = arith.constant 1 : i32
        scf.for %scan3A_30 = %scan3A_25 to %scan3A_27 step %scan3A_28  : i32 {
          %mul3A_31 = arith.constant 16 : i32
          %mul3A_32 = arith.muli %scan3A_30, %mul3A_31 : i32
          %add3A_33 = vector.broadcast %mul3A_32 : i32 to vector<16xi32>
          %add3A_34 = arith.addi %add3A_33, %iota3A : vector<16xi32>
          %broadcast_in_dim3A = arith.constant 0 : i32
          %broadcast_in_dim3A_35 = vector.broadcast %broadcast_in_dim3A : i32 to vector<16xi32>
          %gather3A = tpu.vector_load_idx %arg9[%add3A_34, %broadcast_in_dim3A_35] : memref<128x128xf32, #tpu.memory_space<vmem>>[vector<16xi32>, vector<16xi32>], vector<16xf32>,
          %gather3A_36 = tpu.vector_load_idx %arg10[%add3A_34, %broadcast_in_dim3A_35] : memref<128x128xf32, #tpu.memory_space<vmem>>[vector<16xi32>, vector<16xi32>], vector<16xf32>,
          %mul3A_37 = arith.mulf %gather3A, %gather3A_36 : vector<16xf32>
          %broadcast_in_dim3A_38 = arith.constant 1 : i32
          %broadcast_in_dim3A_39 = vector.broadcast %broadcast_in_dim3A_38 : i32 to vector<16xi32>
          %gather3A_40 = tpu.vector_load_idx %arg9[%add3A_34, %broadcast_in_dim3A_39] : memref<128x128xf32, #tpu.memory_space<vmem>>[vector<16xi32>, vector<16xi32>], vector<16xf32>,
          %gather3A_41 = tpu.vector_load_idx %arg10[%add3A_34, %broadcast_in_dim3A_39] : memref<128x128xf32, #tpu.memory_space<vmem>>[vector<16xi32>, vector<16xi32>], vector<16xf32>,
          %mul3A_42 = arith.mulf %gather3A_40, %gather3A_41 : vector<16xf32>
          %add3A_43 = arith.addf %mul3A_37, %mul3A_42 : vector<16xf32>
          %broadcast_in_dim3A_44 = arith.constant 2 : i32
          %broadcast_in_dim3A_45 = vector.broadcast %broadcast_in_dim3A_44 : i32 to vector<16xi32>
          %gather3A_46 = tpu.vector_load_idx %arg9[%add3A_34, %broadcast_in_dim3A_45] : memref<128x128xf32, #tpu.memory_space<vmem>>[vector<16xi32>, vector<16xi32>], vector<16xf32>,
          %gather3A_47 = tpu.vector_load_idx %arg10[%add3A_34, %broadcast_in_dim3A_45] : memref<128x128xf32, #tpu.memory_space<vmem>>[vector<16xi32>, vector<16xi32>], vector<16xf32>,
          %mul3A_48 = arith.mulf %gather3A_46, %gather3A_47 : vector<16xf32>
          %add3A_49 = arith.addf %add3A_43, %mul3A_48 : vector<16xf32>
          %broadcast_in_dim3A_50 = arith.constant 3 : i32
          %broadcast_in_dim3A_51 = vector.broadcast %broadcast_in_dim3A_50 : i32 to vector<16xi32>
          %gather3A_52 = tpu.vector_load_idx %arg9[%add3A_34, %broadcast_in_dim3A_51] : memref<128x128xf32, #tpu.memory_space<vmem>>[vector<16xi32>, vector<16xi32>], vector<16xf32>,
          %gather3A_53 = tpu.vector_load_idx %arg10[%add3A_34, %broadcast_in_dim3A_51] : memref<128x128xf32, #tpu.memory_space<vmem>>[vector<16xi32>, vector<16xi32>], vector<16xf32>,
          %mul3A_54 = arith.mulf %gather3A_52, %gather3A_53 : vector<16xf32>
          %add3A_55 = arith.addf %add3A_49, %mul3A_54 : vector<16xf32>
          %broadcast_in_dim3A_56 = arith.constant 4 : i32
          %broadcast_in_dim3A_57 = vector.broadcast %broadcast_in_dim3A_56 : i32 to vector<16xi32>
          %gather3A_58 = tpu.vector_load_idx %arg9[%add3A_34, %broadcast_in_dim3A_57] : memref<128x128xf32, #tpu.memory_space<vmem>>[vector<16xi32>, vector<16xi32>], vector<16xf32>,
          %gather3A_59 = tpu.vector_load_idx %arg10[%add3A_34, %broadcast_in_dim3A_57] : memref<128x128xf32, #tpu.memory_space<vmem>>[vector<16xi32>, vector<16xi32>], vector<16xf32>,
          %mul3A_60 = arith.mulf %gather3A_58, %gather3A_59 : vector<16xf32>
          %add3A_61 = arith.addf %add3A_55, %mul3A_60 : vector<16xf32>
          %broadcast_in_dim3A_62 = arith.constant 5 : i32
          %broadcast_in_dim3A_63 = vector.broadcast %broadcast_in_dim3A_62 : i32 to vector<16xi32>
          %gather3A_64 = tpu.vector_load_idx %arg9[%add3A_34, %broadcast_in_dim3A_63] : memref<128x128xf32, #tpu.memory_space<vmem>>[vector<16xi32>, vector<16xi32>], vector<16xf32>,
          %gather3A_65 = tpu.vector_load_idx %arg10[%add3A_34, %broadcast_in_dim3A_63] : memref<128x128xf32, #tpu.memory_space<vmem>>[vector<16xi32>, vector<16xi32>], vector<16xf32>,
          %mul3A_66 = arith.mulf %gather3A_64, %gather3A_65 : vector<16xf32>
          %add3A_67 = arith.addf %add3A_61, %mul3A_66 : vector<16xf32>
          %broadcast_in_dim3A_68 = arith.constant 6 : i32
          %broadcast_in_dim3A_69 = vector.broadcast %broadcast_in_dim3A_68 : i32 to vector<16xi32>
          %gather3A_70 = tpu.vector_load_idx %arg9[%add3A_34, %broadcast_in_dim3A_69] : memref<128x128xf32, #tpu.memory_space<vmem>>[vector<16xi32>, vector<16xi32>], vector<16xf32>,
          %gather3A_71 = tpu.vector_load_idx %arg10[%add3A_34, %broadcast_in_dim3A_69] : memref<128x128xf32, #tpu.memory_space<vmem>>[vector<16xi32>, vector<16xi32>], vector<16xf32>,
          %mul3A_72 = arith.mulf %gather3A_70, %gather3A_71 : vector<16xf32>
          %add3A_73 = arith.addf %add3A_67, %mul3A_72 : vector<16xf32>
          %broadcast_in_dim3A_74 = arith.constant 7 : i32
          %broadcast_in_dim3A_75 = vector.broadcast %broadcast_in_dim3A_74 : i32 to vector<16xi32>
          %gather3A_76 = tpu.vector_load_idx %arg9[%add3A_34, %broadcast_in_dim3A_75] : memref<128x128xf32, #tpu.memory_space<vmem>>[vector<16xi32>, vector<16xi32>], vector<16xf32>,
          %gather3A_77 = tpu.vector_load_idx %arg10[%add3A_34, %broadcast_in_dim3A_75] : memref<128x128xf32, #tpu.memory_space<vmem>>[vector<16xi32>, vector<16xi32>], vector<16xf32>,
          %mul3A_78 = arith.mulf %gather3A_76, %gather3A_77 : vector<16xf32>
          %add3A_79 = arith.addf %add3A_73, %mul3A_78 : vector<16xf32>
          %broadcast_in_dim3A_80 = arith.constant 8 : i32
          %broadcast_in_dim3A_81 = vector.broadcast %broadcast_in_dim3A_80 : i32 to vector<16xi32>
          %gather3A_82 = tpu.vector_load_idx %arg9[%add3A_34, %broadcast_in_dim3A_81] : memref<128x128xf32, #tpu.memory_space<vmem>>[vector<16xi32>, vector<16xi32>], vector<16xf32>,
          %gather3A_83 = tpu.vector_load_idx %arg10[%add3A_34, %broadcast_in_dim3A_81] : memref<128x128xf32, #tpu.memory_space<vmem>>[vector<16xi32>, vector<16xi32>], vector<16xf32>,
          %mul3A_84 = arith.mulf %gather3A_82, %gather3A_83 : vector<16xf32>
          %add3A_85 = arith.addf %add3A_79, %mul3A_84 : vector<16xf32>
          %broadcast_in_dim3A_86 = arith.constant 9 : i32
          %broadcast_in_dim3A_87 = vector.broadcast %broadcast_in_dim3A_86 : i32 to vector<16xi32>
          %gather3A_88 = tpu.vector_load_idx %arg9[%add3A_34, %broadcast_in_dim3A_87] : memref<128x128xf32, #tpu.memory_space<vmem>>[vector<16xi32>, vector<16xi32>], vector<16xf32>,
          %gather3A_89 = tpu.vector_load_idx %arg10[%add3A_34, %broadcast_in_dim3A_87] : memref<128x128xf32, #tpu.memory_space<vmem>>[vector<16xi32>, vector<16xi32>], vector<16xf32>,
          %mul3A_90 = arith.mulf %gather3A_88, %gather3A_89 : vector<16xf32>
          %add3A_91 = arith.addf %add3A_85, %mul3A_90 : vector<16xf32>
          %broadcast_in_dim3A_92 = arith.constant 10 : i32
          %broadcast_in_dim3A_93 = vector.broadcast %broadcast_in_dim3A_92 : i32 to vector<16xi32>
          %gather3A_94 = tpu.vector_load_idx %arg9[%add3A_34, %broadcast_in_dim3A_93] : memref<128x128xf32, #tpu.memory_space<vmem>>[vector<16xi32>, vector<16xi32>], vector<16xf32>,
          %gather3A_95 = tpu.vector_load_idx %arg10[%add3A_34, %broadcast_in_dim3A_93] : memref<128x128xf32, #tpu.memory_space<vmem>>[vector<16xi32>, vector<16xi32>], vector<16xf32>,
          %mul3A_96 = arith.mulf %gather3A_94, %gather3A_95 : vector<16xf32>
          %add3A_97 = arith.addf %add3A_91, %mul3A_96 : vector<16xf32>
          %broadcast_in_dim3A_98 = arith.constant 11 : i32
          %broadcast_in_dim3A_99 = vector.broadcast %broadcast_in_dim3A_98 : i32 to vector<16xi32>
          %gather3A_100 = tpu.vector_load_idx %arg9[%add3A_34, %broadcast_in_dim3A_99] : memref<128x128xf32, #tpu.memory_space<vmem>>[vector<16xi32>, vector<16xi32>], vector<16xf32>,
          %gather3A_101 = tpu.vector_load_idx %arg10[%add3A_34, %broadcast_in_dim3A_99] : memref<128x128xf32, #tpu.memory_space<vmem>>[vector<16xi32>, vector<16xi32>], vector<16xf32>,
          %mul3A_102 = arith.mulf %gather3A_100, %gather3A_101 : vector<16xf32>
          %add3A_103 = arith.addf %add3A_97, %mul3A_102 : vector<16xf32>
          %broadcast_in_dim3A_104 = arith.constant 12 : i32
          %broadcast_in_dim3A_105 = vector.broadcast %broadcast_in_dim3A_104 : i32 to vector<16xi32>
          %gather3A_106 = tpu.vector_load_idx %arg9[%add3A_34, %broadcast_in_dim3A_105] : memref<128x128xf32, #tpu.memory_space<vmem>>[vector<16xi32>, vector<16xi32>], vector<16xf32>,
          %gather3A_107 = tpu.vector_load_idx %arg10[%add3A_34, %broadcast_in_dim3A_105] : memref<128x128xf32, #tpu.memory_space<vmem>>[vector<16xi32>, vector<16xi32>], vector<16xf32>,
          %mul3A_108 = arith.mulf %gather3A_106, %gather3A_107 : vector<16xf32>
          %add3A_109 = arith.addf %add3A_103, %mul3A_108 : vector<16xf32>
          %broadcast_in_dim3A_110 = arith.constant 13 : i32
          %broadcast_in_dim3A_111 = vector.broadcast %broadcast_in_dim3A_110 : i32 to vector<16xi32>
          %gather3A_112 = tpu.vector_load_idx %arg9[%add3A_34, %broadcast_in_dim3A_111] : memref<128x128xf32, #tpu.memory_space<vmem>>[vector<16xi32>, vector<16xi32>], vector<16xf32>,
          %gather3A_113 = tpu.vector_load_idx %arg10[%add3A_34, %broadcast_in_dim3A_111] : memref<128x128xf32, #tpu.memory_space<vmem>>[vector<16xi32>, vector<16xi32>], vector<16xf32>,
          %mul3A_114 = arith.mulf %gather3A_112, %gather3A_113 : vector<16xf32>
          %add3A_115 = arith.addf %add3A_109, %mul3A_114 : vector<16xf32>
          %broadcast_in_dim3A_116 = arith.constant 14 : i32
          %broadcast_in_dim3A_117 = vector.broadcast %broadcast_in_dim3A_116 : i32 to vector<16xi32>
          %gather3A_118 = tpu.vector_load_idx %arg9[%add3A_34, %broadcast_in_dim3A_117] : memref<128x128xf32, #tpu.memory_space<vmem>>[vector<16xi32>, vector<16xi32>], vector<16xf32>,
          %gather3A_119 = tpu.vector_load_idx %arg10[%add3A_34, %broadcast_in_dim3A_117] : memref<128x128xf32, #tpu.memory_space<vmem>>[vector<16xi32>, vector<16xi32>], vector<16xf32>,
          %mul3A_120 = arith.mulf %gather3A_118, %gather3A_119 : vector<16xf32>
          %add3A_121 = arith.addf %add3A_115, %mul3A_120 : vector<16xf32>
          %broadcast_in_dim3A_122 = arith.constant 15 : i32
          %broadcast_in_dim3A_123 = vector.broadcast %broadcast_in_dim3A_122 : i32 to vector<16xi32>
          %gather3A_124 = tpu.vector_load_idx %arg9[%add3A_34, %broadcast_in_dim3A_123] : memref<128x128xf32, #tpu.memory_space<vmem>>[vector<16xi32>, vector<16xi32>], vector<16xf32>,
          %gather3A_125 = tpu.vector_load_idx %arg10[%add3A_34, %broadcast_in_dim3A_123] : memref<128x128xf32, #tpu.memory_space<vmem>>[vector<16xi32>, vector<16xi32>], vector<16xf32>,
          %mul3A_126 = arith.mulf %gather3A_124, %gather3A_125 : vector<16xf32>
          %add3A_127 = arith.addf %add3A_121, %mul3A_126 : vector<16xf32>
          %broadcast_in_dim3A_128 = arith.constant 16 : i32
          %broadcast_in_dim3A_129 = vector.broadcast %broadcast_in_dim3A_128 : i32 to vector<16xi32>
          %gather3A_130 = tpu.vector_load_idx %arg9[%add3A_34, %broadcast_in_dim3A_129] : memref<128x128xf32, #tpu.memory_space<vmem>>[vector<16xi32>, vector<16xi32>], vector<16xf32>,
          %gather3A_131 = tpu.vector_load_idx %arg10[%add3A_34, %broadcast_in_dim3A_129] : memref<128x128xf32, #tpu.memory_space<vmem>>[vector<16xi32>, vector<16xi32>], vector<16xf32>,
          %mul3A_132 = arith.mulf %gather3A_130, %gather3A_131 : vector<16xf32>
          %add3A_133 = arith.addf %add3A_127, %mul3A_132 : vector<16xf32>
          %broadcast_in_dim3A_134 = arith.constant 17 : i32
          %broadcast_in_dim3A_135 = vector.broadcast %broadcast_in_dim3A_134 : i32 to vector<16xi32>
          %gather3A_136 = tpu.vector_load_idx %arg9[%add3A_34, %broadcast_in_dim3A_135] : memref<128x128xf32, #tpu.memory_space<vmem>>[vector<16xi32>, vector<16xi32>], vector<16xf32>,
          %gather3A_137 = tpu.vector_load_idx %arg10[%add3A_34, %broadcast_in_dim3A_135] : memref<128x128xf32, #tpu.memory_space<vmem>>[vector<16xi32>, vector<16xi32>], vector<16xf32>,
          %mul3A_138 = arith.mulf %gather3A_136, %gather3A_137 : vector<16xf32>
          %add3A_139 = arith.addf %add3A_133, %mul3A_138 : vector<16xf32>
          %broadcast_in_dim3A_140 = arith.constant 18 : i32
          %broadcast_in_dim3A_141 = vector.broadcast %broadcast_in_dim3A_140 : i32 to vector<16xi32>
          %gather3A_142 = tpu.vector_load_idx %arg9[%add3A_34, %broadcast_in_dim3A_141] : memref<128x128xf32, #tpu.memory_space<vmem>>[vector<16xi32>, vector<16xi32>], vector<16xf32>,
          %gather3A_143 = tpu.vector_load_idx %arg10[%add3A_34, %broadcast_in_dim3A_141] : memref<128x128xf32, #tpu.memory_space<vmem>>[vector<16xi32>, vector<16xi32>], vector<16xf32>,
          %mul3A_144 = arith.mulf %gather3A_142, %gather3A_143 : vector<16xf32>
          %add3A_145 = arith.addf %add3A_139, %mul3A_144 : vector<16xf32>
          %broadcast_in_dim3A_146 = arith.constant 19 : i32
          %broadcast_in_dim3A_147 = vector.broadcast %broadcast_in_dim3A_146 : i32 to vector<16xi32>
          %gather3A_148 = tpu.vector_load_idx %arg9[%add3A_34, %broadcast_in_dim3A_147] : memref<128x128xf32, #tpu.memory_space<vmem>>[vector<16xi32>, vector<16xi32>], vector<16xf32>,
          %gather3A_149 = tpu.vector_load_idx %arg10[%add3A_34, %broadcast_in_dim3A_147] : memref<128x128xf32, #tpu.memory_space<vmem>>[vector<16xi32>, vector<16xi32>], vector<16xf32>,
          %mul3A_150 = arith.mulf %gather3A_148, %gather3A_149 : vector<16xf32>
          %add3A_151 = arith.addf %add3A_145, %mul3A_150 : vector<16xf32>
          %broadcast_in_dim3A_152 = arith.constant 20 : i32
          %broadcast_in_dim3A_153 = vector.broadcast %broadcast_in_dim3A_152 : i32 to vector<16xi32>
          %gather3A_154 = tpu.vector_load_idx %arg9[%add3A_34, %broadcast_in_dim3A_153] : memref<128x128xf32, #tpu.memory_space<vmem>>[vector<16xi32>, vector<16xi32>], vector<16xf32>,
          %gather3A_155 = tpu.vector_load_idx %arg10[%add3A_34, %broadcast_in_dim3A_153] : memref<128x128xf32, #tpu.memory_space<vmem>>[vector<16xi32>, vector<16xi32>], vector<16xf32>,
          %mul3A_156 = arith.mulf %gather3A_154, %gather3A_155 : vector<16xf32>
          %add3A_157 = arith.addf %add3A_151, %mul3A_156 : vector<16xf32>
          %broadcast_in_dim3A_158 = arith.constant 21 : i32
          %broadcast_in_dim3A_159 = vector.broadcast %broadcast_in_dim3A_158 : i32 to vector<16xi32>
          %gather3A_160 = tpu.vector_load_idx %arg9[%add3A_34, %broadcast_in_dim3A_159] : memref<128x128xf32, #tpu.memory_space<vmem>>[vector<16xi32>, vector<16xi32>], vector<16xf32>,
          %gather3A_161 = tpu.vector_load_idx %arg10[%add3A_34, %broadcast_in_dim3A_159] : memref<128x128xf32, #tpu.memory_space<vmem>>[vector<16xi32>, vector<16xi32>], vector<16xf32>,
          %mul3A_162 = arith.mulf %gather3A_160, %gather3A_161 : vector<16xf32>
          %add3A_163 = arith.addf %add3A_157, %mul3A_162 : vector<16xf32>
          %broadcast_in_dim3A_164 = arith.constant 22 : i32
          %broadcast_in_dim3A_165 = vector.broadcast %broadcast_in_dim3A_164 : i32 to vector<16xi32>
          %gather3A_166 = tpu.vector_load_idx %arg9[%add3A_34, %broadcast_in_dim3A_165] : memref<128x128xf32, #tpu.memory_space<vmem>>[vector<16xi32>, vector<16xi32>], vector<16xf32>,
          %gather3A_167 = tpu.vector_load_idx %arg10[%add3A_34, %broadcast_in_dim3A_165] : memref<128x128xf32, #tpu.memory_space<vmem>>[vector<16xi32>, vector<16xi32>], vector<16xf32>,
          %mul3A_168 = arith.mulf %gather3A_166, %gather3A_167 : vector<16xf32>
          %add3A_169 = arith.addf %add3A_163, %mul3A_168 : vector<16xf32>
          %broadcast_in_dim3A_170 = arith.constant 23 : i32
          %broadcast_in_dim3A_171 = vector.broadcast %broadcast_in_dim3A_170 : i32 to vector<16xi32>
          %gather3A_172 = tpu.vector_load_idx %arg9[%add3A_34, %broadcast_in_dim3A_171] : memref<128x128xf32, #tpu.memory_space<vmem>>[vector<16xi32>, vector<16xi32>], vector<16xf32>,
          %gather3A_173 = tpu.vector_load_idx %arg10[%add3A_34, %broadcast_in_dim3A_171] : memref<128x128xf32, #tpu.memory_space<vmem>>[vector<16xi32>, vector<16xi32>], vector<16xf32>,
          %mul3A_174 = arith.mulf %gather3A_172, %gather3A_173 : vector<16xf32>
          %add3A_175 = arith.addf %add3A_169, %mul3A_174 : vector<16xf32>
          %broadcast_in_dim3A_176 = arith.constant 24 : i32
          %broadcast_in_dim3A_177 = vector.broadcast %broadcast_in_dim3A_176 : i32 to vector<16xi32>
          %gather3A_178 = tpu.vector_load_idx %arg9[%add3A_34, %broadcast_in_dim3A_177] : memref<128x128xf32, #tpu.memory_space<vmem>>[vector<16xi32>, vector<16xi32>], vector<16xf32>,
          %gather3A_179 = tpu.vector_load_idx %arg10[%add3A_34, %broadcast_in_dim3A_177] : memref<128x128xf32, #tpu.memory_space<vmem>>[vector<16xi32>, vector<16xi32>], vector<16xf32>,
          %mul3A_180 = arith.mulf %gather3A_178, %gather3A_179 : vector<16xf32>
          %add3A_181 = arith.addf %add3A_175, %mul3A_180 : vector<16xf32>
          %broadcast_in_dim3A_182 = arith.constant 25 : i32
          %broadcast_in_dim3A_183 = vector.broadcast %broadcast_in_dim3A_182 : i32 to vector<16xi32>
          %gather3A_184 = tpu.vector_load_idx %arg9[%add3A_34, %broadcast_in_dim3A_183] : memref<128x128xf32, #tpu.memory_space<vmem>>[vector<16xi32>, vector<16xi32>], vector<16xf32>,
          %gather3A_185 = tpu.vector_load_idx %arg10[%add3A_34, %broadcast_in_dim3A_183] : memref<128x128xf32, #tpu.memory_space<vmem>>[vector<16xi32>, vector<16xi32>], vector<16xf32>,
          %mul3A_186 = arith.mulf %gather3A_184, %gather3A_185 : vector<16xf32>
          %add3A_187 = arith.addf %add3A_181, %mul3A_186 : vector<16xf32>
          %broadcast_in_dim3A_188 = arith.constant 26 : i32
          %broadcast_in_dim3A_189 = vector.broadcast %broadcast_in_dim3A_188 : i32 to vector<16xi32>
          %gather3A_190 = tpu.vector_load_idx %arg9[%add3A_34, %broadcast_in_dim3A_189] : memref<128x128xf32, #tpu.memory_space<vmem>>[vector<16xi32>, vector<16xi32>], vector<16xf32>,
          %gather3A_191 = tpu.vector_load_idx %arg10[%add3A_34, %broadcast_in_dim3A_189] : memref<128x128xf32, #tpu.memory_space<vmem>>[vector<16xi32>, vector<16xi32>], vector<16xf32>,
          %mul3A_192 = arith.mulf %gather3A_190, %gather3A_191 : vector<16xf32>
          %add3A_193 = arith.addf %add3A_187, %mul3A_192 : vector<16xf32>
          %broadcast_in_dim3A_194 = arith.constant 27 : i32
          %broadcast_in_dim3A_195 = vector.broadcast %broadcast_in_dim3A_194 : i32 to vector<16xi32>
          %gather3A_196 = tpu.vector_load_idx %arg9[%add3A_34, %broadcast_in_dim3A_195] : memref<128x128xf32, #tpu.memory_space<vmem>>[vector<16xi32>, vector<16xi32>], vector<16xf32>,
          %gather3A_197 = tpu.vector_load_idx %arg10[%add3A_34, %broadcast_in_dim3A_195] : memref<128x128xf32, #tpu.memory_space<vmem>>[vector<16xi32>, vector<16xi32>], vector<16xf32>,
          %mul3A_198 = arith.mulf %gather3A_196, %gather3A_197 : vector<16xf32>
          %add3A_199 = arith.addf %add3A_193, %mul3A_198 : vector<16xf32>
          %broadcast_in_dim3A_200 = arith.constant 28 : i32
          %broadcast_in_dim3A_201 = vector.broadcast %broadcast_in_dim3A_200 : i32 to vector<16xi32>
          %gather3A_202 = tpu.vector_load_idx %arg9[%add3A_34, %broadcast_in_dim3A_201] : memref<128x128xf32, #tpu.memory_space<vmem>>[vector<16xi32>, vector<16xi32>], vector<16xf32>,
          %gather3A_203 = tpu.vector_load_idx %arg10[%add3A_34, %broadcast_in_dim3A_201] : memref<128x128xf32, #tpu.memory_space<vmem>>[vector<16xi32>, vector<16xi32>], vector<16xf32>,
          %mul3A_204 = arith.mulf %gather3A_202, %gather3A_203 : vector<16xf32>
          %add3A_205 = arith.addf %add3A_199, %mul3A_204 : vector<16xf32>
          %broadcast_in_dim3A_206 = arith.constant 29 : i32
          %broadcast_in_dim3A_207 = vector.broadcast %broadcast_in_dim3A_206 : i32 to vector<16xi32>
          %gather3A_208 = tpu.vector_load_idx %arg9[%add3A_34, %broadcast_in_dim3A_207] : memref<128x128xf32, #tpu.memory_space<vmem>>[vector<16xi32>, vector<16xi32>], vector<16xf32>,
          %gather3A_209 = tpu.vector_load_idx %arg10[%add3A_34, %broadcast_in_dim3A_207] : memref<128x128xf32, #tpu.memory_space<vmem>>[vector<16xi32>, vector<16xi32>], vector<16xf32>,
          %mul3A_210 = arith.mulf %gather3A_208, %gather3A_209 : vector<16xf32>
          %add3A_211 = arith.addf %add3A_205, %mul3A_210 : vector<16xf32>
          %broadcast_in_dim3A_212 = arith.constant 30 : i32
          %broadcast_in_dim3A_213 = vector.broadcast %broadcast_in_dim3A_212 : i32 to vector<16xi32>
          %gather3A_214 = tpu.vector_load_idx %arg9[%add3A_34, %broadcast_in_dim3A_213] : memref<128x128xf32, #tpu.memory_space<vmem>>[vector<16xi32>, vector<16xi32>], vector<16xf32>,
          %gather3A_215 = tpu.vector_load_idx %arg10[%add3A_34, %broadcast_in_dim3A_213] : memref<128x128xf32, #tpu.memory_space<vmem>>[vector<16xi32>, vector<16xi32>], vector<16xf32>,
          %mul3A_216 = arith.mulf %gather3A_214, %gather3A_215 : vector<16xf32>
          %add3A_217 = arith.addf %add3A_211, %mul3A_216 : vector<16xf32>
          %broadcast_in_dim3A_218 = arith.constant 31 : i32
          %broadcast_in_dim3A_219 = vector.broadcast %broadcast_in_dim3A_218 : i32 to vector<16xi32>
          %gather3A_220 = tpu.vector_load_idx %arg9[%add3A_34, %broadcast_in_dim3A_219] : memref<128x128xf32, #tpu.memory_space<vmem>>[vector<16xi32>, vector<16xi32>], vector<16xf32>,
          %gather3A_221 = tpu.vector_load_idx %arg10[%add3A_34, %broadcast_in_dim3A_219] : memref<128x128xf32, #tpu.memory_space<vmem>>[vector<16xi32>, vector<16xi32>], vector<16xf32>,
          %mul3A_222 = arith.mulf %gather3A_220, %gather3A_221 : vector<16xf32>
          %add3A_223 = arith.addf %add3A_217, %mul3A_222 : vector<16xf32>
          %broadcast_in_dim3A_224 = arith.constant 32 : i32
          %broadcast_in_dim3A_225 = vector.broadcast %broadcast_in_dim3A_224 : i32 to vector<16xi32>
          %gather3A_226 = tpu.vector_load_idx %arg9[%add3A_34, %broadcast_in_dim3A_225] : memref<128x128xf32, #tpu.memory_space<vmem>>[vector<16xi32>, vector<16xi32>], vector<16xf32>,
          %gather3A_227 = tpu.vector_load_idx %arg10[%add3A_34, %broadcast_in_dim3A_225] : memref<128x128xf32, #tpu.memory_space<vmem>>[vector<16xi32>, vector<16xi32>], vector<16xf32>,
          %mul3A_228 = arith.mulf %gather3A_226, %gather3A_227 : vector<16xf32>
          %add3A_229 = arith.addf %add3A_223, %mul3A_228 : vector<16xf32>
          %broadcast_in_dim3A_230 = arith.constant 33 : i32
          %broadcast_in_dim3A_231 = vector.broadcast %broadcast_in_dim3A_230 : i32 to vector<16xi32>
          %gather3A_232 = tpu.vector_load_idx %arg9[%add3A_34, %broadcast_in_dim3A_231] : memref<128x128xf32, #tpu.memory_space<vmem>>[vector<16xi32>, vector<16xi32>], vector<16xf32>,
          %gather3A_233 = tpu.vector_load_idx %arg10[%add3A_34, %broadcast_in_dim3A_231] : memref<128x128xf32, #tpu.memory_space<vmem>>[vector<16xi32>, vector<16xi32>], vector<16xf32>,
          %mul3A_234 = arith.mulf %gather3A_232, %gather3A_233 : vector<16xf32>
          %add3A_235 = arith.addf %add3A_229, %mul3A_234 : vector<16xf32>
          %broadcast_in_dim3A_236 = arith.constant 34 : i32
          %broadcast_in_dim3A_237 = vector.broadcast %broadcast_in_dim3A_236 : i32 to vector<16xi32>
          %gather3A_238 = tpu.vector_load_idx %arg9[%add3A_34, %broadcast_in_dim3A_237] : memref<128x128xf32, #tpu.memory_space<vmem>>[vector<16xi32>, vector<16xi32>], vector<16xf32>,
          %gather3A_239 = tpu.vector_load_idx %arg10[%add3A_34, %broadcast_in_dim3A_237] : memref<128x128xf32, #tpu.memory_space<vmem>>[vector<16xi32>, vector<16xi32>], vector<16xf32>,
          %mul3A_240 = arith.mulf %gather3A_238, %gather3A_239 : vector<16xf32>
          %add3A_241 = arith.addf %add3A_235, %mul3A_240 : vector<16xf32>
          %broadcast_in_dim3A_242 = arith.constant 35 : i32
          %broadcast_in_dim3A_243 = vector.broadcast %broadcast_in_dim3A_242 : i32 to vector<16xi32>
          %gather3A_244 = tpu.vector_load_idx %arg9[%add3A_34, %broadcast_in_dim3A_243] : memref<128x128xf32, #tpu.memory_space<vmem>>[vector<16xi32>, vector<16xi32>], vector<16xf32>,
          %gather3A_245 = tpu.vector_load_idx %arg10[%add3A_34, %broadcast_in_dim3A_243] : memref<128x128xf32, #tpu.memory_space<vmem>>[vector<16xi32>, vector<16xi32>], vector<16xf32>,
          %mul3A_246 = arith.mulf %gather3A_244, %gather3A_245 : vector<16xf32>
          %add3A_247 = arith.addf %add3A_241, %mul3A_246 : vector<16xf32>
          %broadcast_in_dim3A_248 = arith.constant 36 : i32
          %broadcast_in_dim3A_249 = vector.broadcast %broadcast_in_dim3A_248 : i32 to vector<16xi32>
          %gather3A_250 = tpu.vector_load_idx %arg9[%add3A_34, %broadcast_in_dim3A_249] : memref<128x128xf32, #tpu.memory_space<vmem>>[vector<16xi32>, vector<16xi32>], vector<16xf32>,
          %gather3A_251 = tpu.vector_load_idx %arg10[%add3A_34, %broadcast_in_dim3A_249] : memref<128x128xf32, #tpu.memory_space<vmem>>[vector<16xi32>, vector<16xi32>], vector<16xf32>,
          %mul3A_252 = arith.mulf %gather3A_250, %gather3A_251 : vector<16xf32>
          %add3A_253 = arith.addf %add3A_247, %mul3A_252 : vector<16xf32>
          %broadcast_in_dim3A_254 = arith.constant 37 : i32
          %broadcast_in_dim3A_255 = vector.broadcast %broadcast_in_dim3A_254 : i32 to vector<16xi32>
          %gather3A_256 = tpu.vector_load_idx %arg9[%add3A_34, %broadcast_in_dim3A_255] : memref<128x128xf32, #tpu.memory_space<vmem>>[vector<16xi32>, vector<16xi32>], vector<16xf32>,
          %gather3A_257 = tpu.vector_load_idx %arg10[%add3A_34, %broadcast_in_dim3A_255] : memref<128x128xf32, #tpu.memory_space<vmem>>[vector<16xi32>, vector<16xi32>], vector<16xf32>,
          %mul3A_258 = arith.mulf %gather3A_256, %gather3A_257 : vector<16xf32>
          %add3A_259 = arith.addf %add3A_253, %mul3A_258 : vector<16xf32>
          %broadcast_in_dim3A_260 = arith.constant 38 : i32
          %broadcast_in_dim3A_261 = vector.broadcast %broadcast_in_dim3A_260 : i32 to vector<16xi32>
          %gather3A_262 = tpu.vector_load_idx %arg9[%add3A_34, %broadcast_in_dim3A_261] : memref<128x128xf32, #tpu.memory_space<vmem>>[vector<16xi32>, vector<16xi32>], vector<16xf32>,
          %gather3A_263 = tpu.vector_load_idx %arg10[%add3A_34, %broadcast_in_dim3A_261] : memref<128x128xf32, #tpu.memory_space<vmem>>[vector<16xi32>, vector<16xi32>], vector<16xf32>,
          %mul3A_264 = arith.mulf %gather3A_262, %gather3A_263 : vector<16xf32>
          %add3A_265 = arith.addf %add3A_259, %mul3A_264 : vector<16xf32>
          %broadcast_in_dim3A_266 = arith.constant 39 : i32
          %broadcast_in_dim3A_267 = vector.broadcast %broadcast_in_dim3A_266 : i32 to vector<16xi32>
          %gather3A_268 = tpu.vector_load_idx %arg9[%add3A_34, %broadcast_in_dim3A_267] : memref<128x128xf32, #tpu.memory_space<vmem>>[vector<16xi32>, vector<16xi32>], vector<16xf32>,
          %gather3A_269 = tpu.vector_load_idx %arg10[%add3A_34, %broadcast_in_dim3A_267] : memref<128x128xf32, #tpu.memory_space<vmem>>[vector<16xi32>, vector<16xi32>], vector<16xf32>,
          %mul3A_270 = arith.mulf %gather3A_268, %gather3A_269 : vector<16xf32>
          %add3A_271 = arith.addf %add3A_265, %mul3A_270 : vector<16xf32>
          %broadcast_in_dim3A_272 = arith.constant 40 : i32
          %broadcast_in_dim3A_273 = vector.broadcast %broadcast_in_dim3A_272 : i32 to vector<16xi32>
          %gather3A_274 = tpu.vector_load_idx %arg9[%add3A_34, %broadcast_in_dim3A_273] : memref<128x128xf32, #tpu.memory_space<vmem>>[vector<16xi32>, vector<16xi32>], vector<16xf32>,
          %gather3A_275 = tpu.vector_load_idx %arg10[%add3A_34, %broadcast_in_dim3A_273] : memref<128x128xf32, #tpu.memory_space<vmem>>[vector<16xi32>, vector<16xi32>], vector<16xf32>,
          %mul3A_276 = arith.mulf %gather3A_274, %gather3A_275 : vector<16xf32>
          %add3A_277 = arith.addf %add3A_271, %mul3A_276 : vector<16xf32>
          %broadcast_in_dim3A_278 = arith.constant 41 : i32
          %broadcast_in_dim3A_279 = vector.broadcast %broadcast_in_dim3A_278 : i32 to vector<16xi32>
          %gather3A_280 = tpu.vector_load_idx %arg9[%add3A_34, %broadcast_in_dim3A_279] : memref<128x128xf32, #tpu.memory_space<vmem>>[vector<16xi32>, vector<16xi32>], vector<16xf32>,
          %gather3A_281 = tpu.vector_load_idx %arg10[%add3A_34, %broadcast_in_dim3A_279] : memref<128x128xf32, #tpu.memory_space<vmem>>[vector<16xi32>, vector<16xi32>], vector<16xf32>,
          %mul3A_282 = arith.mulf %gather3A_280, %gather3A_281 : vector<16xf32>
          %add3A_283 = arith.addf %add3A_277, %mul3A_282 : vector<16xf32>
          %broadcast_in_dim3A_284 = arith.constant 42 : i32
          %broadcast_in_dim3A_285 = vector.broadcast %broadcast_in_dim3A_284 : i32 to vector<16xi32>
          %gather3A_286 = tpu.vector_load_idx %arg9[%add3A_34, %broadcast_in_dim3A_285] : memref<128x128xf32, #tpu.memory_space<vmem>>[vector<16xi32>, vector<16xi32>], vector<16xf32>,
          %gather3A_287 = tpu.vector_load_idx %arg10[%add3A_34, %broadcast_in_dim3A_285] : memref<128x128xf32, #tpu.memory_space<vmem>>[vector<16xi32>, vector<16xi32>], vector<16xf32>,
          %mul3A_288 = arith.mulf %gather3A_286, %gather3A_287 : vector<16xf32>
          %add3A_289 = arith.addf %add3A_283, %mul3A_288 : vector<16xf32>
          %broadcast_in_dim3A_290 = arith.constant 43 : i32
          %broadcast_in_dim3A_291 = vector.broadcast %broadcast_in_dim3A_290 : i32 to vector<16xi32>
          %gather3A_292 = tpu.vector_load_idx %arg9[%add3A_34, %broadcast_in_dim3A_291] : memref<128x128xf32, #tpu.memory_space<vmem>>[vector<16xi32>, vector<16xi32>], vector<16xf32>,
          %gather3A_293 = tpu.vector_load_idx %arg10[%add3A_34, %broadcast_in_dim3A_291] : memref<128x128xf32, #tpu.memory_space<vmem>>[vector<16xi32>, vector<16xi32>], vector<16xf32>,
          %mul3A_294 = arith.mulf %gather3A_292, %gather3A_293 : vector<16xf32>
          %add3A_295 = arith.addf %add3A_289, %mul3A_294 : vector<16xf32>
          %broadcast_in_dim3A_296 = arith.constant 44 : i32
          %broadcast_in_dim3A_297 = vector.broadcast %broadcast_in_dim3A_296 : i32 to vector<16xi32>
          %gather3A_298 = tpu.vector_load_idx %arg9[%add3A_34, %broadcast_in_dim3A_297] : memref<128x128xf32, #tpu.memory_space<vmem>>[vector<16xi32>, vector<16xi32>], vector<16xf32>,
          %gather3A_299 = tpu.vector_load_idx %arg10[%add3A_34, %broadcast_in_dim3A_297] : memref<128x128xf32, #tpu.memory_space<vmem>>[vector<16xi32>, vector<16xi32>], vector<16xf32>,
          %mul3A_300 = arith.mulf %gather3A_298, %gather3A_299 : vector<16xf32>
          %add3A_301 = arith.addf %add3A_295, %mul3A_300 : vector<16xf32>
          %broadcast_in_dim3A_302 = arith.constant 45 : i32
          %broadcast_in_dim3A_303 = vector.broadcast %broadcast_in_dim3A_302 : i32 to vector<16xi32>
          %gather3A_304 = tpu.vector_load_idx %arg9[%add3A_34, %broadcast_in_dim3A_303] : memref<128x128xf32, #tpu.memory_space<vmem>>[vector<16xi32>, vector<16xi32>], vector<16xf32>,
          %gather3A_305 = tpu.vector_load_idx %arg10[%add3A_34, %broadcast_in_dim3A_303] : memref<128x128xf32, #tpu.memory_space<vmem>>[vector<16xi32>, vector<16xi32>], vector<16xf32>,
          %mul3A_306 = arith.mulf %gather3A_304, %gather3A_305 : vector<16xf32>
          %add3A_307 = arith.addf %add3A_301, %mul3A_306 : vector<16xf32>
          %broadcast_in_dim3A_308 = arith.constant 46 : i32
          %broadcast_in_dim3A_309 = vector.broadcast %broadcast_in_dim3A_308 : i32 to vector<16xi32>
          %gather3A_310 = tpu.vector_load_idx %arg9[%add3A_34, %broadcast_in_dim3A_309] : memref<128x128xf32, #tpu.memory_space<vmem>>[vector<16xi32>, vector<16xi32>], vector<16xf32>,
          %gather3A_311 = tpu.vector_load_idx %arg10[%add3A_34, %broadcast_in_dim3A_309] : memref<128x128xf32, #tpu.memory_space<vmem>>[vector<16xi32>, vector<16xi32>], vector<16xf32>,
          %mul3A_312 = arith.mulf %gather3A_310, %gather3A_311 : vector<16xf32>
          %add3A_313 = arith.addf %add3A_307, %mul3A_312 : vector<16xf32>
          %broadcast_in_dim3A_314 = arith.constant 47 : i32
          %broadcast_in_dim3A_315 = vector.broadcast %broadcast_in_dim3A_314 : i32 to vector<16xi32>
          %gather3A_316 = tpu.vector_load_idx %arg9[%add3A_34, %broadcast_in_dim3A_315] : memref<128x128xf32, #tpu.memory_space<vmem>>[vector<16xi32>, vector<16xi32>], vector<16xf32>,
          %gather3A_317 = tpu.vector_load_idx %arg10[%add3A_34, %broadcast_in_dim3A_315] : memref<128x128xf32, #tpu.memory_space<vmem>>[vector<16xi32>, vector<16xi32>], vector<16xf32>,
          %mul3A_318 = arith.mulf %gather3A_316, %gather3A_317 : vector<16xf32>
          %add3A_319 = arith.addf %add3A_313, %mul3A_318 : vector<16xf32>
          %broadcast_in_dim3A_320 = arith.constant 48 : i32
          %broadcast_in_dim3A_321 = vector.broadcast %broadcast_in_dim3A_320 : i32 to vector<16xi32>
          %gather3A_322 = tpu.vector_load_idx %arg9[%add3A_34, %broadcast_in_dim3A_321] : memref<128x128xf32, #tpu.memory_space<vmem>>[vector<16xi32>, vector<16xi32>], vector<16xf32>,
          %gather3A_323 = tpu.vector_load_idx %arg10[%add3A_34, %broadcast_in_dim3A_321] : memref<128x128xf32, #tpu.memory_space<vmem>>[vector<16xi32>, vector<16xi32>], vector<16xf32>,
          %mul3A_324 = arith.mulf %gather3A_322, %gather3A_323 : vector<16xf32>
          %add3A_325 = arith.addf %add3A_319, %mul3A_324 : vector<16xf32>
          %broadcast_in_dim3A_326 = arith.constant 49 : i32
          %broadcast_in_dim3A_327 = vector.broadcast %broadcast_in_dim3A_326 : i32 to vector<16xi32>
          %gather3A_328 = tpu.vector_load_idx %arg9[%add3A_34, %broadcast_in_dim3A_327] : memref<128x128xf32, #tpu.memory_space<vmem>>[vector<16xi32>, vector<16xi32>], vector<16xf32>,
          %gather3A_329 = tpu.vector_load_idx %arg10[%add3A_34, %broadcast_in_dim3A_327] : memref<128x128xf32, #tpu.memory_space<vmem>>[vector<16xi32>, vector<16xi32>], vector<16xf32>,
          %mul3A_330 = arith.mulf %gather3A_328, %gather3A_329 : vector<16xf32>
          %add3A_331 = arith.addf %add3A_325, %mul3A_330 : vector<16xf32>
          %broadcast_in_dim3A_332 = arith.constant 50 : i32
          %broadcast_in_dim3A_333 = vector.broadcast %broadcast_in_dim3A_332 : i32 to vector<16xi32>
          %gather3A_334 = tpu.vector_load_idx %arg9[%add3A_34, %broadcast_in_dim3A_333] : memref<128x128xf32, #tpu.memory_space<vmem>>[vector<16xi32>, vector<16xi32>], vector<16xf32>,
          %gather3A_335 = tpu.vector_load_idx %arg10[%add3A_34, %broadcast_in_dim3A_333] : memref<128x128xf32, #tpu.memory_space<vmem>>[vector<16xi32>, vector<16xi32>], vector<16xf32>,
          %mul3A_336 = arith.mulf %gather3A_334, %gather3A_335 : vector<16xf32>
          %add3A_337 = arith.addf %add3A_331, %mul3A_336 : vector<16xf32>
          %broadcast_in_dim3A_338 = arith.constant 51 : i32
          %broadcast_in_dim3A_339 = vector.broadcast %broadcast_in_dim3A_338 : i32 to vector<16xi32>
          %gather3A_340 = tpu.vector_load_idx %arg9[%add3A_34, %broadcast_in_dim3A_339] : memref<128x128xf32, #tpu.memory_space<vmem>>[vector<16xi32>, vector<16xi32>], vector<16xf32>,
          %gather3A_341 = tpu.vector_load_idx %arg10[%add3A_34, %broadcast_in_dim3A_339] : memref<128x128xf32, #tpu.memory_space<vmem>>[vector<16xi32>, vector<16xi32>], vector<16xf32>,
          %mul3A_342 = arith.mulf %gather3A_340, %gather3A_341 : vector<16xf32>
          %add3A_343 = arith.addf %add3A_337, %mul3A_342 : vector<16xf32>
          %broadcast_in_dim3A_344 = arith.constant 52 : i32
          %broadcast_in_dim3A_345 = vector.broadcast %broadcast_in_dim3A_344 : i32 to vector<16xi32>
          %gather3A_346 = tpu.vector_load_idx %arg9[%add3A_34, %broadcast_in_dim3A_345] : memref<128x128xf32, #tpu.memory_space<vmem>>[vector<16xi32>, vector<16xi32>], vector<16xf32>,
          %gather3A_347 = tpu.vector_load_idx %arg10[%add3A_34, %broadcast_in_dim3A_345] : memref<128x128xf32, #tpu.memory_space<vmem>>[vector<16xi32>, vector<16xi32>], vector<16xf32>,
          %mul3A_348 = arith.mulf %gather3A_346, %gather3A_347 : vector<16xf32>
          %add3A_349 = arith.addf %add3A_343, %mul3A_348 : vector<16xf32>
          %broadcast_in_dim3A_350 = arith.constant 53 : i32
          %broadcast_in_dim3A_351 = vector.broadcast %broadcast_in_dim3A_350 : i32 to vector<16xi32>
          %gather3A_352 = tpu.vector_load_idx %arg9[%add3A_34, %broadcast_in_dim3A_351] : memref<128x128xf32, #tpu.memory_space<vmem>>[vector<16xi32>, vector<16xi32>], vector<16xf32>,
          %gather3A_353 = tpu.vector_load_idx %arg10[%add3A_34, %broadcast_in_dim3A_351] : memref<128x128xf32, #tpu.memory_space<vmem>>[vector<16xi32>, vector<16xi32>], vector<16xf32>,
          %mul3A_354 = arith.mulf %gather3A_352, %gather3A_353 : vector<16xf32>
          %add3A_355 = arith.addf %add3A_349, %mul3A_354 : vector<16xf32>
          %broadcast_in_dim3A_356 = arith.constant 54 : i32
          %broadcast_in_dim3A_357 = vector.broadcast %broadcast_in_dim3A_356 : i32 to vector<16xi32>
          %gather3A_358 = tpu.vector_load_idx %arg9[%add3A_34, %broadcast_in_dim3A_357] : memref<128x128xf32, #tpu.memory_space<vmem>>[vector<16xi32>, vector<16xi32>], vector<16xf32>,
          %gather3A_359 = tpu.vector_load_idx %arg10[%add3A_34, %broadcast_in_dim3A_357] : memref<128x128xf32, #tpu.memory_space<vmem>>[vector<16xi32>, vector<16xi32>], vector<16xf32>,
          %mul3A_360 = arith.mulf %gather3A_358, %gather3A_359 : vector<16xf32>
          %add3A_361 = arith.addf %add3A_355, %mul3A_360 : vector<16xf32>
          %broadcast_in_dim3A_362 = arith.constant 55 : i32
          %broadcast_in_dim3A_363 = vector.broadcast %broadcast_in_dim3A_362 : i32 to vector<16xi32>
          %gather3A_364 = tpu.vector_load_idx %arg9[%add3A_34, %broadcast_in_dim3A_363] : memref<128x128xf32, #tpu.memory_space<vmem>>[vector<16xi32>, vector<16xi32>], vector<16xf32>,
          %gather3A_365 = tpu.vector_load_idx %arg10[%add3A_34, %broadcast_in_dim3A_363] : memref<128x128xf32, #tpu.memory_space<vmem>>[vector<16xi32>, vector<16xi32>], vector<16xf32>,
          %mul3A_366 = arith.mulf %gather3A_364, %gather3A_365 : vector<16xf32>
          %add3A_367 = arith.addf %add3A_361, %mul3A_366 : vector<16xf32>
          %broadcast_in_dim3A_368 = arith.constant 56 : i32
          %broadcast_in_dim3A_369 = vector.broadcast %broadcast_in_dim3A_368 : i32 to vector<16xi32>
          %gather3A_370 = tpu.vector_load_idx %arg9[%add3A_34, %broadcast_in_dim3A_369] : memref<128x128xf32, #tpu.memory_space<vmem>>[vector<16xi32>, vector<16xi32>], vector<16xf32>,
          %gather3A_371 = tpu.vector_load_idx %arg10[%add3A_34, %broadcast_in_dim3A_369] : memref<128x128xf32, #tpu.memory_space<vmem>>[vector<16xi32>, vector<16xi32>], vector<16xf32>,
          %mul3A_372 = arith.mulf %gather3A_370, %gather3A_371 : vector<16xf32>
          %add3A_373 = arith.addf %add3A_367, %mul3A_372 : vector<16xf32>
          %broadcast_in_dim3A_374 = arith.constant 57 : i32
          %broadcast_in_dim3A_375 = vector.broadcast %broadcast_in_dim3A_374 : i32 to vector<16xi32>
          %gather3A_376 = tpu.vector_load_idx %arg9[%add3A_34, %broadcast_in_dim3A_375] : memref<128x128xf32, #tpu.memory_space<vmem>>[vector<16xi32>, vector<16xi32>], vector<16xf32>,
          %gather3A_377 = tpu.vector_load_idx %arg10[%add3A_34, %broadcast_in_dim3A_375] : memref<128x128xf32, #tpu.memory_space<vmem>>[vector<16xi32>, vector<16xi32>], vector<16xf32>,
          %mul3A_378 = arith.mulf %gather3A_376, %gather3A_377 : vector<16xf32>
          %add3A_379 = arith.addf %add3A_373, %mul3A_378 : vector<16xf32>
          %broadcast_in_dim3A_380 = arith.constant 58 : i32
          %broadcast_in_dim3A_381 = vector.broadcast %broadcast_in_dim3A_380 : i32 to vector<16xi32>
          %gather3A_382 = tpu.vector_load_idx %arg9[%add3A_34, %broadcast_in_dim3A_381] : memref<128x128xf32, #tpu.memory_space<vmem>>[vector<16xi32>, vector<16xi32>], vector<16xf32>,
          %gather3A_383 = tpu.vector_load_idx %arg10[%add3A_34, %broadcast_in_dim3A_381] : memref<128x128xf32, #tpu.memory_space<vmem>>[vector<16xi32>, vector<16xi32>], vector<16xf32>,
          %mul3A_384 = arith.mulf %gather3A_382, %gather3A_383 : vector<16xf32>
          %add3A_385 = arith.addf %add3A_379, %mul3A_384 : vector<16xf32>
          %broadcast_in_dim3A_386 = arith.constant 59 : i32
          %broadcast_in_dim3A_387 = vector.broadcast %broadcast_in_dim3A_386 : i32 to vector<16xi32>
          %gather3A_388 = tpu.vector_load_idx %arg9[%add3A_34, %broadcast_in_dim3A_387] : memref<128x128xf32, #tpu.memory_space<vmem>>[vector<16xi32>, vector<16xi32>], vector<16xf32>,
          %gather3A_389 = tpu.vector_load_idx %arg10[%add3A_34, %broadcast_in_dim3A_387] : memref<128x128xf32, #tpu.memory_space<vmem>>[vector<16xi32>, vector<16xi32>], vector<16xf32>,
          %mul3A_390 = arith.mulf %gather3A_388, %gather3A_389 : vector<16xf32>
          %add3A_391 = arith.addf %add3A_385, %mul3A_390 : vector<16xf32>
          %broadcast_in_dim3A_392 = arith.constant 60 : i32
          %broadcast_in_dim3A_393 = vector.broadcast %broadcast_in_dim3A_392 : i32 to vector<16xi32>
          %gather3A_394 = tpu.vector_load_idx %arg9[%add3A_34, %broadcast_in_dim3A_393] : memref<128x128xf32, #tpu.memory_space<vmem>>[vector<16xi32>, vector<16xi32>], vector<16xf32>,
          %gather3A_395 = tpu.vector_load_idx %arg10[%add3A_34, %broadcast_in_dim3A_393] : memref<128x128xf32, #tpu.memory_space<vmem>>[vector<16xi32>, vector<16xi32>], vector<16xf32>,
          %mul3A_396 = arith.mulf %gather3A_394, %gather3A_395 : vector<16xf32>
          %add3A_397 = arith.addf %add3A_391, %mul3A_396 : vector<16xf32>
          %broadcast_in_dim3A_398 = arith.constant 61 : i32
          %broadcast_in_dim3A_399 = vector.broadcast %broadcast_in_dim3A_398 : i32 to vector<16xi32>
          %gather3A_400 = tpu.vector_load_idx %arg9[%add3A_34, %broadcast_in_dim3A_399] : memref<128x128xf32, #tpu.memory_space<vmem>>[vector<16xi32>, vector<16xi32>], vector<16xf32>,
          %gather3A_401 = tpu.vector_load_idx %arg10[%add3A_34, %broadcast_in_dim3A_399] : memref<128x128xf32, #tpu.memory_space<vmem>>[vector<16xi32>, vector<16xi32>], vector<16xf32>,
          %mul3A_402 = arith.mulf %gather3A_400, %gather3A_401 : vector<16xf32>
          %add3A_403 = arith.addf %add3A_397, %mul3A_402 : vector<16xf32>
          %broadcast_in_dim3A_404 = arith.constant 62 : i32
          %broadcast_in_dim3A_405 = vector.broadcast %broadcast_in_dim3A_404 : i32 to vector<16xi32>
          %gather3A_406 = tpu.vector_load_idx %arg9[%add3A_34, %broadcast_in_dim3A_405] : memref<128x128xf32, #tpu.memory_space<vmem>>[vector<16xi32>, vector<16xi32>], vector<16xf32>,
          %gather3A_407 = tpu.vector_load_idx %arg10[%add3A_34, %broadcast_in_dim3A_405] : memref<128x128xf32, #tpu.memory_space<vmem>>[vector<16xi32>, vector<16xi32>], vector<16xf32>,
          %mul3A_408 = arith.mulf %gather3A_406, %gather3A_407 : vector<16xf32>
          %add3A_409 = arith.addf %add3A_403, %mul3A_408 : vector<16xf32>
          %broadcast_in_dim3A_410 = arith.constant 63 : i32
          %broadcast_in_dim3A_411 = vector.broadcast %broadcast_in_dim3A_410 : i32 to vector<16xi32>
          %gather3A_412 = tpu.vector_load_idx %arg9[%add3A_34, %broadcast_in_dim3A_411] : memref<128x128xf32, #tpu.memory_space<vmem>>[vector<16xi32>, vector<16xi32>], vector<16xf32>,
          %gather3A_413 = tpu.vector_load_idx %arg10[%add3A_34, %broadcast_in_dim3A_411] : memref<128x128xf32, #tpu.memory_space<vmem>>[vector<16xi32>, vector<16xi32>], vector<16xf32>,
          %mul3A_414 = arith.mulf %gather3A_412, %gather3A_413 : vector<16xf32>
          %add3A_415 = arith.addf %add3A_409, %mul3A_414 : vector<16xf32>
          %broadcast_in_dim3A_416 = arith.constant 64 : i32
          %broadcast_in_dim3A_417 = vector.broadcast %broadcast_in_dim3A_416 : i32 to vector<16xi32>
          %gather3A_418 = tpu.vector_load_idx %arg9[%add3A_34, %broadcast_in_dim3A_417] : memref<128x128xf32, #tpu.memory_space<vmem>>[vector<16xi32>, vector<16xi32>], vector<16xf32>,
          %gather3A_419 = tpu.vector_load_idx %arg10[%add3A_34, %broadcast_in_dim3A_417] : memref<128x128xf32, #tpu.memory_space<vmem>>[vector<16xi32>, vector<16xi32>], vector<16xf32>,
          %mul3A_420 = arith.mulf %gather3A_418, %gather3A_419 : vector<16xf32>
          %add3A_421 = arith.addf %add3A_415, %mul3A_420 : vector<16xf32>
          %broadcast_in_dim3A_422 = arith.constant 65 : i32
          %broadcast_in_dim3A_423 = vector.broadcast %broadcast_in_dim3A_422 : i32 to vector<16xi32>
          %gather3A_424 = tpu.vector_load_idx %arg9[%add3A_34, %broadcast_in_dim3A_423] : memref<128x128xf32, #tpu.memory_space<vmem>>[vector<16xi32>, vector<16xi32>], vector<16xf32>,
          %gather3A_425 = tpu.vector_load_idx %arg10[%add3A_34, %broadcast_in_dim3A_423] : memref<128x128xf32, #tpu.memory_space<vmem>>[vector<16xi32>, vector<16xi32>], vector<16xf32>,
          %mul3A_426 = arith.mulf %gather3A_424, %gather3A_425 : vector<16xf32>
          %add3A_427 = arith.addf %add3A_421, %mul3A_426 : vector<16xf32>
          %broadcast_in_dim3A_428 = arith.constant 66 : i32
          %broadcast_in_dim3A_429 = vector.broadcast %broadcast_in_dim3A_428 : i32 to vector<16xi32>
          %gather3A_430 = tpu.vector_load_idx %arg9[%add3A_34, %broadcast_in_dim3A_429] : memref<128x128xf32, #tpu.memory_space<vmem>>[vector<16xi32>, vector<16xi32>], vector<16xf32>,
          %gather3A_431 = tpu.vector_load_idx %arg10[%add3A_34, %broadcast_in_dim3A_429] : memref<128x128xf32, #tpu.memory_space<vmem>>[vector<16xi32>, vector<16xi32>], vector<16xf32>,
          %mul3A_432 = arith.mulf %gather3A_430, %gather3A_431 : vector<16xf32>
          %add3A_433 = arith.addf %add3A_427, %mul3A_432 : vector<16xf32>
          %broadcast_in_dim3A_434 = arith.constant 67 : i32
          %broadcast_in_dim3A_435 = vector.broadcast %broadcast_in_dim3A_434 : i32 to vector<16xi32>
          %gather3A_436 = tpu.vector_load_idx %arg9[%add3A_34, %broadcast_in_dim3A_435] : memref<128x128xf32, #tpu.memory_space<vmem>>[vector<16xi32>, vector<16xi32>], vector<16xf32>,
          %gather3A_437 = tpu.vector_load_idx %arg10[%add3A_34, %broadcast_in_dim3A_435] : memref<128x128xf32, #tpu.memory_space<vmem>>[vector<16xi32>, vector<16xi32>], vector<16xf32>,
          %mul3A_438 = arith.mulf %gather3A_436, %gather3A_437 : vector<16xf32>
          %add3A_439 = arith.addf %add3A_433, %mul3A_438 : vector<16xf32>
          %broadcast_in_dim3A_440 = arith.constant 68 : i32
          %broadcast_in_dim3A_441 = vector.broadcast %broadcast_in_dim3A_440 : i32 to vector<16xi32>
          %gather3A_442 = tpu.vector_load_idx %arg9[%add3A_34, %broadcast_in_dim3A_441] : memref<128x128xf32, #tpu.memory_space<vmem>>[vector<16xi32>, vector<16xi32>], vector<16xf32>,
          %gather3A_443 = tpu.vector_load_idx %arg10[%add3A_34, %broadcast_in_dim3A_441] : memref<128x128xf32, #tpu.memory_space<vmem>>[vector<16xi32>, vector<16xi32>], vector<16xf32>,
          %mul3A_444 = arith.mulf %gather3A_442, %gather3A_443 : vector<16xf32>
          %add3A_445 = arith.addf %add3A_439, %mul3A_444 : vector<16xf32>
          %broadcast_in_dim3A_446 = arith.constant 69 : i32
          %broadcast_in_dim3A_447 = vector.broadcast %broadcast_in_dim3A_446 : i32 to vector<16xi32>
          %gather3A_448 = tpu.vector_load_idx %arg9[%add3A_34, %broadcast_in_dim3A_447] : memref<128x128xf32, #tpu.memory_space<vmem>>[vector<16xi32>, vector<16xi32>], vector<16xf32>,
          %gather3A_449 = tpu.vector_load_idx %arg10[%add3A_34, %broadcast_in_dim3A_447] : memref<128x128xf32, #tpu.memory_space<vmem>>[vector<16xi32>, vector<16xi32>], vector<16xf32>,
          %mul3A_450 = arith.mulf %gather3A_448, %gather3A_449 : vector<16xf32>
          %add3A_451 = arith.addf %add3A_445, %mul3A_450 : vector<16xf32>
          %broadcast_in_dim3A_452 = arith.constant 70 : i32
          %broadcast_in_dim3A_453 = vector.broadcast %broadcast_in_dim3A_452 : i32 to vector<16xi32>
          %gather3A_454 = tpu.vector_load_idx %arg9[%add3A_34, %broadcast_in_dim3A_453] : memref<128x128xf32, #tpu.memory_space<vmem>>[vector<16xi32>, vector<16xi32>], vector<16xf32>,
          %gather3A_455 = tpu.vector_load_idx %arg10[%add3A_34, %broadcast_in_dim3A_453] : memref<128x128xf32, #tpu.memory_space<vmem>>[vector<16xi32>, vector<16xi32>], vector<16xf32>,
          %mul3A_456 = arith.mulf %gather3A_454, %gather3A_455 : vector<16xf32>
          %add3A_457 = arith.addf %add3A_451, %mul3A_456 : vector<16xf32>
          %broadcast_in_dim3A_458 = arith.constant 71 : i32
          %broadcast_in_dim3A_459 = vector.broadcast %broadcast_in_dim3A_458 : i32 to vector<16xi32>
          %gather3A_460 = tpu.vector_load_idx %arg9[%add3A_34, %broadcast_in_dim3A_459] : memref<128x128xf32, #tpu.memory_space<vmem>>[vector<16xi32>, vector<16xi32>], vector<16xf32>,
          %gather3A_461 = tpu.vector_load_idx %arg10[%add3A_34, %broadcast_in_dim3A_459] : memref<128x128xf32, #tpu.memory_space<vmem>>[vector<16xi32>, vector<16xi32>], vector<16xf32>,
          %mul3A_462 = arith.mulf %gather3A_460, %gather3A_461 : vector<16xf32>
          %add3A_463 = arith.addf %add3A_457, %mul3A_462 : vector<16xf32>
          %broadcast_in_dim3A_464 = arith.constant 72 : i32
          %broadcast_in_dim3A_465 = vector.broadcast %broadcast_in_dim3A_464 : i32 to vector<16xi32>
          %gather3A_466 = tpu.vector_load_idx %arg9[%add3A_34, %broadcast_in_dim3A_465] : memref<128x128xf32, #tpu.memory_space<vmem>>[vector<16xi32>, vector<16xi32>], vector<16xf32>,
          %gather3A_467 = tpu.vector_load_idx %arg10[%add3A_34, %broadcast_in_dim3A_465] : memref<128x128xf32, #tpu.memory_space<vmem>>[vector<16xi32>, vector<16xi32>], vector<16xf32>,
          %mul3A_468 = arith.mulf %gather3A_466, %gather3A_467 : vector<16xf32>
          %add3A_469 = arith.addf %add3A_463, %mul3A_468 : vector<16xf32>
          %broadcast_in_dim3A_470 = arith.constant 73 : i32
          %broadcast_in_dim3A_471 = vector.broadcast %broadcast_in_dim3A_470 : i32 to vector<16xi32>
          %gather3A_472 = tpu.vector_load_idx %arg9[%add3A_34, %broadcast_in_dim3A_471] : memref<128x128xf32, #tpu.memory_space<vmem>>[vector<16xi32>, vector<16xi32>], vector<16xf32>,
          %gather3A_473 = tpu.vector_load_idx %arg10[%add3A_34, %broadcast_in_dim3A_471] : memref<128x128xf32, #tpu.memory_space<vmem>>[vector<16xi32>, vector<16xi32>], vector<16xf32>,
          %mul3A_474 = arith.mulf %gather3A_472, %gather3A_473 : vector<16xf32>
          %add3A_475 = arith.addf %add3A_469, %mul3A_474 : vector<16xf32>
          %broadcast_in_dim3A_476 = arith.constant 74 : i32
          %broadcast_in_dim3A_477 = vector.broadcast %broadcast_in_dim3A_476 : i32 to vector<16xi32>
          %gather3A_478 = tpu.vector_load_idx %arg9[%add3A_34, %broadcast_in_dim3A_477] : memref<128x128xf32, #tpu.memory_space<vmem>>[vector<16xi32>, vector<16xi32>], vector<16xf32>,
          %gather3A_479 = tpu.vector_load_idx %arg10[%add3A_34, %broadcast_in_dim3A_477] : memref<128x128xf32, #tpu.memory_space<vmem>>[vector<16xi32>, vector<16xi32>], vector<16xf32>,
          %mul3A_480 = arith.mulf %gather3A_478, %gather3A_479 : vector<16xf32>
          %add3A_481 = arith.addf %add3A_475, %mul3A_480 : vector<16xf32>
          %broadcast_in_dim3A_482 = arith.constant 75 : i32
          %broadcast_in_dim3A_483 = vector.broadcast %broadcast_in_dim3A_482 : i32 to vector<16xi32>
          %gather3A_484 = tpu.vector_load_idx %arg9[%add3A_34, %broadcast_in_dim3A_483] : memref<128x128xf32, #tpu.memory_space<vmem>>[vector<16xi32>, vector<16xi32>], vector<16xf32>,
          %gather3A_485 = tpu.vector_load_idx %arg10[%add3A_34, %broadcast_in_dim3A_483] : memref<128x128xf32, #tpu.memory_space<vmem>>[vector<16xi32>, vector<16xi32>], vector<16xf32>,
          %mul3A_486 = arith.mulf %gather3A_484, %gather3A_485 : vector<16xf32>
          %add3A_487 = arith.addf %add3A_481, %mul3A_486 : vector<16xf32>
          %broadcast_in_dim3A_488 = arith.constant 76 : i32
          %broadcast_in_dim3A_489 = vector.broadcast %broadcast_in_dim3A_488 : i32 to vector<16xi32>
          %gather3A_490 = tpu.vector_load_idx %arg9[%add3A_34, %broadcast_in_dim3A_489] : memref<128x128xf32, #tpu.memory_space<vmem>>[vector<16xi32>, vector<16xi32>], vector<16xf32>,
          %gather3A_491 = tpu.vector_load_idx %arg10[%add3A_34, %broadcast_in_dim3A_489] : memref<128x128xf32, #tpu.memory_space<vmem>>[vector<16xi32>, vector<16xi32>], vector<16xf32>,
          %mul3A_492 = arith.mulf %gather3A_490, %gather3A_491 : vector<16xf32>
          %add3A_493 = arith.addf %add3A_487, %mul3A_492 : vector<16xf32>
          %broadcast_in_dim3A_494 = arith.constant 77 : i32
          %broadcast_in_dim3A_495 = vector.broadcast %broadcast_in_dim3A_494 : i32 to vector<16xi32>
          %gather3A_496 = tpu.vector_load_idx %arg9[%add3A_34, %broadcast_in_dim3A_495] : memref<128x128xf32, #tpu.memory_space<vmem>>[vector<16xi32>, vector<16xi32>], vector<16xf32>,
          %gather3A_497 = tpu.vector_load_idx %arg10[%add3A_34, %broadcast_in_dim3A_495] : memref<128x128xf32, #tpu.memory_space<vmem>>[vector<16xi32>, vector<16xi32>], vector<16xf32>,
          %mul3A_498 = arith.mulf %gather3A_496, %gather3A_497 : vector<16xf32>
          %add3A_499 = arith.addf %add3A_493, %mul3A_498 : vector<16xf32>
          %broadcast_in_dim3A_500 = arith.constant 78 : i32
          %broadcast_in_dim3A_501 = vector.broadcast %broadcast_in_dim3A_500 : i32 to vector<16xi32>
          %gather3A_502 = tpu.vector_load_idx %arg9[%add3A_34, %broadcast_in_dim3A_501] : memref<128x128xf32, #tpu.memory_space<vmem>>[vector<16xi32>, vector<16xi32>], vector<16xf32>,
          %gather3A_503 = tpu.vector_load_idx %arg10[%add3A_34, %broadcast_in_dim3A_501] : memref<128x128xf32, #tpu.memory_space<vmem>>[vector<16xi32>, vector<16xi32>], vector<16xf32>,
          %mul3A_504 = arith.mulf %gather3A_502, %gather3A_503 : vector<16xf32>
          %add3A_505 = arith.addf %add3A_499, %mul3A_504 : vector<16xf32>
          %broadcast_in_dim3A_506 = arith.constant 79 : i32
          %broadcast_in_dim3A_507 = vector.broadcast %broadcast_in_dim3A_506 : i32 to vector<16xi32>
          %gather3A_508 = tpu.vector_load_idx %arg9[%add3A_34, %broadcast_in_dim3A_507] : memref<128x128xf32, #tpu.memory_space<vmem>>[vector<16xi32>, vector<16xi32>], vector<16xf32>,
          %gather3A_509 = tpu.vector_load_idx %arg10[%add3A_34, %broadcast_in_dim3A_507] : memref<128x128xf32, #tpu.memory_space<vmem>>[vector<16xi32>, vector<16xi32>], vector<16xf32>,
          %mul3A_510 = arith.mulf %gather3A_508, %gather3A_509 : vector<16xf32>
          %add3A_511 = arith.addf %add3A_505, %mul3A_510 : vector<16xf32>
          %broadcast_in_dim3A_512 = arith.constant 80 : i32
          %broadcast_in_dim3A_513 = vector.broadcast %broadcast_in_dim3A_512 : i32 to vector<16xi32>
          %gather3A_514 = tpu.vector_load_idx %arg9[%add3A_34, %broadcast_in_dim3A_513] : memref<128x128xf32, #tpu.memory_space<vmem>>[vector<16xi32>, vector<16xi32>], vector<16xf32>,
          %gather3A_515 = tpu.vector_load_idx %arg10[%add3A_34, %broadcast_in_dim3A_513] : memref<128x128xf32, #tpu.memory_space<vmem>>[vector<16xi32>, vector<16xi32>], vector<16xf32>,
          %mul3A_516 = arith.mulf %gather3A_514, %gather3A_515 : vector<16xf32>
          %add3A_517 = arith.addf %add3A_511, %mul3A_516 : vector<16xf32>
          %broadcast_in_dim3A_518 = arith.constant 81 : i32
          %broadcast_in_dim3A_519 = vector.broadcast %broadcast_in_dim3A_518 : i32 to vector<16xi32>
          %gather3A_520 = tpu.vector_load_idx %arg9[%add3A_34, %broadcast_in_dim3A_519] : memref<128x128xf32, #tpu.memory_space<vmem>>[vector<16xi32>, vector<16xi32>], vector<16xf32>,
          %gather3A_521 = tpu.vector_load_idx %arg10[%add3A_34, %broadcast_in_dim3A_519] : memref<128x128xf32, #tpu.memory_space<vmem>>[vector<16xi32>, vector<16xi32>], vector<16xf32>,
          %mul3A_522 = arith.mulf %gather3A_520, %gather3A_521 : vector<16xf32>
          %add3A_523 = arith.addf %add3A_517, %mul3A_522 : vector<16xf32>
          %broadcast_in_dim3A_524 = arith.constant 82 : i32
          %broadcast_in_dim3A_525 = vector.broadcast %broadcast_in_dim3A_524 : i32 to vector<16xi32>
          %gather3A_526 = tpu.vector_load_idx %arg9[%add3A_34, %broadcast_in_dim3A_525] : memref<128x128xf32, #tpu.memory_space<vmem>>[vector<16xi32>, vector<16xi32>], vector<16xf32>,
          %gather3A_527 = tpu.vector_load_idx %arg10[%add3A_34, %broadcast_in_dim3A_525] : memref<128x128xf32, #tpu.memory_space<vmem>>[vector<16xi32>, vector<16xi32>], vector<16xf32>,
          %mul3A_528 = arith.mulf %gather3A_526, %gather3A_527 : vector<16xf32>
          %add3A_529 = arith.addf %add3A_523, %mul3A_528 : vector<16xf32>
          %broadcast_in_dim3A_530 = arith.constant 83 : i32
          %broadcast_in_dim3A_531 = vector.broadcast %broadcast_in_dim3A_530 : i32 to vector<16xi32>
          %gather3A_532 = tpu.vector_load_idx %arg9[%add3A_34, %broadcast_in_dim3A_531] : memref<128x128xf32, #tpu.memory_space<vmem>>[vector<16xi32>, vector<16xi32>], vector<16xf32>,
          %gather3A_533 = tpu.vector_load_idx %arg10[%add3A_34, %broadcast_in_dim3A_531] : memref<128x128xf32, #tpu.memory_space<vmem>>[vector<16xi32>, vector<16xi32>], vector<16xf32>,
          %mul3A_534 = arith.mulf %gather3A_532, %gather3A_533 : vector<16xf32>
          %add3A_535 = arith.addf %add3A_529, %mul3A_534 : vector<16xf32>
          %broadcast_in_dim3A_536 = arith.constant 84 : i32
          %broadcast_in_dim3A_537 = vector.broadcast %broadcast_in_dim3A_536 : i32 to vector<16xi32>
          %gather3A_538 = tpu.vector_load_idx %arg9[%add3A_34, %broadcast_in_dim3A_537] : memref<128x128xf32, #tpu.memory_space<vmem>>[vector<16xi32>, vector<16xi32>], vector<16xf32>,
          %gather3A_539 = tpu.vector_load_idx %arg10[%add3A_34, %broadcast_in_dim3A_537] : memref<128x128xf32, #tpu.memory_space<vmem>>[vector<16xi32>, vector<16xi32>], vector<16xf32>,
          %mul3A_540 = arith.mulf %gather3A_538, %gather3A_539 : vector<16xf32>
          %add3A_541 = arith.addf %add3A_535, %mul3A_540 : vector<16xf32>
          %broadcast_in_dim3A_542 = arith.constant 85 : i32
          %broadcast_in_dim3A_543 = vector.broadcast %broadcast_in_dim3A_542 : i32 to vector<16xi32>
          %gather3A_544 = tpu.vector_load_idx %arg9[%add3A_34, %broadcast_in_dim3A_543] : memref<128x128xf32, #tpu.memory_space<vmem>>[vector<16xi32>, vector<16xi32>], vector<16xf32>,
          %gather3A_545 = tpu.vector_load_idx %arg10[%add3A_34, %broadcast_in_dim3A_543] : memref<128x128xf32, #tpu.memory_space<vmem>>[vector<16xi32>, vector<16xi32>], vector<16xf32>,
          %mul3A_546 = arith.mulf %gather3A_544, %gather3A_545 : vector<16xf32>
          %add3A_547 = arith.addf %add3A_541, %mul3A_546 : vector<16xf32>
          %broadcast_in_dim3A_548 = arith.constant 86 : i32
          %broadcast_in_dim3A_549 = vector.broadcast %broadcast_in_dim3A_548 : i32 to vector<16xi32>
          %gather3A_550 = tpu.vector_load_idx %arg9[%add3A_34, %broadcast_in_dim3A_549] : memref<128x128xf32, #tpu.memory_space<vmem>>[vector<16xi32>, vector<16xi32>], vector<16xf32>,
          %gather3A_551 = tpu.vector_load_idx %arg10[%add3A_34, %broadcast_in_dim3A_549] : memref<128x128xf32, #tpu.memory_space<vmem>>[vector<16xi32>, vector<16xi32>], vector<16xf32>,
          %mul3A_552 = arith.mulf %gather3A_550, %gather3A_551 : vector<16xf32>
          %add3A_553 = arith.addf %add3A_547, %mul3A_552 : vector<16xf32>
          %broadcast_in_dim3A_554 = arith.constant 87 : i32
          %broadcast_in_dim3A_555 = vector.broadcast %broadcast_in_dim3A_554 : i32 to vector<16xi32>
          %gather3A_556 = tpu.vector_load_idx %arg9[%add3A_34, %broadcast_in_dim3A_555] : memref<128x128xf32, #tpu.memory_space<vmem>>[vector<16xi32>, vector<16xi32>], vector<16xf32>,
          %gather3A_557 = tpu.vector_load_idx %arg10[%add3A_34, %broadcast_in_dim3A_555] : memref<128x128xf32, #tpu.memory_space<vmem>>[vector<16xi32>, vector<16xi32>], vector<16xf32>,
          %mul3A_558 = arith.mulf %gather3A_556, %gather3A_557 : vector<16xf32>
          %add3A_559 = arith.addf %add3A_553, %mul3A_558 : vector<16xf32>
          %broadcast_in_dim3A_560 = arith.constant 88 : i32
          %broadcast_in_dim3A_561 = vector.broadcast %broadcast_in_dim3A_560 : i32 to vector<16xi32>
          %gather3A_562 = tpu.vector_load_idx %arg9[%add3A_34, %broadcast_in_dim3A_561] : memref<128x128xf32, #tpu.memory_space<vmem>>[vector<16xi32>, vector<16xi32>], vector<16xf32>,
          %gather3A_563 = tpu.vector_load_idx %arg10[%add3A_34, %broadcast_in_dim3A_561] : memref<128x128xf32, #tpu.memory_space<vmem>>[vector<16xi32>, vector<16xi32>], vector<16xf32>,
          %mul3A_564 = arith.mulf %gather3A_562, %gather3A_563 : vector<16xf32>
          %add3A_565 = arith.addf %add3A_559, %mul3A_564 : vector<16xf32>
          %broadcast_in_dim3A_566 = arith.constant 89 : i32
          %broadcast_in_dim3A_567 = vector.broadcast %broadcast_in_dim3A_566 : i32 to vector<16xi32>
          %gather3A_568 = tpu.vector_load_idx %arg9[%add3A_34, %broadcast_in_dim3A_567] : memref<128x128xf32, #tpu.memory_space<vmem>>[vector<16xi32>, vector<16xi32>], vector<16xf32>,
          %gather3A_569 = tpu.vector_load_idx %arg10[%add3A_34, %broadcast_in_dim3A_567] : memref<128x128xf32, #tpu.memory_space<vmem>>[vector<16xi32>, vector<16xi32>], vector<16xf32>,
          %mul3A_570 = arith.mulf %gather3A_568, %gather3A_569 : vector<16xf32>
          %add3A_571 = arith.addf %add3A_565, %mul3A_570 : vector<16xf32>
          %broadcast_in_dim3A_572 = arith.constant 90 : i32
          %broadcast_in_dim3A_573 = vector.broadcast %broadcast_in_dim3A_572 : i32 to vector<16xi32>
          %gather3A_574 = tpu.vector_load_idx %arg9[%add3A_34, %broadcast_in_dim3A_573] : memref<128x128xf32, #tpu.memory_space<vmem>>[vector<16xi32>, vector<16xi32>], vector<16xf32>,
          %gather3A_575 = tpu.vector_load_idx %arg10[%add3A_34, %broadcast_in_dim3A_573] : memref<128x128xf32, #tpu.memory_space<vmem>>[vector<16xi32>, vector<16xi32>], vector<16xf32>,
          %mul3A_576 = arith.mulf %gather3A_574, %gather3A_575 : vector<16xf32>
          %add3A_577 = arith.addf %add3A_571, %mul3A_576 : vector<16xf32>
          %broadcast_in_dim3A_578 = arith.constant 91 : i32
          %broadcast_in_dim3A_579 = vector.broadcast %broadcast_in_dim3A_578 : i32 to vector<16xi32>
          %gather3A_580 = tpu.vector_load_idx %arg9[%add3A_34, %broadcast_in_dim3A_579] : memref<128x128xf32, #tpu.memory_space<vmem>>[vector<16xi32>, vector<16xi32>], vector<16xf32>,
          %gather3A_581 = tpu.vector_load_idx %arg10[%add3A_34, %broadcast_in_dim3A_579] : memref<128x128xf32, #tpu.memory_space<vmem>>[vector<16xi32>, vector<16xi32>], vector<16xf32>,
          %mul3A_582 = arith.mulf %gather3A_580, %gather3A_581 : vector<16xf32>
          %add3A_583 = arith.addf %add3A_577, %mul3A_582 : vector<16xf32>
          %broadcast_in_dim3A_584 = arith.constant 92 : i32
          %broadcast_in_dim3A_585 = vector.broadcast %broadcast_in_dim3A_584 : i32 to vector<16xi32>
          %gather3A_586 = tpu.vector_load_idx %arg9[%add3A_34, %broadcast_in_dim3A_585] : memref<128x128xf32, #tpu.memory_space<vmem>>[vector<16xi32>, vector<16xi32>], vector<16xf32>,
          %gather3A_587 = tpu.vector_load_idx %arg10[%add3A_34, %broadcast_in_dim3A_585] : memref<128x128xf32, #tpu.memory_space<vmem>>[vector<16xi32>, vector<16xi32>], vector<16xf32>,
          %mul3A_588 = arith.mulf %gather3A_586, %gather3A_587 : vector<16xf32>
          %add3A_589 = arith.addf %add3A_583, %mul3A_588 : vector<16xf32>
          %broadcast_in_dim3A_590 = arith.constant 93 : i32
          %broadcast_in_dim3A_591 = vector.broadcast %broadcast_in_dim3A_590 : i32 to vector<16xi32>
          %gather3A_592 = tpu.vector_load_idx %arg9[%add3A_34, %broadcast_in_dim3A_591] : memref<128x128xf32, #tpu.memory_space<vmem>>[vector<16xi32>, vector<16xi32>], vector<16xf32>,
          %gather3A_593 = tpu.vector_load_idx %arg10[%add3A_34, %broadcast_in_dim3A_591] : memref<128x128xf32, #tpu.memory_space<vmem>>[vector<16xi32>, vector<16xi32>], vector<16xf32>,
          %mul3A_594 = arith.mulf %gather3A_592, %gather3A_593 : vector<16xf32>
          %add3A_595 = arith.addf %add3A_589, %mul3A_594 : vector<16xf32>
          %broadcast_in_dim3A_596 = arith.constant 94 : i32
          %broadcast_in_dim3A_597 = vector.broadcast %broadcast_in_dim3A_596 : i32 to vector<16xi32>
          %gather3A_598 = tpu.vector_load_idx %arg9[%add3A_34, %broadcast_in_dim3A_597] : memref<128x128xf32, #tpu.memory_space<vmem>>[vector<16xi32>, vector<16xi32>], vector<16xf32>,
          %gather3A_599 = tpu.vector_load_idx %arg10[%add3A_34, %broadcast_in_dim3A_597] : memref<128x128xf32, #tpu.memory_space<vmem>>[vector<16xi32>, vector<16xi32>], vector<16xf32>,
          %mul3A_600 = arith.mulf %gather3A_598, %gather3A_599 : vector<16xf32>
          %add3A_601 = arith.addf %add3A_595, %mul3A_600 : vector<16xf32>
          %broadcast_in_dim3A_602 = arith.constant 95 : i32
          %broadcast_in_dim3A_603 = vector.broadcast %broadcast_in_dim3A_602 : i32 to vector<16xi32>
          %gather3A_604 = tpu.vector_load_idx %arg9[%add3A_34, %broadcast_in_dim3A_603] : memref<128x128xf32, #tpu.memory_space<vmem>>[vector<16xi32>, vector<16xi32>], vector<16xf32>,
          %gather3A_605 = tpu.vector_load_idx %arg10[%add3A_34, %broadcast_in_dim3A_603] : memref<128x128xf32, #tpu.memory_space<vmem>>[vector<16xi32>, vector<16xi32>], vector<16xf32>,
          %mul3A_606 = arith.mulf %gather3A_604, %gather3A_605 : vector<16xf32>
          %add3A_607 = arith.addf %add3A_601, %mul3A_606 : vector<16xf32>
          %broadcast_in_dim3A_608 = arith.constant 96 : i32
          %broadcast_in_dim3A_609 = vector.broadcast %broadcast_in_dim3A_608 : i32 to vector<16xi32>
          %gather3A_610 = tpu.vector_load_idx %arg9[%add3A_34, %broadcast_in_dim3A_609] : memref<128x128xf32, #tpu.memory_space<vmem>>[vector<16xi32>, vector<16xi32>], vector<16xf32>,
          %gather3A_611 = tpu.vector_load_idx %arg10[%add3A_34, %broadcast_in_dim3A_609] : memref<128x128xf32, #tpu.memory_space<vmem>>[vector<16xi32>, vector<16xi32>], vector<16xf32>,
          %mul3A_612 = arith.mulf %gather3A_610, %gather3A_611 : vector<16xf32>
          %add3A_613 = arith.addf %add3A_607, %mul3A_612 : vector<16xf32>
          %broadcast_in_dim3A_614 = arith.constant 97 : i32
          %broadcast_in_dim3A_615 = vector.broadcast %broadcast_in_dim3A_614 : i32 to vector<16xi32>
          %gather3A_616 = tpu.vector_load_idx %arg9[%add3A_34, %broadcast_in_dim3A_615] : memref<128x128xf32, #tpu.memory_space<vmem>>[vector<16xi32>, vector<16xi32>], vector<16xf32>,
          %gather3A_617 = tpu.vector_load_idx %arg10[%add3A_34, %broadcast_in_dim3A_615] : memref<128x128xf32, #tpu.memory_space<vmem>>[vector<16xi32>, vector<16xi32>], vector<16xf32>,
          %mul3A_618 = arith.mulf %gather3A_616, %gather3A_617 : vector<16xf32>
          %add3A_619 = arith.addf %add3A_613, %mul3A_618 : vector<16xf32>
          %broadcast_in_dim3A_620 = arith.constant 98 : i32
          %broadcast_in_dim3A_621 = vector.broadcast %broadcast_in_dim3A_620 : i32 to vector<16xi32>
          %gather3A_622 = tpu.vector_load_idx %arg9[%add3A_34, %broadcast_in_dim3A_621] : memref<128x128xf32, #tpu.memory_space<vmem>>[vector<16xi32>, vector<16xi32>], vector<16xf32>,
          %gather3A_623 = tpu.vector_load_idx %arg10[%add3A_34, %broadcast_in_dim3A_621] : memref<128x128xf32, #tpu.memory_space<vmem>>[vector<16xi32>, vector<16xi32>], vector<16xf32>,
          %mul3A_624 = arith.mulf %gather3A_622, %gather3A_623 : vector<16xf32>
          %add3A_625 = arith.addf %add3A_619, %mul3A_624 : vector<16xf32>
          %broadcast_in_dim3A_626 = arith.constant 99 : i32
          %broadcast_in_dim3A_627 = vector.broadcast %broadcast_in_dim3A_626 : i32 to vector<16xi32>
          %gather3A_628 = tpu.vector_load_idx %arg9[%add3A_34, %broadcast_in_dim3A_627] : memref<128x128xf32, #tpu.memory_space<vmem>>[vector<16xi32>, vector<16xi32>], vector<16xf32>,
          %gather3A_629 = tpu.vector_load_idx %arg10[%add3A_34, %broadcast_in_dim3A_627] : memref<128x128xf32, #tpu.memory_space<vmem>>[vector<16xi32>, vector<16xi32>], vector<16xf32>,
          %mul3A_630 = arith.mulf %gather3A_628, %gather3A_629 : vector<16xf32>
          %add3A_631 = arith.addf %add3A_625, %mul3A_630 : vector<16xf32>
          %broadcast_in_dim3A_632 = arith.constant 100 : i32
          %broadcast_in_dim3A_633 = vector.broadcast %broadcast_in_dim3A_632 : i32 to vector<16xi32>
          %gather3A_634 = tpu.vector_load_idx %arg9[%add3A_34, %broadcast_in_dim3A_633] : memref<128x128xf32, #tpu.memory_space<vmem>>[vector<16xi32>, vector<16xi32>], vector<16xf32>,
          %gather3A_635 = tpu.vector_load_idx %arg10[%add3A_34, %broadcast_in_dim3A_633] : memref<128x128xf32, #tpu.memory_space<vmem>>[vector<16xi32>, vector<16xi32>], vector<16xf32>,
          %mul3A_636 = arith.mulf %gather3A_634, %gather3A_635 : vector<16xf32>
          %add3A_637 = arith.addf %add3A_631, %mul3A_636 : vector<16xf32>
          %broadcast_in_dim3A_638 = arith.constant 101 : i32
          %broadcast_in_dim3A_639 = vector.broadcast %broadcast_in_dim3A_638 : i32 to vector<16xi32>
          %gather3A_640 = tpu.vector_load_idx %arg9[%add3A_34, %broadcast_in_dim3A_639] : memref<128x128xf32, #tpu.memory_space<vmem>>[vector<16xi32>, vector<16xi32>], vector<16xf32>,
          %gather3A_641 = tpu.vector_load_idx %arg10[%add3A_34, %broadcast_in_dim3A_639] : memref<128x128xf32, #tpu.memory_space<vmem>>[vector<16xi32>, vector<16xi32>], vector<16xf32>,
          %mul3A_642 = arith.mulf %gather3A_640, %gather3A_641 : vector<16xf32>
          %add3A_643 = arith.addf %add3A_637, %mul3A_642 : vector<16xf32>
          %broadcast_in_dim3A_644 = arith.constant 102 : i32
          %broadcast_in_dim3A_645 = vector.broadcast %broadcast_in_dim3A_644 : i32 to vector<16xi32>
          %gather3A_646 = tpu.vector_load_idx %arg9[%add3A_34, %broadcast_in_dim3A_645] : memref<128x128xf32, #tpu.memory_space<vmem>>[vector<16xi32>, vector<16xi32>], vector<16xf32>,
          %gather3A_647 = tpu.vector_load_idx %arg10[%add3A_34, %broadcast_in_dim3A_645] : memref<128x128xf32, #tpu.memory_space<vmem>>[vector<16xi32>, vector<16xi32>], vector<16xf32>,
          %mul3A_648 = arith.mulf %gather3A_646, %gather3A_647 : vector<16xf32>
          %add3A_649 = arith.addf %add3A_643, %mul3A_648 : vector<16xf32>
          %broadcast_in_dim3A_650 = arith.constant 103 : i32
          %broadcast_in_dim3A_651 = vector.broadcast %broadcast_in_dim3A_650 : i32 to vector<16xi32>
          %gather3A_652 = tpu.vector_load_idx %arg9[%add3A_34, %broadcast_in_dim3A_651] : memref<128x128xf32, #tpu.memory_space<vmem>>[vector<16xi32>, vector<16xi32>], vector<16xf32>,
          %gather3A_653 = tpu.vector_load_idx %arg10[%add3A_34, %broadcast_in_dim3A_651] : memref<128x128xf32, #tpu.memory_space<vmem>>[vector<16xi32>, vector<16xi32>], vector<16xf32>,
          %mul3A_654 = arith.mulf %gather3A_652, %gather3A_653 : vector<16xf32>
          %add3A_655 = arith.addf %add3A_649, %mul3A_654 : vector<16xf32>
          %broadcast_in_dim3A_656 = arith.constant 104 : i32
          %broadcast_in_dim3A_657 = vector.broadcast %broadcast_in_dim3A_656 : i32 to vector<16xi32>
          %gather3A_658 = tpu.vector_load_idx %arg9[%add3A_34, %broadcast_in_dim3A_657] : memref<128x128xf32, #tpu.memory_space<vmem>>[vector<16xi32>, vector<16xi32>], vector<16xf32>,
          %gather3A_659 = tpu.vector_load_idx %arg10[%add3A_34, %broadcast_in_dim3A_657] : memref<128x128xf32, #tpu.memory_space<vmem>>[vector<16xi32>, vector<16xi32>], vector<16xf32>,
          %mul3A_660 = arith.mulf %gather3A_658, %gather3A_659 : vector<16xf32>
          %add3A_661 = arith.addf %add3A_655, %mul3A_660 : vector<16xf32>
          %broadcast_in_dim3A_662 = arith.constant 105 : i32
          %broadcast_in_dim3A_663 = vector.broadcast %broadcast_in_dim3A_662 : i32 to vector<16xi32>
          %gather3A_664 = tpu.vector_load_idx %arg9[%add3A_34, %broadcast_in_dim3A_663] : memref<128x128xf32, #tpu.memory_space<vmem>>[vector<16xi32>, vector<16xi32>], vector<16xf32>,
          %gather3A_665 = tpu.vector_load_idx %arg10[%add3A_34, %broadcast_in_dim3A_663] : memref<128x128xf32, #tpu.memory_space<vmem>>[vector<16xi32>, vector<16xi32>], vector<16xf32>,
          %mul3A_666 = arith.mulf %gather3A_664, %gather3A_665 : vector<16xf32>
          %add3A_667 = arith.addf %add3A_661, %mul3A_666 : vector<16xf32>
          %broadcast_in_dim3A_668 = arith.constant 106 : i32
          %broadcast_in_dim3A_669 = vector.broadcast %broadcast_in_dim3A_668 : i32 to vector<16xi32>
          %gather3A_670 = tpu.vector_load_idx %arg9[%add3A_34, %broadcast_in_dim3A_669] : memref<128x128xf32, #tpu.memory_space<vmem>>[vector<16xi32>, vector<16xi32>], vector<16xf32>,
          %gather3A_671 = tpu.vector_load_idx %arg10[%add3A_34, %broadcast_in_dim3A_669] : memref<128x128xf32, #tpu.memory_space<vmem>>[vector<16xi32>, vector<16xi32>], vector<16xf32>,
          %mul3A_672 = arith.mulf %gather3A_670, %gather3A_671 : vector<16xf32>
          %add3A_673 = arith.addf %add3A_667, %mul3A_672 : vector<16xf32>
          %broadcast_in_dim3A_674 = arith.constant 107 : i32
          %broadcast_in_dim3A_675 = vector.broadcast %broadcast_in_dim3A_674 : i32 to vector<16xi32>
          %gather3A_676 = tpu.vector_load_idx %arg9[%add3A_34, %broadcast_in_dim3A_675] : memref<128x128xf32, #tpu.memory_space<vmem>>[vector<16xi32>, vector<16xi32>], vector<16xf32>,
          %gather3A_677 = tpu.vector_load_idx %arg10[%add3A_34, %broadcast_in_dim3A_675] : memref<128x128xf32, #tpu.memory_space<vmem>>[vector<16xi32>, vector<16xi32>], vector<16xf32>,
          %mul3A_678 = arith.mulf %gather3A_676, %gather3A_677 : vector<16xf32>
          %add3A_679 = arith.addf %add3A_673, %mul3A_678 : vector<16xf32>
          %broadcast_in_dim3A_680 = arith.constant 108 : i32
          %broadcast_in_dim3A_681 = vector.broadcast %broadcast_in_dim3A_680 : i32 to vector<16xi32>
          %gather3A_682 = tpu.vector_load_idx %arg9[%add3A_34, %broadcast_in_dim3A_681] : memref<128x128xf32, #tpu.memory_space<vmem>>[vector<16xi32>, vector<16xi32>], vector<16xf32>,
          %gather3A_683 = tpu.vector_load_idx %arg10[%add3A_34, %broadcast_in_dim3A_681] : memref<128x128xf32, #tpu.memory_space<vmem>>[vector<16xi32>, vector<16xi32>], vector<16xf32>,
          %mul3A_684 = arith.mulf %gather3A_682, %gather3A_683 : vector<16xf32>
          %add3A_685 = arith.addf %add3A_679, %mul3A_684 : vector<16xf32>
          %broadcast_in_dim3A_686 = arith.constant 109 : i32
          %broadcast_in_dim3A_687 = vector.broadcast %broadcast_in_dim3A_686 : i32 to vector<16xi32>
          %gather3A_688 = tpu.vector_load_idx %arg9[%add3A_34, %broadcast_in_dim3A_687] : memref<128x128xf32, #tpu.memory_space<vmem>>[vector<16xi32>, vector<16xi32>], vector<16xf32>,
          %gather3A_689 = tpu.vector_load_idx %arg10[%add3A_34, %broadcast_in_dim3A_687] : memref<128x128xf32, #tpu.memory_space<vmem>>[vector<16xi32>, vector<16xi32>], vector<16xf32>,
          %mul3A_690 = arith.mulf %gather3A_688, %gather3A_689 : vector<16xf32>
          %add3A_691 = arith.addf %add3A_685, %mul3A_690 : vector<16xf32>
          %broadcast_in_dim3A_692 = arith.constant 110 : i32
          %broadcast_in_dim3A_693 = vector.broadcast %broadcast_in_dim3A_692 : i32 to vector<16xi32>
          %gather3A_694 = tpu.vector_load_idx %arg9[%add3A_34, %broadcast_in_dim3A_693] : memref<128x128xf32, #tpu.memory_space<vmem>>[vector<16xi32>, vector<16xi32>], vector<16xf32>,
          %gather3A_695 = tpu.vector_load_idx %arg10[%add3A_34, %broadcast_in_dim3A_693] : memref<128x128xf32, #tpu.memory_space<vmem>>[vector<16xi32>, vector<16xi32>], vector<16xf32>,
          %mul3A_696 = arith.mulf %gather3A_694, %gather3A_695 : vector<16xf32>
          %add3A_697 = arith.addf %add3A_691, %mul3A_696 : vector<16xf32>
          %broadcast_in_dim3A_698 = arith.constant 111 : i32
          %broadcast_in_dim3A_699 = vector.broadcast %broadcast_in_dim3A_698 : i32 to vector<16xi32>
          %gather3A_700 = tpu.vector_load_idx %arg9[%add3A_34, %broadcast_in_dim3A_699] : memref<128x128xf32, #tpu.memory_space<vmem>>[vector<16xi32>, vector<16xi32>], vector<16xf32>,
          %gather3A_701 = tpu.vector_load_idx %arg10[%add3A_34, %broadcast_in_dim3A_699] : memref<128x128xf32, #tpu.memory_space<vmem>>[vector<16xi32>, vector<16xi32>], vector<16xf32>,
          %mul3A_702 = arith.mulf %gather3A_700, %gather3A_701 : vector<16xf32>
          %add3A_703 = arith.addf %add3A_697, %mul3A_702 : vector<16xf32>
          %broadcast_in_dim3A_704 = arith.constant 112 : i32
          %broadcast_in_dim3A_705 = vector.broadcast %broadcast_in_dim3A_704 : i32 to vector<16xi32>
          %gather3A_706 = tpu.vector_load_idx %arg9[%add3A_34, %broadcast_in_dim3A_705] : memref<128x128xf32, #tpu.memory_space<vmem>>[vector<16xi32>, vector<16xi32>], vector<16xf32>,
          %gather3A_707 = tpu.vector_load_idx %arg10[%add3A_34, %broadcast_in_dim3A_705] : memref<128x128xf32, #tpu.memory_space<vmem>>[vector<16xi32>, vector<16xi32>], vector<16xf32>,
          %mul3A_708 = arith.mulf %gather3A_706, %gather3A_707 : vector<16xf32>
          %add3A_709 = arith.addf %add3A_703, %mul3A_708 : vector<16xf32>
          %broadcast_in_dim3A_710 = arith.constant 113 : i32
          %broadcast_in_dim3A_711 = vector.broadcast %broadcast_in_dim3A_710 : i32 to vector<16xi32>
          %gather3A_712 = tpu.vector_load_idx %arg9[%add3A_34, %broadcast_in_dim3A_711] : memref<128x128xf32, #tpu.memory_space<vmem>>[vector<16xi32>, vector<16xi32>], vector<16xf32>,
          %gather3A_713 = tpu.vector_load_idx %arg10[%add3A_34, %broadcast_in_dim3A_711] : memref<128x128xf32, #tpu.memory_space<vmem>>[vector<16xi32>, vector<16xi32>], vector<16xf32>,
          %mul3A_714 = arith.mulf %gather3A_712, %gather3A_713 : vector<16xf32>
          %add3A_715 = arith.addf %add3A_709, %mul3A_714 : vector<16xf32>
          %broadcast_in_dim3A_716 = arith.constant 114 : i32
          %broadcast_in_dim3A_717 = vector.broadcast %broadcast_in_dim3A_716 : i32 to vector<16xi32>
          %gather3A_718 = tpu.vector_load_idx %arg9[%add3A_34, %broadcast_in_dim3A_717] : memref<128x128xf32, #tpu.memory_space<vmem>>[vector<16xi32>, vector<16xi32>], vector<16xf32>,
          %gather3A_719 = tpu.vector_load_idx %arg10[%add3A_34, %broadcast_in_dim3A_717] : memref<128x128xf32, #tpu.memory_space<vmem>>[vector<16xi32>, vector<16xi32>], vector<16xf32>,
          %mul3A_720 = arith.mulf %gather3A_718, %gather3A_719 : vector<16xf32>
          %add3A_721 = arith.addf %add3A_715, %mul3A_720 : vector<16xf32>
          %broadcast_in_dim3A_722 = arith.constant 115 : i32
          %broadcast_in_dim3A_723 = vector.broadcast %broadcast_in_dim3A_722 : i32 to vector<16xi32>
          %gather3A_724 = tpu.vector_load_idx %arg9[%add3A_34, %broadcast_in_dim3A_723] : memref<128x128xf32, #tpu.memory_space<vmem>>[vector<16xi32>, vector<16xi32>], vector<16xf32>,
          %gather3A_725 = tpu.vector_load_idx %arg10[%add3A_34, %broadcast_in_dim3A_723] : memref<128x128xf32, #tpu.memory_space<vmem>>[vector<16xi32>, vector<16xi32>], vector<16xf32>,
          %mul3A_726 = arith.mulf %gather3A_724, %gather3A_725 : vector<16xf32>
          %add3A_727 = arith.addf %add3A_721, %mul3A_726 : vector<16xf32>
          %broadcast_in_dim3A_728 = arith.constant 116 : i32
          %broadcast_in_dim3A_729 = vector.broadcast %broadcast_in_dim3A_728 : i32 to vector<16xi32>
          %gather3A_730 = tpu.vector_load_idx %arg9[%add3A_34, %broadcast_in_dim3A_729] : memref<128x128xf32, #tpu.memory_space<vmem>>[vector<16xi32>, vector<16xi32>], vector<16xf32>,
          %gather3A_731 = tpu.vector_load_idx %arg10[%add3A_34, %broadcast_in_dim3A_729] : memref<128x128xf32, #tpu.memory_space<vmem>>[vector<16xi32>, vector<16xi32>], vector<16xf32>,
          %mul3A_732 = arith.mulf %gather3A_730, %gather3A_731 : vector<16xf32>
          %add3A_733 = arith.addf %add3A_727, %mul3A_732 : vector<16xf32>
          %broadcast_in_dim3A_734 = arith.constant 117 : i32
          %broadcast_in_dim3A_735 = vector.broadcast %broadcast_in_dim3A_734 : i32 to vector<16xi32>
          %gather3A_736 = tpu.vector_load_idx %arg9[%add3A_34, %broadcast_in_dim3A_735] : memref<128x128xf32, #tpu.memory_space<vmem>>[vector<16xi32>, vector<16xi32>], vector<16xf32>,
          %gather3A_737 = tpu.vector_load_idx %arg10[%add3A_34, %broadcast_in_dim3A_735] : memref<128x128xf32, #tpu.memory_space<vmem>>[vector<16xi32>, vector<16xi32>], vector<16xf32>,
          %mul3A_738 = arith.mulf %gather3A_736, %gather3A_737 : vector<16xf32>
          %add3A_739 = arith.addf %add3A_733, %mul3A_738 : vector<16xf32>
          %broadcast_in_dim3A_740 = arith.constant 118 : i32
          %broadcast_in_dim3A_741 = vector.broadcast %broadcast_in_dim3A_740 : i32 to vector<16xi32>
          %gather3A_742 = tpu.vector_load_idx %arg9[%add3A_34, %broadcast_in_dim3A_741] : memref<128x128xf32, #tpu.memory_space<vmem>>[vector<16xi32>, vector<16xi32>], vector<16xf32>,
          %gather3A_743 = tpu.vector_load_idx %arg10[%add3A_34, %broadcast_in_dim3A_741] : memref<128x128xf32, #tpu.memory_space<vmem>>[vector<16xi32>, vector<16xi32>], vector<16xf32>,
          %mul3A_744 = arith.mulf %gather3A_742, %gather3A_743 : vector<16xf32>
          %add3A_745 = arith.addf %add3A_739, %mul3A_744 : vector<16xf32>
          %broadcast_in_dim3A_746 = arith.constant 119 : i32
          %broadcast_in_dim3A_747 = vector.broadcast %broadcast_in_dim3A_746 : i32 to vector<16xi32>
          %gather3A_748 = tpu.vector_load_idx %arg9[%add3A_34, %broadcast_in_dim3A_747] : memref<128x128xf32, #tpu.memory_space<vmem>>[vector<16xi32>, vector<16xi32>], vector<16xf32>,
          %gather3A_749 = tpu.vector_load_idx %arg10[%add3A_34, %broadcast_in_dim3A_747] : memref<128x128xf32, #tpu.memory_space<vmem>>[vector<16xi32>, vector<16xi32>], vector<16xf32>,
          %mul3A_750 = arith.mulf %gather3A_748, %gather3A_749 : vector<16xf32>
          %add3A_751 = arith.addf %add3A_745, %mul3A_750 : vector<16xf32>
          %broadcast_in_dim3A_752 = arith.constant 120 : i32
          %broadcast_in_dim3A_753 = vector.broadcast %broadcast_in_dim3A_752 : i32 to vector<16xi32>
          %gather3A_754 = tpu.vector_load_idx %arg9[%add3A_34, %broadcast_in_dim3A_753] : memref<128x128xf32, #tpu.memory_space<vmem>>[vector<16xi32>, vector<16xi32>], vector<16xf32>,
          %gather3A_755 = tpu.vector_load_idx %arg10[%add3A_34, %broadcast_in_dim3A_753] : memref<128x128xf32, #tpu.memory_space<vmem>>[vector<16xi32>, vector<16xi32>], vector<16xf32>,
          %mul3A_756 = arith.mulf %gather3A_754, %gather3A_755 : vector<16xf32>
          %add3A_757 = arith.addf %add3A_751, %mul3A_756 : vector<16xf32>
          %broadcast_in_dim3A_758 = arith.constant 121 : i32
          %broadcast_in_dim3A_759 = vector.broadcast %broadcast_in_dim3A_758 : i32 to vector<16xi32>
          %gather3A_760 = tpu.vector_load_idx %arg9[%add3A_34, %broadcast_in_dim3A_759] : memref<128x128xf32, #tpu.memory_space<vmem>>[vector<16xi32>, vector<16xi32>], vector<16xf32>,
          %gather3A_761 = tpu.vector_load_idx %arg10[%add3A_34, %broadcast_in_dim3A_759] : memref<128x128xf32, #tpu.memory_space<vmem>>[vector<16xi32>, vector<16xi32>], vector<16xf32>,
          %mul3A_762 = arith.mulf %gather3A_760, %gather3A_761 : vector<16xf32>
          %add3A_763 = arith.addf %add3A_757, %mul3A_762 : vector<16xf32>
          %broadcast_in_dim3A_764 = arith.constant 122 : i32
          %broadcast_in_dim3A_765 = vector.broadcast %broadcast_in_dim3A_764 : i32 to vector<16xi32>
          %gather3A_766 = tpu.vector_load_idx %arg9[%add3A_34, %broadcast_in_dim3A_765] : memref<128x128xf32, #tpu.memory_space<vmem>>[vector<16xi32>, vector<16xi32>], vector<16xf32>,
          %gather3A_767 = tpu.vector_load_idx %arg10[%add3A_34, %broadcast_in_dim3A_765] : memref<128x128xf32, #tpu.memory_space<vmem>>[vector<16xi32>, vector<16xi32>], vector<16xf32>,
          %mul3A_768 = arith.mulf %gather3A_766, %gather3A_767 : vector<16xf32>
          %add3A_769 = arith.addf %add3A_763, %mul3A_768 : vector<16xf32>
          %broadcast_in_dim3A_770 = arith.constant 123 : i32
          %broadcast_in_dim3A_771 = vector.broadcast %broadcast_in_dim3A_770 : i32 to vector<16xi32>
          %gather3A_772 = tpu.vector_load_idx %arg9[%add3A_34, %broadcast_in_dim3A_771] : memref<128x128xf32, #tpu.memory_space<vmem>>[vector<16xi32>, vector<16xi32>], vector<16xf32>,
          %gather3A_773 = tpu.vector_load_idx %arg10[%add3A_34, %broadcast_in_dim3A_771] : memref<128x128xf32, #tpu.memory_space<vmem>>[vector<16xi32>, vector<16xi32>], vector<16xf32>,
          %mul3A_774 = arith.mulf %gather3A_772, %gather3A_773 : vector<16xf32>
          %add3A_775 = arith.addf %add3A_769, %mul3A_774 : vector<16xf32>
          %broadcast_in_dim3A_776 = arith.constant 124 : i32
          %broadcast_in_dim3A_777 = vector.broadcast %broadcast_in_dim3A_776 : i32 to vector<16xi32>
          %gather3A_778 = tpu.vector_load_idx %arg9[%add3A_34, %broadcast_in_dim3A_777] : memref<128x128xf32, #tpu.memory_space<vmem>>[vector<16xi32>, vector<16xi32>], vector<16xf32>,
          %gather3A_779 = tpu.vector_load_idx %arg10[%add3A_34, %broadcast_in_dim3A_777] : memref<128x128xf32, #tpu.memory_space<vmem>>[vector<16xi32>, vector<16xi32>], vector<16xf32>,
          %mul3A_780 = arith.mulf %gather3A_778, %gather3A_779 : vector<16xf32>
          %add3A_781 = arith.addf %add3A_775, %mul3A_780 : vector<16xf32>
          %broadcast_in_dim3A_782 = arith.constant 125 : i32
          %broadcast_in_dim3A_783 = vector.broadcast %broadcast_in_dim3A_782 : i32 to vector<16xi32>
          %gather3A_784 = tpu.vector_load_idx %arg9[%add3A_34, %broadcast_in_dim3A_783] : memref<128x128xf32, #tpu.memory_space<vmem>>[vector<16xi32>, vector<16xi32>], vector<16xf32>,
          %gather3A_785 = tpu.vector_load_idx %arg10[%add3A_34, %broadcast_in_dim3A_783] : memref<128x128xf32, #tpu.memory_space<vmem>>[vector<16xi32>, vector<16xi32>], vector<16xf32>,
          %mul3A_786 = arith.mulf %gather3A_784, %gather3A_785 : vector<16xf32>
          %add3A_787 = arith.addf %add3A_781, %mul3A_786 : vector<16xf32>
          %broadcast_in_dim3A_788 = arith.constant 126 : i32
          %broadcast_in_dim3A_789 = vector.broadcast %broadcast_in_dim3A_788 : i32 to vector<16xi32>
          %gather3A_790 = tpu.vector_load_idx %arg9[%add3A_34, %broadcast_in_dim3A_789] : memref<128x128xf32, #tpu.memory_space<vmem>>[vector<16xi32>, vector<16xi32>], vector<16xf32>,
          %gather3A_791 = tpu.vector_load_idx %arg10[%add3A_34, %broadcast_in_dim3A_789] : memref<128x128xf32, #tpu.memory_space<vmem>>[vector<16xi32>, vector<16xi32>], vector<16xf32>,
          %mul3A_792 = arith.mulf %gather3A_790, %gather3A_791 : vector<16xf32>
          %add3A_793 = arith.addf %add3A_787, %mul3A_792 : vector<16xf32>
          %broadcast_in_dim3A_794 = arith.constant 127 : i32
          %broadcast_in_dim3A_795 = vector.broadcast %broadcast_in_dim3A_794 : i32 to vector<16xi32>
          %gather3A_796 = tpu.vector_load_idx %arg9[%add3A_34, %broadcast_in_dim3A_795] : memref<128x128xf32, #tpu.memory_space<vmem>>[vector<16xi32>, vector<16xi32>], vector<16xf32>,
          %gather3A_797 = tpu.vector_load_idx %arg10[%add3A_34, %broadcast_in_dim3A_795] : memref<128x128xf32, #tpu.memory_space<vmem>>[vector<16xi32>, vector<16xi32>], vector<16xf32>,
          %mul3A_798 = arith.mulf %gather3A_796, %gather3A_797 : vector<16xf32>
          %add3A_799 = arith.addf %add3A_793, %mul3A_798 : vector<16xf32>
          %mul3A_800 = arith.constant 16 : i32
          %mul3A_801 = arith.muli %scan3A_30, %mul3A_800 : i32
          %swap3A = arith.index_cast %mul3A_801 : i32 to index
          %swap3A_802 = tpu.vector_load %arg11[%swap3A] {strides = array<i32>} : memref<128xf32, #tpu.memory_space<vmem>>, vector<16xf32>,
          tpu.vector_store %arg11[%swap3A], %add3A_799 {strides = array<i32>} : memref<128xf32, #tpu.memory_space<vmem>>, vector<16xf32>,
        }
        %scan3A_29 = arith.constant 8 : i32
        "tpu.region"() ({
          %run_scoped3A = tpu.sem_alloc : memref<!tpu.dma_semaphore, #tpu.memory_space<semaphore_mem>>
          %dma_start3A_30 = tpu.memref_slice %arg6[%mul3A_13] : memref<100096xf32, #tpu.memory_space<hbm>> -> memref<128xf32, #tpu.memory_space<hbm>>
          %dma_start3A_31 = tpu.memref_slice %arg6[%mul3A_13] : memref<100096xf32, #tpu.memory_space<hbm>> -> memref<128xf32, #tpu.memory_space<hbm>>
          tpu.enqueue_dma source(%arg11 : memref<128xf32, #tpu.memory_space<vmem>>) target(%dma_start3A_31 : memref<128xf32, #tpu.memory_space<hbm>>) target_semaphore(%run_scoped3A : memref<!tpu.dma_semaphore, #tpu.memory_space<semaphore_mem>>)
          %dma_wait3A_32 = tpu.memref_slice %arg6[%mul3A_13] : memref<100096xf32, #tpu.memory_space<hbm>> -> memref<128xf32, #tpu.memory_space<hbm>>
          %dma_wait3A_33 = tpu.memref_slice %arg6[%mul3A_13] : memref<100096xf32, #tpu.memory_space<hbm>> -> memref<128xf32, #tpu.memory_space<hbm>>
          tpu.wait_dma2 semaphore(%run_scoped3A : memref<!tpu.dma_semaphore, #tpu.memory_space<semaphore_mem>>) src(%arg11 : memref<128xf32, #tpu.memory_space<vmem>>) dst(%dma_wait3A_33 : memref<128xf32, #tpu.memory_space<hbm>>)
          tpu.yield
        }) : () -> ()
      } else {
      }
    }
    %scan3A_5 = arith.constant 25 : i32
    return
  }
}

module attributes {stable_mosaic.version = 14 : i64} {
  func.func @_tc1_body(%arg0: i32, %arg1: memref<1000x128xf32, #tpu.memory_space<vmem>>, %arg2: memref<128x128xf32, #tpu.memory_space<vmem>>, %arg3: memref<128xf32, #tpu.memory_space<vmem>>, %arg4: memref<1000x128xf32, #tpu.memory_space<vmem>>, %arg5: memref<1000x128xf32, #tpu.memory_space<vmem>>) attributes {dimension_semantics = [#tpu.dimension_semantics<arbitrary>], iteration_bounds = array<i64: 10>, scalar_prefetch = 0 : i64, scratch_operands = 0 : i64, tpu.core_type = #tpu.core_type<tc>, window_params = [{transform_indices = @transform_0, window_bounds = array<i64: 1000, 128>}, {pipeline_mode = #tpu.pipeline_mode<synchronous>, transform_indices = @transform_1, window_bounds = array<i64: 128, 128>}, {pipeline_mode = #tpu.pipeline_mode<synchronous>, transform_indices = @transform_2, window_bounds = array<i64: 128>}, {transform_indices = @transform_3, window_bounds = array<i64: 1000, 128>}, {transform_indices = @transform_4, window_bounds = array<i64: 1000, 128>}]} {
    %get3A = arith.constant 0 : index
    %get3A_0 = arith.constant 0 : index
    %get3A_1 = vector.load %arg1[%get3A, %get3A_0] : memref<1000x128xf32, #tpu.memory_space<vmem>>, vector<1000x128xf32>
    %get3A_2 = arith.constant 0 : index
    %get3A_3 = arith.constant 0 : index
    %get3A_4 = vector.load %arg2[%get3A_2, %get3A_3] : memref<128x128xf32, #tpu.memory_space<vmem>>, vector<128x128xf32>
    %dot_general3A = arith.constant dense<0.000000e+00> : vector<1000x128xf32>
    %dot_general3A_5 = tpu.matmul %get3A_1, %get3A_4, %dot_general3A {dimension_numbers = #tpu.dot_dimension_numbers<[1], [0], [0], [1], [0, 0, 1, 1], [], []>, transpose_lhs_hint = false} : vector<1000x128xf32>, vector<128x128xf32>, vector<1000x128xf32> -> vector<1000x128xf32>
    %get3A_6 = arith.constant 0 : index
    %get3A_7 = vector.load %arg3[%get3A_6] : memref<128xf32, #tpu.memory_space<vmem>>, vector<128xf32>
    %broadcast_in_dim3A = vector.shape_cast %get3A_7 : vector<128xf32> to vector<1x128xf32>
    %add3A = vector.broadcast %broadcast_in_dim3A : vector<1x128xf32> to vector<1000x128xf32>
    %add3A_8 = arith.addf %dot_general3A_5, %add3A : vector<1000x128xf32>
    %get3A_9 = arith.constant 0 : index
    %get3A_10 = arith.constant 0 : index
    %get3A_11 = vector.load %arg4[%get3A_9, %get3A_10] : memref<1000x128xf32, #tpu.memory_space<vmem>>, vector<1000x128xf32>
    %add3A_12 = arith.addf %add3A_8, %get3A_11 : vector<1000x128xf32>
    %swap3A = arith.constant 0 : index
    %swap3A_13 = arith.constant 0 : index
    %swap3A_14 = vector.load %arg5[%swap3A, %swap3A_13] : memref<1000x128xf32, #tpu.memory_space<vmem>>, vector<1000x128xf32>
    tpu.vector_store %arg5[%swap3A, %swap3A_13], %add3A_12 {strides = array<i32>} : memref<1000x128xf32, #tpu.memory_space<vmem>>, vector<1000x128xf32>,
    return
  }
  func.func @transform_0(%arg0: i32) -> (i32, i32) {
    %c0_i32 = arith.constant 0 : i32
    %c0_i32_0 = arith.constant 0 : i32
    return %arg0, %c0_i32 : i32, i32
  }
  func.func @transform_1(%arg0: i32) -> (i32, i32) {
    %c0_i32 = arith.constant 0 : i32
    %c0_i32_0 = arith.constant 0 : i32
    %c0_i32_1 = arith.constant 0 : i32
    return %c0_i32, %c0_i32_0 : i32, i32
  }
  func.func @transform_2(%arg0: i32) -> i32 {
    %c0_i32 = arith.constant 0 : i32
    %c0_i32_0 = arith.constant 0 : i32
    return %c0_i32 : i32
  }
  func.func @transform_3(%arg0: i32) -> (i32, i32) {
    %c0_i32 = arith.constant 0 : i32
    %c0_i32_0 = arith.constant 0 : i32
    return %arg0, %c0_i32 : i32, i32
  }
  func.func @transform_4(%arg0: i32) -> (i32, i32) {
    %c0_i32 = arith.constant 0 : i32
    %c0_i32_0 = arith.constant 0 : i32
    return %arg0, %c0_i32 : i32, i32
  }
}

module attributes {stable_mosaic.version = 14 : i64} {
  func.func @_tc2_body(%arg0: i32, %arg1: memref<1000x128xf32, #tpu.memory_space<vmem>>, %arg2: memref<1000x128xf32, #tpu.memory_space<vmem>>, %arg3: memref<1000x128xf32, #tpu.memory_space<vmem>>, %arg4: memref<1000x128xf32, #tpu.memory_space<vmem>>, %arg5: memref<128x128xf32, #tpu.memory_space<vmem>>, %arg6: memref<128x128xf32, #tpu.memory_space<vmem>>, %arg7: memref<128x128xf32, #tpu.memory_space<vmem>>, %arg8: memref<128x128xf32, #tpu.memory_space<vmem>>, %arg9: memref<1000x128xf32, #tpu.memory_space<vmem>>, %arg10: memref<1000x128xf32, #tpu.memory_space<vmem>>) attributes {dimension_semantics = [#tpu.dimension_semantics<arbitrary>], iteration_bounds = array<i64: 10>, scalar_prefetch = 0 : i64, scratch_operands = 0 : i64, tpu.core_type = #tpu.core_type<tc>, window_params = [{transform_indices = @transform_0, window_bounds = array<i64: 1000, 128>}, {transform_indices = @transform_1, window_bounds = array<i64: 1000, 128>}, {transform_indices = @transform_2, window_bounds = array<i64: 1000, 128>}, {transform_indices = @transform_3, window_bounds = array<i64: 1000, 128>}, {pipeline_mode = #tpu.pipeline_mode<synchronous>, transform_indices = @transform_4, window_bounds = array<i64: 128, 128>}, {pipeline_mode = #tpu.pipeline_mode<synchronous>, transform_indices = @transform_5, window_bounds = array<i64: 128, 128>}, {pipeline_mode = #tpu.pipeline_mode<synchronous>, transform_indices = @transform_6, window_bounds = array<i64: 128, 128>}, {pipeline_mode = #tpu.pipeline_mode<synchronous>, transform_indices = @transform_7, window_bounds = array<i64: 128, 128>}, {transform_indices = @transform_8, window_bounds = array<i64: 1000, 128>}, {transform_indices = @transform_9, window_bounds = array<i64: 1000, 128>}]} {
    %get3A = arith.constant 0 : index
    %get3A_0 = arith.constant 0 : index
    %get3A_1 = vector.load %arg3[%get3A, %get3A_0] : memref<1000x128xf32, #tpu.memory_space<vmem>>, vector<1000x128xf32>
    %get3A_2 = arith.constant 0 : index
    %get3A_3 = arith.constant 0 : index
    %get3A_4 = vector.load %arg5[%get3A_2, %get3A_3] : memref<128x128xf32, #tpu.memory_space<vmem>>, vector<128x128xf32>
    %dot_general3A = arith.constant dense<0.000000e+00> : vector<1000x128xf32>
    %dot_general3A_5 = tpu.matmul %get3A_1, %get3A_4, %dot_general3A {dimension_numbers = #tpu.dot_dimension_numbers<[1], [0], [0], [1], [0, 0, 1, 1], [], []>, transpose_lhs_hint = false} : vector<1000x128xf32>, vector<128x128xf32>, vector<1000x128xf32> -> vector<1000x128xf32>
    %get3A_6 = arith.constant 0 : index
    %get3A_7 = arith.constant 0 : index
    %get3A_8 = vector.load %arg1[%get3A_6, %get3A_7] : memref<1000x128xf32, #tpu.memory_space<vmem>>, vector<1000x128xf32>
    %get3A_9 = arith.constant 0 : index
    %get3A_10 = arith.constant 0 : index
    %get3A_11 = vector.load %arg6[%get3A_9, %get3A_10] : memref<128x128xf32, #tpu.memory_space<vmem>>, vector<128x128xf32>
    %dot_general3A_12 = arith.constant dense<0.000000e+00> : vector<1000x128xf32>
    %dot_general3A_13 = tpu.matmul %get3A_8, %get3A_11, %dot_general3A_12 {dimension_numbers = #tpu.dot_dimension_numbers<[1], [0], [0], [1], [0, 0, 1, 1], [], []>, transpose_lhs_hint = false} : vector<1000x128xf32>, vector<128x128xf32>, vector<1000x128xf32> -> vector<1000x128xf32>
    %add3A = arith.addf %dot_general3A_5, %dot_general3A_13 : vector<1000x128xf32>
    %max3A = arith.constant 0.000000e+00 : f32
    %max3A_14 = vector.broadcast %max3A : f32 to vector<1000x128xf32>
    %max3A_15 = arith.maximumf %add3A, %max3A_14 : vector<1000x128xf32>
    %swap3A = arith.constant 0 : index
    %swap3A_16 = arith.constant 0 : index
    %swap3A_17 = vector.load %arg9[%swap3A, %swap3A_16] : memref<1000x128xf32, #tpu.memory_space<vmem>>, vector<1000x128xf32>
    tpu.vector_store %arg9[%swap3A, %swap3A_16], %max3A_15 {strides = array<i32>} : memref<1000x128xf32, #tpu.memory_space<vmem>>, vector<1000x128xf32>,
    %get3A_18 = arith.constant 0 : index
    %get3A_19 = arith.constant 0 : index
    %get3A_20 = vector.load %arg4[%get3A_18, %get3A_19] : memref<1000x128xf32, #tpu.memory_space<vmem>>, vector<1000x128xf32>
    %get3A_21 = arith.constant 0 : index
    %get3A_22 = arith.constant 0 : index
    %get3A_23 = vector.load %arg7[%get3A_21, %get3A_22] : memref<128x128xf32, #tpu.memory_space<vmem>>, vector<128x128xf32>
    %dot_general3A_24 = arith.constant dense<0.000000e+00> : vector<1000x128xf32>
    %dot_general3A_25 = tpu.matmul %get3A_20, %get3A_23, %dot_general3A_24 {dimension_numbers = #tpu.dot_dimension_numbers<[1], [0], [0], [1], [0, 0, 1, 1], [], []>, transpose_lhs_hint = false} : vector<1000x128xf32>, vector<128x128xf32>, vector<1000x128xf32> -> vector<1000x128xf32>
    %get3A_26 = arith.constant 0 : index
    %get3A_27 = arith.constant 0 : index
    %get3A_28 = vector.load %arg2[%get3A_26, %get3A_27] : memref<1000x128xf32, #tpu.memory_space<vmem>>, vector<1000x128xf32>
    %get3A_29 = arith.constant 0 : index
    %get3A_30 = arith.constant 0 : index
    %get3A_31 = vector.load %arg8[%get3A_29, %get3A_30] : memref<128x128xf32, #tpu.memory_space<vmem>>, vector<128x128xf32>
    %dot_general3A_32 = arith.constant dense<0.000000e+00> : vector<1000x128xf32>
    %dot_general3A_33 = tpu.matmul %get3A_28, %get3A_31, %dot_general3A_32 {dimension_numbers = #tpu.dot_dimension_numbers<[1], [0], [0], [1], [0, 0, 1, 1], [], []>, transpose_lhs_hint = false} : vector<1000x128xf32>, vector<128x128xf32>, vector<1000x128xf32> -> vector<1000x128xf32>
    %add3A_34 = arith.addf %dot_general3A_25, %dot_general3A_33 : vector<1000x128xf32>
    %max3A_35 = arith.constant 0.000000e+00 : f32
    %max3A_36 = vector.broadcast %max3A_35 : f32 to vector<1000x128xf32>
    %max3A_37 = arith.maximumf %add3A_34, %max3A_36 : vector<1000x128xf32>
    %swap3A_38 = arith.constant 0 : index
    %swap3A_39 = arith.constant 0 : index
    %swap3A_40 = vector.load %arg10[%swap3A_38, %swap3A_39] : memref<1000x128xf32, #tpu.memory_space<vmem>>, vector<1000x128xf32>
    tpu.vector_store %arg10[%swap3A_38, %swap3A_39], %max3A_37 {strides = array<i32>} : memref<1000x128xf32, #tpu.memory_space<vmem>>, vector<1000x128xf32>,
    return
  }
  func.func @transform_0(%arg0: i32) -> (i32, i32) {
    %c0_i32 = arith.constant 0 : i32
    %c0_i32_0 = arith.constant 0 : i32
    return %arg0, %c0_i32 : i32, i32
  }
  func.func @transform_1(%arg0: i32) -> (i32, i32) {
    %c0_i32 = arith.constant 0 : i32
    %c0_i32_0 = arith.constant 0 : i32
    return %arg0, %c0_i32 : i32, i32
  }
  func.func @transform_2(%arg0: i32) -> (i32, i32) {
    %c0_i32 = arith.constant 0 : i32
    %c0_i32_0 = arith.constant 0 : i32
    return %arg0, %c0_i32 : i32, i32
  }
  func.func @transform_3(%arg0: i32) -> (i32, i32) {
    %c0_i32 = arith.constant 0 : i32
    %c0_i32_0 = arith.constant 0 : i32
    return %arg0, %c0_i32 : i32, i32
  }
  func.func @transform_4(%arg0: i32) -> (i32, i32) {
    %c0_i32 = arith.constant 0 : i32
    %c0_i32_0 = arith.constant 0 : i32
    %c0_i32_1 = arith.constant 0 : i32
    return %c0_i32, %c0_i32_0 : i32, i32
  }
  func.func @transform_5(%arg0: i32) -> (i32, i32) {
    %c0_i32 = arith.constant 0 : i32
    %c0_i32_0 = arith.constant 0 : i32
    %c0_i32_1 = arith.constant 0 : i32
    return %c0_i32, %c0_i32_0 : i32, i32
  }
  func.func @transform_6(%arg0: i32) -> (i32, i32) {
    %c0_i32 = arith.constant 0 : i32
    %c0_i32_0 = arith.constant 0 : i32
    %c0_i32_1 = arith.constant 0 : i32
    return %c0_i32, %c0_i32_0 : i32, i32
  }
  func.func @transform_7(%arg0: i32) -> (i32, i32) {
    %c0_i32 = arith.constant 0 : i32
    %c0_i32_0 = arith.constant 0 : i32
    %c0_i32_1 = arith.constant 0 : i32
    return %c0_i32, %c0_i32_0 : i32, i32
  }
  func.func @transform_8(%arg0: i32) -> (i32, i32) {
    %c0_i32 = arith.constant 0 : i32
    %c0_i32_0 = arith.constant 0 : i32
    return %arg0, %c0_i32 : i32, i32
  }
  func.func @transform_9(%arg0: i32) -> (i32, i32) {
    %c0_i32 = arith.constant 0 : i32
    %c0_i32_0 = arith.constant 0 : i32
    return %arg0, %c0_i32 : i32, i32
  }
}

</mosaic_0001>

<sc_bundles>
// kernel: kernel.6.cloned.1.call-start
scs
__scs_entry_jumppad:
0x0: {  	(pc) =	sbr.rel $0x88, $3  }
0x1: {  	(tag) =	ssettag $0x0;
	lr =	simm.s32 $0x1  }
0x2: {  	[smem:$0x3F95] =	sst lr;
	_ =	strace $0xD0000000  }
0x3: {  	_ = 	snop  }
0x4: {  	_ = 	snop  }
0x5: {  	_ = 	snop  }
0x6: {  	_ = 	snop  }
0x7: {  	_ = 	snop  }
__scs_overlays_trampoline_lowered:
0x8: {  	[smem:$0x3FA4] =	sst s0  }
0x9: {  	[smem:$0x3FA5] =	sst s1  }
0xa: {  	[smem:$0x3FA6] =	sst s2  }
0xb: {  	[smem:$0x3FA7] =	sst s3  }
0xc: {  	[smem:$0x3FA8] =	sst s4  }
0xd: {  	[smem:$0x3FA9] =	sst s5  }
0xe: {  	[smem:$0x3FAA] =	sst s6  }
0xf: {  	[smem:$0x3FAB] =	sst s7  }
0x10: {  	[smem:$0x3FAC] =	sst s8  }
0x11: {  	[smem:$0x3FAD] =	sst s9;
	s0 =	simm.s32 @!p0 $0x0  }
0x12: {  	s1 =	sld [smem:$0x3F93];
	s0 =	simm.s32 @p0 $0x1  }
0x13: {  	[smem:$0x3FAE] =	sst s0;
	s0 =	simm.s32 @!p1 $0x0  }
0x14: {  	s2 =	sld [smem:$0x3F92];
	s0 =	simm.s32 @p1 $0x1  }
0x15: {  	[smem:$0x3FAF] =	sst s0;
	s0 =	simm.s32 @!p2 $0x0  }
0x16: {  	s3 =	sld [smem:$0x3FDB];
	s0 =	simm.s32 @p2 $0x1  }
0x17: {  	s4 =	simm.s32 $0x1BF5;
	[smem:$0x3FB1] =	sst s0  }
0x18: {  	s0 =	sld [smem:$0x3F94];
	_ =	swait.ge [sflag:s4], $0x0  }
0x19: {  	s7 =	sld [smem:$0x3F95]  }
0x1a: {  	s8 =	sadd.s32 $0xFFFFE003, lr  }
0x1b: {  	s9 =	sadd.s32 $0xFFFFFEF7, lr;
	s5 =	simm.s32 $0xFFFFFFFF;
	p2 =	slt.u32 s8, $0xFFFFF086  }
0x1c: {  	p1 =	slt.u32 s9, $0xF7A;
	s5 =	simm.s32 @!p2 $0x0  }
0x1d: {  	s5 =	simm.s32 @p1 $0x1;
	p0 =	seq.s32 s7, s2  }
0x1e: {  	s7 =	smul.u32 @!p0 $0xF7A, s2;
	p2 =	seq.s32 @!p0 s5, $0x0  }
0x1f: {  	s9 =	smul.u32 $0xF7A, s1;
	s8 =	simm.s32 @!p0 $0x1BF5;
	p2 =	por !p2, p0  }
0x20: {  	[sflag:s8] =	ssyncset.s32 @!p0 $0xFFFFF086;
	s6 =	sadd.s32 @!p0 s3, s7;
	s7 =	simm.s32 @!p0 $0x108  }
0x21: {  	s3 =	sadd.s32 s3, s9;
	s6 =	sadd.s32 @!p0 $0x88, s6;
	s7 =	simm.s32 @p2 $0x1082  }
0x22: {  	[simem:s7], [sflag:s8] =	dma.local @!p0 [hbm:s6], $0xF7A  }
0x23: {  	s9 =	sor.u32 $0xD0000000, s2;
	s6 =	simm.s32 $0x108;
	_ =	swait.ge @!p0 [sflag:s8], $0x0  }
0x24: {  	s3 =	sadd.s32 $0x88, s3;
	s6 =	simm.s32 @!p1 $0x1082;
	[sflag:s4] =	ssyncset.s32 $0xFFFFF086  }
0x25: {  	[simem:s6], [sflag:s4] =	dma.local [hbm:s3], $0xF7A  }
0x26: {  	[smem:$0x3F95] =	sst s1;
	(tag) =	ssettag s2;
	_ =	strace s9  }
0x27: {  	s1 =	sld [smem:$0x3FA5]  }
0x28: {  	s2 =	sld [smem:$0x3FA6]  }
0x29: {  	s4 =	sld [smem:$0x3FA8]  }
0x2a: {  	p0 =	seq.s32 s5, $0x0;
	s5 =	sld [smem:$0x3FA9]  }
0x2b: {  	s6 =	sld [smem:$0x3FAA]  }
0x2c: {  	s7 =	sld [smem:$0x3FAB]  }
0x2d: {  	s3 =	simm.s32 $0x108;
	s8 =	sld [smem:$0x3FAC]  }
0x2e: {  	s3 =	simm.s32 @!p0 $0x1082;
	s9 =	sld [smem:$0x3FAD]  }
0x2f: {  	lr =	sadd.s32 s0, s3;
	s0 =	sld [smem:$0x3FA4]  }
0x30: {  	s3 =	sld [smem:$0x3FA7]  }
0x31: {  	[smem:$0x3FB0] =	sst s10  }
0x32: {  	s10 =	sld [smem:$0x3FAE];
	_ =	sdelay $0x3  }
0x33: {  	p0 =	seq.s32 s10, $0x1;
	s10 =	sld [smem:$0x3FB0];
	_ =	sdelay $0x3  }
0x34: {  	[smem:$0x3FB0] =	sst s10  }
0x35: {  	s10 =	sld [smem:$0x3FAF];
	_ =	sdelay $0x3  }
0x36: {  	p1 =	seq.s32 s10, $0x1;
	s10 =	sld [smem:$0x3FB0];
	_ =	sdelay $0x3  }
0x37: {  	[smem:$0x3FB0] =	sst s10  }
0x38: {  	s10 =	sld [smem:$0x3FB1]  }
0x39: {  	_ = 	snop;
	(pc) =	sbr.ind lr, $3  }
0x3a: {  	_ = 	snop  }
0x3b: {  	_ = 	snop  }
0x3c: {  	p2 =	seq.s32 s10, $0x1;
	s10 =	sld [smem:$0x3FB0]  }
0x3d: {  	_ =	shalt  }
0x3e: {  	_ =	shalt  }
0x3f: {  	_ =	shalt  }
0x40: {  	_ =	shalt  }
0x41: {  	_ =	shalt  }
0x42: {  	_ =	shalt  }
0x43: {  	_ =	shalt  }
0x44: {  	_ =	shalt  }
0x45: {  	_ =	shalt  }
0x46: {  	_ =	shalt  }
0x47: {  	_ =	shalt  }
0x48: {  	_ =	shalt  }
0x49: {  	_ =	shalt  }
0x4a: {  	_ =	shalt  }
0x4b: {  	_ =	shalt  }
0x4c: {  	_ =	shalt  }
0x4d: {  	_ =	shalt  }
0x4e: {  	_ =	shalt  }
0x4f: {  	_ =	shalt  }
0x50: {  	_ =	shalt  }
0x51: {  	_ =	shalt  }
0x52: {  	_ =	shalt  }
0x53: {  	_ =	shalt  }
0x54: {  	_ =	shalt  }
0x55: {  	_ =	shalt  }
0x56: {  	_ =	shalt  }
0x57: {  	_ =	shalt  }
0x58: {  	_ =	shalt  }
0x59: {  	_ =	shalt  }
0x5a: {  	_ =	shalt  }
0x5b: {  	_ =	shalt  }
0x5c: {  	_ =	shalt  }
0x5d: {  	_ =	shalt  }
0x5e: {  	_ =	shalt  }
0x5f: {  	_ =	shalt  }
0x60: {  	_ =	shalt  }
0x61: {  	_ =	shalt  }
0x62: {  	_ =	shalt  }
0x63: {  	_ =	shalt  }
0x64: {  	_ =	shalt  }
0x65: {  	_ =	shalt  }
0x66: {  	_ =	shalt  }
0x67: {  	_ =	shalt  }
0x68: {  	_ =	shalt  }
0x69: {  	_ =	shalt  }
0x6a: {  	_ =	shalt  }
0x6b: {  	_ =	shalt  }
0x6c: {  	_ =	shalt  }
0x6d: {  	_ =	shalt  }
0x6e: {  	_ =	shalt  }
0x6f: {  	_ =	shalt  }
0x70: {  	_ =	shalt  }
0x71: {  	_ =	shalt  }
0x72: {  	_ =	shalt  }
0x73: {  	_ =	shalt  }
0x74: {  	_ =	shalt  }
0x75: {  	_ =	shalt  }
0x76: {  	_ =	shalt  }
0x77: {  	_ =	shalt  }
0x78: {  	_ =	shalt  }
0x79: {  	_ =	shalt  }
0x7a: {  	_ =	shalt  }
0x7b: {  	_ =	shalt  }
0x7c: {  	_ =	shalt  }
0x7d: {  	_ =	shalt  }
0x7e: {  	_ =	shalt  }
0x7f: {  	_ =	shalt  }
0x80: {  	_ =	shalt  }
0x81: {  	_ =	shalt  }
0x82: {  	_ =	shalt  }
0x83: {  	_ =	shalt  }
0x84: {  	_ =	shalt  }
0x85: {  	_ =	shalt  }
0x86: {  	_ =	shalt  }
0x87: {  	_ =	shalt  }
.Lfunc_end0:
.L_simem_size_0:
called_computation_lowered:
.L_overlay_start_0:
0x88: {  	s2 =	sld [smem:$0x3FD9]  }
0x89: {  	s3 =	sld [smem:$0x3FFE];
	_ =	sdelay $0x1  }
0x8a: {  	s1 =	srdreg.scid  }
0x8b: {  	s0 =	sand.u32 $0x1, s1  }
0x8c: {  	s17 =	sshll.u32 s0, $0xA;
	s2 =	sadd.s32 s3, s2  }
0x8d: {  	s2 =	sadd.s32 s2, s17  }
0x8e: {  	[smem:$0x3FBC] =	sst s2  }
0x8f: {  	_ = 	snop  }
0x90: {  	s2 =	sld [smem:$0x3FC5];
	(tm) =	ssettm $0x1  }
0x91: {  	s18 =	sld [smem:$0x3FFB];
	_ =	sdelay $0x3  }
0x92: {  	_ =	strace s18  }
0x93: {  	s3 =	sld [smem:$0x3FFC];
	_ =	sdelay $0x3  }
0x94: {  	_ =	strace s3  }
0x95: {  	s3 =	sld [smem:$0x3FFD];
	_ =	sdelay $0x3  }
0x96: {  	_ =	strace s3  }
0x97: {  	_ =	strace $0x8FFFFFFF  }
0x98: {  	s19 =	sld [smem:$0x3FDB];
	_ =	sdelay $0x1  }
0x99: {  	s4 =	simm.s32 $_scs_section_size  }
0x9a: {  	s5 =	simm.s32 $_size__tile_overlayer_lowered;
	s6 =	simm.s32 $_tile_overlayer_lowered  }
0x9b: {  	s22 =	simm.s32 $0x1BFF;
	s21 =	sshll.u32 s6, $0x1;
	s3 =	sadd.s32 s4, s19  }
0x9c: {  	s7 =	simm.s32 $0x0;
	s20 =	sshll.u32 s5, $0x1;
	s5 =	sadd.s32 s21, s3  }
0x9d: {  	[timem:s7], [sflag:s22] =	dma.local [hbm:s5], s20  }
0x9e: {  	_ =	swait.ge [sflag:s22], s20  }
0x9f: {  	s4 =	ssub.s32 $0x0, s20;
	[sflag:s22] =	ssyncset.done $0x0  }
0xa0: {  	[sflag:s22] =	ssyncadd.s32 s4;
	_ =	sdelay $0x1  }
0xa1: {  	s23 =	simm.s32 $0x1B8B  }
0xa2: {  	_ =	swait.ge [sflag:s23], $0x1  }
0xa3: {  	[sflag:s23] =	ssyncset.done $0x0  }
0xa4: {  	s25 =	simm.s32 $0x1B8E;
	s24 =	sld [smem:$0x3FFE];
	[sflag:s23] =	ssyncadd.s32 $0xFFFFFFFF  }
0xa5: {  	s26 =	simm.s32 $execute0_lowered;
	[smem:$0x3FD2] =	sst s25  }
0xa6: {  	s5 =	sshll.u32 s26, $0x1;
	_ =	strace $0x80000046;
	[dreg:$0x1] =	wrdreg $0xFFFFFFFF  }
0xa7: {  	s28 =	simm.s32 $_size_execute0_lowered;
	s3 =	sadd.s32 s3, s5;
	[dreg:$0x0] =	wrdreg $0x0  }
0xa8: {  	s5 =	sshll.u32 s28, $0x1;
	[dreg:$0x2] =	wrdreg s3  }
0xa9: {  	[dreg:$0x3] =	wrdreg s5  }
0xaa: {  	[dreg:$0x4] =	wrdreg $0xC0  }
0xab: {  	_ =	task [dreg:s7], $0x5FFFF  }
0xac: {  	[dreg:$0x1] =	wrdreg $0xFFFFFFFF  }
0xad: {  	[dreg:$0x0] =	wrdreg $0x60  }
0xae: {  	[dreg:$0x2] =	wrdreg s2  }
0xaf: {  	[dreg:$0x3] =	wrdreg s24  }
0xb0: {  	[dreg:$0x4] =	wrdreg $0x49000  }
0xb1: {  	[dreg:$0x5] =	wrdreg $0x189000  }
0xb2: {  	[dreg:$0x6] =	wrdreg $0x9  }
0xb3: {  	_ =	task.clear_ibuf [dreg:s7], $0x7FFFF;
	_ =	strace $0x90000046  }
0xb4: {  	s29 =	simm.s32 $0x9;
	_ =	strace $0x80000048  }
0xb5: {  	_ =	swait.ge [sflag:s29], $0x1  }
0xb6: {  	[sflag:s29] =	ssyncadd.s32 $0xFFFFFFFF  }
0xb7: {  	_ =	strace $0x90000048  }
0xb8: {  	_ =	sfence  }
0xb9: {  	s30 =	sld [smem:$0x0];
	_ =	sdelay $0x2  }
0xba: {  	s31 =	sshll.u32 s1, $0xD;
	s1 =	sshrl.u32 s1, $0x2  }
0xbb: {  	s3 =	sand.u32 $0x4000, s31;
	s1 =	sadd.s32 s1, s30  }
0xbc: {  	s0 =	sor.u32 s3, s0;
	s1 =	sshll.u32 s1, $0x11  }
0xbd: {  	s0 =	sor.u32 s1, s0  }
0xbe: {  	s0 =	sadd.s32 $0x8F2B, s0  }
0xbf: {  	[sflag:s0] =	ssyncadd.remote.s32 $0x1  }
0xc0: {  	_ =	sfence.sel $0xFFFF  }
0xc1: {  	[dreg:$0x0] =	wrdreg $0xFFFFFFFF;
	(pc) =	sbr.abs _section_cstart, $3  }
0xc2: {  	[dreg:$0x1] =	wrdreg $0xFFFFFFFF  }
0xc3: {  	_ =	task.clear_ibuf [dreg:s7], $0x2FFFF;
	_ =	strace $0x9FFFFFFF  }
0xc4: {  	(tm) =	ssettm $0x7FFFFFFF  }
0xc5: {  	_ =	shalt  }
tec
execute0_lowered:
.L_overlay_start_1:
0x0: {  	(tag) =	ssettag $0x1  }
0x1: {  	s1 =	rddreg [dreg:$0x0]  }
0x2: {  	s0 =	rddreg [dreg:$0x1]  }
0x3: {  	s3 =	rddreg [dreg:$0x2]  }
0x4: {  	s4 =	rddreg [dreg:$0x3];
	s8 =	stileid.u32  }
0x5: {  	s5 =	simm.s32 $0x0;
	s7 =	srdreg.scid;
	s2 =	smul.u32 $0xA00, s8  }
0x6: {  	[smem:$0x7FF] =	sst s5;
	s6 =	sadd.s32 $0x29A00, s0;
	s15 =	smul.u32 $0x280, s8  }
0x7: {  	s7 =	sand.u32 $0x1, s7;
	s22 =	sadd.s32 $0x78C00, s0;
	s10 =	smul.u32 $0xA000, s8  }
0x8: {  	s23 =	sadd.s32 $0x50C00, s0;
	s18 =	smul.u32 $0x14000, s8;
	_ =	strace $0x80000047  }
0x9: {  	s9 =	ssub.s32 $0x2, s7;
	p0 =	seq.s32 s7, $0x1;
	[dreg:$0x5] =	wrdreg s22  }
0xa: {  	[dreg:$0x6] =	wrdreg s23;
	s2 =	sadd.s32 s2, s0;
	s20 =	sshrl.u32 s9, $0x1  }
0xb: {  	s21 =	sshrl.u32 s10, $0x2;
	s24 =	sadd.s32 $0x80, s15;
	s14 =	sadd.s32 $0x100, s15  }
0xc: {  	s16 =	sadd.s32 $0x180, s15;
	s0 =	ssub.s32 s9, s20;
	s9 =	sadd.s32 s18, s3  }
0xd: {  	s10 =	sadd.s32 s21, s4;
	s11 =	sshll.u32 s24, $0x7;
	s7 =	sshll.u32 s24, $0x4  }
0xe: {  	s13 =	sshll.u32 s14, $0x7;
	s19 =	sshll.u32 s14, $0x4;
	s17 =	sshll.u32 s16, $0x7  }
0xf: {  	s20 =	sadd.s32 $0x200, s15;
	s21 =	sshll.u32 s16, $0x4;
	s18 =	sshrl.u32 s18, $0x3  }
0x10: {  	s29 =	sadd.s32 $0x1A00, s2;
	s30 =	sadd.s32 $0x15A00, s2;
	s31 =	sadd.s32 $0xBA00, s2  }
0x11: {  	s11 =	sadd.s32 s11, s3;
	s12 =	sadd.s32 s7, s4;
	s13 =	sadd.s32 s13, s3  }
0x12: {  	s14 =	sadd.s32 s19, s4;
	s15 =	sadd.s32 s17, s3;
	s26 =	sadd.s32 s22, s18  }
0x13: {  	s25 =	sshll.u32 s20, $0x7;
	s28 =	sadd.s32 s22, s7;
	[dreg:$0x7] =	wrdreg s26  }
0x14: {  	s17 =	sshll.u32 s20, $0x4;
	s20 =	sadd.s32 s23, s18;
	[dreg:$0x8] =	wrdreg s28  }
0x15: {  	s7 =	sadd.s32 s23, s7;
	s24 =	sadd.s32 s22, s19;
	[dreg:$0x9] =	wrdreg s20  }
0x16: {  	s0 =	smax.u32 s0, $0x1;
	s18 =	simm.s32 $0x100;
	[dreg:$0xa] =	wrdreg s7  }
0x17: {  	s16 =	sadd.s32 s25, s3;
	[dreg:$0xb] =	wrdreg s24;
	s25 =	sadd.s32 s23, s19  }
.Ltmp0:
0x18: {  	s24 =	sadd.s32 s21, s4;
	s26 =	sadd.s32 s22, s21;
	(pc) =	sbr.rel .LBB2_1-.Ltmp0, $4  }
0x19: {  	s28 =	sadd.s32 s23, s21;
	[dreg:$0xf] =	wrdreg s0;
	s0 =	sadd.s32 $0x1FA00, s2  }
0x1a: {  	s2 =	sadd.s32 s17, s4;
	s19 =	simm.s32 $0x2;
	[dreg:$0xc] =	wrdreg s25  }
0x1b: {  	s20 =	simm.s32 $0x4100;
	s21 =	simm.s32 $0x80;
	[dreg:$0xd] =	wrdreg s26  }
0x1c: {  	v0 =	vimm.f32 $0.0e+00;
	v1 =	vimm.f32 $1.000000000e+00;
	s22 =	simm.s32 $0x1;
	s23 =	simm.s32 $0x0;
	[dreg:$0xe] =	wrdreg s28  }
.LBB2_37:
0x1d: {  	v2 =	vld [tilespmem:s7+$0x4100];
	_ =	sdelay $0x4  }
0x1e: {  	v2 =	vmax.f32 v2, $1.000000000e+00  }
0x1f: {  	(erf) = vrcp.f32 v2;
	_ =	sdelay $0x3  }
0x20: {  	s28 =	sadd.s32 $0x80, s25  }
0x21: {  	v2 =	vld [tilespmem:s28+$0xFFFFFFC0]  }
0x22: {  	v3 =	vld [tilespmem:s28+$0xFFFFFFD0]  }
0x23: {  	v4 =	vld [tilespmem:s28+$0xFFFFFFE0]  }
0x24: {  	v8 =	vld [tilespmem:s28+$0x10]  }
0x25: {  	v5 =	vld [tilespmem:s28+$0xFFFFFFF0];
	v7 =	vpop (erf)  }
0x26: {  	v6 =	vld [tilespmem:s28+$0x0];
	v2 =	vmul.f32 v7, v2  }
0x27: {  	v9 =	vld [tilespmem:s28+$0x20];
	v3 =	vmul.f32 v3, v7  }
0x28: {  	v10 =	vld [tilespmem:s28+$0x30];
	v4 =	vmul.f32 v4, v7;
	[tilespmem:s28+$0xFFFFFFC0] =	vst v2  }
0x29: {  	v63 =	vmul.f32 v8, v7;
	[tilespmem:s28+$0xFFFFFFD0] =	vst v3  }
0x2a: {  	v2 =	vmul.f32 v5, v7;
	[tilespmem:s28+$0xFFFFFFE0] =	vst v4  }
0x2b: {  	v3 =	vmul.f32 v6, v7;
	[tilespmem:s28+$0x10] =	vst v63  }
0x2c: {  	[tilespmem:s28+$0xFFFFFFF0] =	vst v2;
	v2 =	vmul.f32 v9, v7  }
0x2d: {  	[tilespmem:s28+$0x0] =	vst v3;
	v3 =	vmul.f32 v10, v7  }
0x2e: {  	[tilespmem:s28+$0x20] =	vst v2  }
0x2f: {  	s7 =	rddreg [dreg:$0x6];
	[tilespmem:s28+$0x30] =	vst v3  }
.LBB2_38:
0x30: {  	s7 =	sadd.s32 s7, s17  }
0x31: {  	[hbm4b:s7+s5] =	stream.linear.scatter [tilespmem:s18], [sflag:$0x2], $0x4000, $0x38;
	[tilespmem:$0x1B100] =	vst v63  }
0x32: {  	_ =	swait.ge [sflag:s19], $0x4000  }
0x33: {  	s23 =	sadd.s32 $0x1, s23;
	s28 =	rddreg [dreg:$0xf]  }
0x34: {  	p1 =	sne.s32 s23, s28  }
.Ltmp1:
0x35: {  	_ = 	snop;
	(pc) =	sbr.rel @!p1 .LBB2_39-.Ltmp1, $3  }
0x36: {  	_ =	sdelay $0x1  }
0x37: {  	[sflag:s19] =	ssyncset.done $0x0  }
0x38: {  	[sflag:s19] =	ssyncadd.s32 $0xFFFFC000  }
.LBB2_1:
.Ltmp2:
0x39: {  	(pc) =	sbr.rel @!p0 .LBB2_2-.Ltmp2, $2  }
0x3a: {  	_ =	sdelay $0x2  }
0x3b: {  	s25 =	sshra.s32 s5, $0x2;
	s26 =	sadd.s32 $0x200, s5  }
.LBB2_20:
0x3c: {  	p1 =	sne.s32 s26, $0xFE00;
	[tilespmem:s25+$0x170] =	vst v0  }
0x3d: {  	[tilespmem:s25+$0x100] =	vst v0  }
0x3e: {  	[tilespmem:s25+$0x110] =	vst v0  }
.Ltmp3:
0x3f: {  	[tilespmem:s25+$0x120] =	vst v0;
	(pc) =	sbr.rel @p1 .LBB2_20-.Ltmp3, $4  }
0x40: {  	[tilespmem:s25+$0x130] =	vst v0  }
0x41: {  	[tilespmem:s25+$0x140] =	vst v0  }
0x42: {  	[tilespmem:s25+$0x150] =	vst v0  }
0x43: {  	[tilespmem:s25+$0x160] =	vst v0;
	s25 =	sshra.s32 s26, $0x2;
	s26 =	sadd.s32 $0x200, s26  }
0x44: {  	[tilespmem:s25+$0x170] =	vst v0  }
0x45: {  	[tilespmem:s25+$0x100] =	vst v0  }
0x46: {  	[tilespmem:s25+$0x110] =	vst v0  }
0x47: {  	[tilespmem:s25+$0x120] =	vst v0  }
0x48: {  	[tilespmem:s25+$0x130] =	vst v0  }
0x49: {  	[tilespmem:s25+$0x140] =	vst v0  }
0x4a: {  	[tilespmem:s25+$0x150] =	vst v0  }
0x4b: {  	[tilespmem:s25+$0x160] =	vst v0;
	s25 =	simm.s32 $0x40;
	s7 =	simm.s32 $0x0  }
.LBB2_22:
0x4c: {  	p1 =	sne.s32 s25, $0x1FC0;
	[tilespmem:s7+$0x4100] =	vst v0;
	s7 =	smov.u32 s25;
	s25 =	sadd.s32 $0x40, s25  }
.Ltmp4:
0x4d: {  	(pc) =	sbr.rel @p1 .LBB2_22-.Ltmp4, $2  }
0x4e: {  	_ =	sdelay $0x2  }
0x4f: {  	s7 =	sshra.s32 s7, $0x2  }
0x50: {  	[tilespmem:s7+$0x4100] =	vst v0  }
0x51: {  	[spmem:s9] =	stream.linear.scatter [tilespmem:s18], [sflag:$0x2], $0x4000, $0x38;
	[tilespmem:$0x1B100] =	vst v63  }
0x52: {  	_ =	swait.ge [sflag:s19], $0x4000  }
0x53: {  	[sflag:s19] =	ssyncset.done $0x0  }
0x54: {  	[sflag:s19] =	ssyncadd.s32 $0xFFFFC000  }
0x55: {  	[spmem:s10] =	stream.linear.scatter [tilespmem:s20], [sflag:$0x2], $0x800, $0x38;
	[tilespmem:$0x1B100] =	vst v63  }
0x56: {  	_ =	swait.ge [sflag:s19], $0x800  }
0x57: {  	[sflag:s19] =	ssyncset.done $0x0  }
0x58: {  	[sflag:s19] =	ssyncadd.s32 $0xFFFFF800  }
0x59: {  	[spmem:s11] =	stream.linear.scatter [tilespmem:s18], [sflag:$0x2], $0x4000, $0x38;
	[tilespmem:$0x1B100] =	vst v63  }
0x5a: {  	_ =	swait.ge [sflag:s19], $0x4000  }
0x5b: {  	[sflag:s19] =	ssyncset.done $0x0  }
0x5c: {  	[sflag:s19] =	ssyncadd.s32 $0xFFFFC000  }
0x5d: {  	[spmem:s12] =	stream.linear.scatter [tilespmem:s20], [sflag:$0x2], $0x800, $0x38;
	[tilespmem:$0x1B100] =	vst v63  }
0x5e: {  	_ =	swait.ge [sflag:s19], $0x800  }
0x5f: {  	[sflag:s19] =	ssyncset.done $0x0  }
0x60: {  	[sflag:s19] =	ssyncadd.s32 $0xFFFFF800  }
0x61: {  	[spmem:s13] =	stream.linear.scatter [tilespmem:s18], [sflag:$0x2], $0x4000, $0x38;
	[tilespmem:$0x1B100] =	vst v63  }
0x62: {  	_ =	swait.ge [sflag:s19], $0x4000  }
0x63: {  	[sflag:s19] =	ssyncset.done $0x0  }
0x64: {  	[sflag:s19] =	ssyncadd.s32 $0xFFFFC000  }
0x65: {  	[spmem:s14] =	stream.linear.scatter [tilespmem:s20], [sflag:$0x2], $0x800, $0x38;
	[tilespmem:$0x1B100] =	vst v63  }
0x66: {  	_ =	swait.ge [sflag:s19], $0x800  }
0x67: {  	[sflag:s19] =	ssyncset.done $0x0  }
0x68: {  	[sflag:s19] =	ssyncadd.s32 $0xFFFFF800  }
0x69: {  	[spmem:s15] =	stream.linear.scatter [tilespmem:s18], [sflag:$0x2], $0x4000, $0x38;
	[tilespmem:$0x1B100] =	vst v63  }
0x6a: {  	_ =	swait.ge [sflag:s19], $0x4000  }
0x6b: {  	[sflag:s19] =	ssyncset.done $0x0  }
0x6c: {  	[sflag:s19] =	ssyncadd.s32 $0xFFFFC000  }
0x6d: {  	[spmem:s24] =	stream.linear.scatter [tilespmem:s20], [sflag:$0x2], $0x800, $0x38;
	[tilespmem:$0x1B100] =	vst v63  }
0x6e: {  	_ =	swait.ge [sflag:s19], $0x800  }
0x6f: {  	[sflag:s19] =	ssyncset.done $0x0  }
0x70: {  	[sflag:s19] =	ssyncadd.s32 $0xFFFFF800  }
0x71: {  	[spmem:s16] =	stream.linear.scatter [tilespmem:s18], [sflag:$0x2], $0x4000, $0x38;
	[tilespmem:$0x1B100] =	vst v63  }
0x72: {  	_ =	swait.ge [sflag:s19], $0x4000  }
0x73: {  	[sflag:s19] =	ssyncset.done $0x0  }
0x74: {  	[sflag:s19] =	ssyncadd.s32 $0xFFFFC000  }
0x75: {  	[spmem:s2] =	stream.linear.scatter [tilespmem:s20], [sflag:$0x2], $0x800, $0x38;
	[tilespmem:$0x1B100] =	vst v63  }
0x76: {  	_ =	swait.ge [sflag:s19], $0x800  }
0x77: {  	[sflag:s19] =	ssyncset.done $0x0  }
0x78: {  	s25 =	simm.s32 $0x40;
	s7 =	simm.s32 $0x0;
	[sflag:s19] =	ssyncadd.s32 $0xFFFFF800  }
.LBB2_24:
0x79: {  	p1 =	sne.s32 s25, $0x1FC0;
	[tilespmem:s7+$0x4100] =	vst v1;
	s7 =	smov.u32 s25;
	s25 =	sadd.s32 $0x40, s25  }
.Ltmp5:
0x7a: {  	(pc) =	sbr.rel @p1 .LBB2_24-.Ltmp5, $2  }
0x7b: {  	_ =	sdelay $0x2  }
0x7c: {  	s7 =	sshra.s32 s7, $0x2  }
0x7d: {  	[tilespmem:s7+$0x4100] =	vst v1  }
0x7e: {  	s26 =	sadd.s32 $0x0, s0;
	[bflag:$0x0] =	sbarrier.arrive $0xFFFF  }
0x7f: {  	[tilespmem:s5], [sflag:$0x2] =	stream.linear.gather [hbm4b:s26+s5], $0x80, $0x38;
	[tilespmem:$0x1B100] =	vst v63  }
0x80: {  	_ =	swait.ge [sflag:s19], $0x80  }
0x81: {  	[sflag:s19] =	ssyncset.done $0x0  }
0x82: {  	s28 =	sadd.s32 $0x0, s31;
	[sflag:s19] =	ssyncadd.s32 $0xFFFFFF80  }
0x83: {  	[tilespmem:s21], [sflag:$0x2] =	stream.linear.gather [hbm4b:s28+s5], $0x80, $0x38;
	[tilespmem:$0x1B100] =	vst v63  }
0x84: {  	_ =	swait.ge [sflag:s19], $0x80  }
0x85: {  	[sflag:s19] =	ssyncset.done $0x0  }
0x86: {  	[sflag:s19] =	ssyncadd.s32 $0xFFFFFF80  }
0x87: {  	[tilespmem:s18], [sflag:$0x1] =	stream.indirect.gather [hbm4b:s6+s21], $0x80, s5, s21, $0xb8;
	[tilespmem:$0x1B100] =	vst v63  }
0x88: {  	_ =	swait.ge [sflag:s22], $0x4000  }
0x89: {  	[sflag:s22] =	ssyncset.done $0x0  }
0x8a: {  	[sflag:s22] =	ssyncadd.s32 $0xFFFFC000  }
0x8b: {  	[spmem:s3] =	stream.indirect.scatter.add.f32 [tilespmem:s18], [sflag:$0x2], $0x80, s21, s21, $0xb8;
	[tilespmem:$0x1B100] =	vst v63  }
0x8c: {  	_ =	swait.ge [sflag:s19], $0x4000  }
0x8d: {  	[sflag:s19] =	ssyncset.done $0x0  }
0x8e: {  	[sflag:s19] =	ssyncadd.s32 $0xFFFFC000  }
0x8f: {  	[spmem:s4] =	stream.indirect.scatter.add.f32 [tilespmem:s20], [sflag:$0x2], $0x10, s21, s21, $0xb8;
	[tilespmem:$0x1B100] =	vst v63  }
0x90: {  	_ =	swait.ge [sflag:s19], $0x800  }
0x91: {  	s25 =	simm.s32 $0x10;
	s26 =	simm.s32 $0x20;
	[sflag:s19] =	ssyncset.done $0x0  }
.LBB2_26:
0x92: {  	s7 =	sadd.s32 s25, s0  }
0x93: {  	[sflag:s19] =	ssyncadd.s32 $0xFFFFF800;
	s8 =	smov.u32 s26;
	s28 =	sadd.s32 $0x10, s26  }
0x94: {  	[tilespmem:s5], [sflag:$0x2] =	stream.linear.gather [hbm4b:s7+s5], $0x80, $0x38;
	[tilespmem:$0x1B100] =	vst v63  }
0x95: {  	p1 =	sne.s32 s26, $0x9F0;
	_ =	swait.ge [sflag:s19], $0x80  }
0x96: {  	[sflag:s19] =	ssyncset.done $0x0  }
0x97: {  	s7 =	sadd.s32 s25, s31;
	s25 =	smov.u32 s8;
	[sflag:s19] =	ssyncadd.s32 $0xFFFFFF80  }
0x98: {  	[tilespmem:s21], [sflag:$0x2] =	stream.linear.gather [hbm4b:s7+s5], $0x80, $0x38;
	[tilespmem:$0x1B100] =	vst v63  }
0x99: {  	_ =	swait.ge [sflag:s19], $0x80  }
0x9a: {  	[sflag:s19] =	ssyncset.done $0x0  }
0x9b: {  	[sflag:s19] =	ssyncadd.s32 $0xFFFFFF80  }
0x9c: {  	[tilespmem:s18], [sflag:$0x1] =	stream.indirect.gather [hbm4b:s6+s21], $0x80, s5, s21, $0xb8;
	[tilespmem:$0x1B100] =	vst v63  }
0x9d: {  	_ =	swait.ge [sflag:s22], $0x4000  }
0x9e: {  	[sflag:s22] =	ssyncset.done $0x0  }
0x9f: {  	[sflag:s22] =	ssyncadd.s32 $0xFFFFC000  }
0xa0: {  	[spmem:s3] =	stream.indirect.scatter.add.f32 [tilespmem:s18], [sflag:$0x2], $0x80, s21, s21, $0xb8;
	[tilespmem:$0x1B100] =	vst v63  }
0xa1: {  	_ =	swait.ge [sflag:s19], $0x4000  }
.Ltmp6:
0xa2: {  	[sflag:s19] =	ssyncset.done $0x0;
	(pc) =	sbr.rel @p1 .LBB2_26-.Ltmp6, $4  }
0xa3: {  	[sflag:s19] =	ssyncadd.s32 $0xFFFFC000  }
0xa4: {  	[spmem:s4] =	stream.indirect.scatter.add.f32 [tilespmem:s20], [sflag:$0x2], $0x10, s21, s21, $0xb8;
	[tilespmem:$0x1B100] =	vst v63  }
0xa5: {  	_ =	swait.ge [sflag:s19], $0x800  }
0xa6: {  	s26 =	smov.u32 s28;
	[sflag:s19] =	ssyncset.done $0x0  }
0xa7: {  	s7 =	sadd.s32 s25, s0;
	[sflag:s19] =	ssyncadd.s32 $0xFFFFF800  }
0xa8: {  	[tilespmem:s5], [sflag:$0x2] =	stream.linear.gather [hbm4b:s7+s5], $0x80, $0x38;
	[tilespmem:$0x1B100] =	vst v63  }
0xa9: {  	_ =	swait.ge [sflag:s19], $0x80  }
0xaa: {  	[sflag:s19] =	ssyncset.done $0x0  }
0xab: {  	s26 =	sadd.s32 s25, s31;
	[sflag:s19] =	ssyncadd.s32 $0xFFFFFF80  }
0xac: {  	[tilespmem:s21], [sflag:$0x2] =	stream.linear.gather [hbm4b:s26+s5], $0x80, $0x38;
	[tilespmem:$0x1B100] =	vst v63  }
0xad: {  	_ =	swait.ge [sflag:s19], $0x80  }
0xae: {  	[sflag:s19] =	ssyncset.done $0x0  }
0xaf: {  	[sflag:s19] =	ssyncadd.s32 $0xFFFFFF80  }
0xb0: {  	[tilespmem:s18], [sflag:$0x1] =	stream.indirect.gather [hbm4b:s6+s21], $0x80, s5, s21, $0xb8;
	[tilespmem:$0x1B100] =	vst v63  }
0xb1: {  	_ =	swait.ge [sflag:s22], $0x4000  }
0xb2: {  	[sflag:s22] =	ssyncset.done $0x0  }
0xb3: {  	[sflag:s22] =	ssyncadd.s32 $0xFFFFC000  }
0xb4: {  	[spmem:s3] =	stream.indirect.scatter.add.f32 [tilespmem:s18], [sflag:$0x2], $0x80, s21, s21, $0xb8;
	[tilespmem:$0x1B100] =	vst v63  }
0xb5: {  	_ =	swait.ge [sflag:s19], $0x4000  }
0xb6: {  	[sflag:s19] =	ssyncset.done $0x0  }
0xb7: {  	[sflag:s19] =	ssyncadd.s32 $0xFFFFC000  }
0xb8: {  	[spmem:s4] =	stream.indirect.scatter.add.f32 [tilespmem:s20], [sflag:$0x2], $0x10, s21, s21, $0xb8;
	[tilespmem:$0x1B100] =	vst v63  }
0xb9: {  	_ =	swait.ge [sflag:s19], $0x800  }
0xba: {  	[sflag:s19] =	ssyncset.done $0x0  }
0xbb: {  	[sflag:s19] =	ssyncadd.s32 $0xFFFFF800  }
0xbc: {  	[bflag:$0x0] =	sbarrier.arrive $0xFFFF  }
0xbd: {  	[tilespmem:s18], [sflag:$0x2] =	stream.linear.gather [spmem:s9], $0x4000, $0x38;
	[tilespmem:$0x1B100] =	vst v63  }
0xbe: {  	_ =	swait.ge [sflag:s19], $0x4000  }
0xbf: {  	[sflag:s19] =	ssyncset.done $0x0  }
0xc0: {  	[sflag:s19] =	ssyncadd.s32 $0xFFFFC000  }
0xc1: {  	[tilespmem:s20], [sflag:$0x2] =	stream.linear.gather [spmem:s10], $0x800, $0x38;
	[tilespmem:$0x1B100] =	vst v63  }
0xc2: {  	_ =	swait.ge [sflag:s19], $0x800  }
0xc3: {  	[sflag:s19] =	ssyncset.done $0x0  }
0xc4: {  	s28 =	simm.s32 $0x0;
	[sflag:s19] =	ssyncadd.s32 $0xFFFFF800  }
0xc5: {  	v2 =	vld [tilespmem:s28+$0x4100];
	_ =	sdelay $0x4  }
0xc6: {  	v2 =	vmax.f32 v2, $1.000000000e+00  }
0xc7: {  	(erf) = vrcp.f32 v2;
	_ =	sdelay $0x3  }
0xc8: {  	s25 =	simm.s32 $0x140  }
0xc9: {  	v2 =	vld [tilespmem:s25+$0xFFFFFFC0]  }
0xca: {  	v3 =	vld [tilespmem:s25+$0xFFFFFFD0]  }
0xcb: {  	v4 =	vld [tilespmem:s25+$0xFFFFFFE0]  }
0xcc: {  	v8 =	vld [tilespmem:s25+$0x10]  }
0xcd: {  	v5 =	vld [tilespmem:s25+$0xFFFFFFF0];
	v7 =	vpop (erf)  }
0xce: {  	v6 =	vld [tilespmem:s25+$0x0];
	v2 =	vmul.f32 v7, v2  }
0xcf: {  	v9 =	vld [tilespmem:s25+$0x20];
	v3 =	vmul.f32 v3, v7  }
0xd0: {  	v10 =	vld [tilespmem:s25+$0x30];
	v4 =	vmul.f32 v4, v7;
	[tilespmem:s25+$0xFFFFFFC0] =	vst v2  }
0xd1: {  	v63 =	vmul.f32 v8, v7;
	[tilespmem:s25+$0xFFFFFFD0] =	vst v3  }
0xd2: {  	v2 =	vmul.f32 v5, v7;
	[tilespmem:s25+$0xFFFFFFE0] =	vst v4  }
0xd3: {  	v3 =	vmul.f32 v6, v7;
	[tilespmem:s25+$0x10] =	vst v63  }
0xd4: {  	[tilespmem:s25+$0xFFFFFFF0] =	vst v2;
	v2 =	vmul.f32 v9, v7  }
0xd5: {  	[tilespmem:s25+$0x0] =	vst v3;
	v3 =	vmul.f32 v10, v7  }
0xd6: {  	[tilespmem:s25+$0x20] =	vst v2  }
0xd7: {  	s7 =	simm.s32 $0x10;
	s26 =	simm.s32 $0x80;
	[tilespmem:s25+$0x30] =	vst v3  }
.LBB2_28:
0xd8: {  	p1 =	sne.s32 s26, $0x1FC0;
	v2 =	vld [tilespmem:s7+$0x4100];
	_ =	sdelay $0x4  }
0xd9: {  	v2 =	vmax.f32 v2, $1.000000000e+00  }
0xda: {  	s25 =	sadd.s32 $0x80, s25;
	(erf) = vrcp.f32 v2  }
0xdb: {  	v2 =	vld [tilespmem:s25+$0xFFFFFFF0]  }
0xdc: {  	v3 =	vld [tilespmem:s25+$0x30]  }
0xdd: {  	v4 =	vld [tilespmem:s25+$0x10]  }
0xde: {  	v5 =	vld [tilespmem:s25+$0xFFFFFFD0]  }
0xdf: {  	v6 =	vld [tilespmem:s25+$0xFFFFFFC0]  }
0xe0: {  	v7 =	vld [tilespmem:s25+$0xFFFFFFE0]  }
0xe1: {  	v8 =	vld [tilespmem:s25+$0x0]  }
0xe2: {  	v9 =	vld [tilespmem:s25+$0x20]  }
0xe3: {  	v10 =	vpop (erf)  }
0xe4: {  	v6 =	vmul.f32 v10, v6;
	v5 =	vmul.f32 v5, v10  }
0xe5: {  	v2 =	vmul.f32 v2, v10;
	v7 =	vmul.f32 v7, v10  }
0xe6: {  	v4 =	vmul.f32 v4, v10;
	[tilespmem:s25+$0xFFFFFFC0] =	vst v6;
	v6 =	vmul.f32 v8, v10  }
0xe7: {  	v3 =	vmul.f32 v3, v10;
	[tilespmem:s25+$0xFFFFFFD0] =	vst v5;
	v5 =	vmul.f32 v9, v10  }
0xe8: {  	[tilespmem:s25+$0xFFFFFFE0] =	vst v7  }
.Ltmp7:
0xe9: {  	[tilespmem:s25+$0xFFFFFFF0] =	vst v2;
	(pc) =	sbr.rel @p1 .LBB2_28-.Ltmp7, $4  }
0xea: {  	[tilespmem:s25+$0x0] =	vst v6  }
0xeb: {  	[tilespmem:s25+$0x10] =	vst v4  }
0xec: {  	[tilespmem:s25+$0x20] =	vst v5  }
0xed: {  	s7 =	sshra.s32 s26, $0x2;
	s26 =	sadd.s32 $0x40, s26;
	[tilespmem:s25+$0x30] =	vst v3  }
0xee: {  	v2 =	vld [tilespmem:s7+$0x4100];
	_ =	sdelay $0x4  }
0xef: {  	v2 =	vmax.f32 v2, $1.000000000e+00  }
0xf0: {  	(erf) = vrcp.f32 v2;
	_ =	sdelay $0x3  }
0xf1: {  	s25 =	sadd.s32 $0x80, s25  }
0xf2: {  	v2 =	vld [tilespmem:s25+$0xFFFFFFC0]  }
0xf3: {  	v3 =	vld [tilespmem:s25+$0xFFFFFFD0]  }
0xf4: {  	v4 =	vld [tilespmem:s25+$0xFFFFFFE0]  }
0xf5: {  	v8 =	vld [tilespmem:s25+$0x10]  }
0xf6: {  	v5 =	vld [tilespmem:s25+$0xFFFFFFF0];
	v7 =	vpop (erf)  }
0xf7: {  	v6 =	vld [tilespmem:s25+$0x0];
	v2 =	vmul.f32 v7, v2  }
0xf8: {  	v9 =	vld [tilespmem:s25+$0x20];
	v3 =	vmul.f32 v3, v7  }
0xf9: {  	v10 =	vld [tilespmem:s25+$0x30];
	v4 =	vmul.f32 v4, v7;
	[tilespmem:s25+$0xFFFFFFC0] =	vst v2  }
0xfa: {  	v55 =	vmul.f32 v8, v7;
	[tilespmem:s25+$0xFFFFFFD0] =	vst v3  }
0xfb: {  	v2 =	vmul.f32 v5, v7;
	[tilespmem:s25+$0xFFFFFFE0] =	vst v4  }
0xfc: {  	v3 =	vmul.f32 v6, v7;
	[tilespmem:s25+$0x10] =	vst v55  }
0xfd: {  	[tilespmem:s25+$0xFFFFFFF0] =	vst v2;
	v2 =	vmul.f32 v9, v7  }
0xfe: {  	[tilespmem:s25+$0x0] =	vst v3;
	v3 =	vmul.f32 v10, v7  }
0xff: {  	[tilespmem:s25+$0x20] =	vst v2  }
0x100: {  	s26 =	simm.s32 $0x0;
	s8 =	rddreg [dreg:$0x9];
	[tilespmem:s25+$0x30] =	vst v3  }
0x101: {  	[hbm4b:s8+s26] =	stream.linear.scatter [tilespmem:s18], [sflag:$0x2], $0x4000, $0x38;
	[tilespmem:$0x1B100] =	vst v63  }
0x102: {  	_ =	swait.ge [sflag:s19], $0x4000  }
0x103: {  	[sflag:s19] =	ssyncset.done $0x0  }
0x104: {  	[sflag:s19] =	ssyncadd.s32 $0xFFFFC000  }
0x105: {  	[tilespmem:s18], [sflag:$0x2] =	stream.linear.gather [spmem:s11], $0x4000, $0x38;
	[tilespmem:$0x1B100] =	vst v63  }
0x106: {  	_ =	swait.ge [sflag:s19], $0x4000  }
0x107: {  	[sflag:s19] =	ssyncset.done $0x0  }
0x108: {  	[sflag:s19] =	ssyncadd.s32 $0xFFFFC000  }
0x109: {  	[tilespmem:s20], [sflag:$0x2] =	stream.linear.gather [spmem:s12], $0x800, $0x38;
	[tilespmem:$0x1B100] =	vst v63  }
0x10a: {  	_ =	swait.ge [sflag:s19], $0x800  }
0x10b: {  	[sflag:s19] =	ssyncset.done $0x0  }
0x10c: {  	s28 =	simm.s32 $0x0;
	[sflag:s19] =	ssyncadd.s32 $0xFFFFF800  }
0x10d: {  	v2 =	vld [tilespmem:s28+$0x4100];
	_ =	sdelay $0x4  }
0x10e: {  	v2 =	vmax.f32 v2, $1.000000000e+00  }
0x10f: {  	(erf) = vrcp.f32 v2;
	_ =	sdelay $0x3  }
0x110: {  	s25 =	simm.s32 $0x140  }
0x111: {  	v2 =	vld [tilespmem:s25+$0xFFFFFFC0]  }
0x112: {  	v3 =	vld [tilespmem:s25+$0xFFFFFFD0]  }
0x113: {  	v56 =	vld [tilespmem:s25+$0xFFFFFFE0]  }
0x114: {  	v60 =	vld [tilespmem:s25+$0x10]  }
0x115: {  	v57 =	vld [tilespmem:s25+$0xFFFFFFF0];
	v59 =	vpop (erf)  }
0x116: {  	v58 =	vld [tilespmem:s25+$0x0];
	v2 =	vmul.f32 v59, v2  }
0x117: {  	v61 =	vld [tilespmem:s25+$0x20];
	v3 =	vmul.f32 v3, v59  }
0x118: {  	v62 =	vld [tilespmem:s25+$0x30];
	v4 =	vmul.f32 v56, v59;
	[tilespmem:s25+$0xFFFFFFC0] =	vst v2  }
0x119: {  	v63 =	vmul.f32 v60, v59;
	[tilespmem:s25+$0xFFFFFFD0] =	vst v3  }
0x11a: {  	v2 =	vmul.f32 v57, v59;
	[tilespmem:s25+$0xFFFFFFE0] =	vst v4  }
0x11b: {  	v3 =	vmul.f32 v58, v59;
	[tilespmem:s25+$0x10] =	vst v63  }
0x11c: {  	[tilespmem:s25+$0xFFFFFFF0] =	vst v2;
	v2 =	vmul.f32 v61, v59  }
0x11d: {  	[tilespmem:s25+$0x0] =	vst v3;
	v3 =	vmul.f32 v62, v59  }
0x11e: {  	[tilespmem:s25+$0x20] =	vst v2  }
0x11f: {  	s7 =	simm.s32 $0x10;
	s26 =	simm.s32 $0x80;
	[tilespmem:s25+$0x30] =	vst v3  }
.LBB2_30:
0x120: {  	p1 =	sne.s32 s26, $0x1FC0;
	v2 =	vld [tilespmem:s7+$0x4100];
	_ =	sdelay $0x4  }
0x121: {  	v2 =	vmax.f32 v2, $1.000000000e+00  }
0x122: {  	s25 =	sadd.s32 $0x80, s25;
	(erf) = vrcp.f32 v2  }
0x123: {  	v2 =	vld [tilespmem:s25+$0xFFFFFFF0]  }
0x124: {  	v3 =	vld [tilespmem:s25+$0x30]  }
0x125: {  	v4 =	vld [tilespmem:s25+$0x10]  }
0x126: {  	v5 =	vld [tilespmem:s25+$0xFFFFFFD0]  }
0x127: {  	v6 =	vld [tilespmem:s25+$0xFFFFFFC0]  }
0x128: {  	v7 =	vld [tilespmem:s25+$0xFFFFFFE0]  }
0x129: {  	v8 =	vld [tilespmem:s25+$0x0]  }
0x12a: {  	v9 =	vld [tilespmem:s25+$0x20]  }
0x12b: {  	v10 =	vpop (erf)  }
0x12c: {  	v6 =	vmul.f32 v10, v6;
	v5 =	vmul.f32 v5, v10  }
0x12d: {  	v2 =	vmul.f32 v2, v10;
	v7 =	vmul.f32 v7, v10  }
0x12e: {  	v4 =	vmul.f32 v4, v10;
	[tilespmem:s25+$0xFFFFFFC0] =	vst v6;
	v6 =	vmul.f32 v8, v10  }
0x12f: {  	v3 =	vmul.f32 v3, v10;
	[tilespmem:s25+$0xFFFFFFD0] =	vst v5;
	v5 =	vmul.f32 v9, v10  }
0x130: {  	[tilespmem:s25+$0xFFFFFFE0] =	vst v7  }
.Ltmp8:
0x131: {  	[tilespmem:s25+$0xFFFFFFF0] =	vst v2;
	(pc) =	sbr.rel @p1 .LBB2_30-.Ltmp8, $4  }
0x132: {  	[tilespmem:s25+$0x0] =	vst v6  }
0x133: {  	[tilespmem:s25+$0x10] =	vst v4  }
0x134: {  	[tilespmem:s25+$0x20] =	vst v5  }
0x135: {  	s7 =	sshra.s32 s26, $0x2;
	s26 =	sadd.s32 $0x40, s26;
	[tilespmem:s25+$0x30] =	vst v3  }
0x136: {  	v2 =	vld [tilespmem:s7+$0x4100];
	_ =	sdelay $0x4  }
0x137: {  	v2 =	vmax.f32 v2, $1.000000000e+00  }
0x138: {  	(erf) = vrcp.f32 v2;
	_ =	sdelay $0x3  }
0x139: {  	s25 =	sadd.s32 $0x80, s25  }
0x13a: {  	v2 =	vld [tilespmem:s25+$0xFFFFFFC0]  }
0x13b: {  	v3 =	vld [tilespmem:s25+$0xFFFFFFD0]  }
0x13c: {  	v4 =	vld [tilespmem:s25+$0xFFFFFFE0]  }
0x13d: {  	v8 =	vld [tilespmem:s25+$0x10]  }
0x13e: {  	v5 =	vld [tilespmem:s25+$0xFFFFFFF0];
	v7 =	vpop (erf)  }
0x13f: {  	v6 =	vld [tilespmem:s25+$0x0];
	v2 =	vmul.f32 v7, v2  }
0x140: {  	v9 =	vld [tilespmem:s25+$0x20];
	v3 =	vmul.f32 v3, v7  }
0x141: {  	v10 =	vld [tilespmem:s25+$0x30];
	v4 =	vmul.f32 v4, v7;
	[tilespmem:s25+$0xFFFFFFC0] =	vst v2  }
0x142: {  	v55 =	vmul.f32 v8, v7;
	[tilespmem:s25+$0xFFFFFFD0] =	vst v3  }
0x143: {  	v2 =	vmul.f32 v5, v7;
	[tilespmem:s25+$0xFFFFFFE0] =	vst v4  }
0x144: {  	v3 =	vmul.f32 v6, v7;
	[tilespmem:s25+$0x10] =	vst v55  }
0x145: {  	[tilespmem:s25+$0xFFFFFFF0] =	vst v2;
	v2 =	vmul.f32 v9, v7  }
0x146: {  	[tilespmem:s25+$0x0] =	vst v3;
	v3 =	vmul.f32 v10, v7  }
0x147: {  	[tilespmem:s25+$0x20] =	vst v2  }
0x148: {  	s26 =	simm.s32 $0x0;
	s8 =	rddreg [dreg:$0xa];
	[tilespmem:s25+$0x30] =	vst v3  }
0x149: {  	[hbm4b:s8+s26] =	stream.linear.scatter [tilespmem:s18], [sflag:$0x2], $0x4000, $0x38;
	[tilespmem:$0x1B100] =	vst v63  }
0x14a: {  	_ =	swait.ge [sflag:s19], $0x4000  }
0x14b: {  	[sflag:s19] =	ssyncset.done $0x0  }
0x14c: {  	[sflag:s19] =	ssyncadd.s32 $0xFFFFC000  }
0x14d: {  	[tilespmem:s18], [sflag:$0x2] =	stream.linear.gather [spmem:s13], $0x4000, $0x38;
	[tilespmem:$0x1B100] =	vst v63  }
0x14e: {  	_ =	swait.ge [sflag:s19], $0x4000  }
0x14f: {  	[sflag:s19] =	ssyncset.done $0x0  }
0x150: {  	[sflag:s19] =	ssyncadd.s32 $0xFFFFC000  }
0x151: {  	[tilespmem:s20], [sflag:$0x2] =	stream.linear.gather [spmem:s14], $0x800, $0x38;
	[tilespmem:$0x1B100] =	vst v63  }
0x152: {  	_ =	swait.ge [sflag:s19], $0x800  }
0x153: {  	[sflag:s19] =	ssyncset.done $0x0  }
0x154: {  	s28 =	simm.s32 $0x0;
	[sflag:s19] =	ssyncadd.s32 $0xFFFFF800  }
0x155: {  	v2 =	vld [tilespmem:s28+$0x4100];
	_ =	sdelay $0x4  }
0x156: {  	v2 =	vmax.f32 v2, $1.000000000e+00  }
0x157: {  	(erf) = vrcp.f32 v2;
	_ =	sdelay $0x3  }
0x158: {  	s25 =	simm.s32 $0x140  }
0x159: {  	v2 =	vld [tilespmem:s25+$0xFFFFFFC0]  }
0x15a: {  	v3 =	vld [tilespmem:s25+$0xFFFFFFD0]  }
0x15b: {  	v56 =	vld [tilespmem:s25+$0xFFFFFFE0]  }
0x15c: {  	v60 =	vld [tilespmem:s25+$0x10]  }
0x15d: {  	v57 =	vld [tilespmem:s25+$0xFFFFFFF0];
	v59 =	vpop (erf)  }
0x15e: {  	v58 =	vld [tilespmem:s25+$0x0];
	v2 =	vmul.f32 v59, v2  }
0x15f: {  	v61 =	vld [tilespmem:s25+$0x20];
	v3 =	vmul.f32 v3, v59  }
0x160: {  	v62 =	vld [tilespmem:s25+$0x30];
	v4 =	vmul.f32 v56, v59;
	[tilespmem:s25+$0xFFFFFFC0] =	vst v2  }
0x161: {  	v63 =	vmul.f32 v60, v59;
	[tilespmem:s25+$0xFFFFFFD0] =	vst v3  }
0x162: {  	v2 =	vmul.f32 v57, v59;
	[tilespmem:s25+$0xFFFFFFE0] =	vst v4  }
0x163: {  	v3 =	vmul.f32 v58, v59;
	[tilespmem:s25+$0x10] =	vst v63  }
0x164: {  	[tilespmem:s25+$0xFFFFFFF0] =	vst v2;
	v2 =	vmul.f32 v61, v59  }
0x165: {  	[tilespmem:s25+$0x0] =	vst v3;
	v3 =	vmul.f32 v62, v59  }
0x166: {  	[tilespmem:s25+$0x20] =	vst v2  }
0x167: {  	s7 =	simm.s32 $0x10;
	s26 =	simm.s32 $0x80;
	[tilespmem:s25+$0x30] =	vst v3  }
.LBB2_32:
0x168: {  	p1 =	sne.s32 s26, $0x1FC0;
	v2 =	vld [tilespmem:s7+$0x4100];
	_ =	sdelay $0x4  }
0x169: {  	v2 =	vmax.f32 v2, $1.000000000e+00  }
0x16a: {  	s25 =	sadd.s32 $0x80, s25;
	(erf) = vrcp.f32 v2  }
0x16b: {  	v2 =	vld [tilespmem:s25+$0xFFFFFFF0]  }
0x16c: {  	v3 =	vld [tilespmem:s25+$0x30]  }
0x16d: {  	v4 =	vld [tilespmem:s25+$0x10]  }
0x16e: {  	v5 =	vld [tilespmem:s25+$0xFFFFFFD0]  }
0x16f: {  	v6 =	vld [tilespmem:s25+$0xFFFFFFC0]  }
0x170: {  	v7 =	vld [tilespmem:s25+$0xFFFFFFE0]  }
0x171: {  	v8 =	vld [tilespmem:s25+$0x0]  }
0x172: {  	v9 =	vld [tilespmem:s25+$0x20]  }
0x173: {  	v10 =	vpop (erf)  }
0x174: {  	v6 =	vmul.f32 v10, v6;
	v5 =	vmul.f32 v5, v10  }
0x175: {  	v2 =	vmul.f32 v2, v10;
	v7 =	vmul.f32 v7, v10  }
0x176: {  	v4 =	vmul.f32 v4, v10;
	[tilespmem:s25+$0xFFFFFFC0] =	vst v6;
	v6 =	vmul.f32 v8, v10  }
0x177: {  	v3 =	vmul.f32 v3, v10;
	[tilespmem:s25+$0xFFFFFFD0] =	vst v5;
	v5 =	vmul.f32 v9, v10  }
0x178: {  	[tilespmem:s25+$0xFFFFFFE0] =	vst v7  }
.Ltmp9:
0x179: {  	[tilespmem:s25+$0xFFFFFFF0] =	vst v2;
	(pc) =	sbr.rel @p1 .LBB2_32-.Ltmp9, $4  }
0x17a: {  	[tilespmem:s25+$0x0] =	vst v6  }
0x17b: {  	[tilespmem:s25+$0x10] =	vst v4  }
0x17c: {  	[tilespmem:s25+$0x20] =	vst v5  }
0x17d: {  	s7 =	sshra.s32 s26, $0x2;
	s26 =	sadd.s32 $0x40, s26;
	[tilespmem:s25+$0x30] =	vst v3  }
0x17e: {  	v2 =	vld [tilespmem:s7+$0x4100];
	_ =	sdelay $0x4  }
0x17f: {  	v2 =	vmax.f32 v2, $1.000000000e+00  }
0x180: {  	(erf) = vrcp.f32 v2;
	_ =	sdelay $0x3  }
0x181: {  	s25 =	sadd.s32 $0x80, s25  }
0x182: {  	v2 =	vld [tilespmem:s25+$0xFFFFFFC0]  }
0x183: {  	v3 =	vld [tilespmem:s25+$0xFFFFFFD0]  }
0x184: {  	v4 =	vld [tilespmem:s25+$0xFFFFFFE0]  }
0x185: {  	v8 =	vld [tilespmem:s25+$0x10]  }
0x186: {  	v5 =	vld [tilespmem:s25+$0xFFFFFFF0];
	v7 =	vpop (erf)  }
0x187: {  	v6 =	vld [tilespmem:s25+$0x0];
	v2 =	vmul.f32 v7, v2  }
0x188: {  	v9 =	vld [tilespmem:s25+$0x20];
	v3 =	vmul.f32 v3, v7  }
0x189: {  	v10 =	vld [tilespmem:s25+$0x30];
	v4 =	vmul.f32 v4, v7;
	[tilespmem:s25+$0xFFFFFFC0] =	vst v2  }
0x18a: {  	v55 =	vmul.f32 v8, v7;
	[tilespmem:s25+$0xFFFFFFD0] =	vst v3  }
0x18b: {  	v2 =	vmul.f32 v5, v7;
	[tilespmem:s25+$0xFFFFFFE0] =	vst v4  }
0x18c: {  	v3 =	vmul.f32 v6, v7;
	[tilespmem:s25+$0x10] =	vst v55  }
0x18d: {  	[tilespmem:s25+$0xFFFFFFF0] =	vst v2;
	v2 =	vmul.f32 v9, v7  }
0x18e: {  	[tilespmem:s25+$0x0] =	vst v3;
	v3 =	vmul.f32 v10, v7  }
0x18f: {  	[tilespmem:s25+$0x20] =	vst v2  }
0x190: {  	s26 =	simm.s32 $0x0;
	s8 =	rddreg [dreg:$0xc];
	[tilespmem:s25+$0x30] =	vst v3  }
0x191: {  	[hbm4b:s8+s26] =	stream.linear.scatter [tilespmem:s18], [sflag:$0x2], $0x4000, $0x38;
	[tilespmem:$0x1B100] =	vst v63  }
0x192: {  	_ =	swait.ge [sflag:s19], $0x4000  }
0x193: {  	[sflag:s19] =	ssyncset.done $0x0  }
0x194: {  	[sflag:s19] =	ssyncadd.s32 $0xFFFFC000  }
0x195: {  	[tilespmem:s18], [sflag:$0x2] =	stream.linear.gather [spmem:s15], $0x4000, $0x38;
	[tilespmem:$0x1B100] =	vst v63  }
0x196: {  	_ =	swait.ge [sflag:s19], $0x4000  }
0x197: {  	[sflag:s19] =	ssyncset.done $0x0  }
0x198: {  	[sflag:s19] =	ssyncadd.s32 $0xFFFFC000  }
0x199: {  	[tilespmem:s20], [sflag:$0x2] =	stream.linear.gather [spmem:s24], $0x800, $0x38;
	[tilespmem:$0x1B100] =	vst v63  }
0x19a: {  	_ =	swait.ge [sflag:s19], $0x800  }
0x19b: {  	[sflag:s19] =	ssyncset.done $0x0  }
0x19c: {  	s28 =	simm.s32 $0x0;
	[sflag:s19] =	ssyncadd.s32 $0xFFFFF800  }
0x19d: {  	v2 =	vld [tilespmem:s28+$0x4100];
	_ =	sdelay $0x4  }
0x19e: {  	v2 =	vmax.f32 v2, $1.000000000e+00  }
0x19f: {  	(erf) = vrcp.f32 v2;
	_ =	sdelay $0x3  }
0x1a0: {  	s25 =	simm.s32 $0x140  }
0x1a1: {  	v2 =	vld [tilespmem:s25+$0xFFFFFFC0]  }
0x1a2: {  	v3 =	vld [tilespmem:s25+$0xFFFFFFD0]  }
0x1a3: {  	v56 =	vld [tilespmem:s25+$0xFFFFFFE0]  }
0x1a4: {  	v60 =	vld [tilespmem:s25+$0x10]  }
0x1a5: {  	v57 =	vld [tilespmem:s25+$0xFFFFFFF0];
	v59 =	vpop (erf)  }
0x1a6: {  	v58 =	vld [tilespmem:s25+$0x0];
	v2 =	vmul.f32 v59, v2  }
0x1a7: {  	v61 =	vld [tilespmem:s25+$0x20];
	v3 =	vmul.f32 v3, v59  }
0x1a8: {  	v62 =	vld [tilespmem:s25+$0x30];
	v4 =	vmul.f32 v56, v59;
	[tilespmem:s25+$0xFFFFFFC0] =	vst v2  }
0x1a9: {  	v63 =	vmul.f32 v60, v59;
	[tilespmem:s25+$0xFFFFFFD0] =	vst v3  }
0x1aa: {  	v2 =	vmul.f32 v57, v59;
	[tilespmem:s25+$0xFFFFFFE0] =	vst v4  }
0x1ab: {  	v3 =	vmul.f32 v58, v59;
	[tilespmem:s25+$0x10] =	vst v63  }
0x1ac: {  	[tilespmem:s25+$0xFFFFFFF0] =	vst v2;
	v2 =	vmul.f32 v61, v59  }
0x1ad: {  	[tilespmem:s25+$0x0] =	vst v3;
	v3 =	vmul.f32 v62, v59  }
0x1ae: {  	[tilespmem:s25+$0x20] =	vst v2  }
0x1af: {  	s7 =	simm.s32 $0x10;
	s26 =	simm.s32 $0x80;
	[tilespmem:s25+$0x30] =	vst v3  }
.LBB2_34:
0x1b0: {  	p1 =	sne.s32 s26, $0x1FC0;
	v2 =	vld [tilespmem:s7+$0x4100];
	_ =	sdelay $0x4  }
0x1b1: {  	v2 =	vmax.f32 v2, $1.000000000e+00  }
0x1b2: {  	s25 =	sadd.s32 $0x80, s25;
	(erf) = vrcp.f32 v2  }
0x1b3: {  	v2 =	vld [tilespmem:s25+$0xFFFFFFF0]  }
0x1b4: {  	v3 =	vld [tilespmem:s25+$0x30]  }
0x1b5: {  	v4 =	vld [tilespmem:s25+$0x10]  }
0x1b6: {  	v5 =	vld [tilespmem:s25+$0xFFFFFFD0]  }
0x1b7: {  	v6 =	vld [tilespmem:s25+$0xFFFFFFC0]  }
0x1b8: {  	v7 =	vld [tilespmem:s25+$0xFFFFFFE0]  }
0x1b9: {  	v8 =	vld [tilespmem:s25+$0x0]  }
0x1ba: {  	v9 =	vld [tilespmem:s25+$0x20]  }
0x1bb: {  	v10 =	vpop (erf)  }
0x1bc: {  	v6 =	vmul.f32 v10, v6;
	v5 =	vmul.f32 v5, v10  }
0x1bd: {  	v2 =	vmul.f32 v2, v10;
	v7 =	vmul.f32 v7, v10  }
0x1be: {  	v4 =	vmul.f32 v4, v10;
	[tilespmem:s25+$0xFFFFFFC0] =	vst v6;
	v6 =	vmul.f32 v8, v10  }
0x1bf: {  	v3 =	vmul.f32 v3, v10;
	[tilespmem:s25+$0xFFFFFFD0] =	vst v5;
	v5 =	vmul.f32 v9, v10  }
0x1c0: {  	[tilespmem:s25+$0xFFFFFFE0] =	vst v7  }
.Ltmp10:
0x1c1: {  	[tilespmem:s25+$0xFFFFFFF0] =	vst v2;
	(pc) =	sbr.rel @p1 .LBB2_34-.Ltmp10, $4  }
0x1c2: {  	[tilespmem:s25+$0x0] =	vst v6  }
0x1c3: {  	[tilespmem:s25+$0x10] =	vst v4  }
0x1c4: {  	[tilespmem:s25+$0x20] =	vst v5  }
0x1c5: {  	s7 =	sshra.s32 s26, $0x2;
	s26 =	sadd.s32 $0x40, s26;
	[tilespmem:s25+$0x30] =	vst v3  }
0x1c6: {  	v2 =	vld [tilespmem:s7+$0x4100];
	_ =	sdelay $0x4  }
0x1c7: {  	v2 =	vmax.f32 v2, $1.000000000e+00  }
0x1c8: {  	(erf) = vrcp.f32 v2;
	_ =	sdelay $0x3  }
0x1c9: {  	s25 =	sadd.s32 $0x80, s25  }
0x1ca: {  	v2 =	vld [tilespmem:s25+$0xFFFFFFC0]  }
0x1cb: {  	v3 =	vld [tilespmem:s25+$0xFFFFFFD0]  }
0x1cc: {  	v4 =	vld [tilespmem:s25+$0xFFFFFFE0]  }
0x1cd: {  	v8 =	vld [tilespmem:s25+$0x10]  }
0x1ce: {  	v5 =	vld [tilespmem:s25+$0xFFFFFFF0];
	v7 =	vpop (erf)  }
0x1cf: {  	v6 =	vld [tilespmem:s25+$0x0];
	v2 =	vmul.f32 v7, v2  }
0x1d0: {  	v9 =	vld [tilespmem:s25+$0x20];
	v3 =	vmul.f32 v3, v7  }
0x1d1: {  	v10 =	vld [tilespmem:s25+$0x30];
	v4 =	vmul.f32 v4, v7;
	[tilespmem:s25+$0xFFFFFFC0] =	vst v2  }
0x1d2: {  	v55 =	vmul.f32 v8, v7;
	[tilespmem:s25+$0xFFFFFFD0] =	vst v3  }
0x1d3: {  	v2 =	vmul.f32 v5, v7;
	[tilespmem:s25+$0xFFFFFFE0] =	vst v4  }
0x1d4: {  	v3 =	vmul.f32 v6, v7;
	[tilespmem:s25+$0x10] =	vst v55  }
0x1d5: {  	[tilespmem:s25+$0xFFFFFFF0] =	vst v2;
	v2 =	vmul.f32 v9, v7  }
0x1d6: {  	[tilespmem:s25+$0x0] =	vst v3;
	v3 =	vmul.f32 v10, v7  }
0x1d7: {  	[tilespmem:s25+$0x20] =	vst v2  }
0x1d8: {  	s26 =	simm.s32 $0x0;
	s8 =	rddreg [dreg:$0xe];
	[tilespmem:s25+$0x30] =	vst v3  }
0x1d9: {  	[hbm4b:s8+s26] =	stream.linear.scatter [tilespmem:s18], [sflag:$0x2], $0x4000, $0x38;
	[tilespmem:$0x1B100] =	vst v63  }
0x1da: {  	_ =	swait.ge [sflag:s19], $0x4000  }
0x1db: {  	[sflag:s19] =	ssyncset.done $0x0  }
0x1dc: {  	[sflag:s19] =	ssyncadd.s32 $0xFFFFC000  }
0x1dd: {  	[tilespmem:s18], [sflag:$0x2] =	stream.linear.gather [spmem:s16], $0x4000, $0x38;
	[tilespmem:$0x1B100] =	vst v63  }
0x1de: {  	_ =	swait.ge [sflag:s19], $0x4000  }
0x1df: {  	[sflag:s19] =	ssyncset.done $0x0  }
0x1e0: {  	[sflag:s19] =	ssyncadd.s32 $0xFFFFC000  }
0x1e1: {  	[tilespmem:s20], [sflag:$0x2] =	stream.linear.gather [spmem:s2], $0x800, $0x38;
	[tilespmem:$0x1B100] =	vst v63  }
0x1e2: {  	_ =	swait.ge [sflag:s19], $0x800  }
0x1e3: {  	[sflag:s19] =	ssyncset.done $0x0  }
0x1e4: {  	s28 =	simm.s32 $0x0;
	[sflag:s19] =	ssyncadd.s32 $0xFFFFF800  }
0x1e5: {  	v2 =	vld [tilespmem:s28+$0x4100];
	_ =	sdelay $0x4  }
0x1e6: {  	v2 =	vmax.f32 v2, $1.000000000e+00  }
0x1e7: {  	(erf) = vrcp.f32 v2;
	_ =	sdelay $0x3  }
0x1e8: {  	s25 =	simm.s32 $0x140  }
0x1e9: {  	v2 =	vld [tilespmem:s25+$0xFFFFFFC0]  }
0x1ea: {  	v3 =	vld [tilespmem:s25+$0xFFFFFFD0]  }
0x1eb: {  	v56 =	vld [tilespmem:s25+$0xFFFFFFE0]  }
0x1ec: {  	v60 =	vld [tilespmem:s25+$0x10]  }
0x1ed: {  	v57 =	vld [tilespmem:s25+$0xFFFFFFF0];
	v59 =	vpop (erf)  }
0x1ee: {  	v58 =	vld [tilespmem:s25+$0x0];
	v2 =	vmul.f32 v59, v2  }
0x1ef: {  	v61 =	vld [tilespmem:s25+$0x20];
	v3 =	vmul.f32 v3, v59  }
0x1f0: {  	v62 =	vld [tilespmem:s25+$0x30];
	v4 =	vmul.f32 v56, v59;
	[tilespmem:s25+$0xFFFFFFC0] =	vst v2  }
0x1f1: {  	v63 =	vmul.f32 v60, v59;
	[tilespmem:s25+$0xFFFFFFD0] =	vst v3  }
0x1f2: {  	v2 =	vmul.f32 v57, v59;
	[tilespmem:s25+$0xFFFFFFE0] =	vst v4  }
0x1f3: {  	v3 =	vmul.f32 v58, v59;
	[tilespmem:s25+$0x10] =	vst v63  }
0x1f4: {  	[tilespmem:s25+$0xFFFFFFF0] =	vst v2;
	v2 =	vmul.f32 v61, v59  }
0x1f5: {  	[tilespmem:s25+$0x0] =	vst v3;
	v3 =	vmul.f32 v62, v59  }
0x1f6: {  	[tilespmem:s25+$0x20] =	vst v2  }
0x1f7: {  	s7 =	simm.s32 $0x10;
	s26 =	simm.s32 $0x80;
	[tilespmem:s25+$0x30] =	vst v3  }
.LBB2_36:
0x1f8: {  	p1 =	sne.s32 s26, $0x1FC0;
	v2 =	vld [tilespmem:s7+$0x4100];
	_ =	sdelay $0x4  }
0x1f9: {  	v2 =	vmax.f32 v2, $1.000000000e+00  }
0x1fa: {  	s25 =	sadd.s32 $0x80, s25;
	(erf) = vrcp.f32 v2  }
0x1fb: {  	v2 =	vld [tilespmem:s25+$0xFFFFFFF0]  }
0x1fc: {  	v3 =	vld [tilespmem:s25+$0x30]  }
0x1fd: {  	v4 =	vld [tilespmem:s25+$0x10]  }
0x1fe: {  	v5 =	vld [tilespmem:s25+$0xFFFFFFD0]  }
0x1ff: {  	v6 =	vld [tilespmem:s25+$0xFFFFFFC0]  }
0x200: {  	v7 =	vld [tilespmem:s25+$0xFFFFFFE0]  }
0x201: {  	v8 =	vld [tilespmem:s25+$0x0]  }
0x202: {  	v9 =	vld [tilespmem:s25+$0x20]  }
0x203: {  	v10 =	vpop (erf)  }
0x204: {  	v6 =	vmul.f32 v10, v6;
	v5 =	vmul.f32 v5, v10  }
0x205: {  	v2 =	vmul.f32 v2, v10;
	v7 =	vmul.f32 v7, v10  }
0x206: {  	v4 =	vmul.f32 v4, v10;
	[tilespmem:s25+$0xFFFFFFC0] =	vst v6;
	v6 =	vmul.f32 v8, v10  }
0x207: {  	v3 =	vmul.f32 v3, v10;
	[tilespmem:s25+$0xFFFFFFD0] =	vst v5;
	v5 =	vmul.f32 v9, v10  }
0x208: {  	[tilespmem:s25+$0xFFFFFFE0] =	vst v7  }
.Ltmp11:
0x209: {  	[tilespmem:s25+$0xFFFFFFF0] =	vst v2;
	(pc) =	sbr.rel @p1 .LBB2_36-.Ltmp11, $4  }
0x20a: {  	[tilespmem:s25+$0x0] =	vst v6  }
0x20b: {  	[tilespmem:s25+$0x10] =	vst v4  }
0x20c: {  	[tilespmem:s25+$0x20] =	vst v5  }
0x20d: {  	s7 =	sshra.s32 s26, $0x2;
	s26 =	sadd.s32 $0x40, s26;
	[tilespmem:s25+$0x30] =	vst v3  }
.Ltmp12:
0x20e: {  	_ = 	snop;
	(pc) =	sbr.rel .LBB2_37-.Ltmp12, $1  }
0x20f: {  	_ =	sdelay $0x3  }
.LBB2_2:
0x210: {  	p1 =	sne.s32 s26, $0xFE00;
	[tilespmem:s25+$0x170] =	vst v0  }
0x211: {  	[tilespmem:s25+$0x100] =	vst v0  }
0x212: {  	[tilespmem:s25+$0x110] =	vst v0  }
.Ltmp13:
0x213: {  	[tilespmem:s25+$0x120] =	vst v0;
	(pc) =	sbr.rel @p1 .LBB2_2-.Ltmp13, $4  }
0x214: {  	[tilespmem:s25+$0x130] =	vst v0  }
0x215: {  	[tilespmem:s25+$0x140] =	vst v0  }
0x216: {  	[tilespmem:s25+$0x150] =	vst v0  }
0x217: {  	[tilespmem:s25+$0x160] =	vst v0;
	s25 =	sshra.s32 s26, $0x2;
	s26 =	sadd.s32 $0x200, s26  }
0x218: {  	[tilespmem:s25+$0x170] =	vst v0  }
0x219: {  	[tilespmem:s25+$0x100] =	vst v0  }
0x21a: {  	[tilespmem:s25+$0x110] =	vst v0  }
0x21b: {  	[tilespmem:s25+$0x120] =	vst v0  }
0x21c: {  	[tilespmem:s25+$0x130] =	vst v0  }
0x21d: {  	[tilespmem:s25+$0x140] =	vst v0  }
0x21e: {  	[tilespmem:s25+$0x150] =	vst v0  }
0x21f: {  	[tilespmem:s25+$0x160] =	vst v0;
	s25 =	simm.s32 $0x40;
	s7 =	simm.s32 $0x0  }
.LBB2_4:
0x220: {  	p1 =	sne.s32 s25, $0x1FC0;
	[tilespmem:s7+$0x4100] =	vst v0;
	s7 =	smov.u32 s25;
	s25 =	sadd.s32 $0x40, s25  }
.Ltmp14:
0x221: {  	(pc) =	sbr.rel @p1 .LBB2_4-.Ltmp14, $2  }
0x222: {  	_ =	sdelay $0x2  }
0x223: {  	s7 =	sshra.s32 s7, $0x2  }
0x224: {  	[tilespmem:s7+$0x4100] =	vst v0  }
0x225: {  	[spmem:s9] =	stream.linear.scatter [tilespmem:s18], [sflag:$0x2], $0x4000, $0x38;
	[tilespmem:$0x1B100] =	vst v63  }
0x226: {  	_ =	swait.ge [sflag:s19], $0x4000  }
0x227: {  	[sflag:s19] =	ssyncset.done $0x0  }
0x228: {  	[sflag:s19] =	ssyncadd.s32 $0xFFFFC000  }
0x229: {  	[spmem:s10] =	stream.linear.scatter [tilespmem:s20], [sflag:$0x2], $0x800, $0x38;
	[tilespmem:$0x1B100] =	vst v63  }
0x22a: {  	_ =	swait.ge [sflag:s19], $0x800  }
0x22b: {  	[sflag:s19] =	ssyncset.done $0x0  }
0x22c: {  	[sflag:s19] =	ssyncadd.s32 $0xFFFFF800  }
0x22d: {  	[spmem:s11] =	stream.linear.scatter [tilespmem:s18], [sflag:$0x2], $0x4000, $0x38;
	[tilespmem:$0x1B100] =	vst v63  }
0x22e: {  	_ =	swait.ge [sflag:s19], $0x4000  }
0x22f: {  	[sflag:s19] =	ssyncset.done $0x0  }
0x230: {  	[sflag:s19] =	ssyncadd.s32 $0xFFFFC000  }
0x231: {  	[spmem:s12] =	stream.linear.scatter [tilespmem:s20], [sflag:$0x2], $0x800, $0x38;
	[tilespmem:$0x1B100] =	vst v63  }
0x232: {  	_ =	swait.ge [sflag:s19], $0x800  }
0x233: {  	[sflag:s19] =	ssyncset.done $0x0  }
0x234: {  	[sflag:s19] =	ssyncadd.s32 $0xFFFFF800  }
0x235: {  	[spmem:s13] =	stream.linear.scatter [tilespmem:s18], [sflag:$0x2], $0x4000, $0x38;
	[tilespmem:$0x1B100] =	vst v63  }
0x236: {  	_ =	swait.ge [sflag:s19], $0x4000  }
0x237: {  	[sflag:s19] =	ssyncset.done $0x0  }
0x238: {  	[sflag:s19] =	ssyncadd.s32 $0xFFFFC000  }
0x239: {  	[spmem:s14] =	stream.linear.scatter [tilespmem:s20], [sflag:$0x2], $0x800, $0x38;
	[tilespmem:$0x1B100] =	vst v63  }
0x23a: {  	_ =	swait.ge [sflag:s19], $0x800  }
0x23b: {  	[sflag:s19] =	ssyncset.done $0x0  }
0x23c: {  	[sflag:s19] =	ssyncadd.s32 $0xFFFFF800  }
0x23d: {  	[spmem:s15] =	stream.linear.scatter [tilespmem:s18], [sflag:$0x2], $0x4000, $0x38;
	[tilespmem:$0x1B100] =	vst v63  }
0x23e: {  	_ =	swait.ge [sflag:s19], $0x4000  }
0x23f: {  	[sflag:s19] =	ssyncset.done $0x0  }
0x240: {  	[sflag:s19] =	ssyncadd.s32 $0xFFFFC000  }
0x241: {  	[spmem:s24] =	stream.linear.scatter [tilespmem:s20], [sflag:$0x2], $0x800, $0x38;
	[tilespmem:$0x1B100] =	vst v63  }
0x242: {  	_ =	swait.ge [sflag:s19], $0x800  }
0x243: {  	[sflag:s19] =	ssyncset.done $0x0  }
0x244: {  	[sflag:s19] =	ssyncadd.s32 $0xFFFFF800  }
0x245: {  	[spmem:s16] =	stream.linear.scatter [tilespmem:s18], [sflag:$0x2], $0x4000, $0x38;
	[tilespmem:$0x1B100] =	vst v63  }
0x246: {  	_ =	swait.ge [sflag:s19], $0x4000  }
0x247: {  	[sflag:s19] =	ssyncset.done $0x0  }
0x248: {  	[sflag:s19] =	ssyncadd.s32 $0xFFFFC000  }
0x249: {  	[spmem:s2] =	stream.linear.scatter [tilespmem:s20], [sflag:$0x2], $0x800, $0x38;
	[tilespmem:$0x1B100] =	vst v63  }
0x24a: {  	_ =	swait.ge [sflag:s19], $0x800  }
0x24b: {  	[sflag:s19] =	ssyncset.done $0x0  }
0x24c: {  	s25 =	simm.s32 $0x40;
	s7 =	simm.s32 $0x0;
	[sflag:s19] =	ssyncadd.s32 $0xFFFFF800  }
.LBB2_6:
0x24d: {  	p1 =	sne.s32 s25, $0x1FC0;
	[tilespmem:s7+$0x4100] =	vst v1;
	s7 =	smov.u32 s25;
	s25 =	sadd.s32 $0x40, s25  }
.Ltmp15:
0x24e: {  	(pc) =	sbr.rel @p1 .LBB2_6-.Ltmp15, $2  }
0x24f: {  	_ =	sdelay $0x2  }
0x250: {  	s7 =	sshra.s32 s7, $0x2  }
0x251: {  	[tilespmem:s7+$0x4100] =	vst v1  }
0x252: {  	s26 =	sadd.s32 $0x0, s30;
	[bflag:$0x0] =	sbarrier.arrive $0xFFFF  }
0x253: {  	[tilespmem:s5], [sflag:$0x2] =	stream.linear.gather [hbm4b:s26+s5], $0x80, $0x38;
	[tilespmem:$0x1B100] =	vst v63  }
0x254: {  	_ =	swait.ge [sflag:s19], $0x80  }
0x255: {  	[sflag:s19] =	ssyncset.done $0x0  }
0x256: {  	s28 =	sadd.s32 $0x0, s29;
	[sflag:s19] =	ssyncadd.s32 $0xFFFFFF80  }
0x257: {  	[tilespmem:s21], [sflag:$0x2] =	stream.linear.gather [hbm4b:s28+s5], $0x80, $0x38;
	[tilespmem:$0x1B100] =	vst v63  }
0x258: {  	_ =	swait.ge [sflag:s19], $0x80  }
0x259: {  	[sflag:s19] =	ssyncset.done $0x0  }
0x25a: {  	[sflag:s19] =	ssyncadd.s32 $0xFFFFFF80  }
0x25b: {  	[tilespmem:s18], [sflag:$0x1] =	stream.indirect.gather [hbm4b:s1+s21], $0x80, s5, s21, $0xb8;
	[tilespmem:$0x1B100] =	vst v63  }
0x25c: {  	_ =	swait.ge [sflag:s22], $0x4000  }
0x25d: {  	[sflag:s22] =	ssyncset.done $0x0  }
0x25e: {  	[sflag:s22] =	ssyncadd.s32 $0xFFFFC000  }
0x25f: {  	[spmem:s3] =	stream.indirect.scatter.add.f32 [tilespmem:s18], [sflag:$0x2], $0x80, s21, s21, $0xb8;
	[tilespmem:$0x1B100] =	vst v63  }
0x260: {  	_ =	swait.ge [sflag:s19], $0x4000  }
0x261: {  	[sflag:s19] =	ssyncset.done $0x0  }
0x262: {  	[sflag:s19] =	ssyncadd.s32 $0xFFFFC000  }
0x263: {  	[spmem:s4] =	stream.indirect.scatter.add.f32 [tilespmem:s20], [sflag:$0x2], $0x10, s21, s21, $0xb8;
	[tilespmem:$0x1B100] =	vst v63  }
0x264: {  	_ =	swait.ge [sflag:s19], $0x800  }
0x265: {  	s25 =	simm.s32 $0x10;
	s26 =	simm.s32 $0x20;
	[sflag:s19] =	ssyncset.done $0x0  }
.LBB2_8:
0x266: {  	s7 =	sadd.s32 s25, s30  }
0x267: {  	[sflag:s19] =	ssyncadd.s32 $0xFFFFF800;
	s8 =	smov.u32 s26;
	s28 =	sadd.s32 $0x10, s26  }
0x268: {  	[tilespmem:s5], [sflag:$0x2] =	stream.linear.gather [hbm4b:s7+s5], $0x80, $0x38;
	[tilespmem:$0x1B100] =	vst v63  }
0x269: {  	p1 =	sne.s32 s26, $0x9F0;
	_ =	swait.ge [sflag:s19], $0x80  }
0x26a: {  	[sflag:s19] =	ssyncset.done $0x0  }
0x26b: {  	s7 =	sadd.s32 s25, s29;
	s25 =	smov.u32 s8;
	[sflag:s19] =	ssyncadd.s32 $0xFFFFFF80  }
0x26c: {  	[tilespmem:s21], [sflag:$0x2] =	stream.linear.gather [hbm4b:s7+s5], $0x80, $0x38;
	[tilespmem:$0x1B100] =	vst v63  }
0x26d: {  	_ =	swait.ge [sflag:s19], $0x80  }
0x26e: {  	[sflag:s19] =	ssyncset.done $0x0  }
0x26f: {  	[sflag:s19] =	ssyncadd.s32 $0xFFFFFF80  }
0x270: {  	[tilespmem:s18], [sflag:$0x1] =	stream.indirect.gather [hbm4b:s1+s21], $0x80, s5, s21, $0xb8;
	[tilespmem:$0x1B100] =	vst v63  }
0x271: {  	_ =	swait.ge [sflag:s22], $0x4000  }
0x272: {  	[sflag:s22] =	ssyncset.done $0x0  }
0x273: {  	[sflag:s22] =	ssyncadd.s32 $0xFFFFC000  }
0x274: {  	[spmem:s3] =	stream.indirect.scatter.add.f32 [tilespmem:s18], [sflag:$0x2], $0x80, s21, s21, $0xb8;
	[tilespmem:$0x1B100] =	vst v63  }
0x275: {  	_ =	swait.ge [sflag:s19], $0x4000  }
.Ltmp16:
0x276: {  	[sflag:s19] =	ssyncset.done $0x0;
	(pc) =	sbr.rel @p1 .LBB2_8-.Ltmp16, $4  }
0x277: {  	[sflag:s19] =	ssyncadd.s32 $0xFFFFC000  }
0x278: {  	[spmem:s4] =	stream.indirect.scatter.add.f32 [tilespmem:s20], [sflag:$0x2], $0x10, s21, s21, $0xb8;
	[tilespmem:$0x1B100] =	vst v63  }
0x279: {  	_ =	swait.ge [sflag:s19], $0x800  }
0x27a: {  	s26 =	smov.u32 s28;
	[sflag:s19] =	ssyncset.done $0x0  }
0x27b: {  	s7 =	sadd.s32 s25, s30;
	[sflag:s19] =	ssyncadd.s32 $0xFFFFF800  }
0x27c: {  	[tilespmem:s5], [sflag:$0x2] =	stream.linear.gather [hbm4b:s7+s5], $0x80, $0x38;
	[tilespmem:$0x1B100] =	vst v63  }
0x27d: {  	_ =	swait.ge [sflag:s19], $0x80  }
0x27e: {  	[sflag:s19] =	ssyncset.done $0x0  }
0x27f: {  	s26 =	sadd.s32 s25, s29;
	[sflag:s19] =	ssyncadd.s32 $0xFFFFFF80  }
0x280: {  	[tilespmem:s21], [sflag:$0x2] =	stream.linear.gather [hbm4b:s26+s5], $0x80, $0x38;
	[tilespmem:$0x1B100] =	vst v63  }
0x281: {  	_ =	swait.ge [sflag:s19], $0x80  }
0x282: {  	[sflag:s19] =	ssyncset.done $0x0  }
0x283: {  	[sflag:s19] =	ssyncadd.s32 $0xFFFFFF80  }
0x284: {  	[tilespmem:s18], [sflag:$0x1] =	stream.indirect.gather [hbm4b:s1+s21], $0x80, s5, s21, $0xb8;
	[tilespmem:$0x1B100] =	vst v63  }
0x285: {  	_ =	swait.ge [sflag:s22], $0x4000  }
0x286: {  	[sflag:s22] =	ssyncset.done $0x0  }
0x287: {  	[sflag:s22] =	ssyncadd.s32 $0xFFFFC000  }
0x288: {  	[spmem:s3] =	stream.indirect.scatter.add.f32 [tilespmem:s18], [sflag:$0x2], $0x80, s21, s21, $0xb8;
	[tilespmem:$0x1B100] =	vst v63  }
0x289: {  	_ =	swait.ge [sflag:s19], $0x4000  }
0x28a: {  	[sflag:s19] =	ssyncset.done $0x0  }
0x28b: {  	[sflag:s19] =	ssyncadd.s32 $0xFFFFC000  }
0x28c: {  	[spmem:s4] =	stream.indirect.scatter.add.f32 [tilespmem:s20], [sflag:$0x2], $0x10, s21, s21, $0xb8;
	[tilespmem:$0x1B100] =	vst v63  }
0x28d: {  	_ =	swait.ge [sflag:s19], $0x800  }
0x28e: {  	[sflag:s19] =	ssyncset.done $0x0  }
0x28f: {  	[sflag:s19] =	ssyncadd.s32 $0xFFFFF800  }
0x290: {  	[bflag:$0x0] =	sbarrier.arrive $0xFFFF  }
0x291: {  	[tilespmem:s18], [sflag:$0x2] =	stream.linear.gather [spmem:s9], $0x4000, $0x38;
	[tilespmem:$0x1B100] =	vst v63  }
0x292: {  	_ =	swait.ge [sflag:s19], $0x4000  }
0x293: {  	[sflag:s19] =	ssyncset.done $0x0  }
0x294: {  	[sflag:s19] =	ssyncadd.s32 $0xFFFFC000  }
0x295: {  	[tilespmem:s20], [sflag:$0x2] =	stream.linear.gather [spmem:s10], $0x800, $0x38;
	[tilespmem:$0x1B100] =	vst v63  }
0x296: {  	_ =	swait.ge [sflag:s19], $0x800  }
0x297: {  	[sflag:s19] =	ssyncset.done $0x0  }
0x298: {  	s28 =	simm.s32 $0x0;
	[sflag:s19] =	ssyncadd.s32 $0xFFFFF800  }
0x299: {  	v2 =	vld [tilespmem:s28+$0x4100];
	_ =	sdelay $0x4  }
0x29a: {  	v2 =	vmax.f32 v2, $1.000000000e+00  }
0x29b: {  	(erf) = vrcp.f32 v2;
	_ =	sdelay $0x3  }
0x29c: {  	s25 =	simm.s32 $0x140  }
0x29d: {  	v2 =	vld [tilespmem:s25+$0xFFFFFFC0]  }
0x29e: {  	v3 =	vld [tilespmem:s25+$0xFFFFFFD0]  }
0x29f: {  	v4 =	vld [tilespmem:s25+$0xFFFFFFE0]  }
0x2a0: {  	v8 =	vld [tilespmem:s25+$0x10]  }
0x2a1: {  	v5 =	vld [tilespmem:s25+$0xFFFFFFF0];
	v7 =	vpop (erf)  }
0x2a2: {  	v6 =	vld [tilespmem:s25+$0x0];
	v2 =	vmul.f32 v7, v2  }
0x2a3: {  	v9 =	vld [tilespmem:s25+$0x20];
	v3 =	vmul.f32 v3, v7  }
0x2a4: {  	v10 =	vld [tilespmem:s25+$0x30];
	v4 =	vmul.f32 v4, v7;
	[tilespmem:s25+$0xFFFFFFC0] =	vst v2  }
0x2a5: {  	v63 =	vmul.f32 v8, v7;
	[tilespmem:s25+$0xFFFFFFD0] =	vst v3  }
0x2a6: {  	v2 =	vmul.f32 v5, v7;
	[tilespmem:s25+$0xFFFFFFE0] =	vst v4  }
0x2a7: {  	v3 =	vmul.f32 v6, v7;
	[tilespmem:s25+$0x10] =	vst v63  }
0x2a8: {  	[tilespmem:s25+$0xFFFFFFF0] =	vst v2;
	v2 =	vmul.f32 v9, v7  }
0x2a9: {  	[tilespmem:s25+$0x0] =	vst v3;
	v3 =	vmul.f32 v10, v7  }
0x2aa: {  	[tilespmem:s25+$0x20] =	vst v2  }
0x2ab: {  	s7 =	simm.s32 $0x10;
	s26 =	simm.s32 $0x80;
	[tilespmem:s25+$0x30] =	vst v3  }
.LBB2_10:
0x2ac: {  	p1 =	sne.s32 s26, $0x1FC0;
	v2 =	vld [tilespmem:s7+$0x4100];
	_ =	sdelay $0x4  }
0x2ad: {  	v2 =	vmax.f32 v2, $1.000000000e+00  }
0x2ae: {  	s25 =	sadd.s32 $0x80, s25;
	(erf) = vrcp.f32 v2  }
0x2af: {  	v2 =	vld [tilespmem:s25+$0xFFFFFFF0]  }
0x2b0: {  	v3 =	vld [tilespmem:s25+$0x30]  }
0x2b1: {  	v4 =	vld [tilespmem:s25+$0x10]  }
0x2b2: {  	v5 =	vld [tilespmem:s25+$0xFFFFFFD0]  }
0x2b3: {  	v6 =	vld [tilespmem:s25+$0xFFFFFFC0]  }
0x2b4: {  	v7 =	vld [tilespmem:s25+$0xFFFFFFE0]  }
0x2b5: {  	v8 =	vld [tilespmem:s25+$0x0]  }
0x2b6: {  	v9 =	vld [tilespmem:s25+$0x20]  }
0x2b7: {  	v10 =	vpop (erf)  }
0x2b8: {  	v6 =	vmul.f32 v10, v6;
	v5 =	vmul.f32 v5, v10  }
0x2b9: {  	v2 =	vmul.f32 v2, v10;
	v7 =	vmul.f32 v7, v10  }
0x2ba: {  	v4 =	vmul.f32 v4, v10;
	[tilespmem:s25+$0xFFFFFFC0] =	vst v6;
	v6 =	vmul.f32 v8, v10  }
0x2bb: {  	v3 =	vmul.f32 v3, v10;
	[tilespmem:s25+$0xFFFFFFD0] =	vst v5;
	v5 =	vmul.f32 v9, v10  }
0x2bc: {  	[tilespmem:s25+$0xFFFFFFE0] =	vst v7  }
.Ltmp17:
0x2bd: {  	[tilespmem:s25+$0xFFFFFFF0] =	vst v2;
	(pc) =	sbr.rel @p1 .LBB2_10-.Ltmp17, $4  }
0x2be: {  	[tilespmem:s25+$0x0] =	vst v6  }
0x2bf: {  	[tilespmem:s25+$0x10] =	vst v4  }
0x2c0: {  	[tilespmem:s25+$0x20] =	vst v5  }
0x2c1: {  	s7 =	sshra.s32 s26, $0x2;
	s26 =	sadd.s32 $0x40, s26;
	[tilespmem:s25+$0x30] =	vst v3  }
0x2c2: {  	v2 =	vld [tilespmem:s7+$0x4100];
	_ =	sdelay $0x4  }
0x2c3: {  	v2 =	vmax.f32 v2, $1.000000000e+00  }
0x2c4: {  	(erf) = vrcp.f32 v2;
	_ =	sdelay $0x3  }
0x2c5: {  	s25 =	sadd.s32 $0x80, s25  }
0x2c6: {  	v2 =	vld [tilespmem:s25+$0xFFFFFFC0]  }
0x2c7: {  	v3 =	vld [tilespmem:s25+$0xFFFFFFD0]  }
0x2c8: {  	v4 =	vld [tilespmem:s25+$0xFFFFFFE0]  }
0x2c9: {  	v8 =	vld [tilespmem:s25+$0x10]  }
0x2ca: {  	v5 =	vld [tilespmem:s25+$0xFFFFFFF0];
	v7 =	vpop (erf)  }
0x2cb: {  	v6 =	vld [tilespmem:s25+$0x0];
	v2 =	vmul.f32 v7, v2  }
0x2cc: {  	v9 =	vld [tilespmem:s25+$0x20];
	v3 =	vmul.f32 v3, v7  }
0x2cd: {  	v10 =	vld [tilespmem:s25+$0x30];
	v4 =	vmul.f32 v4, v7;
	[tilespmem:s25+$0xFFFFFFC0] =	vst v2  }
0x2ce: {  	v55 =	vmul.f32 v8, v7;
	[tilespmem:s25+$0xFFFFFFD0] =	vst v3  }
0x2cf: {  	v2 =	vmul.f32 v5, v7;
	[tilespmem:s25+$0xFFFFFFE0] =	vst v4  }
0x2d0: {  	v3 =	vmul.f32 v6, v7;
	[tilespmem:s25+$0x10] =	vst v55  }
0x2d1: {  	[tilespmem:s25+$0xFFFFFFF0] =	vst v2;
	v2 =	vmul.f32 v9, v7  }
0x2d2: {  	[tilespmem:s25+$0x0] =	vst v3;
	v3 =	vmul.f32 v10, v7  }
0x2d3: {  	[tilespmem:s25+$0x20] =	vst v2  }
0x2d4: {  	s26 =	simm.s32 $0x0;
	s8 =	rddreg [dreg:$0x7];
	[tilespmem:s25+$0x30] =	vst v3  }
0x2d5: {  	[hbm4b:s8+s26] =	stream.linear.scatter [tilespmem:s18], [sflag:$0x2], $0x4000, $0x38;
	[tilespmem:$0x1B100] =	vst v63  }
0x2d6: {  	_ =	swait.ge [sflag:s19], $0x4000  }
0x2d7: {  	[sflag:s19] =	ssyncset.done $0x0  }
0x2d8: {  	[sflag:s19] =	ssyncadd.s32 $0xFFFFC000  }
0x2d9: {  	[tilespmem:s18], [sflag:$0x2] =	stream.linear.gather [spmem:s11], $0x4000, $0x38;
	[tilespmem:$0x1B100] =	vst v63  }
0x2da: {  	_ =	swait.ge [sflag:s19], $0x4000  }
0x2db: {  	[sflag:s19] =	ssyncset.done $0x0  }
0x2dc: {  	[sflag:s19] =	ssyncadd.s32 $0xFFFFC000  }
0x2dd: {  	[tilespmem:s20], [sflag:$0x2] =	stream.linear.gather [spmem:s12], $0x800, $0x38;
	[tilespmem:$0x1B100] =	vst v63  }
0x2de: {  	_ =	swait.ge [sflag:s19], $0x800  }
0x2df: {  	[sflag:s19] =	ssyncset.done $0x0  }
0x2e0: {  	s28 =	simm.s32 $0x0;
	[sflag:s19] =	ssyncadd.s32 $0xFFFFF800  }
0x2e1: {  	v2 =	vld [tilespmem:s28+$0x4100];
	_ =	sdelay $0x4  }
0x2e2: {  	v2 =	vmax.f32 v2, $1.000000000e+00  }
0x2e3: {  	(erf) = vrcp.f32 v2;
	_ =	sdelay $0x3  }
0x2e4: {  	s25 =	simm.s32 $0x140  }
0x2e5: {  	v2 =	vld [tilespmem:s25+$0xFFFFFFC0]  }
0x2e6: {  	v3 =	vld [tilespmem:s25+$0xFFFFFFD0]  }
0x2e7: {  	v56 =	vld [tilespmem:s25+$0xFFFFFFE0]  }
0x2e8: {  	v60 =	vld [tilespmem:s25+$0x10]  }
0x2e9: {  	v57 =	vld [tilespmem:s25+$0xFFFFFFF0];
	v59 =	vpop (erf)  }
0x2ea: {  	v58 =	vld [tilespmem:s25+$0x0];
	v2 =	vmul.f32 v59, v2  }
0x2eb: {  	v61 =	vld [tilespmem:s25+$0x20];
	v3 =	vmul.f32 v3, v59  }
0x2ec: {  	v62 =	vld [tilespmem:s25+$0x30];
	v4 =	vmul.f32 v56, v59;
	[tilespmem:s25+$0xFFFFFFC0] =	vst v2  }
0x2ed: {  	v63 =	vmul.f32 v60, v59;
	[tilespmem:s25+$0xFFFFFFD0] =	vst v3  }
0x2ee: {  	v2 =	vmul.f32 v57, v59;
	[tilespmem:s25+$0xFFFFFFE0] =	vst v4  }
0x2ef: {  	v3 =	vmul.f32 v58, v59;
	[tilespmem:s25+$0x10] =	vst v63  }
0x2f0: {  	[tilespmem:s25+$0xFFFFFFF0] =	vst v2;
	v2 =	vmul.f32 v61, v59  }
0x2f1: {  	[tilespmem:s25+$0x0] =	vst v3;
	v3 =	vmul.f32 v62, v59  }
0x2f2: {  	[tilespmem:s25+$0x20] =	vst v2  }
0x2f3: {  	s7 =	simm.s32 $0x10;
	s26 =	simm.s32 $0x80;
	[tilespmem:s25+$0x30] =	vst v3  }
.LBB2_12:
0x2f4: {  	p1 =	sne.s32 s26, $0x1FC0;
	v2 =	vld [tilespmem:s7+$0x4100];
	_ =	sdelay $0x4  }
0x2f5: {  	v2 =	vmax.f32 v2, $1.000000000e+00  }
0x2f6: {  	s25 =	sadd.s32 $0x80, s25;
	(erf) = vrcp.f32 v2  }
0x2f7: {  	v2 =	vld [tilespmem:s25+$0xFFFFFFF0]  }
0x2f8: {  	v3 =	vld [tilespmem:s25+$0x30]  }
0x2f9: {  	v4 =	vld [tilespmem:s25+$0x10]  }
0x2fa: {  	v5 =	vld [tilespmem:s25+$0xFFFFFFD0]  }
0x2fb: {  	v6 =	vld [tilespmem:s25+$0xFFFFFFC0]  }
0x2fc: {  	v7 =	vld [tilespmem:s25+$0xFFFFFFE0]  }
0x2fd: {  	v8 =	vld [tilespmem:s25+$0x0]  }
0x2fe: {  	v9 =	vld [tilespmem:s25+$0x20]  }
0x2ff: {  	v10 =	vpop (erf)  }
0x300: {  	v6 =	vmul.f32 v10, v6;
	v5 =	vmul.f32 v5, v10  }
0x301: {  	v2 =	vmul.f32 v2, v10;
	v7 =	vmul.f32 v7, v10  }
0x302: {  	v4 =	vmul.f32 v4, v10;
	[tilespmem:s25+$0xFFFFFFC0] =	vst v6;
	v6 =	vmul.f32 v8, v10  }
0x303: {  	v3 =	vmul.f32 v3, v10;
	[tilespmem:s25+$0xFFFFFFD0] =	vst v5;
	v5 =	vmul.f32 v9, v10  }
0x304: {  	[tilespmem:s25+$0xFFFFFFE0] =	vst v7  }
.Ltmp18:
0x305: {  	[tilespmem:s25+$0xFFFFFFF0] =	vst v2;
	(pc) =	sbr.rel @p1 .LBB2_12-.Ltmp18, $4  }
0x306: {  	[tilespmem:s25+$0x0] =	vst v6  }
0x307: {  	[tilespmem:s25+$0x10] =	vst v4  }
0x308: {  	[tilespmem:s25+$0x20] =	vst v5  }
0x309: {  	s7 =	sshra.s32 s26, $0x2;
	s26 =	sadd.s32 $0x40, s26;
	[tilespmem:s25+$0x30] =	vst v3  }
0x30a: {  	v2 =	vld [tilespmem:s7+$0x4100];
	_ =	sdelay $0x4  }
0x30b: {  	v2 =	vmax.f32 v2, $1.000000000e+00  }
0x30c: {  	(erf) = vrcp.f32 v2;
	_ =	sdelay $0x3  }
0x30d: {  	s25 =	sadd.s32 $0x80, s25  }
0x30e: {  	v2 =	vld [tilespmem:s25+$0xFFFFFFC0]  }
0x30f: {  	v3 =	vld [tilespmem:s25+$0xFFFFFFD0]  }
0x310: {  	v4 =	vld [tilespmem:s25+$0xFFFFFFE0]  }
0x311: {  	v8 =	vld [tilespmem:s25+$0x10]  }
0x312: {  	v5 =	vld [tilespmem:s25+$0xFFFFFFF0];
	v7 =	vpop (erf)  }
0x313: {  	v6 =	vld [tilespmem:s25+$0x0];
	v2 =	vmul.f32 v7, v2  }
0x314: {  	v9 =	vld [tilespmem:s25+$0x20];
	v3 =	vmul.f32 v3, v7  }
0x315: {  	v10 =	vld [tilespmem:s25+$0x30];
	v4 =	vmul.f32 v4, v7;
	[tilespmem:s25+$0xFFFFFFC0] =	vst v2  }
0x316: {  	v55 =	vmul.f32 v8, v7;
	[tilespmem:s25+$0xFFFFFFD0] =	vst v3  }
0x317: {  	v2 =	vmul.f32 v5, v7;
	[tilespmem:s25+$0xFFFFFFE0] =	vst v4  }
0x318: {  	v3 =	vmul.f32 v6, v7;
	[tilespmem:s25+$0x10] =	vst v55  }
0x319: {  	[tilespmem:s25+$0xFFFFFFF0] =	vst v2;
	v2 =	vmul.f32 v9, v7  }
0x31a: {  	[tilespmem:s25+$0x0] =	vst v3;
	v3 =	vmul.f32 v10, v7  }
0x31b: {  	[tilespmem:s25+$0x20] =	vst v2  }
0x31c: {  	s26 =	simm.s32 $0x0;
	s8 =	rddreg [dreg:$0x8];
	[tilespmem:s25+$0x30] =	vst v3  }
0x31d: {  	[hbm4b:s8+s26] =	stream.linear.scatter [tilespmem:s18], [sflag:$0x2], $0x4000, $0x38;
	[tilespmem:$0x1B100] =	vst v63  }
0x31e: {  	_ =	swait.ge [sflag:s19], $0x4000  }
0x31f: {  	[sflag:s19] =	ssyncset.done $0x0  }
0x320: {  	[sflag:s19] =	ssyncadd.s32 $0xFFFFC000  }
0x321: {  	[tilespmem:s18], [sflag:$0x2] =	stream.linear.gather [spmem:s13], $0x4000, $0x38;
	[tilespmem:$0x1B100] =	vst v63  }
0x322: {  	_ =	swait.ge [sflag:s19], $0x4000  }
0x323: {  	[sflag:s19] =	ssyncset.done $0x0  }
0x324: {  	[sflag:s19] =	ssyncadd.s32 $0xFFFFC000  }
0x325: {  	[tilespmem:s20], [sflag:$0x2] =	stream.linear.gather [spmem:s14], $0x800, $0x38;
	[tilespmem:$0x1B100] =	vst v63  }
0x326: {  	_ =	swait.ge [sflag:s19], $0x800  }
0x327: {  	[sflag:s19] =	ssyncset.done $0x0  }
0x328: {  	s28 =	simm.s32 $0x0;
	[sflag:s19] =	ssyncadd.s32 $0xFFFFF800  }
0x329: {  	v2 =	vld [tilespmem:s28+$0x4100];
	_ =	sdelay $0x4  }
0x32a: {  	v2 =	vmax.f32 v2, $1.000000000e+00  }
0x32b: {  	(erf) = vrcp.f32 v2;
	_ =	sdelay $0x3  }
0x32c: {  	s25 =	simm.s32 $0x140  }
0x32d: {  	v2 =	vld [tilespmem:s25+$0xFFFFFFC0]  }
0x32e: {  	v3 =	vld [tilespmem:s25+$0xFFFFFFD0]  }
0x32f: {  	v56 =	vld [tilespmem:s25+$0xFFFFFFE0]  }
0x330: {  	v60 =	vld [tilespmem:s25+$0x10]  }
0x331: {  	v57 =	vld [tilespmem:s25+$0xFFFFFFF0];
	v59 =	vpop (erf)  }
0x332: {  	v58 =	vld [tilespmem:s25+$0x0];
	v2 =	vmul.f32 v59, v2  }
0x333: {  	v61 =	vld [tilespmem:s25+$0x20];
	v3 =	vmul.f32 v3, v59  }
0x334: {  	v62 =	vld [tilespmem:s25+$0x30];
	v4 =	vmul.f32 v56, v59;
	[tilespmem:s25+$0xFFFFFFC0] =	vst v2  }
0x335: {  	v63 =	vmul.f32 v60, v59;
	[tilespmem:s25+$0xFFFFFFD0] =	vst v3  }
0x336: {  	v2 =	vmul.f32 v57, v59;
	[tilespmem:s25+$0xFFFFFFE0] =	vst v4  }
0x337: {  	v3 =	vmul.f32 v58, v59;
	[tilespmem:s25+$0x10] =	vst v63  }
0x338: {  	[tilespmem:s25+$0xFFFFFFF0] =	vst v2;
	v2 =	vmul.f32 v61, v59  }
0x339: {  	[tilespmem:s25+$0x0] =	vst v3;
	v3 =	vmul.f32 v62, v59  }
0x33a: {  	[tilespmem:s25+$0x20] =	vst v2  }
0x33b: {  	s7 =	simm.s32 $0x10;
	s26 =	simm.s32 $0x80;
	[tilespmem:s25+$0x30] =	vst v3  }
.LBB2_14:
0x33c: {  	p1 =	sne.s32 s26, $0x1FC0;
	v2 =	vld [tilespmem:s7+$0x4100];
	_ =	sdelay $0x4  }
0x33d: {  	v2 =	vmax.f32 v2, $1.000000000e+00  }
0x33e: {  	s25 =	sadd.s32 $0x80, s25;
	(erf) = vrcp.f32 v2  }
0x33f: {  	v2 =	vld [tilespmem:s25+$0xFFFFFFF0]  }
0x340: {  	v3 =	vld [tilespmem:s25+$0x30]  }
0x341: {  	v4 =	vld [tilespmem:s25+$0x10]  }
0x342: {  	v5 =	vld [tilespmem:s25+$0xFFFFFFD0]  }
0x343: {  	v6 =	vld [tilespmem:s25+$0xFFFFFFC0]  }
0x344: {  	v7 =	vld [tilespmem:s25+$0xFFFFFFE0]  }
0x345: {  	v8 =	vld [tilespmem:s25+$0x0]  }
0x346: {  	v9 =	vld [tilespmem:s25+$0x20]  }
0x347: {  	v10 =	vpop (erf)  }
0x348: {  	v6 =	vmul.f32 v10, v6;
	v5 =	vmul.f32 v5, v10  }
0x349: {  	v2 =	vmul.f32 v2, v10;
	v7 =	vmul.f32 v7, v10  }
0x34a: {  	v4 =	vmul.f32 v4, v10;
	[tilespmem:s25+$0xFFFFFFC0] =	vst v6;
	v6 =	vmul.f32 v8, v10  }
0x34b: {  	v3 =	vmul.f32 v3, v10;
	[tilespmem:s25+$0xFFFFFFD0] =	vst v5;
	v5 =	vmul.f32 v9, v10  }
0x34c: {  	[tilespmem:s25+$0xFFFFFFE0] =	vst v7  }
.Ltmp19:
0x34d: {  	[tilespmem:s25+$0xFFFFFFF0] =	vst v2;
	(pc) =	sbr.rel @p1 .LBB2_14-.Ltmp19, $4  }
0x34e: {  	[tilespmem:s25+$0x0] =	vst v6  }
0x34f: {  	[tilespmem:s25+$0x10] =	vst v4  }
0x350: {  	[tilespmem:s25+$0x20] =	vst v5  }
0x351: {  	s7 =	sshra.s32 s26, $0x2;
	s26 =	sadd.s32 $0x40, s26;
	[tilespmem:s25+$0x30] =	vst v3  }
0x352: {  	v2 =	vld [tilespmem:s7+$0x4100];
	_ =	sdelay $0x4  }
0x353: {  	v2 =	vmax.f32 v2, $1.000000000e+00  }
0x354: {  	(erf) = vrcp.f32 v2;
	_ =	sdelay $0x3  }
0x355: {  	s25 =	sadd.s32 $0x80, s25  }
0x356: {  	v2 =	vld [tilespmem:s25+$0xFFFFFFC0]  }
0x357: {  	v3 =	vld [tilespmem:s25+$0xFFFFFFD0]  }
0x358: {  	v4 =	vld [tilespmem:s25+$0xFFFFFFE0]  }
0x359: {  	v8 =	vld [tilespmem:s25+$0x10]  }
0x35a: {  	v5 =	vld [tilespmem:s25+$0xFFFFFFF0];
	v7 =	vpop (erf)  }
0x35b: {  	v6 =	vld [tilespmem:s25+$0x0];
	v2 =	vmul.f32 v7, v2  }
0x35c: {  	v9 =	vld [tilespmem:s25+$0x20];
	v3 =	vmul.f32 v3, v7  }
0x35d: {  	v10 =	vld [tilespmem:s25+$0x30];
	v4 =	vmul.f32 v4, v7;
	[tilespmem:s25+$0xFFFFFFC0] =	vst v2  }
0x35e: {  	v55 =	vmul.f32 v8, v7;
	[tilespmem:s25+$0xFFFFFFD0] =	vst v3  }
0x35f: {  	v2 =	vmul.f32 v5, v7;
	[tilespmem:s25+$0xFFFFFFE0] =	vst v4  }
0x360: {  	v3 =	vmul.f32 v6, v7;
	[tilespmem:s25+$0x10] =	vst v55  }
0x361: {  	[tilespmem:s25+$0xFFFFFFF0] =	vst v2;
	v2 =	vmul.f32 v9, v7  }
0x362: {  	[tilespmem:s25+$0x0] =	vst v3;
	v3 =	vmul.f32 v10, v7  }
0x363: {  	[tilespmem:s25+$0x20] =	vst v2  }
0x364: {  	s26 =	simm.s32 $0x0;
	s8 =	rddreg [dreg:$0xb];
	[tilespmem:s25+$0x30] =	vst v3  }
0x365: {  	[hbm4b:s8+s26] =	stream.linear.scatter [tilespmem:s18], [sflag:$0x2], $0x4000, $0x38;
	[tilespmem:$0x1B100] =	vst v63  }
0x366: {  	_ =	swait.ge [sflag:s19], $0x4000  }
0x367: {  	[sflag:s19] =	ssyncset.done $0x0  }
0x368: {  	[sflag:s19] =	ssyncadd.s32 $0xFFFFC000  }
0x369: {  	[tilespmem:s18], [sflag:$0x2] =	stream.linear.gather [spmem:s15], $0x4000, $0x38;
	[tilespmem:$0x1B100] =	vst v63  }
0x36a: {  	_ =	swait.ge [sflag:s19], $0x4000  }
0x36b: {  	[sflag:s19] =	ssyncset.done $0x0  }
0x36c: {  	[sflag:s19] =	ssyncadd.s32 $0xFFFFC000  }
0x36d: {  	[tilespmem:s20], [sflag:$0x2] =	stream.linear.gather [spmem:s24], $0x800, $0x38;
	[tilespmem:$0x1B100] =	vst v63  }
0x36e: {  	_ =	swait.ge [sflag:s19], $0x800  }
0x36f: {  	[sflag:s19] =	ssyncset.done $0x0  }
0x370: {  	s28 =	simm.s32 $0x0;
	[sflag:s19] =	ssyncadd.s32 $0xFFFFF800  }
0x371: {  	v2 =	vld [tilespmem:s28+$0x4100];
	_ =	sdelay $0x4  }
0x372: {  	v2 =	vmax.f32 v2, $1.000000000e+00  }
0x373: {  	(erf) = vrcp.f32 v2;
	_ =	sdelay $0x3  }
0x374: {  	s25 =	simm.s32 $0x140  }
0x375: {  	v2 =	vld [tilespmem:s25+$0xFFFFFFC0]  }
0x376: {  	v3 =	vld [tilespmem:s25+$0xFFFFFFD0]  }
0x377: {  	v56 =	vld [tilespmem:s25+$0xFFFFFFE0]  }
0x378: {  	v60 =	vld [tilespmem:s25+$0x10]  }
0x379: {  	v57 =	vld [tilespmem:s25+$0xFFFFFFF0];
	v59 =	vpop (erf)  }
0x37a: {  	v58 =	vld [tilespmem:s25+$0x0];
	v2 =	vmul.f32 v59, v2  }
0x37b: {  	v61 =	vld [tilespmem:s25+$0x20];
	v3 =	vmul.f32 v3, v59  }
0x37c: {  	v62 =	vld [tilespmem:s25+$0x30];
	v4 =	vmul.f32 v56, v59;
	[tilespmem:s25+$0xFFFFFFC0] =	vst v2  }
0x37d: {  	v63 =	vmul.f32 v60, v59;
	[tilespmem:s25+$0xFFFFFFD0] =	vst v3  }
0x37e: {  	v2 =	vmul.f32 v57, v59;
	[tilespmem:s25+$0xFFFFFFE0] =	vst v4  }
0x37f: {  	v3 =	vmul.f32 v58, v59;
	[tilespmem:s25+$0x10] =	vst v63  }
0x380: {  	[tilespmem:s25+$0xFFFFFFF0] =	vst v2;
	v2 =	vmul.f32 v61, v59  }
0x381: {  	[tilespmem:s25+$0x0] =	vst v3;
	v3 =	vmul.f32 v62, v59  }
0x382: {  	[tilespmem:s25+$0x20] =	vst v2  }
0x383: {  	s7 =	simm.s32 $0x10;
	s26 =	simm.s32 $0x80;
	[tilespmem:s25+$0x30] =	vst v3  }
.LBB2_16:
0x384: {  	p1 =	sne.s32 s26, $0x1FC0;
	v2 =	vld [tilespmem:s7+$0x4100];
	_ =	sdelay $0x4  }
0x385: {  	v2 =	vmax.f32 v2, $1.000000000e+00  }
0x386: {  	s25 =	sadd.s32 $0x80, s25;
	(erf) = vrcp.f32 v2  }
0x387: {  	v2 =	vld [tilespmem:s25+$0xFFFFFFF0]  }
0x388: {  	v3 =	vld [tilespmem:s25+$0x30]  }
0x389: {  	v4 =	vld [tilespmem:s25+$0x10]  }
0x38a: {  	v5 =	vld [tilespmem:s25+$0xFFFFFFD0]  }
0x38b: {  	v6 =	vld [tilespmem:s25+$0xFFFFFFC0]  }
0x38c: {  	v7 =	vld [tilespmem:s25+$0xFFFFFFE0]  }
0x38d: {  	v8 =	vld [tilespmem:s25+$0x0]  }
0x38e: {  	v9 =	vld [tilespmem:s25+$0x20]  }
0x38f: {  	v10 =	vpop (erf)  }
0x390: {  	v6 =	vmul.f32 v10, v6;
	v5 =	vmul.f32 v5, v10  }
0x391: {  	v2 =	vmul.f32 v2, v10;
	v7 =	vmul.f32 v7, v10  }
0x392: {  	v4 =	vmul.f32 v4, v10;
	[tilespmem:s25+$0xFFFFFFC0] =	vst v6;
	v6 =	vmul.f32 v8, v10  }
0x393: {  	v3 =	vmul.f32 v3, v10;
	[tilespmem:s25+$0xFFFFFFD0] =	vst v5;
	v5 =	vmul.f32 v9, v10  }
0x394: {  	[tilespmem:s25+$0xFFFFFFE0] =	vst v7  }
.Ltmp20:
0x395: {  	[tilespmem:s25+$0xFFFFFFF0] =	vst v2;
	(pc) =	sbr.rel @p1 .LBB2_16-.Ltmp20, $4  }
0x396: {  	[tilespmem:s25+$0x0] =	vst v6  }
0x397: {  	[tilespmem:s25+$0x10] =	vst v4  }
0x398: {  	[tilespmem:s25+$0x20] =	vst v5  }
0x399: {  	s7 =	sshra.s32 s26, $0x2;
	s26 =	sadd.s32 $0x40, s26;
	[tilespmem:s25+$0x30] =	vst v3  }
0x39a: {  	v2 =	vld [tilespmem:s7+$0x4100];
	_ =	sdelay $0x4  }
0x39b: {  	v2 =	vmax.f32 v2, $1.000000000e+00  }
0x39c: {  	(erf) = vrcp.f32 v2;
	_ =	sdelay $0x3  }
0x39d: {  	s25 =	sadd.s32 $0x80, s25  }
0x39e: {  	v2 =	vld [tilespmem:s25+$0xFFFFFFC0]  }
0x39f: {  	v3 =	vld [tilespmem:s25+$0xFFFFFFD0]  }
0x3a0: {  	v4 =	vld [tilespmem:s25+$0xFFFFFFE0]  }
0x3a1: {  	v8 =	vld [tilespmem:s25+$0x10]  }
0x3a2: {  	v5 =	vld [tilespmem:s25+$0xFFFFFFF0];
	v7 =	vpop (erf)  }
0x3a3: {  	v6 =	vld [tilespmem:s25+$0x0];
	v2 =	vmul.f32 v7, v2  }
0x3a4: {  	v9 =	vld [tilespmem:s25+$0x20];
	v3 =	vmul.f32 v3, v7  }
0x3a5: {  	v10 =	vld [tilespmem:s25+$0x30];
	v4 =	vmul.f32 v4, v7;
	[tilespmem:s25+$0xFFFFFFC0] =	vst v2  }
0x3a6: {  	v55 =	vmul.f32 v8, v7;
	[tilespmem:s25+$0xFFFFFFD0] =	vst v3  }
0x3a7: {  	v2 =	vmul.f32 v5, v7;
	[tilespmem:s25+$0xFFFFFFE0] =	vst v4  }
0x3a8: {  	v3 =	vmul.f32 v6, v7;
	[tilespmem:s25+$0x10] =	vst v55  }
0x3a9: {  	[tilespmem:s25+$0xFFFFFFF0] =	vst v2;
	v2 =	vmul.f32 v9, v7  }
0x3aa: {  	[tilespmem:s25+$0x0] =	vst v3;
	v3 =	vmul.f32 v10, v7  }
0x3ab: {  	[tilespmem:s25+$0x20] =	vst v2  }
0x3ac: {  	s26 =	simm.s32 $0x0;
	s8 =	rddreg [dreg:$0xd];
	[tilespmem:s25+$0x30] =	vst v3  }
0x3ad: {  	[hbm4b:s8+s26] =	stream.linear.scatter [tilespmem:s18], [sflag:$0x2], $0x4000, $0x38;
	[tilespmem:$0x1B100] =	vst v63  }
0x3ae: {  	_ =	swait.ge [sflag:s19], $0x4000  }
0x3af: {  	[sflag:s19] =	ssyncset.done $0x0  }
0x3b0: {  	[sflag:s19] =	ssyncadd.s32 $0xFFFFC000  }
0x3b1: {  	[tilespmem:s18], [sflag:$0x2] =	stream.linear.gather [spmem:s16], $0x4000, $0x38;
	[tilespmem:$0x1B100] =	vst v63  }
0x3b2: {  	_ =	swait.ge [sflag:s19], $0x4000  }
0x3b3: {  	[sflag:s19] =	ssyncset.done $0x0  }
0x3b4: {  	[sflag:s19] =	ssyncadd.s32 $0xFFFFC000  }
0x3b5: {  	[tilespmem:s20], [sflag:$0x2] =	stream.linear.gather [spmem:s2], $0x800, $0x38;
	[tilespmem:$0x1B100] =	vst v63  }
0x3b6: {  	_ =	swait.ge [sflag:s19], $0x800  }
0x3b7: {  	[sflag:s19] =	ssyncset.done $0x0  }
0x3b8: {  	s28 =	simm.s32 $0x0;
	[sflag:s19] =	ssyncadd.s32 $0xFFFFF800  }
0x3b9: {  	v2 =	vld [tilespmem:s28+$0x4100];
	_ =	sdelay $0x4  }
0x3ba: {  	v2 =	vmax.f32 v2, $1.000000000e+00  }
0x3bb: {  	(erf) = vrcp.f32 v2;
	_ =	sdelay $0x3  }
0x3bc: {  	s25 =	simm.s32 $0x140  }
0x3bd: {  	v2 =	vld [tilespmem:s25+$0xFFFFFFC0]  }
0x3be: {  	v3 =	vld [tilespmem:s25+$0xFFFFFFD0]  }
0x3bf: {  	v56 =	vld [tilespmem:s25+$0xFFFFFFE0]  }
0x3c0: {  	v60 =	vld [tilespmem:s25+$0x10]  }
0x3c1: {  	v57 =	vld [tilespmem:s25+$0xFFFFFFF0];
	v59 =	vpop (erf)  }
0x3c2: {  	v58 =	vld [tilespmem:s25+$0x0];
	v2 =	vmul.f32 v59, v2  }
0x3c3: {  	v61 =	vld [tilespmem:s25+$0x20];
	v3 =	vmul.f32 v3, v59  }
0x3c4: {  	v62 =	vld [tilespmem:s25+$0x30];
	v4 =	vmul.f32 v56, v59;
	[tilespmem:s25+$0xFFFFFFC0] =	vst v2  }
0x3c5: {  	v63 =	vmul.f32 v60, v59;
	[tilespmem:s25+$0xFFFFFFD0] =	vst v3  }
0x3c6: {  	v2 =	vmul.f32 v57, v59;
	[tilespmem:s25+$0xFFFFFFE0] =	vst v4  }
0x3c7: {  	v3 =	vmul.f32 v58, v59;
	[tilespmem:s25+$0x10] =	vst v63  }
0x3c8: {  	[tilespmem:s25+$0xFFFFFFF0] =	vst v2;
	v2 =	vmul.f32 v61, v59  }
0x3c9: {  	[tilespmem:s25+$0x0] =	vst v3;
	v3 =	vmul.f32 v62, v59  }
0x3ca: {  	[tilespmem:s25+$0x20] =	vst v2  }
0x3cb: {  	s7 =	simm.s32 $0x10;
	s26 =	simm.s32 $0x80;
	[tilespmem:s25+$0x30] =	vst v3  }
.LBB2_18:
0x3cc: {  	p1 =	seq.s32 s26, $0x1FC0;
	v2 =	vld [tilespmem:s7+$0x4100];
	_ =	sdelay $0x4  }
0x3cd: {  	v2 =	vmax.f32 v2, $1.000000000e+00  }
0x3ce: {  	s25 =	sadd.s32 $0x80, s25;
	(erf) = vrcp.f32 v2  }
0x3cf: {  	v2 =	vld [tilespmem:s25+$0xFFFFFFF0]  }
0x3d0: {  	v3 =	vld [tilespmem:s25+$0x30]  }
0x3d1: {  	v4 =	vld [tilespmem:s25+$0x10]  }
0x3d2: {  	v5 =	vld [tilespmem:s25+$0xFFFFFFD0]  }
0x3d3: {  	v6 =	vld [tilespmem:s25+$0xFFFFFFC0]  }
0x3d4: {  	v7 =	vld [tilespmem:s25+$0xFFFFFFE0]  }
0x3d5: {  	v8 =	vld [tilespmem:s25+$0x0]  }
0x3d6: {  	v9 =	vld [tilespmem:s25+$0x20]  }
0x3d7: {  	v10 =	vpop (erf)  }
0x3d8: {  	v6 =	vmul.f32 v10, v6;
	v5 =	vmul.f32 v5, v10  }
0x3d9: {  	v2 =	vmul.f32 v2, v10;
	v7 =	vmul.f32 v7, v10  }
0x3da: {  	v4 =	vmul.f32 v4, v10;
	[tilespmem:s25+$0xFFFFFFC0] =	vst v6;
	v6 =	vmul.f32 v8, v10  }
0x3db: {  	v3 =	vmul.f32 v3, v10;
	[tilespmem:s25+$0xFFFFFFD0] =	vst v5;
	v5 =	vmul.f32 v9, v10  }
0x3dc: {  	[tilespmem:s25+$0xFFFFFFE0] =	vst v7  }
.Ltmp21:
0x3dd: {  	[tilespmem:s25+$0xFFFFFFF0] =	vst v2;
	(pc) =	sbr.rel @!p1 .LBB2_18-.Ltmp21, $4  }
0x3de: {  	[tilespmem:s25+$0x0] =	vst v6  }
0x3df: {  	[tilespmem:s25+$0x10] =	vst v4  }
0x3e0: {  	[tilespmem:s25+$0x20] =	vst v5  }
0x3e1: {  	s7 =	sshra.s32 s26, $0x2;
	s26 =	sadd.s32 $0x40, s26;
	[tilespmem:s25+$0x30] =	vst v3  }
0x3e2: {  	v2 =	vld [tilespmem:s7+$0x4100];
	_ =	sdelay $0x4  }
0x3e3: {  	v2 =	vmax.f32 v2, $1.000000000e+00  }
0x3e4: {  	(erf) = vrcp.f32 v2;
	_ =	sdelay $0x3  }
0x3e5: {  	s28 =	sadd.s32 $0x80, s25  }
0x3e6: {  	v2 =	vld [tilespmem:s28+$0xFFFFFFC0]  }
0x3e7: {  	v3 =	vld [tilespmem:s28+$0xFFFFFFD0]  }
0x3e8: {  	v4 =	vld [tilespmem:s28+$0xFFFFFFE0]  }
0x3e9: {  	v8 =	vld [tilespmem:s28+$0x10]  }
0x3ea: {  	v5 =	vld [tilespmem:s28+$0xFFFFFFF0];
	v7 =	vpop (erf)  }
0x3eb: {  	v6 =	vld [tilespmem:s28+$0x0];
	v2 =	vmul.f32 v7, v2  }
0x3ec: {  	v9 =	vld [tilespmem:s28+$0x20];
	v3 =	vmul.f32 v3, v7  }
0x3ed: {  	v10 =	vld [tilespmem:s28+$0x30];
	v4 =	vmul.f32 v4, v7;
	[tilespmem:s28+$0xFFFFFFC0] =	vst v2  }
0x3ee: {  	v63 =	vmul.f32 v8, v7;
	[tilespmem:s28+$0xFFFFFFD0] =	vst v3  }
0x3ef: {  	v2 =	vmul.f32 v5, v7;
	[tilespmem:s28+$0xFFFFFFE0] =	vst v4  }
.Ltmp22:
0x3f0: {  	v3 =	vmul.f32 v6, v7;
	[tilespmem:s28+$0x10] =	vst v63;
	(pc) =	sbr.rel .LBB2_38-.Ltmp22, $4  }
0x3f1: {  	[tilespmem:s28+$0xFFFFFFF0] =	vst v2;
	v2 =	vmul.f32 v9, v7  }
0x3f2: {  	[tilespmem:s28+$0x0] =	vst v3;
	v3 =	vmul.f32 v10, v7  }
0x3f3: {  	[tilespmem:s28+$0x20] =	vst v2  }
0x3f4: {  	s7 =	rddreg [dreg:$0x5];
	[tilespmem:s28+$0x30] =	vst v3  }
.LBB2_39:
0x3f5: {  	_ =	sfence.sel $0x180000  }
0x3f6: {  	[bflag:$0x0] =	sbarrier.arrive $0xFFFF  }
0x3f7: {  	_ =	strace $0x90000047  }
0x3f8: {  	s0 =	stileid.u32;
	[bflag:$0x2] =	sbarrier.arrive $0xFFFF  }
0x3f9: {  	p0 =	sne.s32 s0, $0x0;
	s0 =	rddreg [dreg:$0x4]  }
0x3fa: {  	s0 =	sadd.s32 @!p0 $0x100000, s0  }
0x3fb: {  	[sflag:s0] =	ssyncadd.tile.s32 @!p0 $0x1;
	_ =	shalt  }
.Lfunc_end2:
_tile_overlayer_lowered:
.L_overlay_start_2:
0x3fc: {  	(tag) =	ssettag $0x2  }
0x3fd: {  	s0 =	rddreg [dreg:$0x0];
	s2 =	stileid.u32  }
0x3fe: {  	s1 =	rddreg [dreg:$0x1];
	p0 =	sne.s32 s2, $0x0  }
0x3ff: {  	s3 =	rddreg [dreg:$0x2];
	[bflag:$0x3] =	sbarrier.arrive $0xFFFF;
	s2 =	simm.s32 @!p0 $0x1C02  }
0x400: {  	[timem:s3], [sflag:s2] =	dma.local @!p0 [hbm:s0], s1  }
0x401: {  	s0 =	simm.s32 @!p0 $0x2  }
0x402: {  	_ =	swait.ge @!p0 [sflag:s0], s1  }
0x403: {  	s1 =	ssub.s32 @!p0 $0x0, s1;
	[sflag:s0] =	ssyncset.done @!p0 $0x0  }
0x404: {  	[sflag:s0] =	ssyncadd.s32 @!p0 s1  }
0x405: {  	[bflag:$0x3] =	sbarrier.arrive $0xFFFF  }
0x406: {  	_ =	shalt  }

// kernel: kernel.9.cloned.1.call-start
scs
__scs_entry_jumppad:
0x0: {  	(pc) =	sbr.rel $0x88, $3  }
0x1: {  	(tag) =	ssettag $0x0;
	lr =	simm.s32 $0x1  }
0x2: {  	[smem:$0x3F95] =	sst lr;
	_ =	strace $0xD0000000  }
0x3: {  	_ = 	snop  }
0x4: {  	_ = 	snop  }
0x5: {  	_ = 	snop  }
0x6: {  	_ = 	snop  }
0x7: {  	_ = 	snop  }
__scs_overlays_trampoline_lowered:
0x8: {  	[smem:$0x3FA4] =	sst s0  }
0x9: {  	[smem:$0x3FA5] =	sst s1  }
0xa: {  	[smem:$0x3FA6] =	sst s2  }
0xb: {  	[smem:$0x3FA7] =	sst s3  }
0xc: {  	[smem:$0x3FA8] =	sst s4  }
0xd: {  	[smem:$0x3FA9] =	sst s5  }
0xe: {  	[smem:$0x3FAA] =	sst s6  }
0xf: {  	[smem:$0x3FAB] =	sst s7  }
0x10: {  	[smem:$0x3FAC] =	sst s8  }
0x11: {  	[smem:$0x3FAD] =	sst s9;
	s0 =	simm.s32 @!p0 $0x0  }
0x12: {  	s1 =	sld [smem:$0x3F93];
	s0 =	simm.s32 @p0 $0x1  }
0x13: {  	[smem:$0x3FAE] =	sst s0;
	s0 =	simm.s32 @!p1 $0x0  }
0x14: {  	s2 =	sld [smem:$0x3F92];
	s0 =	simm.s32 @p1 $0x1  }
0x15: {  	[smem:$0x3FAF] =	sst s0;
	s0 =	simm.s32 @!p2 $0x0  }
0x16: {  	s3 =	sld [smem:$0x3FDB];
	s0 =	simm.s32 @p2 $0x1  }
0x17: {  	s4 =	simm.s32 $0x1BF5;
	[smem:$0x3FB1] =	sst s0  }
0x18: {  	s0 =	sld [smem:$0x3F94];
	_ =	swait.ge [sflag:s4], $0x0  }
0x19: {  	s7 =	sld [smem:$0x3F95]  }
0x1a: {  	s8 =	sadd.s32 $0xFFFFE003, lr  }
0x1b: {  	s9 =	sadd.s32 $0xFFFFFEF7, lr;
	s5 =	simm.s32 $0xFFFFFFFF;
	p2 =	slt.u32 s8, $0xFFFFF086  }
0x1c: {  	p1 =	slt.u32 s9, $0xF7A;
	s5 =	simm.s32 @!p2 $0x0  }
0x1d: {  	s5 =	simm.s32 @p1 $0x1;
	p0 =	seq.s32 s7, s2  }
0x1e: {  	s7 =	smul.u32 @!p0 $0xF7A, s2;
	p2 =	seq.s32 @!p0 s5, $0x0  }
0x1f: {  	s9 =	smul.u32 $0xF7A, s1;
	s8 =	simm.s32 @!p0 $0x1BF5;
	p2 =	por !p2, p0  }
0x20: {  	[sflag:s8] =	ssyncset.s32 @!p0 $0xFFFFF086;
	s6 =	sadd.s32 @!p0 s3, s7;
	s7 =	simm.s32 @!p0 $0x108  }
0x21: {  	s3 =	sadd.s32 s3, s9;
	s6 =	sadd.s32 @!p0 $0x88, s6;
	s7 =	simm.s32 @p2 $0x1082  }
0x22: {  	[simem:s7], [sflag:s8] =	dma.local @!p0 [hbm:s6], $0xF7A  }
0x23: {  	s9 =	sor.u32 $0xD0000000, s2;
	s6 =	simm.s32 $0x108;
	_ =	swait.ge @!p0 [sflag:s8], $0x0  }
0x24: {  	s3 =	sadd.s32 $0x88, s3;
	s6 =	simm.s32 @!p1 $0x1082;
	[sflag:s4] =	ssyncset.s32 $0xFFFFF086  }
0x25: {  	[simem:s6], [sflag:s4] =	dma.local [hbm:s3], $0xF7A  }
0x26: {  	[smem:$0x3F95] =	sst s1;
	(tag) =	ssettag s2;
	_ =	strace s9  }
0x27: {  	s1 =	sld [smem:$0x3FA5]  }
0x28: {  	s2 =	sld [smem:$0x3FA6]  }
0x29: {  	s4 =	sld [smem:$0x3FA8]  }
0x2a: {  	p0 =	seq.s32 s5, $0x0;
	s5 =	sld [smem:$0x3FA9]  }
0x2b: {  	s6 =	sld [smem:$0x3FAA]  }
0x2c: {  	s7 =	sld [smem:$0x3FAB]  }
0x2d: {  	s3 =	simm.s32 $0x108;
	s8 =	sld [smem:$0x3FAC]  }
0x2e: {  	s3 =	simm.s32 @!p0 $0x1082;
	s9 =	sld [smem:$0x3FAD]  }
0x2f: {  	lr =	sadd.s32 s0, s3;
	s0 =	sld [smem:$0x3FA4]  }
0x30: {  	s3 =	sld [smem:$0x3FA7]  }
0x31: {  	[smem:$0x3FB0] =	sst s10  }
0x32: {  	s10 =	sld [smem:$0x3FAE];
	_ =	sdelay $0x3  }
0x33: {  	p0 =	seq.s32 s10, $0x1;
	s10 =	sld [smem:$0x3FB0];
	_ =	sdelay $0x3  }
0x34: {  	[smem:$0x3FB0] =	sst s10  }
0x35: {  	s10 =	sld [smem:$0x3FAF];
	_ =	sdelay $0x3  }
0x36: {  	p1 =	seq.s32 s10, $0x1;
	s10 =	sld [smem:$0x3FB0];
	_ =	sdelay $0x3  }
0x37: {  	[smem:$0x3FB0] =	sst s10  }
0x38: {  	s10 =	sld [smem:$0x3FB1]  }
0x39: {  	_ = 	snop;
	(pc) =	sbr.ind lr, $3  }
0x3a: {  	_ = 	snop  }
0x3b: {  	_ = 	snop  }
0x3c: {  	p2 =	seq.s32 s10, $0x1;
	s10 =	sld [smem:$0x3FB0]  }
0x3d: {  	_ =	shalt  }
0x3e: {  	_ =	shalt  }
0x3f: {  	_ =	shalt  }
0x40: {  	_ =	shalt  }
0x41: {  	_ =	shalt  }
0x42: {  	_ =	shalt  }
0x43: {  	_ =	shalt  }
0x44: {  	_ =	shalt  }
0x45: {  	_ =	shalt  }
0x46: {  	_ =	shalt  }
0x47: {  	_ =	shalt  }
0x48: {  	_ =	shalt  }
0x49: {  	_ =	shalt  }
0x4a: {  	_ =	shalt  }
0x4b: {  	_ =	shalt  }
0x4c: {  	_ =	shalt  }
0x4d: {  	_ =	shalt  }
0x4e: {  	_ =	shalt  }
0x4f: {  	_ =	shalt  }
0x50: {  	_ =	shalt  }
0x51: {  	_ =	shalt  }
0x52: {  	_ =	shalt  }
0x53: {  	_ =	shalt  }
0x54: {  	_ =	shalt  }
0x55: {  	_ =	shalt  }
0x56: {  	_ =	shalt  }
0x57: {  	_ =	shalt  }
0x58: {  	_ =	shalt  }
0x59: {  	_ =	shalt  }
0x5a: {  	_ =	shalt  }
0x5b: {  	_ =	shalt  }
0x5c: {  	_ =	shalt  }
0x5d: {  	_ =	shalt  }
0x5e: {  	_ =	shalt  }
0x5f: {  	_ =	shalt  }
0x60: {  	_ =	shalt  }
0x61: {  	_ =	shalt  }
0x62: {  	_ =	shalt  }
0x63: {  	_ =	shalt  }
0x64: {  	_ =	shalt  }
0x65: {  	_ =	shalt  }
0x66: {  	_ =	shalt  }
0x67: {  	_ =	shalt  }
0x68: {  	_ =	shalt  }
0x69: {  	_ =	shalt  }
0x6a: {  	_ =	shalt  }
0x6b: {  	_ =	shalt  }
0x6c: {  	_ =	shalt  }
0x6d: {  	_ =	shalt  }
0x6e: {  	_ =	shalt  }
0x6f: {  	_ =	shalt  }
0x70: {  	_ =	shalt  }
0x71: {  	_ =	shalt  }
0x72: {  	_ =	shalt  }
0x73: {  	_ =	shalt  }
0x74: {  	_ =	shalt  }
0x75: {  	_ =	shalt  }
0x76: {  	_ =	shalt  }
0x77: {  	_ =	shalt  }
0x78: {  	_ =	shalt  }
0x79: {  	_ =	shalt  }
0x7a: {  	_ =	shalt  }
0x7b: {  	_ =	shalt  }
0x7c: {  	_ =	shalt  }
0x7d: {  	_ =	shalt  }
0x7e: {  	_ =	shalt  }
0x7f: {  	_ =	shalt  }
0x80: {  	_ =	shalt  }
0x81: {  	_ =	shalt  }
0x82: {  	_ =	shalt  }
0x83: {  	_ =	shalt  }
0x84: {  	_ =	shalt  }
0x85: {  	_ =	shalt  }
0x86: {  	_ =	shalt  }
0x87: {  	_ =	shalt  }
.Lfunc_end0:
.L_simem_size_0:
called_computation.1_lowered:
.L_overlay_start_0:
0x88: {  	s2 =	sld [smem:$0x3FD9]  }
0x89: {  	s3 =	sld [smem:$0x3FFE];
	_ =	sdelay $0x1  }
0x8a: {  	s1 =	srdreg.scid  }
0x8b: {  	s0 =	sand.u32 $0x1, s1  }
0x8c: {  	s17 =	sshll.u32 s0, $0xA;
	s2 =	sadd.s32 s3, s2  }
0x8d: {  	s2 =	sadd.s32 s2, s17  }
0x8e: {  	[smem:$0x3FBC] =	sst s2  }
0x8f: {  	_ = 	snop  }
0x90: {  	s2 =	sld [smem:$0x3FD0];
	(tm) =	ssettm $0x1  }
0x91: {  	s18 =	sld [smem:$0x3FFB];
	_ =	sdelay $0x3  }
0x92: {  	_ =	strace s18  }
0x93: {  	s3 =	sld [smem:$0x3FFC];
	_ =	sdelay $0x3  }
0x94: {  	_ =	strace s3  }
0x95: {  	s3 =	sld [smem:$0x3FFD];
	_ =	sdelay $0x3  }
0x96: {  	_ =	strace s3  }
0x97: {  	_ =	strace $0x8FFFFFFF  }
0x98: {  	s19 =	sld [smem:$0x3FDB];
	_ =	sdelay $0x1  }
0x99: {  	s4 =	simm.s32 $_scs_section_size  }
0x9a: {  	s5 =	simm.s32 $_size__tile_overlayer_lowered;
	s6 =	simm.s32 $_tile_overlayer_lowered  }
0x9b: {  	s22 =	simm.s32 $0x1BFF;
	s21 =	sshll.u32 s6, $0x1;
	s3 =	sadd.s32 s4, s19  }
0x9c: {  	s7 =	simm.s32 $0x0;
	s20 =	sshll.u32 s5, $0x1;
	s5 =	sadd.s32 s21, s3  }
0x9d: {  	[timem:s7], [sflag:s22] =	dma.local [hbm:s5], s20  }
0x9e: {  	_ =	swait.ge [sflag:s22], s20  }
0x9f: {  	s4 =	ssub.s32 $0x0, s20;
	[sflag:s22] =	ssyncset.done $0x0  }
0xa0: {  	[sflag:s22] =	ssyncadd.s32 s4;
	_ =	sdelay $0x1  }
0xa1: {  	s23 =	simm.s32 $0x1B8B  }
0xa2: {  	_ =	swait.ge [sflag:s23], $0x1  }
0xa3: {  	[sflag:s23] =	ssyncset.done $0x0  }
0xa4: {  	s25 =	simm.s32 $0x1B8E;
	s24 =	sld [smem:$0x3FFE];
	[sflag:s23] =	ssyncadd.s32 $0xFFFFFFFF  }
0xa5: {  	s26 =	simm.s32 $execute0_lowered;
	[smem:$0x3FD2] =	sst s25  }
0xa6: {  	s5 =	sshll.u32 s26, $0x1;
	_ =	strace $0x80000049;
	[dreg:$0x1] =	wrdreg $0xFFFFFFFF  }
0xa7: {  	s28 =	simm.s32 $_size_execute0_lowered;
	s3 =	sadd.s32 s3, s5;
	[dreg:$0x0] =	wrdreg $0x0  }
0xa8: {  	s5 =	sshll.u32 s28, $0x1;
	[dreg:$0x2] =	wrdreg s3  }
0xa9: {  	[dreg:$0x3] =	wrdreg s5  }
0xaa: {  	[dreg:$0x4] =	wrdreg $0xC0  }
0xab: {  	_ =	task [dreg:s7], $0x5FFFF  }
0xac: {  	[dreg:$0x1] =	wrdreg $0xFFFFFFFF  }
0xad: {  	[dreg:$0x0] =	wrdreg $0x60  }
0xae: {  	[dreg:$0x2] =	wrdreg s24  }
0xaf: {  	[dreg:$0x3] =	wrdreg s2  }
0xb0: {  	[dreg:$0x4] =	wrdreg $0x9  }
0xb1: {  	_ =	task.clear_ibuf [dreg:s7], $0x5FFFF;
	_ =	strace $0x90000049  }
0xb2: {  	s29 =	simm.s32 $0x9;
	_ =	strace $0x8000004B  }
0xb3: {  	_ =	swait.ge [sflag:s29], $0x1  }
0xb4: {  	[sflag:s29] =	ssyncadd.s32 $0xFFFFFFFF  }
0xb5: {  	_ =	strace $0x9000004B  }
0xb6: {  	_ =	sfence  }
0xb7: {  	s30 =	sld [smem:$0x0];
	_ =	sdelay $0x2  }
0xb8: {  	s31 =	sshll.u32 s1, $0xD;
	s1 =	sshrl.u32 s1, $0x2  }
0xb9: {  	s3 =	sand.u32 $0x4000, s31;
	s1 =	sadd.s32 s1, s30  }
0xba: {  	s0 =	sor.u32 s3, s0;
	s1 =	sshll.u32 s1, $0x11  }
0xbb: {  	s0 =	sor.u32 s1, s0  }
0xbc: {  	s0 =	sadd.s32 $0x8F2B, s0  }
0xbd: {  	[sflag:s0] =	ssyncadd.remote.s32 $0x1  }
0xbe: {  	_ =	sfence.sel $0xFFFF  }
0xbf: {  	[dreg:$0x0] =	wrdreg $0xFFFFFFFF;
	(pc) =	sbr.abs _section_cstart, $3  }
0xc0: {  	[dreg:$0x1] =	wrdreg $0xFFFFFFFF  }
0xc1: {  	_ =	task.clear_ibuf [dreg:s7], $0x2FFFF;
	_ =	strace $0x9FFFFFFF  }
0xc2: {  	(tm) =	ssettm $0x7FFFFFFF  }
0xc3: {  	_ =	shalt  }
tec
execute0_lowered:
.L_overlay_start_1:
0x0: {  	(tag) =	ssettag $0x1  }
0x1: {  	s8 =	rddreg [dreg:$0x0]  }
0x2: {  	s1 =	rddreg [dreg:$0x1]  }
0x3: {  	s0 =	rddreg [dreg:$0x2];
	s2 =	simm.s32 $0x0  }
0x4: {  	s3 =	srdreg.scid;
	s4 =	stileid.u32;
	s11 =	simm.s32 $0x4  }
0x5: {  	s12 =	simm.s32 $0x80;
	s13 =	simm.s32 $0x100;
	s14 =	simm.s32 $0x4100  }
0x6: {  	s15 =	simm.s32 $0x1;
	s16 =	simm.s32 $0x2;
	s17 =	simm.s32 $0x8100  }
.Ltmp0:
0x7: {  	s18 =	simm.s32 $0x3;
	s3 =	sand.u32 $0x1, s3;
	(pc) =	sbr.rel .LBB2_1-.Ltmp0, $4  }
0x8: {  	s19 =	simm.s32 $0x0;
	[smem:$0x7FF] =	sst s2;
	s9 =	ssub.s32 $0x2, s3  }
0x9: {  	s5 =	sadd.s32 $0x1A00, s8;
	s6 =	sadd.s32 $0x28C00, s8;
	s10 =	sshrl.u32 s9, $0x1  }
0xa: {  	v0 =	vlaneseq.u32;
	s7 =	sadd.s32 $0xA3E00, s8;
	s8 =	sadd.s32 $0xA0C00, s8;
	s10 =	ssub.s32 s9, s10  }
0xb: {  	v0 =	vmul.u32 $0x80, v0;
	_ =	strace $0x8000004A;
	s9 =	sshll.u32 s4, $0x1;
	s10 =	smax.u32 s10, $0x1  }
.LBB2_7:
0xc: {  	s19 =	sadd.s32 $0x1, s19  }
0xd: {  	p0 =	sne.s32 s19, s10  }
.Ltmp1:
0xe: {  	_ = 	snop;
	(pc) =	sbr.rel @!p0 .LBB2_8-.Ltmp1, $1  }
0xf: {  	_ =	sdelay $0x3  }
.LBB2_1:
.Ltmp2:
0x10: {  	(pc) =	sbr.rel .LBB2_2-.Ltmp2, $2  }
0x11: {  	_ =	sdelay $0x2  }
0x12: {  	s20 =	simm.s32 $0x0  }
.LBB2_6:
0x13: {  	s20 =	sadd.s32 $0x1, s20  }
0x14: {  	p0 =	sne.s32 s20, $0x19  }
.Ltmp3:
0x15: {  	_ = 	snop;
	(pc) =	sbr.rel @!p0 .LBB2_7-.Ltmp3, $1  }
0x16: {  	_ =	sdelay $0x3  }
.LBB2_2:
0x17: {  	s21 =	sshll.u32 s20, $0x5  }
0x18: {  	s21 =	sor.u32 s9, s21  }
0x19: {  	p0 =	sgt.u32 s21, $0x30D  }
.Ltmp4:
0x1a: {  	_ = 	snop;
	(pc) =	sbr.rel @p0 .LBB2_6-.Ltmp4, $1  }
0x1b: {  	_ =	sdelay $0x3  }
0x1c: {  	s21 =	sor.u32 s3, s21  }
0x1d: {  	s21 =	sshll.u32 s21, $0x4  }
0x1e: {  	s23 =	simm.s32 $0x0;
	s22 =	sadd.s32 s7, s21  }
0x1f: {  	[tilespmem:s23], [sflag:$0x4] =	stream.linear.gather [hbm4b:s22+s23], $0x80, $0x38;
	[tilespmem:$0x8180] =	vst v63  }
0x20: {  	_ =	swait.ge [sflag:s11], $0x80  }
0x21: {  	[sflag:s11] =	ssyncset.done $0x0  }
0x22: {  	s29 =	sadd.s32 s8, s21;
	[sflag:s11] =	ssyncadd.s32 $0xFFFFFF80  }
0x23: {  	[tilespmem:s12], [sflag:$0x4] =	stream.linear.gather [hbm4b:s29+s23], $0x80, $0x38;
	[tilespmem:$0x8180] =	vst v63  }
0x24: {  	_ =	swait.ge [sflag:s11], $0x80  }
0x25: {  	[sflag:s11] =	ssyncset.done $0x0  }
0x26: {  	[sflag:s11] =	ssyncadd.s32 $0xFFFFFF80  }
0x27: {  	[tilespmem:s13], [sflag:$0x1] =	stream.indirect.gather [hbm4b:s5+s12], $0x80, s23, s12, $0xb8;
	[tilespmem:$0x8180] =	vst v63  }
0x28: {  	_ = 	snop  }
0x29: {  	v1 =	vmov s23;
	[tilespmem:s14], [sflag:$0x2] =	stream.indirect.gather [hbm4b:s6+s12], $0x80, s12, s12, $0xb8;
	[tilespmem:$0x8180] =	vst v63  }
0x2a: {  	v1 =	vshll.u32 v1, $0x7;
	_ =	swait.ge [sflag:s15], $0x4000  }
0x2b: {  	v1 =	vor.u32 v0, v1;
	[sflag:s15] =	ssyncset.done $0x0  }
0x2c: {  	[sflag:s15] =	ssyncadd.s32 $0xFFFFC000  }
0x2d: {  	v2 =	vor.u32 $0x1, v1;
	_ =	swait.ge [sflag:s16], $0x4000  }
0x2e: {  	[sflag:s16] =	ssyncset.done $0x0  }
0x2f: {  	v3 =	vor.u32 $0x2, v1;
	[sflag:s16] =	ssyncadd.s32 $0xFFFFC000  }
0x30: {  	v4 =	vld.idx.msk [tilespmem:v1+s14+$0x0], $0xffff  }
0x31: {  	v6 =	vor.u32 $0x3, v1;
	v5 =	vld.idx.msk [tilespmem:v1+s13+$0x0], $0xffff  }
0x32: {  	v7 =	vld.idx.msk [tilespmem:v2+s13+$0x0], $0xffff  }
0x33: {  	v8 =	vor.u32 $0x4, v1;
	v2 =	vld.idx.msk [tilespmem:v2+s14+$0x0], $0xffff  }
0x34: {  	v9 =	vld.idx.msk [tilespmem:v3+s13+$0x0], $0xffff  }
0x35: {  	v10 =	vor.u32 $0x5, v1;
	v3 =	vld.idx.msk [tilespmem:v3+s14+$0x0], $0xffff  }
0x36: {  	v11 =	vld.idx.msk [tilespmem:v6+s13+$0x0], $0xffff  }
0x37: {  	v12 =	vor.u32 $0x6, v1;
	v6 =	vld.idx.msk [tilespmem:v6+s14+$0x0], $0xffff  }
0x38: {  	v13 =	vld.idx.msk [tilespmem:v8+s13+$0x0], $0xffff;
	v4 =	vmul.f32 v4, v5;
	v2 =	vmul.f32 v2, v7  }
0x39: {  	v17 =	vor.u32 $0x7, v1;
	v5 =	vld.idx.msk [tilespmem:v8+s14+$0x0], $0xffff  }
0x3a: {  	v18 =	vld.idx.msk [tilespmem:v10+s13+$0x0], $0xffff;
	v3 =	vmul.f32 v3, v9;
	v2 =	vadd.f32 v2, v4  }
0x3b: {  	v19 =	vor.u32 $0x8, v1;
	v4 =	vld.idx.msk [tilespmem:v10+s14+$0x0], $0xffff  }
0x3c: {  	v20 =	vld.idx.msk [tilespmem:v12+s13+$0x0], $0xffff;
	v2 =	vadd.f32 v3, v2;
	v3 =	vmul.f32 v6, v11  }
0x3d: {  	v22 =	vor.u32 $0x9, v1;
	v21 =	vld.idx.msk [tilespmem:v12+s14+$0x0], $0xffff  }
0x3e: {  	v12 =	vld.idx.msk [tilespmem:v17+s13+$0x0], $0xffff;
	v2 =	vadd.f32 v3, v2;
	v3 =	vmul.f32 v5, v13  }
0x3f: {  	v23 =	vor.u32 $0xA, v1;
	v5 =	vld.idx.msk [tilespmem:v17+s14+$0x0], $0xffff  }
0x40: {  	v24 =	vld.idx.msk [tilespmem:v19+s13+$0x0], $0xffff;
	v2 =	vadd.f32 v3, v2;
	v3 =	vmul.f32 v4, v18  }
0x41: {  	v25 =	vor.u32 $0xB, v1;
	v4 =	vld.idx.msk [tilespmem:v19+s14+$0x0], $0xffff  }
0x42: {  	v26 =	vld.idx.msk [tilespmem:v22+s13+$0x0], $0xffff;
	v2 =	vadd.f32 v3, v2;
	v3 =	vmul.f32 v21, v20  }
0x43: {  	v28 =	vor.u32 $0xC, v1;
	v27 =	vld.idx.msk [tilespmem:v22+s14+$0x0], $0xffff  }
0x44: {  	v29 =	vld.idx.msk [tilespmem:v23+s13+$0x0], $0xffff;
	v2 =	vadd.f32 v3, v2;
	v3 =	vmul.f32 v5, v12  }
0x45: {  	v30 =	vor.u32 $0xD, v1;
	v5 =	vld.idx.msk [tilespmem:v23+s14+$0x0], $0xffff  }
0x46: {  	v31 =	vld.idx.msk [tilespmem:v25+s13+$0x0], $0xffff;
	v2 =	vadd.f32 v3, v2;
	v3 =	vmul.f32 v4, v24  }
0x47: {  	v32 =	vor.u32 $0xE, v1;
	v4 =	vld.idx.msk [tilespmem:v25+s14+$0x0], $0xffff  }
0x48: {  	v33 =	vld.idx.msk [tilespmem:v28+s13+$0x0], $0xffff;
	v2 =	vadd.f32 v3, v2;
	v3 =	vmul.f32 v27, v26  }
0x49: {  	v35 =	vor.u32 $0xF, v1;
	v34 =	vld.idx.msk [tilespmem:v28+s14+$0x0], $0xffff  }
0x4a: {  	v36 =	vld.idx.msk [tilespmem:v30+s13+$0x0], $0xffff;
	v2 =	vadd.f32 v3, v2;
	v3 =	vmul.f32 v5, v29  }
0x4b: {  	v37 =	vor.u32 $0x10, v1;
	v5 =	vld.idx.msk [tilespmem:v30+s14+$0x0], $0xffff  }
0x4c: {  	v38 =	vld.idx.msk [tilespmem:v32+s13+$0x0], $0xffff;
	v2 =	vadd.f32 v3, v2;
	v3 =	vmul.f32 v4, v31  }
0x4d: {  	v39 =	vor.u32 $0x11, v1;
	v4 =	vld.idx.msk [tilespmem:v32+s14+$0x0], $0xffff  }
0x4e: {  	v40 =	vld.idx.msk [tilespmem:v35+s13+$0x0], $0xffff;
	v2 =	vadd.f32 v3, v2;
	v3 =	vmul.f32 v34, v33  }
0x4f: {  	v42 =	vor.u32 $0x12, v1;
	v41 =	vld.idx.msk [tilespmem:v35+s14+$0x0], $0xffff  }
0x50: {  	v43 =	vld.idx.msk [tilespmem:v37+s13+$0x0], $0xffff;
	v2 =	vadd.f32 v3, v2;
	v3 =	vmul.f32 v5, v36  }
0x51: {  	v44 =	vor.u32 $0x13, v1;
	v5 =	vld.idx.msk [tilespmem:v37+s14+$0x0], $0xffff  }
0x52: {  	v45 =	vld.idx.msk [tilespmem:v39+s13+$0x0], $0xffff;
	v2 =	vadd.f32 v3, v2;
	v3 =	vmul.f32 v4, v38  }
0x53: {  	v46 =	vor.u32 $0x14, v1;
	v4 =	vld.idx.msk [tilespmem:v39+s14+$0x0], $0xffff  }
0x54: {  	v47 =	vld.idx.msk [tilespmem:v42+s13+$0x0], $0xffff;
	v2 =	vadd.f32 v3, v2;
	v3 =	vmul.f32 v41, v40  }
0x55: {  	v49 =	vor.u32 $0x15, v1;
	v48 =	vld.idx.msk [tilespmem:v42+s14+$0x0], $0xffff  }
0x56: {  	v50 =	vld.idx.msk [tilespmem:v44+s13+$0x0], $0xffff;
	v2 =	vadd.f32 v3, v2;
	v3 =	vmul.f32 v5, v43  }
0x57: {  	v51 =	vor.u32 $0x16, v1;
	v5 =	vld.idx.msk [tilespmem:v44+s14+$0x0], $0xffff  }
0x58: {  	v52 =	vld.idx.msk [tilespmem:v46+s13+$0x0], $0xffff;
	v2 =	vadd.f32 v3, v2;
	v3 =	vmul.f32 v4, v45  }
0x59: {  	v53 =	vor.u32 $0x17, v1;
	v4 =	vld.idx.msk [tilespmem:v46+s14+$0x0], $0xffff  }
0x5a: {  	v54 =	vld.idx.msk [tilespmem:v49+s13+$0x0], $0xffff;
	v2 =	vadd.f32 v3, v2;
	v3 =	vmul.f32 v48, v47  }
0x5b: {  	v56 =	vor.u32 $0x18, v1;
	v55 =	vld.idx.msk [tilespmem:v49+s14+$0x0], $0xffff  }
0x5c: {  	v57 =	vld.idx.msk [tilespmem:v51+s13+$0x0], $0xffff;
	v2 =	vadd.f32 v3, v2;
	v3 =	vmul.f32 v5, v50  }
0x5d: {  	v58 =	vor.u32 $0x19, v1;
	v5 =	vld.idx.msk [tilespmem:v51+s14+$0x0], $0xffff  }
0x5e: {  	v59 =	vld.idx.msk [tilespmem:v53+s13+$0x0], $0xffff;
	v2 =	vadd.f32 v3, v2;
	v3 =	vmul.f32 v4, v52  }
0x5f: {  	v60 =	vor.u32 $0x1A, v1;
	v4 =	vld.idx.msk [tilespmem:v53+s14+$0x0], $0xffff  }
0x60: {  	v61 =	vld.idx.msk [tilespmem:v56+s13+$0x0], $0xffff;
	v2 =	vadd.f32 v3, v2;
	v3 =	vmul.f32 v55, v54  }
0x61: {  	v63 =	vor.u32 $0x1B, v1;
	v62 =	vld.idx.msk [tilespmem:v56+s14+$0x0], $0xffff  }
0x62: {  	v16 =	vld.idx.msk [tilespmem:v58+s13+$0x0], $0xffff;
	v2 =	vadd.f32 v3, v2;
	v3 =	vmul.f32 v5, v57  }
0x63: {  	v17 =	vor.u32 $0x1C, v1;
	v5 =	vld.idx.msk [tilespmem:v58+s14+$0x0], $0xffff  }
0x64: {  	v18 =	vld.idx.msk [tilespmem:v60+s13+$0x0], $0xffff;
	v2 =	vadd.f32 v3, v2;
	v3 =	vmul.f32 v4, v59  }
0x65: {  	v19 =	vor.u32 $0x1D, v1;
	v4 =	vld.idx.msk [tilespmem:v60+s14+$0x0], $0xffff  }
0x66: {  	v20 =	vld.idx.msk [tilespmem:v63+s13+$0x0], $0xffff;
	v2 =	vadd.f32 v3, v2;
	v3 =	vmul.f32 v62, v61  }
0x67: {  	v22 =	vor.u32 $0x1E, v1;
	v21 =	vld.idx.msk [tilespmem:v63+s14+$0x0], $0xffff  }
0x68: {  	v23 =	vld.idx.msk [tilespmem:v17+s13+$0x0], $0xffff;
	v2 =	vadd.f32 v3, v2;
	v3 =	vmul.f32 v5, v16  }
0x69: {  	v24 =	vor.u32 $0x1F, v1;
	v5 =	vld.idx.msk [tilespmem:v17+s14+$0x0], $0xffff  }
0x6a: {  	v25 =	vld.idx.msk [tilespmem:v19+s13+$0x0], $0xffff;
	v2 =	vadd.f32 v3, v2;
	v3 =	vmul.f32 v4, v18  }
0x6b: {  	v26 =	vor.u32 $0x20, v1;
	v4 =	vld.idx.msk [tilespmem:v19+s14+$0x0], $0xffff  }
0x6c: {  	v28 =	vld.idx.msk [tilespmem:v22+s14+$0x0], $0xffff;
	v2 =	vadd.f32 v3, v2;
	v3 =	vmul.f32 v21, v20  }
0x6d: {  	v27 =	vld.idx.msk [tilespmem:v22+s13+$0x0], $0xffff;
	v29 =	vor.u32 $0x21, v1  }
0x6e: {  	v30 =	vld.idx.msk [tilespmem:v24+s13+$0x0], $0xffff;
	v2 =	vadd.f32 v3, v2;
	v3 =	vmul.f32 v5, v23  }
0x6f: {  	v31 =	vor.u32 $0x22, v1;
	v5 =	vld.idx.msk [tilespmem:v24+s14+$0x0], $0xffff  }
0x70: {  	v32 =	vld.idx.msk [tilespmem:v26+s13+$0x0], $0xffff;
	v2 =	vadd.f32 v3, v2;
	v3 =	vmul.f32 v4, v25  }
0x71: {  	v33 =	vor.u32 $0x23, v1;
	v4 =	vld.idx.msk [tilespmem:v26+s14+$0x0], $0xffff  }
0x72: {  	v34 =	vld.idx.msk [tilespmem:v29+s13+$0x0], $0xffff;
	v2 =	vadd.f32 v3, v2;
	v3 =	vmul.f32 v28, v27  }
0x73: {  	v35 =	vld.idx.msk [tilespmem:v29+s14+$0x0], $0xffff;
	v36 =	vor.u32 $0x24, v1  }
0x74: {  	v37 =	vld.idx.msk [tilespmem:v31+s13+$0x0], $0xffff;
	v2 =	vadd.f32 v3, v2;
	v3 =	vmul.f32 v5, v30  }
0x75: {  	v38 =	vor.u32 $0x25, v1;
	v5 =	vld.idx.msk [tilespmem:v31+s14+$0x0], $0xffff  }
0x76: {  	v39 =	vld.idx.msk [tilespmem:v33+s13+$0x0], $0xffff;
	v2 =	vadd.f32 v3, v2;
	v3 =	vmul.f32 v4, v32  }
0x77: {  	v40 =	vor.u32 $0x26, v1;
	v4 =	vld.idx.msk [tilespmem:v33+s14+$0x0], $0xffff  }
0x78: {  	v41 =	vld.idx.msk [tilespmem:v36+s13+$0x0], $0xffff;
	v2 =	vadd.f32 v3, v2;
	v3 =	vmul.f32 v35, v34  }
0x79: {  	v42 =	vld.idx.msk [tilespmem:v36+s14+$0x0], $0xffff;
	v43 =	vor.u32 $0x27, v1  }
0x7a: {  	v44 =	vld.idx.msk [tilespmem:v38+s13+$0x0], $0xffff;
	v2 =	vadd.f32 v3, v2;
	v3 =	vmul.f32 v5, v37  }
0x7b: {  	v45 =	vor.u32 $0x28, v1;
	v5 =	vld.idx.msk [tilespmem:v38+s14+$0x0], $0xffff  }
0x7c: {  	v46 =	vld.idx.msk [tilespmem:v40+s13+$0x0], $0xffff;
	v2 =	vadd.f32 v3, v2;
	v3 =	vmul.f32 v4, v39  }
0x7d: {  	v47 =	vor.u32 $0x29, v1;
	v4 =	vld.idx.msk [tilespmem:v40+s14+$0x0], $0xffff  }
0x7e: {  	v48 =	vld.idx.msk [tilespmem:v43+s13+$0x0], $0xffff;
	v2 =	vadd.f32 v3, v2;
	v3 =	vmul.f32 v42, v41  }
0x7f: {  	v49 =	vld.idx.msk [tilespmem:v43+s14+$0x0], $0xffff;
	v50 =	vor.u32 $0x2A, v1  }
0x80: {  	v51 =	vld.idx.msk [tilespmem:v45+s13+$0x0], $0xffff;
	v2 =	vadd.f32 v3, v2;
	v3 =	vmul.f32 v5, v44  }
0x81: {  	v52 =	vor.u32 $0x2B, v1;
	v5 =	vld.idx.msk [tilespmem:v45+s14+$0x0], $0xffff  }
0x82: {  	v53 =	vld.idx.msk [tilespmem:v47+s13+$0x0], $0xffff;
	v2 =	vadd.f32 v3, v2;
	v3 =	vmul.f32 v4, v46  }
0x83: {  	v54 =	vor.u32 $0x2C, v1;
	v4 =	vld.idx.msk [tilespmem:v47+s14+$0x0], $0xffff  }
0x84: {  	v55 =	vld.idx.msk [tilespmem:v50+s13+$0x0], $0xffff;
	v2 =	vadd.f32 v3, v2;
	v3 =	vmul.f32 v49, v48  }
0x85: {  	v56 =	vld.idx.msk [tilespmem:v50+s14+$0x0], $0xffff;
	v57 =	vor.u32 $0x2D, v1  }
0x86: {  	v58 =	vld.idx.msk [tilespmem:v52+s13+$0x0], $0xffff;
	v2 =	vadd.f32 v3, v2;
	v3 =	vmul.f32 v5, v51  }
0x87: {  	v59 =	vor.u32 $0x2E, v1;
	v5 =	vld.idx.msk [tilespmem:v52+s14+$0x0], $0xffff  }
0x88: {  	v60 =	vld.idx.msk [tilespmem:v54+s13+$0x0], $0xffff;
	v2 =	vadd.f32 v3, v2;
	v3 =	vmul.f32 v4, v53  }
0x89: {  	v61 =	vor.u32 $0x2F, v1;
	v4 =	vld.idx.msk [tilespmem:v54+s14+$0x0], $0xffff  }
0x8a: {  	v62 =	vld.idx.msk [tilespmem:v57+s13+$0x0], $0xffff;
	v2 =	vadd.f32 v3, v2;
	v3 =	vmul.f32 v56, v55  }
0x8b: {  	v63 =	vld.idx.msk [tilespmem:v57+s14+$0x0], $0xffff;
	v16 =	vor.u32 $0x30, v1  }
0x8c: {  	v17 =	vld.idx.msk [tilespmem:v59+s13+$0x0], $0xffff;
	v2 =	vadd.f32 v3, v2;
	v3 =	vmul.f32 v5, v58  }
0x8d: {  	v18 =	vor.u32 $0x31, v1;
	v5 =	vld.idx.msk [tilespmem:v59+s14+$0x0], $0xffff  }
0x8e: {  	v19 =	vld.idx.msk [tilespmem:v61+s13+$0x0], $0xffff;
	v2 =	vadd.f32 v3, v2;
	v3 =	vmul.f32 v4, v60  }
0x8f: {  	v20 =	vor.u32 $0x32, v1;
	v4 =	vld.idx.msk [tilespmem:v61+s14+$0x0], $0xffff  }
0x90: {  	v21 =	vld.idx.msk [tilespmem:v16+s13+$0x0], $0xffff;
	v2 =	vadd.f32 v3, v2;
	v3 =	vmul.f32 v63, v62  }
0x91: {  	v22 =	vld.idx.msk [tilespmem:v16+s14+$0x0], $0xffff;
	v23 =	vor.u32 $0x33, v1  }
0x92: {  	v24 =	vld.idx.msk [tilespmem:v18+s13+$0x0], $0xffff;
	v2 =	vadd.f32 v3, v2;
	v3 =	vmul.f32 v5, v17  }
0x93: {  	v25 =	vor.u32 $0x34, v1;
	v5 =	vld.idx.msk [tilespmem:v18+s14+$0x0], $0xffff  }
0x94: {  	v26 =	vld.idx.msk [tilespmem:v20+s13+$0x0], $0xffff;
	v2 =	vadd.f32 v3, v2;
	v3 =	vmul.f32 v4, v19  }
0x95: {  	v27 =	vor.u32 $0x35, v1;
	v4 =	vld.idx.msk [tilespmem:v20+s14+$0x0], $0xffff  }
0x96: {  	v28 =	vld.idx.msk [tilespmem:v23+s13+$0x0], $0xffff;
	v2 =	vadd.f32 v3, v2;
	v3 =	vmul.f32 v22, v21  }
0x97: {  	v29 =	vld.idx.msk [tilespmem:v23+s14+$0x0], $0xffff;
	v30 =	vor.u32 $0x36, v1  }
0x98: {  	v31 =	vld.idx.msk [tilespmem:v25+s13+$0x0], $0xffff;
	v2 =	vadd.f32 v3, v2;
	v3 =	vmul.f32 v5, v24  }
0x99: {  	v32 =	vor.u32 $0x37, v1;
	v5 =	vld.idx.msk [tilespmem:v25+s14+$0x0], $0xffff  }
0x9a: {  	v33 =	vld.idx.msk [tilespmem:v27+s13+$0x0], $0xffff;
	v2 =	vadd.f32 v3, v2;
	v3 =	vmul.f32 v4, v26  }
0x9b: {  	v34 =	vor.u32 $0x38, v1;
	v4 =	vld.idx.msk [tilespmem:v27+s14+$0x0], $0xffff  }
0x9c: {  	v35 =	vld.idx.msk [tilespmem:v30+s13+$0x0], $0xffff;
	v2 =	vadd.f32 v3, v2;
	v3 =	vmul.f32 v29, v28  }
0x9d: {  	v36 =	vld.idx.msk [tilespmem:v30+s14+$0x0], $0xffff;
	v37 =	vor.u32 $0x39, v1  }
0x9e: {  	v38 =	vld.idx.msk [tilespmem:v32+s13+$0x0], $0xffff;
	v2 =	vadd.f32 v3, v2;
	v3 =	vmul.f32 v5, v31  }
0x9f: {  	v39 =	vor.u32 $0x3A, v1;
	v5 =	vld.idx.msk [tilespmem:v32+s14+$0x0], $0xffff  }
0xa0: {  	v40 =	vld.idx.msk [tilespmem:v34+s13+$0x0], $0xffff;
	v2 =	vadd.f32 v3, v2;
	v3 =	vmul.f32 v4, v33  }
0xa1: {  	v41 =	vor.u32 $0x3B, v1;
	v4 =	vld.idx.msk [tilespmem:v34+s14+$0x0], $0xffff  }
0xa2: {  	v42 =	vld.idx.msk [tilespmem:v37+s13+$0x0], $0xffff;
	v2 =	vadd.f32 v3, v2;
	v3 =	vmul.f32 v36, v35  }
0xa3: {  	v43 =	vld.idx.msk [tilespmem:v37+s14+$0x0], $0xffff;
	v44 =	vor.u32 $0x3C, v1  }
0xa4: {  	v45 =	vld.idx.msk [tilespmem:v39+s13+$0x0], $0xffff;
	v2 =	vadd.f32 v3, v2;
	v3 =	vmul.f32 v5, v38  }
0xa5: {  	v46 =	vor.u32 $0x3D, v1;
	v5 =	vld.idx.msk [tilespmem:v39+s14+$0x0], $0xffff  }
0xa6: {  	v47 =	vld.idx.msk [tilespmem:v41+s13+$0x0], $0xffff;
	v2 =	vadd.f32 v3, v2;
	v3 =	vmul.f32 v4, v40  }
0xa7: {  	v48 =	vor.u32 $0x3E, v1;
	v4 =	vld.idx.msk [tilespmem:v41+s14+$0x0], $0xffff  }
0xa8: {  	v49 =	vld.idx.msk [tilespmem:v44+s13+$0x0], $0xffff;
	v2 =	vadd.f32 v3, v2;
	v3 =	vmul.f32 v43, v42  }
0xa9: {  	v50 =	vld.idx.msk [tilespmem:v44+s14+$0x0], $0xffff;
	v51 =	vor.u32 $0x3F, v1  }
0xaa: {  	v52 =	vld.idx.msk [tilespmem:v46+s13+$0x0], $0xffff;
	v2 =	vadd.f32 v3, v2;
	v3 =	vmul.f32 v5, v45  }
0xab: {  	v53 =	vor.u32 $0x40, v1;
	v5 =	vld.idx.msk [tilespmem:v46+s14+$0x0], $0xffff  }
0xac: {  	v54 =	vld.idx.msk [tilespmem:v48+s13+$0x0], $0xffff;
	v2 =	vadd.f32 v3, v2;
	v3 =	vmul.f32 v4, v47  }
0xad: {  	v55 =	vor.u32 $0x41, v1;
	v4 =	vld.idx.msk [tilespmem:v48+s14+$0x0], $0xffff  }
0xae: {  	v56 =	vld.idx.msk [tilespmem:v51+s13+$0x0], $0xffff;
	v2 =	vadd.f32 v3, v2;
	v3 =	vmul.f32 v50, v49  }
0xaf: {  	v57 =	vld.idx.msk [tilespmem:v51+s14+$0x0], $0xffff;
	v58 =	vor.u32 $0x42, v1  }
0xb0: {  	v59 =	vld.idx.msk [tilespmem:v53+s13+$0x0], $0xffff;
	v2 =	vadd.f32 v3, v2;
	v3 =	vmul.f32 v5, v52  }
0xb1: {  	v60 =	vor.u32 $0x43, v1;
	v5 =	vld.idx.msk [tilespmem:v53+s14+$0x0], $0xffff  }
0xb2: {  	v61 =	vld.idx.msk [tilespmem:v55+s13+$0x0], $0xffff;
	v2 =	vadd.f32 v3, v2;
	v3 =	vmul.f32 v4, v54  }
0xb3: {  	v62 =	vor.u32 $0x44, v1;
	v4 =	vld.idx.msk [tilespmem:v55+s14+$0x0], $0xffff  }
0xb4: {  	v63 =	vld.idx.msk [tilespmem:v58+s13+$0x0], $0xffff;
	v2 =	vadd.f32 v3, v2;
	v3 =	vmul.f32 v57, v56  }
0xb5: {  	v16 =	vld.idx.msk [tilespmem:v58+s14+$0x0], $0xffff;
	v17 =	vor.u32 $0x45, v1  }
0xb6: {  	v18 =	vld.idx.msk [tilespmem:v60+s13+$0x0], $0xffff;
	v2 =	vadd.f32 v3, v2;
	v3 =	vmul.f32 v5, v59  }
0xb7: {  	v19 =	vor.u32 $0x46, v1;
	v5 =	vld.idx.msk [tilespmem:v60+s14+$0x0], $0xffff  }
0xb8: {  	v20 =	vld.idx.msk [tilespmem:v62+s13+$0x0], $0xffff;
	v2 =	vadd.f32 v3, v2;
	v3 =	vmul.f32 v4, v61  }
0xb9: {  	v21 =	vor.u32 $0x47, v1;
	v4 =	vld.idx.msk [tilespmem:v62+s14+$0x0], $0xffff  }
0xba: {  	v22 =	vld.idx.msk [tilespmem:v17+s13+$0x0], $0xffff;
	v2 =	vadd.f32 v3, v2;
	v3 =	vmul.f32 v16, v63  }
0xbb: {  	v23 =	vld.idx.msk [tilespmem:v17+s14+$0x0], $0xffff;
	v24 =	vor.u32 $0x48, v1  }
0xbc: {  	v25 =	vld.idx.msk [tilespmem:v19+s13+$0x0], $0xffff;
	v2 =	vadd.f32 v3, v2;
	v3 =	vmul.f32 v5, v18  }
0xbd: {  	v26 =	vor.u32 $0x49, v1;
	v5 =	vld.idx.msk [tilespmem:v19+s14+$0x0], $0xffff  }
0xbe: {  	v27 =	vld.idx.msk [tilespmem:v21+s13+$0x0], $0xffff;
	v2 =	vadd.f32 v3, v2;
	v3 =	vmul.f32 v4, v20  }
0xbf: {  	v28 =	vor.u32 $0x4A, v1;
	v4 =	vld.idx.msk [tilespmem:v21+s14+$0x0], $0xffff  }
0xc0: {  	v29 =	vld.idx.msk [tilespmem:v24+s13+$0x0], $0xffff;
	v2 =	vadd.f32 v3, v2;
	v3 =	vmul.f32 v23, v22  }
0xc1: {  	v30 =	vld.idx.msk [tilespmem:v24+s14+$0x0], $0xffff;
	v31 =	vor.u32 $0x4B, v1  }
0xc2: {  	v32 =	vld.idx.msk [tilespmem:v26+s13+$0x0], $0xffff;
	v2 =	vadd.f32 v3, v2;
	v3 =	vmul.f32 v5, v25  }
0xc3: {  	v33 =	vor.u32 $0x4C, v1;
	v5 =	vld.idx.msk [tilespmem:v26+s14+$0x0], $0xffff  }
0xc4: {  	v34 =	vld.idx.msk [tilespmem:v28+s13+$0x0], $0xffff;
	v2 =	vadd.f32 v3, v2;
	v3 =	vmul.f32 v4, v27  }
0xc5: {  	v35 =	vor.u32 $0x4D, v1;
	v4 =	vld.idx.msk [tilespmem:v28+s14+$0x0], $0xffff  }
0xc6: {  	v36 =	vld.idx.msk [tilespmem:v31+s13+$0x0], $0xffff;
	v2 =	vadd.f32 v3, v2;
	v3 =	vmul.f32 v30, v29  }
0xc7: {  	v37 =	vld.idx.msk [tilespmem:v31+s14+$0x0], $0xffff;
	v38 =	vor.u32 $0x4E, v1  }
0xc8: {  	v39 =	vld.idx.msk [tilespmem:v33+s13+$0x0], $0xffff;
	v2 =	vadd.f32 v3, v2;
	v3 =	vmul.f32 v5, v32  }
0xc9: {  	v40 =	vor.u32 $0x4F, v1;
	v5 =	vld.idx.msk [tilespmem:v33+s14+$0x0], $0xffff  }
0xca: {  	v41 =	vld.idx.msk [tilespmem:v35+s13+$0x0], $0xffff;
	v2 =	vadd.f32 v3, v2;
	v3 =	vmul.f32 v4, v34  }
0xcb: {  	v42 =	vor.u32 $0x50, v1;
	v4 =	vld.idx.msk [tilespmem:v35+s14+$0x0], $0xffff  }
0xcc: {  	v43 =	vld.idx.msk [tilespmem:v38+s13+$0x0], $0xffff;
	v2 =	vadd.f32 v3, v2;
	v3 =	vmul.f32 v37, v36  }
0xcd: {  	v44 =	vld.idx.msk [tilespmem:v38+s14+$0x0], $0xffff;
	v45 =	vor.u32 $0x51, v1  }
0xce: {  	v46 =	vld.idx.msk [tilespmem:v40+s13+$0x0], $0xffff;
	v2 =	vadd.f32 v3, v2;
	v3 =	vmul.f32 v5, v39  }
0xcf: {  	v47 =	vor.u32 $0x52, v1;
	v5 =	vld.idx.msk [tilespmem:v40+s14+$0x0], $0xffff  }
0xd0: {  	v48 =	vld.idx.msk [tilespmem:v42+s13+$0x0], $0xffff;
	v2 =	vadd.f32 v3, v2;
	v3 =	vmul.f32 v4, v41  }
0xd1: {  	v49 =	vor.u32 $0x53, v1;
	v4 =	vld.idx.msk [tilespmem:v42+s14+$0x0], $0xffff  }
0xd2: {  	v50 =	vld.idx.msk [tilespmem:v45+s13+$0x0], $0xffff;
	v2 =	vadd.f32 v3, v2;
	v3 =	vmul.f32 v44, v43  }
0xd3: {  	v51 =	vld.idx.msk [tilespmem:v45+s14+$0x0], $0xffff;
	v52 =	vor.u32 $0x54, v1  }
0xd4: {  	v53 =	vld.idx.msk [tilespmem:v47+s13+$0x0], $0xffff;
	v2 =	vadd.f32 v3, v2;
	v3 =	vmul.f32 v5, v46  }
0xd5: {  	v54 =	vor.u32 $0x55, v1;
	v5 =	vld.idx.msk [tilespmem:v47+s14+$0x0], $0xffff  }
0xd6: {  	v55 =	vld.idx.msk [tilespmem:v49+s13+$0x0], $0xffff;
	v2 =	vadd.f32 v3, v2;
	v3 =	vmul.f32 v4, v48  }
0xd7: {  	v56 =	vor.u32 $0x56, v1;
	v4 =	vld.idx.msk [tilespmem:v49+s14+$0x0], $0xffff  }
0xd8: {  	v57 =	vld.idx.msk [tilespmem:v52+s13+$0x0], $0xffff;
	v2 =	vadd.f32 v3, v2;
	v3 =	vmul.f32 v51, v50  }
0xd9: {  	v58 =	vld.idx.msk [tilespmem:v52+s14+$0x0], $0xffff;
	v59 =	vor.u32 $0x57, v1  }
0xda: {  	v60 =	vld.idx.msk [tilespmem:v54+s13+$0x0], $0xffff;
	v2 =	vadd.f32 v3, v2;
	v3 =	vmul.f32 v5, v53  }
0xdb: {  	v61 =	vor.u32 $0x58, v1;
	v5 =	vld.idx.msk [tilespmem:v54+s14+$0x0], $0xffff  }
0xdc: {  	v62 =	vld.idx.msk [tilespmem:v56+s13+$0x0], $0xffff;
	v2 =	vadd.f32 v3, v2;
	v3 =	vmul.f32 v4, v55  }
0xdd: {  	v63 =	vor.u32 $0x59, v1;
	v4 =	vld.idx.msk [tilespmem:v56+s14+$0x0], $0xffff  }
0xde: {  	v16 =	vld.idx.msk [tilespmem:v59+s13+$0x0], $0xffff;
	v2 =	vadd.f32 v3, v2;
	v3 =	vmul.f32 v58, v57  }
0xdf: {  	v17 =	vld.idx.msk [tilespmem:v59+s14+$0x0], $0xffff;
	v18 =	vor.u32 $0x5A, v1  }
0xe0: {  	v19 =	vld.idx.msk [tilespmem:v61+s13+$0x0], $0xffff;
	v2 =	vadd.f32 v3, v2;
	v3 =	vmul.f32 v5, v60  }
0xe1: {  	v20 =	vor.u32 $0x5B, v1;
	v5 =	vld.idx.msk [tilespmem:v61+s14+$0x0], $0xffff  }
0xe2: {  	v21 =	vld.idx.msk [tilespmem:v63+s13+$0x0], $0xffff;
	v2 =	vadd.f32 v3, v2;
	v3 =	vmul.f32 v4, v62  }
0xe3: {  	v22 =	vor.u32 $0x5C, v1;
	v4 =	vld.idx.msk [tilespmem:v63+s14+$0x0], $0xffff  }
0xe4: {  	v23 =	vld.idx.msk [tilespmem:v18+s13+$0x0], $0xffff;
	v2 =	vadd.f32 v3, v2;
	v3 =	vmul.f32 v17, v16  }
0xe5: {  	v24 =	vld.idx.msk [tilespmem:v18+s14+$0x0], $0xffff;
	v25 =	vor.u32 $0x5D, v1  }
0xe6: {  	v26 =	vld.idx.msk [tilespmem:v20+s13+$0x0], $0xffff;
	v2 =	vadd.f32 v3, v2;
	v3 =	vmul.f32 v5, v19  }
0xe7: {  	v27 =	vor.u32 $0x5E, v1;
	v5 =	vld.idx.msk [tilespmem:v20+s14+$0x0], $0xffff  }
0xe8: {  	v28 =	vld.idx.msk [tilespmem:v22+s13+$0x0], $0xffff;
	v2 =	vadd.f32 v3, v2;
	v3 =	vmul.f32 v4, v21  }
0xe9: {  	v29 =	vor.u32 $0x5F, v1;
	v4 =	vld.idx.msk [tilespmem:v22+s14+$0x0], $0xffff  }
0xea: {  	v30 =	vld.idx.msk [tilespmem:v25+s13+$0x0], $0xffff;
	v2 =	vadd.f32 v3, v2;
	v3 =	vmul.f32 v24, v23  }
0xeb: {  	v31 =	vld.idx.msk [tilespmem:v25+s14+$0x0], $0xffff;
	v32 =	vor.u32 $0x60, v1  }
0xec: {  	v33 =	vld.idx.msk [tilespmem:v27+s13+$0x0], $0xffff;
	v2 =	vadd.f32 v3, v2;
	v3 =	vmul.f32 v5, v26  }
0xed: {  	v34 =	vor.u32 $0x61, v1;
	v5 =	vld.idx.msk [tilespmem:v27+s14+$0x0], $0xffff  }
0xee: {  	v35 =	vld.idx.msk [tilespmem:v29+s13+$0x0], $0xffff;
	v2 =	vadd.f32 v3, v2;
	v3 =	vmul.f32 v4, v28  }
0xef: {  	v36 =	vor.u32 $0x62, v1;
	v4 =	vld.idx.msk [tilespmem:v29+s14+$0x0], $0xffff  }
0xf0: {  	v37 =	vld.idx.msk [tilespmem:v32+s13+$0x0], $0xffff;
	v2 =	vadd.f32 v3, v2;
	v3 =	vmul.f32 v31, v30  }
0xf1: {  	v38 =	vld.idx.msk [tilespmem:v32+s14+$0x0], $0xffff;
	v39 =	vor.u32 $0x63, v1  }
0xf2: {  	v40 =	vld.idx.msk [tilespmem:v34+s13+$0x0], $0xffff;
	v2 =	vadd.f32 v3, v2;
	v3 =	vmul.f32 v5, v33  }
0xf3: {  	v41 =	vor.u32 $0x64, v1;
	v5 =	vld.idx.msk [tilespmem:v34+s14+$0x0], $0xffff  }
0xf4: {  	v42 =	vld.idx.msk [tilespmem:v36+s13+$0x0], $0xffff;
	v2 =	vadd.f32 v3, v2;
	v3 =	vmul.f32 v4, v35  }
0xf5: {  	v43 =	vor.u32 $0x65, v1;
	v4 =	vld.idx.msk [tilespmem:v36+s14+$0x0], $0xffff  }
0xf6: {  	v44 =	vld.idx.msk [tilespmem:v39+s13+$0x0], $0xffff;
	v2 =	vadd.f32 v3, v2;
	v3 =	vmul.f32 v38, v37  }
0xf7: {  	v45 =	vld.idx.msk [tilespmem:v39+s14+$0x0], $0xffff;
	v46 =	vor.u32 $0x66, v1  }
0xf8: {  	v47 =	vld.idx.msk [tilespmem:v41+s13+$0x0], $0xffff;
	v2 =	vadd.f32 v3, v2;
	v3 =	vmul.f32 v5, v40  }
0xf9: {  	v48 =	vor.u32 $0x67, v1;
	v5 =	vld.idx.msk [tilespmem:v41+s14+$0x0], $0xffff  }
0xfa: {  	v49 =	vld.idx.msk [tilespmem:v43+s13+$0x0], $0xffff;
	v2 =	vadd.f32 v3, v2;
	v3 =	vmul.f32 v4, v42  }
0xfb: {  	v50 =	vor.u32 $0x68, v1;
	v4 =	vld.idx.msk [tilespmem:v43+s14+$0x0], $0xffff  }
0xfc: {  	v51 =	vld.idx.msk [tilespmem:v46+s13+$0x0], $0xffff;
	v2 =	vadd.f32 v3, v2;
	v3 =	vmul.f32 v45, v44  }
0xfd: {  	v52 =	vld.idx.msk [tilespmem:v46+s14+$0x0], $0xffff;
	v53 =	vor.u32 $0x69, v1  }
0xfe: {  	v54 =	vld.idx.msk [tilespmem:v48+s13+$0x0], $0xffff;
	v2 =	vadd.f32 v3, v2;
	v3 =	vmul.f32 v5, v47  }
0xff: {  	v55 =	vor.u32 $0x6A, v1;
	v5 =	vld.idx.msk [tilespmem:v48+s14+$0x0], $0xffff  }
0x100: {  	v56 =	vld.idx.msk [tilespmem:v50+s13+$0x0], $0xffff;
	v2 =	vadd.f32 v3, v2;
	v3 =	vmul.f32 v4, v49  }
0x101: {  	v57 =	vor.u32 $0x6B, v1;
	v4 =	vld.idx.msk [tilespmem:v50+s14+$0x0], $0xffff  }
0x102: {  	v58 =	vld.idx.msk [tilespmem:v53+s13+$0x0], $0xffff;
	v2 =	vadd.f32 v3, v2;
	v3 =	vmul.f32 v52, v51  }
0x103: {  	v59 =	vld.idx.msk [tilespmem:v53+s14+$0x0], $0xffff;
	v60 =	vor.u32 $0x6C, v1  }
0x104: {  	v61 =	vld.idx.msk [tilespmem:v55+s13+$0x0], $0xffff;
	v2 =	vadd.f32 v3, v2;
	v3 =	vmul.f32 v5, v54  }
0x105: {  	v62 =	vor.u32 $0x6D, v1;
	v5 =	vld.idx.msk [tilespmem:v55+s14+$0x0], $0xffff  }
0x106: {  	v63 =	vld.idx.msk [tilespmem:v57+s13+$0x0], $0xffff;
	v2 =	vadd.f32 v3, v2;
	v3 =	vmul.f32 v4, v56  }
0x107: {  	v16 =	vor.u32 $0x6E, v1;
	v4 =	vld.idx.msk [tilespmem:v57+s14+$0x0], $0xffff  }
0x108: {  	v17 =	vld.idx.msk [tilespmem:v60+s13+$0x0], $0xffff;
	v2 =	vadd.f32 v3, v2;
	v3 =	vmul.f32 v59, v58  }
0x109: {  	v18 =	vld.idx.msk [tilespmem:v60+s14+$0x0], $0xffff;
	v19 =	vor.u32 $0x6F, v1  }
0x10a: {  	v20 =	vld.idx.msk [tilespmem:v62+s13+$0x0], $0xffff;
	v2 =	vadd.f32 v3, v2;
	v3 =	vmul.f32 v5, v61  }
0x10b: {  	v21 =	vor.u32 $0x70, v1;
	v5 =	vld.idx.msk [tilespmem:v62+s14+$0x0], $0xffff  }
0x10c: {  	v22 =	vld.idx.msk [tilespmem:v16+s13+$0x0], $0xffff;
	v2 =	vadd.f32 v3, v2;
	v3 =	vmul.f32 v4, v63  }
0x10d: {  	v23 =	vor.u32 $0x71, v1;
	v4 =	vld.idx.msk [tilespmem:v16+s14+$0x0], $0xffff  }
0x10e: {  	v24 =	vld.idx.msk [tilespmem:v19+s13+$0x0], $0xffff;
	v2 =	vadd.f32 v3, v2;
	v3 =	vmul.f32 v18, v17  }
0x10f: {  	v25 =	vld.idx.msk [tilespmem:v19+s14+$0x0], $0xffff;
	v26 =	vor.u32 $0x72, v1  }
0x110: {  	v27 =	vld.idx.msk [tilespmem:v21+s13+$0x0], $0xffff;
	v2 =	vadd.f32 v3, v2;
	v3 =	vmul.f32 v5, v20  }
0x111: {  	v28 =	vor.u32 $0x73, v1;
	v5 =	vld.idx.msk [tilespmem:v21+s14+$0x0], $0xffff  }
0x112: {  	v29 =	vld.idx.msk [tilespmem:v23+s13+$0x0], $0xffff;
	v2 =	vadd.f32 v3, v2;
	v3 =	vmul.f32 v4, v22  }
0x113: {  	v30 =	vor.u32 $0x74, v1;
	v4 =	vld.idx.msk [tilespmem:v23+s14+$0x0], $0xffff  }
0x114: {  	v31 =	vld.idx.msk [tilespmem:v26+s13+$0x0], $0xffff;
	v2 =	vadd.f32 v3, v2;
	v3 =	vmul.f32 v25, v24  }
0x115: {  	v32 =	vld.idx.msk [tilespmem:v26+s14+$0x0], $0xffff;
	v33 =	vor.u32 $0x75, v1  }
0x116: {  	v34 =	vld.idx.msk [tilespmem:v28+s13+$0x0], $0xffff;
	v2 =	vadd.f32 v3, v2;
	v3 =	vmul.f32 v5, v27  }
0x117: {  	v35 =	vor.u32 $0x76, v1;
	v5 =	vld.idx.msk [tilespmem:v28+s14+$0x0], $0xffff  }
0x118: {  	v36 =	vld.idx.msk [tilespmem:v30+s13+$0x0], $0xffff;
	v2 =	vadd.f32 v3, v2;
	v3 =	vmul.f32 v4, v29  }
0x119: {  	v37 =	vor.u32 $0x77, v1;
	v4 =	vld.idx.msk [tilespmem:v30+s14+$0x0], $0xffff  }
0x11a: {  	v38 =	vld.idx.msk [tilespmem:v33+s13+$0x0], $0xffff;
	v2 =	vadd.f32 v3, v2;
	v3 =	vmul.f32 v32, v31  }
0x11b: {  	v39 =	vld.idx.msk [tilespmem:v33+s14+$0x0], $0xffff;
	v40 =	vor.u32 $0x78, v1  }
0x11c: {  	v41 =	vld.idx.msk [tilespmem:v35+s13+$0x0], $0xffff;
	v2 =	vadd.f32 v3, v2;
	v3 =	vmul.f32 v5, v34  }
0x11d: {  	v42 =	vor.u32 $0x79, v1;
	v5 =	vld.idx.msk [tilespmem:v35+s14+$0x0], $0xffff  }
0x11e: {  	v43 =	vld.idx.msk [tilespmem:v37+s13+$0x0], $0xffff;
	v2 =	vadd.f32 v3, v2;
	v3 =	vmul.f32 v4, v36  }
0x11f: {  	v44 =	vor.u32 $0x7A, v1;
	v4 =	vld.idx.msk [tilespmem:v37+s14+$0x0], $0xffff  }
0x120: {  	v45 =	vld.idx.msk [tilespmem:v40+s13+$0x0], $0xffff;
	v2 =	vadd.f32 v3, v2;
	v3 =	vmul.f32 v39, v38  }
0x121: {  	v46 =	vld.idx.msk [tilespmem:v40+s14+$0x0], $0xffff;
	v47 =	vor.u32 $0x7B, v1  }
0x122: {  	v48 =	vld.idx.msk [tilespmem:v42+s13+$0x0], $0xffff;
	v2 =	vadd.f32 v3, v2;
	v3 =	vmul.f32 v5, v41  }
0x123: {  	v49 =	vor.u32 $0x7C, v1;
	v5 =	vld.idx.msk [tilespmem:v42+s14+$0x0], $0xffff  }
0x124: {  	v50 =	vld.idx.msk [tilespmem:v44+s13+$0x0], $0xffff;
	v2 =	vadd.f32 v3, v2;
	v3 =	vmul.f32 v4, v43  }
0x125: {  	v51 =	vor.u32 $0x7D, v1;
	v4 =	vld.idx.msk [tilespmem:v44+s14+$0x0], $0xffff  }
0x126: {  	v52 =	vld.idx.msk [tilespmem:v47+s13+$0x0], $0xffff;
	v2 =	vadd.f32 v3, v2;
	v3 =	vmul.f32 v46, v45  }
0x127: {  	v53 =	vld.idx.msk [tilespmem:v47+s14+$0x0], $0xffff;
	v54 =	vor.u32 $0x7E, v1  }
0x128: {  	v55 =	vld.idx.msk [tilespmem:v49+s13+$0x0], $0xffff;
	v2 =	vadd.f32 v3, v2;
	v3 =	vmul.f32 v5, v48  }
0x129: {  	v1 =	vor.u32 $0x7F, v1;
	v5 =	vld.idx.msk [tilespmem:v49+s14+$0x0], $0xffff  }
0x12a: {  	v56 =	vld.idx.msk [tilespmem:v51+s13+$0x0], $0xffff;
	v2 =	vadd.f32 v3, v2;
	v3 =	vmul.f32 v4, v50  }
0x12b: {  	v4 =	vld.idx.msk [tilespmem:v51+s14+$0x0], $0xffff  }
0x12c: {  	v57 =	vld.idx.msk [tilespmem:v54+s13+$0x0], $0xffff;
	v2 =	vadd.f32 v3, v2;
	v3 =	vmul.f32 v53, v52  }
0x12d: {  	v58 =	vld.idx.msk [tilespmem:v54+s14+$0x0], $0xffff  }
0x12e: {  	v59 =	vld.idx.msk [tilespmem:v1+s13+$0x0], $0xffff;
	v2 =	vadd.f32 v3, v2;
	v3 =	vmul.f32 v5, v55  }
0x12f: {  	v5 =	vld.idx.msk [tilespmem:v1+s14+$0x0], $0xffff  }
0x130: {  	v1 =	vadd.f32 v3, v2;
	v2 =	vmul.f32 v4, v56  }
0x131: {  	s30 =	simm.s32 $0x10  }
0x132: {  	v3 =	vmov s30;
	v4 =	vmul.f32 v58, v57;
	v2 =	vadd.f32 v2, v1  }
0x133: {  	v1 =	vshll.u32 v3, $0x7  }
0x134: {  	v1 =	vor.u32 v0, v1;
	v3 =	vmul.f32 v5, v59;
	v2 =	vadd.f32 v4, v2;
	_ =	sdelay $0x1  }
0x135: {  	v4 =	vor.u32 $0x1, v1;
	v2 =	vadd.f32 v3, v2  }
0x136: {  	s22 =	simm.s32 $0x8100  }
0x137: {  	v3 =	vor.u32 $0x2, v1;
	[tilespmem:s22+$0x0] =	vst v2  }
0x138: {  	v2 =	vld.idx.msk [tilespmem:v1+s14+$0x0], $0xffff  }
0x139: {  	v60 =	vor.u32 $0x3, v1;
	v5 =	vld.idx.msk [tilespmem:v1+s13+$0x0], $0xffff  }
0x13a: {  	v61 =	vld.idx.msk [tilespmem:v4+s13+$0x0], $0xffff  }
0x13b: {  	v62 =	vor.u32 $0x4, v1;
	v4 =	vld.idx.msk [tilespmem:v4+s14+$0x0], $0xffff  }
0x13c: {  	v63 =	vld.idx.msk [tilespmem:v3+s13+$0x0], $0xffff  }
0x13d: {  	v16 =	vor.u32 $0x5, v1;
	v3 =	vld.idx.msk [tilespmem:v3+s14+$0x0], $0xffff  }
0x13e: {  	v17 =	vld.idx.msk [tilespmem:v60+s13+$0x0], $0xffff  }
0x13f: {  	v18 =	vor.u32 $0x6, v1;
	v6 =	vld.idx.msk [tilespmem:v60+s14+$0x0], $0xffff  }
0x140: {  	v19 =	vld.idx.msk [tilespmem:v62+s13+$0x0], $0xffff;
	v2 =	vmul.f32 v2, v5;
	v4 =	vmul.f32 v4, v61  }
0x141: {  	v20 =	vor.u32 $0x7, v1;
	v5 =	vld.idx.msk [tilespmem:v62+s14+$0x0], $0xffff  }
0x142: {  	v21 =	vld.idx.msk [tilespmem:v16+s13+$0x0], $0xffff;
	v2 =	vadd.f32 v4, v2;
	v3 =	vmul.f32 v3, v63  }
0x143: {  	v22 =	vor.u32 $0x8, v1;
	v4 =	vld.idx.msk [tilespmem:v16+s14+$0x0], $0xffff  }
0x144: {  	v23 =	vld.idx.msk [tilespmem:v18+s13+$0x0], $0xffff;
	v2 =	vadd.f32 v3, v2;
	v3 =	vmul.f32 v6, v17  }
0x145: {  	v25 =	vor.u32 $0x9, v1;
	v24 =	vld.idx.msk [tilespmem:v18+s14+$0x0], $0xffff  }
0x146: {  	v26 =	vld.idx.msk [tilespmem:v20+s13+$0x0], $0xffff;
	v2 =	vadd.f32 v3, v2;
	v3 =	vmul.f32 v5, v19  }
0x147: {  	v27 =	vor.u32 $0xA, v1;
	v5 =	vld.idx.msk [tilespmem:v20+s14+$0x0], $0xffff  }
0x148: {  	v28 =	vld.idx.msk [tilespmem:v22+s13+$0x0], $0xffff;
	v2 =	vadd.f32 v3, v2;
	v3 =	vmul.f32 v4, v21  }
0x149: {  	v29 =	vor.u32 $0xB, v1;
	v4 =	vld.idx.msk [tilespmem:v22+s14+$0x0], $0xffff  }
0x14a: {  	v30 =	vld.idx.msk [tilespmem:v25+s13+$0x0], $0xffff;
	v2 =	vadd.f32 v3, v2;
	v3 =	vmul.f32 v24, v23  }
0x14b: {  	v32 =	vor.u32 $0xC, v1;
	v31 =	vld.idx.msk [tilespmem:v25+s14+$0x0], $0xffff  }
0x14c: {  	v33 =	vld.idx.msk [tilespmem:v27+s13+$0x0], $0xffff;
	v2 =	vadd.f32 v3, v2;
	v3 =	vmul.f32 v5, v26  }
0x14d: {  	v34 =	vor.u32 $0xD, v1;
	v5 =	vld.idx.msk [tilespmem:v27+s14+$0x0], $0xffff  }
0x14e: {  	v35 =	vld.idx.msk [tilespmem:v29+s13+$0x0], $0xffff;
	v2 =	vadd.f32 v3, v2;
	v3 =	vmul.f32 v4, v28  }
0x14f: {  	v36 =	vor.u32 $0xE, v1;
	v4 =	vld.idx.msk [tilespmem:v29+s14+$0x0], $0xffff  }
0x150: {  	v37 =	vld.idx.msk [tilespmem:v32+s13+$0x0], $0xffff;
	v2 =	vadd.f32 v3, v2;
	v3 =	vmul.f32 v31, v30  }
0x151: {  	v39 =	vor.u32 $0xF, v1;
	v38 =	vld.idx.msk [tilespmem:v32+s14+$0x0], $0xffff  }
0x152: {  	v40 =	vld.idx.msk [tilespmem:v34+s13+$0x0], $0xffff;
	v2 =	vadd.f32 v3, v2;
	v3 =	vmul.f32 v5, v33  }
0x153: {  	v41 =	vor.u32 $0x10, v1;
	v5 =	vld.idx.msk [tilespmem:v34+s14+$0x0], $0xffff  }
0x154: {  	v42 =	vld.idx.msk [tilespmem:v36+s13+$0x0], $0xffff;
	v2 =	vadd.f32 v3, v2;
	v3 =	vmul.f32 v4, v35  }
0x155: {  	v43 =	vor.u32 $0x11, v1;
	v4 =	vld.idx.msk [tilespmem:v36+s14+$0x0], $0xffff  }
0x156: {  	v44 =	vld.idx.msk [tilespmem:v39+s13+$0x0], $0xffff;
	v2 =	vadd.f32 v3, v2;
	v3 =	vmul.f32 v38, v37  }
0x157: {  	v46 =	vor.u32 $0x12, v1;
	v45 =	vld.idx.msk [tilespmem:v39+s14+$0x0], $0xffff  }
0x158: {  	v47 =	vld.idx.msk [tilespmem:v41+s13+$0x0], $0xffff;
	v2 =	vadd.f32 v3, v2;
	v3 =	vmul.f32 v5, v40  }
0x159: {  	v48 =	vor.u32 $0x13, v1;
	v5 =	vld.idx.msk [tilespmem:v41+s14+$0x0], $0xffff  }
0x15a: {  	v49 =	vld.idx.msk [tilespmem:v43+s13+$0x0], $0xffff;
	v2 =	vadd.f32 v3, v2;
	v3 =	vmul.f32 v4, v42  }
0x15b: {  	v50 =	vor.u32 $0x14, v1;
	v4 =	vld.idx.msk [tilespmem:v43+s14+$0x0], $0xffff  }
0x15c: {  	v51 =	vld.idx.msk [tilespmem:v46+s13+$0x0], $0xffff;
	v2 =	vadd.f32 v3, v2;
	v3 =	vmul.f32 v45, v44  }
0x15d: {  	v53 =	vor.u32 $0x15, v1;
	v52 =	vld.idx.msk [tilespmem:v46+s14+$0x0], $0xffff  }
0x15e: {  	v54 =	vld.idx.msk [tilespmem:v48+s13+$0x0], $0xffff;
	v2 =	vadd.f32 v3, v2;
	v3 =	vmul.f32 v5, v47  }
0x15f: {  	v55 =	vor.u32 $0x16, v1;
	v5 =	vld.idx.msk [tilespmem:v48+s14+$0x0], $0xffff  }
0x160: {  	v56 =	vld.idx.msk [tilespmem:v50+s13+$0x0], $0xffff;
	v2 =	vadd.f32 v3, v2;
	v3 =	vmul.f32 v4, v49  }
0x161: {  	v57 =	vor.u32 $0x17, v1;
	v4 =	vld.idx.msk [tilespmem:v50+s14+$0x0], $0xffff  }
0x162: {  	v58 =	vld.idx.msk [tilespmem:v53+s13+$0x0], $0xffff;
	v2 =	vadd.f32 v3, v2;
	v3 =	vmul.f32 v52, v51  }
0x163: {  	v59 =	vld.idx.msk [tilespmem:v53+s14+$0x0], $0xffff;
	v60 =	vor.u32 $0x18, v1  }
0x164: {  	v61 =	vld.idx.msk [tilespmem:v55+s13+$0x0], $0xffff;
	v2 =	vadd.f32 v3, v2;
	v3 =	vmul.f32 v5, v54  }
0x165: {  	v62 =	vor.u32 $0x19, v1;
	v5 =	vld.idx.msk [tilespmem:v55+s14+$0x0], $0xffff  }
0x166: {  	v63 =	vld.idx.msk [tilespmem:v57+s13+$0x0], $0xffff;
	v2 =	vadd.f32 v3, v2;
	v3 =	vmul.f32 v4, v56  }
0x167: {  	v16 =	vor.u32 $0x1A, v1;
	v4 =	vld.idx.msk [tilespmem:v57+s14+$0x0], $0xffff  }
0x168: {  	v18 =	vld.idx.msk [tilespmem:v60+s14+$0x0], $0xffff;
	v2 =	vadd.f32 v3, v2;
	v3 =	vmul.f32 v59, v58  }
0x169: {  	v17 =	vld.idx.msk [tilespmem:v60+s13+$0x0], $0xffff;
	v19 =	vor.u32 $0x1B, v1  }
0x16a: {  	v20 =	vld.idx.msk [tilespmem:v62+s13+$0x0], $0xffff;
	v2 =	vadd.f32 v3, v2;
	v3 =	vmul.f32 v5, v61  }
0x16b: {  	v21 =	vor.u32 $0x1C, v1;
	v5 =	vld.idx.msk [tilespmem:v62+s14+$0x0], $0xffff  }
0x16c: {  	v22 =	vld.idx.msk [tilespmem:v16+s13+$0x0], $0xffff;
	v2 =	vadd.f32 v3, v2;
	v3 =	vmul.f32 v4, v63  }
0x16d: {  	v23 =	vor.u32 $0x1D, v1;
	v4 =	vld.idx.msk [tilespmem:v16+s14+$0x0], $0xffff  }
0x16e: {  	v24 =	vld.idx.msk [tilespmem:v19+s13+$0x0], $0xffff;
	v2 =	vadd.f32 v3, v2;
	v3 =	vmul.f32 v18, v17  }
0x16f: {  	v25 =	vld.idx.msk [tilespmem:v19+s14+$0x0], $0xffff;
	v26 =	vor.u32 $0x1E, v1  }
0x170: {  	v27 =	vld.idx.msk [tilespmem:v21+s13+$0x0], $0xffff;
	v2 =	vadd.f32 v3, v2;
	v3 =	vmul.f32 v5, v20  }
0x171: {  	v28 =	vor.u32 $0x1F, v1;
	v5 =	vld.idx.msk [tilespmem:v21+s14+$0x0], $0xffff  }
0x172: {  	v29 =	vld.idx.msk [tilespmem:v23+s13+$0x0], $0xffff;
	v2 =	vadd.f32 v3, v2;
	v3 =	vmul.f32 v4, v22  }
0x173: {  	v30 =	vor.u32 $0x20, v1;
	v4 =	vld.idx.msk [tilespmem:v23+s14+$0x0], $0xffff  }
0x174: {  	v31 =	vld.idx.msk [tilespmem:v26+s13+$0x0], $0xffff;
	v2 =	vadd.f32 v3, v2;
	v3 =	vmul.f32 v25, v24  }
0x175: {  	v32 =	vld.idx.msk [tilespmem:v26+s14+$0x0], $0xffff;
	v33 =	vor.u32 $0x21, v1  }
0x176: {  	v34 =	vld.idx.msk [tilespmem:v28+s13+$0x0], $0xffff;
	v2 =	vadd.f32 v3, v2;
	v3 =	vmul.f32 v5, v27  }
0x177: {  	v35 =	vor.u32 $0x22, v1;
	v5 =	vld.idx.msk [tilespmem:v28+s14+$0x0], $0xffff  }
0x178: {  	v36 =	vld.idx.msk [tilespmem:v30+s13+$0x0], $0xffff;
	v2 =	vadd.f32 v3, v2;
	v3 =	vmul.f32 v4, v29  }
0x179: {  	v37 =	vor.u32 $0x23, v1;
	v4 =	vld.idx.msk [tilespmem:v30+s14+$0x0], $0xffff  }
0x17a: {  	v38 =	vld.idx.msk [tilespmem:v33+s13+$0x0], $0xffff;
	v2 =	vadd.f32 v3, v2;
	v3 =	vmul.f32 v32, v31  }
0x17b: {  	v39 =	vld.idx.msk [tilespmem:v33+s14+$0x0], $0xffff;
	v40 =	vor.u32 $0x24, v1  }
0x17c: {  	v41 =	vld.idx.msk [tilespmem:v35+s13+$0x0], $0xffff;
	v2 =	vadd.f32 v3, v2;
	v3 =	vmul.f32 v5, v34  }
0x17d: {  	v42 =	vor.u32 $0x25, v1;
	v5 =	vld.idx.msk [tilespmem:v35+s14+$0x0], $0xffff  }
0x17e: {  	v43 =	vld.idx.msk [tilespmem:v37+s13+$0x0], $0xffff;
	v2 =	vadd.f32 v3, v2;
	v3 =	vmul.f32 v4, v36  }
0x17f: {  	v44 =	vor.u32 $0x26, v1;
	v4 =	vld.idx.msk [tilespmem:v37+s14+$0x0], $0xffff  }
0x180: {  	v45 =	vld.idx.msk [tilespmem:v40+s13+$0x0], $0xffff;
	v2 =	vadd.f32 v3, v2;
	v3 =	vmul.f32 v39, v38  }
0x181: {  	v46 =	vld.idx.msk [tilespmem:v40+s14+$0x0], $0xffff;
	v47 =	vor.u32 $0x27, v1  }
0x182: {  	v48 =	vld.idx.msk [tilespmem:v42+s13+$0x0], $0xffff;
	v2 =	vadd.f32 v3, v2;
	v3 =	vmul.f32 v5, v41  }
0x183: {  	v49 =	vor.u32 $0x28, v1;
	v5 =	vld.idx.msk [tilespmem:v42+s14+$0x0], $0xffff  }
0x184: {  	v50 =	vld.idx.msk [tilespmem:v44+s13+$0x0], $0xffff;
	v2 =	vadd.f32 v3, v2;
	v3 =	vmul.f32 v4, v43  }
0x185: {  	v51 =	vor.u32 $0x29, v1;
	v4 =	vld.idx.msk [tilespmem:v44+s14+$0x0], $0xffff  }
0x186: {  	v52 =	vld.idx.msk [tilespmem:v47+s13+$0x0], $0xffff;
	v2 =	vadd.f32 v3, v2;
	v3 =	vmul.f32 v46, v45  }
0x187: {  	v53 =	vld.idx.msk [tilespmem:v47+s14+$0x0], $0xffff;
	v54 =	vor.u32 $0x2A, v1  }
0x188: {  	v55 =	vld.idx.msk [tilespmem:v49+s13+$0x0], $0xffff;
	v2 =	vadd.f32 v3, v2;
	v3 =	vmul.f32 v5, v48  }
0x189: {  	v56 =	vor.u32 $0x2B, v1;
	v5 =	vld.idx.msk [tilespmem:v49+s14+$0x0], $0xffff  }
0x18a: {  	v57 =	vld.idx.msk [tilespmem:v51+s13+$0x0], $0xffff;
	v2 =	vadd.f32 v3, v2;
	v3 =	vmul.f32 v4, v50  }
0x18b: {  	v58 =	vor.u32 $0x2C, v1;
	v4 =	vld.idx.msk [tilespmem:v51+s14+$0x0], $0xffff  }
0x18c: {  	v59 =	vld.idx.msk [tilespmem:v54+s13+$0x0], $0xffff;
	v2 =	vadd.f32 v3, v2;
	v3 =	vmul.f32 v53, v52  }
0x18d: {  	v60 =	vld.idx.msk [tilespmem:v54+s14+$0x0], $0xffff;
	v61 =	vor.u32 $0x2D, v1  }
0x18e: {  	v62 =	vld.idx.msk [tilespmem:v56+s13+$0x0], $0xffff;
	v2 =	vadd.f32 v3, v2;
	v3 =	vmul.f32 v5, v55  }
0x18f: {  	v63 =	vor.u32 $0x2E, v1;
	v5 =	vld.idx.msk [tilespmem:v56+s14+$0x0], $0xffff  }
0x190: {  	v16 =	vld.idx.msk [tilespmem:v58+s13+$0x0], $0xffff;
	v2 =	vadd.f32 v3, v2;
	v3 =	vmul.f32 v4, v57  }
0x191: {  	v17 =	vor.u32 $0x2F, v1;
	v4 =	vld.idx.msk [tilespmem:v58+s14+$0x0], $0xffff  }
0x192: {  	v18 =	vld.idx.msk [tilespmem:v61+s13+$0x0], $0xffff;
	v2 =	vadd.f32 v3, v2;
	v3 =	vmul.f32 v60, v59  }
0x193: {  	v19 =	vld.idx.msk [tilespmem:v61+s14+$0x0], $0xffff;
	v20 =	vor.u32 $0x30, v1  }
0x194: {  	v21 =	vld.idx.msk [tilespmem:v63+s13+$0x0], $0xffff;
	v2 =	vadd.f32 v3, v2;
	v3 =	vmul.f32 v5, v62  }
0x195: {  	v22 =	vor.u32 $0x31, v1;
	v5 =	vld.idx.msk [tilespmem:v63+s14+$0x0], $0xffff  }
0x196: {  	v23 =	vld.idx.msk [tilespmem:v17+s13+$0x0], $0xffff;
	v2 =	vadd.f32 v3, v2;
	v3 =	vmul.f32 v4, v16  }
0x197: {  	v24 =	vor.u32 $0x32, v1;
	v4 =	vld.idx.msk [tilespmem:v17+s14+$0x0], $0xffff  }
0x198: {  	v25 =	vld.idx.msk [tilespmem:v20+s13+$0x0], $0xffff;
	v2 =	vadd.f32 v3, v2;
	v3 =	vmul.f32 v19, v18  }
0x199: {  	v26 =	vld.idx.msk [tilespmem:v20+s14+$0x0], $0xffff;
	v27 =	vor.u32 $0x33, v1  }
0x19a: {  	v28 =	vld.idx.msk [tilespmem:v22+s13+$0x0], $0xffff;
	v2 =	vadd.f32 v3, v2;
	v3 =	vmul.f32 v5, v21  }
0x19b: {  	v29 =	vor.u32 $0x34, v1;
	v5 =	vld.idx.msk [tilespmem:v22+s14+$0x0], $0xffff  }
0x19c: {  	v30 =	vld.idx.msk [tilespmem:v24+s13+$0x0], $0xffff;
	v2 =	vadd.f32 v3, v2;
	v3 =	vmul.f32 v4, v23  }
0x19d: {  	v31 =	vor.u32 $0x35, v1;
	v4 =	vld.idx.msk [tilespmem:v24+s14+$0x0], $0xffff  }
0x19e: {  	v32 =	vld.idx.msk [tilespmem:v27+s13+$0x0], $0xffff;
	v2 =	vadd.f32 v3, v2;
	v3 =	vmul.f32 v26, v25  }
0x19f: {  	v33 =	vld.idx.msk [tilespmem:v27+s14+$0x0], $0xffff;
	v34 =	vor.u32 $0x36, v1  }
0x1a0: {  	v35 =	vld.idx.msk [tilespmem:v29+s13+$0x0], $0xffff;
	v2 =	vadd.f32 v3, v2;
	v3 =	vmul.f32 v5, v28  }
0x1a1: {  	v36 =	vor.u32 $0x37, v1;
	v5 =	vld.idx.msk [tilespmem:v29+s14+$0x0], $0xffff  }
0x1a2: {  	v37 =	vld.idx.msk [tilespmem:v31+s13+$0x0], $0xffff;
	v2 =	vadd.f32 v3, v2;
	v3 =	vmul.f32 v4, v30  }
0x1a3: {  	v38 =	vor.u32 $0x38, v1;
	v4 =	vld.idx.msk [tilespmem:v31+s14+$0x0], $0xffff  }
0x1a4: {  	v39 =	vld.idx.msk [tilespmem:v34+s13+$0x0], $0xffff;
	v2 =	vadd.f32 v3, v2;
	v3 =	vmul.f32 v33, v32  }
0x1a5: {  	v40 =	vld.idx.msk [tilespmem:v34+s14+$0x0], $0xffff;
	v41 =	vor.u32 $0x39, v1  }
0x1a6: {  	v42 =	vld.idx.msk [tilespmem:v36+s13+$0x0], $0xffff;
	v2 =	vadd.f32 v3, v2;
	v3 =	vmul.f32 v5, v35  }
0x1a7: {  	v43 =	vor.u32 $0x3A, v1;
	v5 =	vld.idx.msk [tilespmem:v36+s14+$0x0], $0xffff  }
0x1a8: {  	v44 =	vld.idx.msk [tilespmem:v38+s13+$0x0], $0xffff;
	v2 =	vadd.f32 v3, v2;
	v3 =	vmul.f32 v4, v37  }
0x1a9: {  	v45 =	vor.u32 $0x3B, v1;
	v4 =	vld.idx.msk [tilespmem:v38+s14+$0x0], $0xffff  }
0x1aa: {  	v46 =	vld.idx.msk [tilespmem:v41+s13+$0x0], $0xffff;
	v2 =	vadd.f32 v3, v2;
	v3 =	vmul.f32 v40, v39  }
0x1ab: {  	v47 =	vld.idx.msk [tilespmem:v41+s14+$0x0], $0xffff;
	v48 =	vor.u32 $0x3C, v1  }
0x1ac: {  	v49 =	vld.idx.msk [tilespmem:v43+s13+$0x0], $0xffff;
	v2 =	vadd.f32 v3, v2;
	v3 =	vmul.f32 v5, v42  }
0x1ad: {  	v50 =	vor.u32 $0x3D, v1;
	v5 =	vld.idx.msk [tilespmem:v43+s14+$0x0], $0xffff  }
0x1ae: {  	v51 =	vld.idx.msk [tilespmem:v45+s13+$0x0], $0xffff;
	v2 =	vadd.f32 v3, v2;
	v3 =	vmul.f32 v4, v44  }
0x1af: {  	v52 =	vor.u32 $0x3E, v1;
	v4 =	vld.idx.msk [tilespmem:v45+s14+$0x0], $0xffff  }
0x1b0: {  	v53 =	vld.idx.msk [tilespmem:v48+s13+$0x0], $0xffff;
	v2 =	vadd.f32 v3, v2;
	v3 =	vmul.f32 v47, v46  }
0x1b1: {  	v54 =	vld.idx.msk [tilespmem:v48+s14+$0x0], $0xffff;
	v55 =	vor.u32 $0x3F, v1  }
0x1b2: {  	v56 =	vld.idx.msk [tilespmem:v50+s13+$0x0], $0xffff;
	v2 =	vadd.f32 v3, v2;
	v3 =	vmul.f32 v5, v49  }
0x1b3: {  	v57 =	vor.u32 $0x40, v1;
	v5 =	vld.idx.msk [tilespmem:v50+s14+$0x0], $0xffff  }
0x1b4: {  	v58 =	vld.idx.msk [tilespmem:v52+s13+$0x0], $0xffff;
	v2 =	vadd.f32 v3, v2;
	v3 =	vmul.f32 v4, v51  }
0x1b5: {  	v59 =	vor.u32 $0x41, v1;
	v4 =	vld.idx.msk [tilespmem:v52+s14+$0x0], $0xffff  }
0x1b6: {  	v60 =	vld.idx.msk [tilespmem:v55+s13+$0x0], $0xffff;
	v2 =	vadd.f32 v3, v2;
	v3 =	vmul.f32 v54, v53  }
0x1b7: {  	v61 =	vld.idx.msk [tilespmem:v55+s14+$0x0], $0xffff;
	v62 =	vor.u32 $0x42, v1  }
0x1b8: {  	v63 =	vld.idx.msk [tilespmem:v57+s13+$0x0], $0xffff;
	v2 =	vadd.f32 v3, v2;
	v3 =	vmul.f32 v5, v56  }
0x1b9: {  	v16 =	vor.u32 $0x43, v1;
	v5 =	vld.idx.msk [tilespmem:v57+s14+$0x0], $0xffff  }
0x1ba: {  	v17 =	vld.idx.msk [tilespmem:v59+s13+$0x0], $0xffff;
	v2 =	vadd.f32 v3, v2;
	v3 =	vmul.f32 v4, v58  }
0x1bb: {  	v18 =	vor.u32 $0x44, v1;
	v4 =	vld.idx.msk [tilespmem:v59+s14+$0x0], $0xffff  }
0x1bc: {  	v19 =	vld.idx.msk [tilespmem:v62+s13+$0x0], $0xffff;
	v2 =	vadd.f32 v3, v2;
	v3 =	vmul.f32 v61, v60  }
0x1bd: {  	v20 =	vld.idx.msk [tilespmem:v62+s14+$0x0], $0xffff;
	v21 =	vor.u32 $0x45, v1  }
0x1be: {  	v22 =	vld.idx.msk [tilespmem:v16+s13+$0x0], $0xffff;
	v2 =	vadd.f32 v3, v2;
	v3 =	vmul.f32 v5, v63  }
0x1bf: {  	v23 =	vor.u32 $0x46, v1;
	v5 =	vld.idx.msk [tilespmem:v16+s14+$0x0], $0xffff  }
0x1c0: {  	v24 =	vld.idx.msk [tilespmem:v18+s13+$0x0], $0xffff;
	v2 =	vadd.f32 v3, v2;
	v3 =	vmul.f32 v4, v17  }
0x1c1: {  	v25 =	vor.u32 $0x47, v1;
	v4 =	vld.idx.msk [tilespmem:v18+s14+$0x0], $0xffff  }
0x1c2: {  	v26 =	vld.idx.msk [tilespmem:v21+s13+$0x0], $0xffff;
	v2 =	vadd.f32 v3, v2;
	v3 =	vmul.f32 v20, v19  }
0x1c3: {  	v27 =	vld.idx.msk [tilespmem:v21+s14+$0x0], $0xffff;
	v28 =	vor.u32 $0x48, v1  }
0x1c4: {  	v29 =	vld.idx.msk [tilespmem:v23+s13+$0x0], $0xffff;
	v2 =	vadd.f32 v3, v2;
	v3 =	vmul.f32 v5, v22  }
0x1c5: {  	v30 =	vor.u32 $0x49, v1;
	v5 =	vld.idx.msk [tilespmem:v23+s14+$0x0], $0xffff  }
0x1c6: {  	v31 =	vld.idx.msk [tilespmem:v25+s13+$0x0], $0xffff;
	v2 =	vadd.f32 v3, v2;
	v3 =	vmul.f32 v4, v24  }
0x1c7: {  	v32 =	vor.u32 $0x4A, v1;
	v4 =	vld.idx.msk [tilespmem:v25+s14+$0x0], $0xffff  }
0x1c8: {  	v33 =	vld.idx.msk [tilespmem:v28+s13+$0x0], $0xffff;
	v2 =	vadd.f32 v3, v2;
	v3 =	vmul.f32 v27, v26  }
0x1c9: {  	v34 =	vld.idx.msk [tilespmem:v28+s14+$0x0], $0xffff;
	v35 =	vor.u32 $0x4B, v1  }
0x1ca: {  	v36 =	vld.idx.msk [tilespmem:v30+s13+$0x0], $0xffff;
	v2 =	vadd.f32 v3, v2;
	v3 =	vmul.f32 v5, v29  }
0x1cb: {  	v37 =	vor.u32 $0x4C, v1;
	v5 =	vld.idx.msk [tilespmem:v30+s14+$0x0], $0xffff  }
0x1cc: {  	v38 =	vld.idx.msk [tilespmem:v32+s13+$0x0], $0xffff;
	v2 =	vadd.f32 v3, v2;
	v3 =	vmul.f32 v4, v31  }
0x1cd: {  	v39 =	vor.u32 $0x4D, v1;
	v4 =	vld.idx.msk [tilespmem:v32+s14+$0x0], $0xffff  }
0x1ce: {  	v40 =	vld.idx.msk [tilespmem:v35+s13+$0x0], $0xffff;
	v2 =	vadd.f32 v3, v2;
	v3 =	vmul.f32 v34, v33  }
0x1cf: {  	v41 =	vld.idx.msk [tilespmem:v35+s14+$0x0], $0xffff;
	v42 =	vor.u32 $0x4E, v1  }
0x1d0: {  	v43 =	vld.idx.msk [tilespmem:v37+s13+$0x0], $0xffff;
	v2 =	vadd.f32 v3, v2;
	v3 =	vmul.f32 v5, v36  }
0x1d1: {  	v44 =	vor.u32 $0x4F, v1;
	v5 =	vld.idx.msk [tilespmem:v37+s14+$0x0], $0xffff  }
0x1d2: {  	v45 =	vld.idx.msk [tilespmem:v39+s13+$0x0], $0xffff;
	v2 =	vadd.f32 v3, v2;
	v3 =	vmul.f32 v4, v38  }
0x1d3: {  	v46 =	vor.u32 $0x50, v1;
	v4 =	vld.idx.msk [tilespmem:v39+s14+$0x0], $0xffff  }
0x1d4: {  	v47 =	vld.idx.msk [tilespmem:v42+s13+$0x0], $0xffff;
	v2 =	vadd.f32 v3, v2;
	v3 =	vmul.f32 v41, v40  }
0x1d5: {  	v48 =	vld.idx.msk [tilespmem:v42+s14+$0x0], $0xffff;
	v49 =	vor.u32 $0x51, v1  }
0x1d6: {  	v50 =	vld.idx.msk [tilespmem:v44+s13+$0x0], $0xffff;
	v2 =	vadd.f32 v3, v2;
	v3 =	vmul.f32 v5, v43  }
0x1d7: {  	v51 =	vor.u32 $0x52, v1;
	v5 =	vld.idx.msk [tilespmem:v44+s14+$0x0], $0xffff  }
0x1d8: {  	v52 =	vld.idx.msk [tilespmem:v46+s13+$0x0], $0xffff;
	v2 =	vadd.f32 v3, v2;
	v3 =	vmul.f32 v4, v45  }
0x1d9: {  	v53 =	vor.u32 $0x53, v1;
	v4 =	vld.idx.msk [tilespmem:v46+s14+$0x0], $0xffff  }
0x1da: {  	v54 =	vld.idx.msk [tilespmem:v49+s13+$0x0], $0xffff;
	v2 =	vadd.f32 v3, v2;
	v3 =	vmul.f32 v48, v47  }
0x1db: {  	v55 =	vld.idx.msk [tilespmem:v49+s14+$0x0], $0xffff;
	v56 =	vor.u32 $0x54, v1  }
0x1dc: {  	v57 =	vld.idx.msk [tilespmem:v51+s13+$0x0], $0xffff;
	v2 =	vadd.f32 v3, v2;
	v3 =	vmul.f32 v5, v50  }
0x1dd: {  	v58 =	vor.u32 $0x55, v1;
	v5 =	vld.idx.msk [tilespmem:v51+s14+$0x0], $0xffff  }
0x1de: {  	v59 =	vld.idx.msk [tilespmem:v53+s13+$0x0], $0xffff;
	v2 =	vadd.f32 v3, v2;
	v3 =	vmul.f32 v4, v52  }
0x1df: {  	v60 =	vor.u32 $0x56, v1;
	v4 =	vld.idx.msk [tilespmem:v53+s14+$0x0], $0xffff  }
0x1e0: {  	v61 =	vld.idx.msk [tilespmem:v56+s13+$0x0], $0xffff;
	v2 =	vadd.f32 v3, v2;
	v3 =	vmul.f32 v55, v54  }
0x1e1: {  	v62 =	vld.idx.msk [tilespmem:v56+s14+$0x0], $0xffff;
	v63 =	vor.u32 $0x57, v1  }
0x1e2: {  	v16 =	vld.idx.msk [tilespmem:v58+s13+$0x0], $0xffff;
	v2 =	vadd.f32 v3, v2;
	v3 =	vmul.f32 v5, v57  }
0x1e3: {  	v17 =	vor.u32 $0x58, v1;
	v5 =	vld.idx.msk [tilespmem:v58+s14+$0x0], $0xffff  }
0x1e4: {  	v18 =	vld.idx.msk [tilespmem:v60+s13+$0x0], $0xffff;
	v2 =	vadd.f32 v3, v2;
	v3 =	vmul.f32 v4, v59  }
0x1e5: {  	v19 =	vor.u32 $0x59, v1;
	v4 =	vld.idx.msk [tilespmem:v60+s14+$0x0], $0xffff  }
0x1e6: {  	v20 =	vld.idx.msk [tilespmem:v63+s13+$0x0], $0xffff;
	v2 =	vadd.f32 v3, v2;
	v3 =	vmul.f32 v62, v61  }
0x1e7: {  	v21 =	vld.idx.msk [tilespmem:v63+s14+$0x0], $0xffff;
	v22 =	vor.u32 $0x5A, v1  }
0x1e8: {  	v23 =	vld.idx.msk [tilespmem:v17+s13+$0x0], $0xffff;
	v2 =	vadd.f32 v3, v2;
	v3 =	vmul.f32 v5, v16  }
0x1e9: {  	v24 =	vor.u32 $0x5B, v1;
	v5 =	vld.idx.msk [tilespmem:v17+s14+$0x0], $0xffff  }
0x1ea: {  	v25 =	vld.idx.msk [tilespmem:v19+s13+$0x0], $0xffff;
	v2 =	vadd.f32 v3, v2;
	v3 =	vmul.f32 v4, v18  }
0x1eb: {  	v26 =	vor.u32 $0x5C, v1;
	v4 =	vld.idx.msk [tilespmem:v19+s14+$0x0], $0xffff  }
0x1ec: {  	v27 =	vld.idx.msk [tilespmem:v22+s13+$0x0], $0xffff;
	v2 =	vadd.f32 v3, v2;
	v3 =	vmul.f32 v21, v20  }
0x1ed: {  	v28 =	vld.idx.msk [tilespmem:v22+s14+$0x0], $0xffff;
	v29 =	vor.u32 $0x5D, v1  }
0x1ee: {  	v30 =	vld.idx.msk [tilespmem:v24+s13+$0x0], $0xffff;
	v2 =	vadd.f32 v3, v2;
	v3 =	vmul.f32 v5, v23  }
0x1ef: {  	v31 =	vor.u32 $0x5E, v1;
	v5 =	vld.idx.msk [tilespmem:v24+s14+$0x0], $0xffff  }
0x1f0: {  	v32 =	vld.idx.msk [tilespmem:v26+s13+$0x0], $0xffff;
	v2 =	vadd.f32 v3, v2;
	v3 =	vmul.f32 v4, v25  }
0x1f1: {  	v33 =	vor.u32 $0x5F, v1;
	v4 =	vld.idx.msk [tilespmem:v26+s14+$0x0], $0xffff  }
0x1f2: {  	v34 =	vld.idx.msk [tilespmem:v29+s13+$0x0], $0xffff;
	v2 =	vadd.f32 v3, v2;
	v3 =	vmul.f32 v28, v27  }
0x1f3: {  	v35 =	vld.idx.msk [tilespmem:v29+s14+$0x0], $0xffff;
	v36 =	vor.u32 $0x60, v1  }
0x1f4: {  	v37 =	vld.idx.msk [tilespmem:v31+s13+$0x0], $0xffff;
	v2 =	vadd.f32 v3, v2;
	v3 =	vmul.f32 v5, v30  }
0x1f5: {  	v38 =	vor.u32 $0x61, v1;
	v5 =	vld.idx.msk [tilespmem:v31+s14+$0x0], $0xffff  }
0x1f6: {  	v39 =	vld.idx.msk [tilespmem:v33+s13+$0x0], $0xffff;
	v2 =	vadd.f32 v3, v2;
	v3 =	vmul.f32 v4, v32  }
0x1f7: {  	v40 =	vor.u32 $0x62, v1;
	v4 =	vld.idx.msk [tilespmem:v33+s14+$0x0], $0xffff  }
0x1f8: {  	v41 =	vld.idx.msk [tilespmem:v36+s13+$0x0], $0xffff;
	v2 =	vadd.f32 v3, v2;
	v3 =	vmul.f32 v35, v34  }
0x1f9: {  	v42 =	vld.idx.msk [tilespmem:v36+s14+$0x0], $0xffff;
	v43 =	vor.u32 $0x63, v1  }
0x1fa: {  	v44 =	vld.idx.msk [tilespmem:v38+s13+$0x0], $0xffff;
	v2 =	vadd.f32 v3, v2;
	v3 =	vmul.f32 v5, v37  }
0x1fb: {  	v45 =	vor.u32 $0x64, v1;
	v5 =	vld.idx.msk [tilespmem:v38+s14+$0x0], $0xffff  }
0x1fc: {  	v46 =	vld.idx.msk [tilespmem:v40+s13+$0x0], $0xffff;
	v2 =	vadd.f32 v3, v2;
	v3 =	vmul.f32 v4, v39  }
0x1fd: {  	v47 =	vor.u32 $0x65, v1;
	v4 =	vld.idx.msk [tilespmem:v40+s14+$0x0], $0xffff  }
0x1fe: {  	v48 =	vld.idx.msk [tilespmem:v43+s13+$0x0], $0xffff;
	v2 =	vadd.f32 v3, v2;
	v3 =	vmul.f32 v42, v41  }
0x1ff: {  	v49 =	vld.idx.msk [tilespmem:v43+s14+$0x0], $0xffff;
	v50 =	vor.u32 $0x66, v1  }
0x200: {  	v51 =	vld.idx.msk [tilespmem:v45+s13+$0x0], $0xffff;
	v2 =	vadd.f32 v3, v2;
	v3 =	vmul.f32 v5, v44  }
0x201: {  	v52 =	vor.u32 $0x67, v1;
	v5 =	vld.idx.msk [tilespmem:v45+s14+$0x0], $0xffff  }
0x202: {  	v53 =	vld.idx.msk [tilespmem:v47+s13+$0x0], $0xffff;
	v2 =	vadd.f32 v3, v2;
	v3 =	vmul.f32 v4, v46  }
0x203: {  	v54 =	vor.u32 $0x68, v1;
	v4 =	vld.idx.msk [tilespmem:v47+s14+$0x0], $0xffff  }
0x204: {  	v55 =	vld.idx.msk [tilespmem:v50+s13+$0x0], $0xffff;
	v2 =	vadd.f32 v3, v2;
	v3 =	vmul.f32 v49, v48  }
0x205: {  	v56 =	vld.idx.msk [tilespmem:v50+s14+$0x0], $0xffff;
	v57 =	vor.u32 $0x69, v1  }
0x206: {  	v58 =	vld.idx.msk [tilespmem:v52+s13+$0x0], $0xffff;
	v2 =	vadd.f32 v3, v2;
	v3 =	vmul.f32 v5, v51  }
0x207: {  	v59 =	vor.u32 $0x6A, v1;
	v5 =	vld.idx.msk [tilespmem:v52+s14+$0x0], $0xffff  }
0x208: {  	v60 =	vld.idx.msk [tilespmem:v54+s13+$0x0], $0xffff;
	v2 =	vadd.f32 v3, v2;
	v3 =	vmul.f32 v4, v53  }
0x209: {  	v61 =	vor.u32 $0x6B, v1;
	v4 =	vld.idx.msk [tilespmem:v54+s14+$0x0], $0xffff  }
0x20a: {  	v62 =	vld.idx.msk [tilespmem:v57+s13+$0x0], $0xffff;
	v2 =	vadd.f32 v3, v2;
	v3 =	vmul.f32 v56, v55  }
0x20b: {  	v63 =	vld.idx.msk [tilespmem:v57+s14+$0x0], $0xffff;
	v16 =	vor.u32 $0x6C, v1  }
0x20c: {  	v17 =	vld.idx.msk [tilespmem:v59+s13+$0x0], $0xffff;
	v2 =	vadd.f32 v3, v2;
	v3 =	vmul.f32 v5, v58  }
0x20d: {  	v18 =	vor.u32 $0x6D, v1;
	v5 =	vld.idx.msk [tilespmem:v59+s14+$0x0], $0xffff  }
0x20e: {  	v19 =	vld.idx.msk [tilespmem:v61+s13+$0x0], $0xffff;
	v2 =	vadd.f32 v3, v2;
	v3 =	vmul.f32 v4, v60  }
0x20f: {  	v20 =	vor.u32 $0x6E, v1;
	v4 =	vld.idx.msk [tilespmem:v61+s14+$0x0], $0xffff  }
0x210: {  	v21 =	vld.idx.msk [tilespmem:v16+s13+$0x0], $0xffff;
	v2 =	vadd.f32 v3, v2;
	v3 =	vmul.f32 v63, v62  }
0x211: {  	v22 =	vld.idx.msk [tilespmem:v16+s14+$0x0], $0xffff;
	v23 =	vor.u32 $0x6F, v1  }
0x212: {  	v24 =	vld.idx.msk [tilespmem:v18+s13+$0x0], $0xffff;
	v2 =	vadd.f32 v3, v2;
	v3 =	vmul.f32 v5, v17  }
0x213: {  	v25 =	vor.u32 $0x70, v1;
	v5 =	vld.idx.msk [tilespmem:v18+s14+$0x0], $0xffff  }
0x214: {  	v26 =	vld.idx.msk [tilespmem:v20+s13+$0x0], $0xffff;
	v2 =	vadd.f32 v3, v2;
	v3 =	vmul.f32 v4, v19  }
0x215: {  	v27 =	vor.u32 $0x71, v1;
	v4 =	vld.idx.msk [tilespmem:v20+s14+$0x0], $0xffff  }
0x216: {  	v28 =	vld.idx.msk [tilespmem:v23+s13+$0x0], $0xffff;
	v2 =	vadd.f32 v3, v2;
	v3 =	vmul.f32 v22, v21  }
0x217: {  	v29 =	vld.idx.msk [tilespmem:v23+s14+$0x0], $0xffff;
	v30 =	vor.u32 $0x72, v1  }
0x218: {  	v31 =	vld.idx.msk [tilespmem:v25+s13+$0x0], $0xffff;
	v2 =	vadd.f32 v3, v2;
	v3 =	vmul.f32 v5, v24  }
0x219: {  	v32 =	vor.u32 $0x73, v1;
	v5 =	vld.idx.msk [tilespmem:v25+s14+$0x0], $0xffff  }
0x21a: {  	v33 =	vld.idx.msk [tilespmem:v27+s13+$0x0], $0xffff;
	v2 =	vadd.f32 v3, v2;
	v3 =	vmul.f32 v4, v26  }
0x21b: {  	v34 =	vor.u32 $0x74, v1;
	v4 =	vld.idx.msk [tilespmem:v27+s14+$0x0], $0xffff  }
0x21c: {  	v35 =	vld.idx.msk [tilespmem:v30+s13+$0x0], $0xffff;
	v2 =	vadd.f32 v3, v2;
	v3 =	vmul.f32 v29, v28  }
0x21d: {  	v36 =	vld.idx.msk [tilespmem:v30+s14+$0x0], $0xffff;
	v37 =	vor.u32 $0x75, v1  }
0x21e: {  	v38 =	vld.idx.msk [tilespmem:v32+s13+$0x0], $0xffff;
	v2 =	vadd.f32 v3, v2;
	v3 =	vmul.f32 v5, v31  }
0x21f: {  	v39 =	vor.u32 $0x76, v1;
	v5 =	vld.idx.msk [tilespmem:v32+s14+$0x0], $0xffff  }
0x220: {  	v40 =	vld.idx.msk [tilespmem:v34+s13+$0x0], $0xffff;
	v2 =	vadd.f32 v3, v2;
	v3 =	vmul.f32 v4, v33  }
0x221: {  	v41 =	vor.u32 $0x77, v1;
	v4 =	vld.idx.msk [tilespmem:v34+s14+$0x0], $0xffff  }
0x222: {  	v42 =	vld.idx.msk [tilespmem:v37+s13+$0x0], $0xffff;
	v2 =	vadd.f32 v3, v2;
	v3 =	vmul.f32 v36, v35  }
0x223: {  	v43 =	vld.idx.msk [tilespmem:v37+s14+$0x0], $0xffff;
	v44 =	vor.u32 $0x78, v1  }
0x224: {  	v45 =	vld.idx.msk [tilespmem:v39+s13+$0x0], $0xffff;
	v2 =	vadd.f32 v3, v2;
	v3 =	vmul.f32 v5, v38  }
0x225: {  	v46 =	vor.u32 $0x79, v1;
	v5 =	vld.idx.msk [tilespmem:v39+s14+$0x0], $0xffff  }
0x226: {  	v47 =	vld.idx.msk [tilespmem:v41+s13+$0x0], $0xffff;
	v2 =	vadd.f32 v3, v2;
	v3 =	vmul.f32 v4, v40  }
0x227: {  	v48 =	vor.u32 $0x7A, v1;
	v4 =	vld.idx.msk [tilespmem:v41+s14+$0x0], $0xffff  }
0x228: {  	v49 =	vld.idx.msk [tilespmem:v44+s13+$0x0], $0xffff;
	v2 =	vadd.f32 v3, v2;
	v3 =	vmul.f32 v43, v42  }
0x229: {  	v50 =	vld.idx.msk [tilespmem:v44+s14+$0x0], $0xffff;
	v51 =	vor.u32 $0x7B, v1  }
0x22a: {  	v52 =	vld.idx.msk [tilespmem:v46+s13+$0x0], $0xffff;
	v2 =	vadd.f32 v3, v2;
	v3 =	vmul.f32 v5, v45  }
0x22b: {  	v53 =	vor.u32 $0x7C, v1;
	v5 =	vld.idx.msk [tilespmem:v46+s14+$0x0], $0xffff  }
0x22c: {  	v54 =	vld.idx.msk [tilespmem:v48+s13+$0x0], $0xffff;
	v2 =	vadd.f32 v3, v2;
	v3 =	vmul.f32 v4, v47  }
0x22d: {  	v55 =	vor.u32 $0x7D, v1;
	v4 =	vld.idx.msk [tilespmem:v48+s14+$0x0], $0xffff  }
0x22e: {  	v56 =	vld.idx.msk [tilespmem:v51+s13+$0x0], $0xffff;
	v2 =	vadd.f32 v3, v2;
	v3 =	vmul.f32 v50, v49  }
0x22f: {  	v57 =	vld.idx.msk [tilespmem:v51+s14+$0x0], $0xffff;
	v58 =	vor.u32 $0x7E, v1  }
0x230: {  	v59 =	vld.idx.msk [tilespmem:v53+s13+$0x0], $0xffff;
	v2 =	vadd.f32 v3, v2;
	v3 =	vmul.f32 v5, v52  }
0x231: {  	v1 =	vor.u32 $0x7F, v1;
	v5 =	vld.idx.msk [tilespmem:v53+s14+$0x0], $0xffff  }
0x232: {  	v60 =	vld.idx.msk [tilespmem:v55+s13+$0x0], $0xffff;
	v2 =	vadd.f32 v3, v2;
	v3 =	vmul.f32 v4, v54  }
0x233: {  	v4 =	vld.idx.msk [tilespmem:v55+s14+$0x0], $0xffff  }
0x234: {  	v61 =	vld.idx.msk [tilespmem:v58+s13+$0x0], $0xffff;
	v2 =	vadd.f32 v3, v2;
	v3 =	vmul.f32 v57, v56  }
0x235: {  	v62 =	vld.idx.msk [tilespmem:v58+s14+$0x0], $0xffff  }
0x236: {  	v63 =	vld.idx.msk [tilespmem:v1+s13+$0x0], $0xffff;
	v2 =	vadd.f32 v3, v2;
	v3 =	vmul.f32 v5, v59  }
0x237: {  	v5 =	vld.idx.msk [tilespmem:v1+s14+$0x0], $0xffff  }
0x238: {  	v1 =	vadd.f32 v3, v2;
	v2 =	vmul.f32 v4, v60  }
0x239: {  	s31 =	simm.s32 $0x20  }
0x23a: {  	v3 =	vmov s31;
	v4 =	vmul.f32 v62, v61;
	v2 =	vadd.f32 v2, v1  }
0x23b: {  	v1 =	vshll.u32 v3, $0x7  }
0x23c: {  	s23 =	simm.s32 $0x30;
	v1 =	vor.u32 v0, v1;
	v3 =	vmul.f32 v5, v63;
	v2 =	vadd.f32 v4, v2  }
.LBB2_4:
0x23d: {  	p0 =	sne.s32 s23, $0x70  }
0x23e: {  	v4 =	vor.u32 $0x1, v1;
	v2 =	vadd.f32 v3, v2  }
0x23f: {  	s22 =	sadd.s32 $0x10, s22  }
0x240: {  	v3 =	vor.u32 $0x2, v1;
	[tilespmem:s22+$0x0] =	vst v2  }
0x241: {  	v2 =	vld.idx.msk [tilespmem:v1+s14+$0x0], $0xffff  }
0x242: {  	v6 =	vor.u32 $0x3, v1;
	v5 =	vld.idx.msk [tilespmem:v1+s13+$0x0], $0xffff  }
0x243: {  	v7 =	vld.idx.msk [tilespmem:v4+s13+$0x0], $0xffff  }
0x244: {  	v8 =	vor.u32 $0x4, v1;
	v4 =	vld.idx.msk [tilespmem:v4+s14+$0x0], $0xffff  }
0x245: {  	v9 =	vld.idx.msk [tilespmem:v3+s13+$0x0], $0xffff  }
0x246: {  	v10 =	vor.u32 $0x5, v1;
	v3 =	vld.idx.msk [tilespmem:v3+s14+$0x0], $0xffff  }
0x247: {  	v11 =	vld.idx.msk [tilespmem:v6+s13+$0x0], $0xffff  }
0x248: {  	v12 =	vor.u32 $0x6, v1;
	v6 =	vld.idx.msk [tilespmem:v6+s14+$0x0], $0xffff  }
0x249: {  	v13 =	vld.idx.msk [tilespmem:v8+s13+$0x0], $0xffff  }
0x24a: {  	v2 =	vmul.f32 v2, v5;
	v4 =	vmul.f32 v4, v7;
	v7 =	vor.u32 $0x7, v1;
	v5 =	vld.idx.msk [tilespmem:v8+s14+$0x0], $0xffff  }
0x24b: {  	v8 =	vld.idx.msk [tilespmem:v10+s13+$0x0], $0xffff  }
0x24c: {  	v2 =	vadd.f32 v4, v2;
	v3 =	vmul.f32 v3, v9;
	v9 =	vor.u32 $0x8, v1;
	v4 =	vld.idx.msk [tilespmem:v10+s14+$0x0], $0xffff  }
0x24d: {  	v10 =	vld.idx.msk [tilespmem:v12+s13+$0x0], $0xffff  }
0x24e: {  	v2 =	vadd.f32 v3, v2;
	v3 =	vmul.f32 v6, v11;
	v11 =	vor.u32 $0x9, v1;
	v6 =	vld.idx.msk [tilespmem:v12+s14+$0x0], $0xffff  }
0x24f: {  	v12 =	vld.idx.msk [tilespmem:v7+s13+$0x0], $0xffff  }
0x250: {  	v2 =	vadd.f32 v3, v2;
	v3 =	vmul.f32 v5, v13;
	v5 =	vld.idx.msk [tilespmem:v7+s14+$0x0], $0xffff;
	v7 =	vor.u32 $0xA, v1  }
0x251: {  	v13 =	vld.idx.msk [tilespmem:v9+s13+$0x0], $0xffff  }
0x252: {  	v2 =	vadd.f32 v3, v2;
	v3 =	vmul.f32 v4, v8;
	v8 =	vor.u32 $0xB, v1;
	v4 =	vld.idx.msk [tilespmem:v9+s14+$0x0], $0xffff  }
0x253: {  	v9 =	vld.idx.msk [tilespmem:v11+s13+$0x0], $0xffff  }
0x254: {  	v2 =	vadd.f32 v3, v2;
	v3 =	vmul.f32 v6, v10;
	v10 =	vor.u32 $0xC, v1;
	v6 =	vld.idx.msk [tilespmem:v11+s14+$0x0], $0xffff  }
0x255: {  	v11 =	vld.idx.msk [tilespmem:v7+s13+$0x0], $0xffff  }
0x256: {  	v2 =	vadd.f32 v3, v2;
	v3 =	vmul.f32 v5, v12;
	v5 =	vld.idx.msk [tilespmem:v7+s14+$0x0], $0xffff;
	v7 =	vor.u32 $0xD, v1  }
0x257: {  	v12 =	vld.idx.msk [tilespmem:v8+s13+$0x0], $0xffff  }
0x258: {  	v2 =	vadd.f32 v3, v2;
	v3 =	vmul.f32 v4, v13;
	v4 =	vld.idx.msk [tilespmem:v8+s14+$0x0], $0xffff;
	v8 =	vor.u32 $0xE, v1  }
0x259: {  	v13 =	vld.idx.msk [tilespmem:v10+s13+$0x0], $0xffff  }
0x25a: {  	v2 =	vadd.f32 v3, v2;
	v3 =	vmul.f32 v6, v9;
	v9 =	vor.u32 $0xF, v1;
	v6 =	vld.idx.msk [tilespmem:v10+s14+$0x0], $0xffff  }
0x25b: {  	v10 =	vld.idx.msk [tilespmem:v7+s13+$0x0], $0xffff  }
0x25c: {  	v2 =	vadd.f32 v3, v2;
	v3 =	vmul.f32 v5, v11;
	v5 =	vld.idx.msk [tilespmem:v7+s14+$0x0], $0xffff;
	v7 =	vor.u32 $0x10, v1  }
0x25d: {  	v11 =	vld.idx.msk [tilespmem:v8+s13+$0x0], $0xffff  }
0x25e: {  	v2 =	vadd.f32 v3, v2;
	v3 =	vmul.f32 v4, v12;
	v4 =	vld.idx.msk [tilespmem:v8+s14+$0x0], $0xffff;
	v8 =	vor.u32 $0x11, v1  }
0x25f: {  	v12 =	vld.idx.msk [tilespmem:v9+s13+$0x0], $0xffff  }
0x260: {  	v2 =	vadd.f32 v3, v2;
	v3 =	vmul.f32 v6, v13;
	v6 =	vld.idx.msk [tilespmem:v9+s14+$0x0], $0xffff;
	v9 =	vor.u32 $0x12, v1  }
0x261: {  	v13 =	vld.idx.msk [tilespmem:v7+s13+$0x0], $0xffff  }
0x262: {  	v2 =	vadd.f32 v3, v2;
	v3 =	vmul.f32 v5, v10;
	v5 =	vld.idx.msk [tilespmem:v7+s14+$0x0], $0xffff;
	v7 =	vor.u32 $0x13, v1  }
0x263: {  	v10 =	vld.idx.msk [tilespmem:v8+s13+$0x0], $0xffff  }
0x264: {  	v2 =	vadd.f32 v3, v2;
	v3 =	vmul.f32 v4, v11;
	v4 =	vld.idx.msk [tilespmem:v8+s14+$0x0], $0xffff;
	v8 =	vor.u32 $0x14, v1  }
0x265: {  	v11 =	vld.idx.msk [tilespmem:v9+s13+$0x0], $0xffff  }
0x266: {  	v2 =	vadd.f32 v3, v2;
	v3 =	vmul.f32 v6, v12;
	v6 =	vld.idx.msk [tilespmem:v9+s14+$0x0], $0xffff;
	v9 =	vor.u32 $0x15, v1  }
0x267: {  	v12 =	vld.idx.msk [tilespmem:v7+s13+$0x0], $0xffff  }
0x268: {  	v2 =	vadd.f32 v3, v2;
	v3 =	vmul.f32 v5, v13;
	v5 =	vld.idx.msk [tilespmem:v7+s14+$0x0], $0xffff;
	v7 =	vor.u32 $0x16, v1  }
0x269: {  	v13 =	vld.idx.msk [tilespmem:v8+s13+$0x0], $0xffff  }
0x26a: {  	v2 =	vadd.f32 v3, v2;
	v3 =	vmul.f32 v4, v10;
	v4 =	vld.idx.msk [tilespmem:v8+s14+$0x0], $0xffff;
	v8 =	vor.u32 $0x17, v1  }
0x26b: {  	v10 =	vld.idx.msk [tilespmem:v9+s13+$0x0], $0xffff  }
0x26c: {  	v2 =	vadd.f32 v3, v2;
	v3 =	vmul.f32 v6, v11;
	v6 =	vld.idx.msk [tilespmem:v9+s14+$0x0], $0xffff;
	v9 =	vor.u32 $0x18, v1  }
0x26d: {  	v11 =	vld.idx.msk [tilespmem:v7+s13+$0x0], $0xffff  }
0x26e: {  	v2 =	vadd.f32 v3, v2;
	v3 =	vmul.f32 v5, v12;
	v5 =	vld.idx.msk [tilespmem:v7+s14+$0x0], $0xffff;
	v7 =	vor.u32 $0x19, v1  }
0x26f: {  	v12 =	vld.idx.msk [tilespmem:v8+s13+$0x0], $0xffff  }
0x270: {  	v2 =	vadd.f32 v3, v2;
	v3 =	vmul.f32 v4, v13;
	v4 =	vld.idx.msk [tilespmem:v8+s14+$0x0], $0xffff;
	v8 =	vor.u32 $0x1A, v1  }
0x271: {  	v13 =	vld.idx.msk [tilespmem:v9+s13+$0x0], $0xffff  }
0x272: {  	v2 =	vadd.f32 v3, v2;
	v3 =	vmul.f32 v6, v10;
	v6 =	vld.idx.msk [tilespmem:v9+s14+$0x0], $0xffff;
	v9 =	vor.u32 $0x1B, v1  }
0x273: {  	v10 =	vld.idx.msk [tilespmem:v7+s13+$0x0], $0xffff  }
0x274: {  	v2 =	vadd.f32 v3, v2;
	v3 =	vmul.f32 v5, v11;
	v5 =	vld.idx.msk [tilespmem:v7+s14+$0x0], $0xffff;
	v7 =	vor.u32 $0x1C, v1  }
0x275: {  	v11 =	vld.idx.msk [tilespmem:v8+s13+$0x0], $0xffff  }
0x276: {  	v2 =	vadd.f32 v3, v2;
	v3 =	vmul.f32 v4, v12;
	v4 =	vld.idx.msk [tilespmem:v8+s14+$0x0], $0xffff;
	v8 =	vor.u32 $0x1D, v1  }
0x277: {  	v12 =	vld.idx.msk [tilespmem:v9+s13+$0x0], $0xffff  }
0x278: {  	v2 =	vadd.f32 v3, v2;
	v3 =	vmul.f32 v6, v13;
	v6 =	vld.idx.msk [tilespmem:v9+s14+$0x0], $0xffff;
	v9 =	vor.u32 $0x1E, v1  }
0x279: {  	v13 =	vld.idx.msk [tilespmem:v7+s13+$0x0], $0xffff  }
0x27a: {  	v2 =	vadd.f32 v3, v2;
	v3 =	vmul.f32 v5, v10;
	v5 =	vld.idx.msk [tilespmem:v7+s14+$0x0], $0xffff;
	v7 =	vor.u32 $0x1F, v1  }
0x27b: {  	v10 =	vld.idx.msk [tilespmem:v8+s13+$0x0], $0xffff  }
0x27c: {  	v2 =	vadd.f32 v3, v2;
	v3 =	vmul.f32 v4, v11;
	v4 =	vld.idx.msk [tilespmem:v8+s14+$0x0], $0xffff;
	v8 =	vor.u32 $0x20, v1  }
0x27d: {  	v11 =	vld.idx.msk [tilespmem:v9+s13+$0x0], $0xffff  }
0x27e: {  	v2 =	vadd.f32 v3, v2;
	v3 =	vmul.f32 v6, v12;
	v6 =	vld.idx.msk [tilespmem:v9+s14+$0x0], $0xffff;
	v9 =	vor.u32 $0x21, v1  }
0x27f: {  	v12 =	vld.idx.msk [tilespmem:v7+s13+$0x0], $0xffff  }
0x280: {  	v2 =	vadd.f32 v3, v2;
	v3 =	vmul.f32 v5, v13;
	v5 =	vld.idx.msk [tilespmem:v7+s14+$0x0], $0xffff;
	v7 =	vor.u32 $0x22, v1  }
0x281: {  	v13 =	vld.idx.msk [tilespmem:v8+s13+$0x0], $0xffff  }
0x282: {  	v2 =	vadd.f32 v3, v2;
	v3 =	vmul.f32 v4, v10;
	v4 =	vld.idx.msk [tilespmem:v8+s14+$0x0], $0xffff;
	v8 =	vor.u32 $0x23, v1  }
0x283: {  	v10 =	vld.idx.msk [tilespmem:v9+s13+$0x0], $0xffff  }
0x284: {  	v2 =	vadd.f32 v3, v2;
	v3 =	vmul.f32 v6, v11;
	v6 =	vld.idx.msk [tilespmem:v9+s14+$0x0], $0xffff;
	v9 =	vor.u32 $0x24, v1  }
0x285: {  	v11 =	vld.idx.msk [tilespmem:v7+s13+$0x0], $0xffff  }
0x286: {  	v2 =	vadd.f32 v3, v2;
	v3 =	vmul.f32 v5, v12;
	v5 =	vld.idx.msk [tilespmem:v7+s14+$0x0], $0xffff;
	v7 =	vor.u32 $0x25, v1  }
0x287: {  	v12 =	vld.idx.msk [tilespmem:v8+s13+$0x0], $0xffff  }
0x288: {  	v2 =	vadd.f32 v3, v2;
	v3 =	vmul.f32 v4, v13;
	v4 =	vld.idx.msk [tilespmem:v8+s14+$0x0], $0xffff;
	v8 =	vor.u32 $0x26, v1  }
0x289: {  	v13 =	vld.idx.msk [tilespmem:v9+s13+$0x0], $0xffff  }
0x28a: {  	v2 =	vadd.f32 v3, v2;
	v3 =	vmul.f32 v6, v10;
	v6 =	vld.idx.msk [tilespmem:v9+s14+$0x0], $0xffff;
	v9 =	vor.u32 $0x27, v1  }
0x28b: {  	v10 =	vld.idx.msk [tilespmem:v7+s13+$0x0], $0xffff  }
0x28c: {  	v2 =	vadd.f32 v3, v2;
	v3 =	vmul.f32 v5, v11;
	v5 =	vld.idx.msk [tilespmem:v7+s14+$0x0], $0xffff;
	v7 =	vor.u32 $0x28, v1  }
0x28d: {  	v11 =	vld.idx.msk [tilespmem:v8+s13+$0x0], $0xffff  }
0x28e: {  	v2 =	vadd.f32 v3, v2;
	v3 =	vmul.f32 v4, v12;
	v4 =	vld.idx.msk [tilespmem:v8+s14+$0x0], $0xffff;
	v8 =	vor.u32 $0x29, v1  }
0x28f: {  	v12 =	vld.idx.msk [tilespmem:v9+s13+$0x0], $0xffff  }
0x290: {  	v2 =	vadd.f32 v3, v2;
	v3 =	vmul.f32 v6, v13;
	v6 =	vld.idx.msk [tilespmem:v9+s14+$0x0], $0xffff;
	v9 =	vor.u32 $0x2A, v1  }
0x291: {  	v13 =	vld.idx.msk [tilespmem:v7+s13+$0x0], $0xffff  }
0x292: {  	v2 =	vadd.f32 v3, v2;
	v3 =	vmul.f32 v5, v10;
	v5 =	vld.idx.msk [tilespmem:v7+s14+$0x0], $0xffff;
	v7 =	vor.u32 $0x2B, v1  }
0x293: {  	v10 =	vld.idx.msk [tilespmem:v8+s13+$0x0], $0xffff  }
0x294: {  	v2 =	vadd.f32 v3, v2;
	v3 =	vmul.f32 v4, v11;
	v4 =	vld.idx.msk [tilespmem:v8+s14+$0x0], $0xffff;
	v8 =	vor.u32 $0x2C, v1  }
0x295: {  	v11 =	vld.idx.msk [tilespmem:v9+s13+$0x0], $0xffff  }
0x296: {  	v2 =	vadd.f32 v3, v2;
	v3 =	vmul.f32 v6, v12;
	v6 =	vld.idx.msk [tilespmem:v9+s14+$0x0], $0xffff;
	v9 =	vor.u32 $0x2D, v1  }
0x297: {  	v12 =	vld.idx.msk [tilespmem:v7+s13+$0x0], $0xffff  }
0x298: {  	v2 =	vadd.f32 v3, v2;
	v3 =	vmul.f32 v5, v13;
	v5 =	vld.idx.msk [tilespmem:v7+s14+$0x0], $0xffff;
	v7 =	vor.u32 $0x2E, v1  }
0x299: {  	v13 =	vld.idx.msk [tilespmem:v8+s13+$0x0], $0xffff  }
0x29a: {  	v2 =	vadd.f32 v3, v2;
	v3 =	vmul.f32 v4, v10;
	v4 =	vld.idx.msk [tilespmem:v8+s14+$0x0], $0xffff;
	v8 =	vor.u32 $0x2F, v1  }
0x29b: {  	v10 =	vld.idx.msk [tilespmem:v9+s13+$0x0], $0xffff  }
0x29c: {  	v2 =	vadd.f32 v3, v2;
	v3 =	vmul.f32 v6, v11;
	v6 =	vld.idx.msk [tilespmem:v9+s14+$0x0], $0xffff;
	v9 =	vor.u32 $0x30, v1  }
0x29d: {  	v11 =	vld.idx.msk [tilespmem:v7+s13+$0x0], $0xffff  }
0x29e: {  	v2 =	vadd.f32 v3, v2;
	v3 =	vmul.f32 v5, v12;
	v5 =	vld.idx.msk [tilespmem:v7+s14+$0x0], $0xffff;
	v7 =	vor.u32 $0x31, v1  }
0x29f: {  	v12 =	vld.idx.msk [tilespmem:v8+s13+$0x0], $0xffff  }
0x2a0: {  	v2 =	vadd.f32 v3, v2;
	v3 =	vmul.f32 v4, v13;
	v4 =	vld.idx.msk [tilespmem:v8+s14+$0x0], $0xffff;
	v8 =	vor.u32 $0x32, v1  }
0x2a1: {  	v13 =	vld.idx.msk [tilespmem:v9+s13+$0x0], $0xffff  }
0x2a2: {  	v2 =	vadd.f32 v3, v2;
	v3 =	vmul.f32 v6, v10;
	v6 =	vld.idx.msk [tilespmem:v9+s14+$0x0], $0xffff;
	v9 =	vor.u32 $0x33, v1  }
0x2a3: {  	v10 =	vld.idx.msk [tilespmem:v7+s13+$0x0], $0xffff  }
0x2a4: {  	v2 =	vadd.f32 v3, v2;
	v3 =	vmul.f32 v5, v11;
	v5 =	vld.idx.msk [tilespmem:v7+s14+$0x0], $0xffff;
	v7 =	vor.u32 $0x34, v1  }
0x2a5: {  	v11 =	vld.idx.msk [tilespmem:v8+s13+$0x0], $0xffff  }
0x2a6: {  	v2 =	vadd.f32 v3, v2;
	v3 =	vmul.f32 v4, v12;
	v4 =	vld.idx.msk [tilespmem:v8+s14+$0x0], $0xffff;
	v8 =	vor.u32 $0x35, v1  }
0x2a7: {  	v12 =	vld.idx.msk [tilespmem:v9+s13+$0x0], $0xffff  }
0x2a8: {  	v2 =	vadd.f32 v3, v2;
	v3 =	vmul.f32 v6, v13;
	v6 =	vld.idx.msk [tilespmem:v9+s14+$0x0], $0xffff;
	v9 =	vor.u32 $0x36, v1  }
0x2a9: {  	v13 =	vld.idx.msk [tilespmem:v7+s13+$0x0], $0xffff  }
0x2aa: {  	v2 =	vadd.f32 v3, v2;
	v3 =	vmul.f32 v5, v10;
	v5 =	vld.idx.msk [tilespmem:v7+s14+$0x0], $0xffff;
	v7 =	vor.u32 $0x37, v1  }
0x2ab: {  	v10 =	vld.idx.msk [tilespmem:v8+s13+$0x0], $0xffff  }
0x2ac: {  	v2 =	vadd.f32 v3, v2;
	v3 =	vmul.f32 v4, v11;
	v4 =	vld.idx.msk [tilespmem:v8+s14+$0x0], $0xffff;
	v8 =	vor.u32 $0x38, v1  }
0x2ad: {  	v11 =	vld.idx.msk [tilespmem:v9+s13+$0x0], $0xffff  }
0x2ae: {  	v2 =	vadd.f32 v3, v2;
	v3 =	vmul.f32 v6, v12;
	v6 =	vld.idx.msk [tilespmem:v9+s14+$0x0], $0xffff;
	v9 =	vor.u32 $0x39, v1  }
0x2af: {  	v12 =	vld.idx.msk [tilespmem:v7+s13+$0x0], $0xffff  }
0x2b0: {  	v2 =	vadd.f32 v3, v2;
	v3 =	vmul.f32 v5, v13;
	v5 =	vld.idx.msk [tilespmem:v7+s14+$0x0], $0xffff;
	v7 =	vor.u32 $0x3A, v1  }
0x2b1: {  	v13 =	vld.idx.msk [tilespmem:v8+s13+$0x0], $0xffff  }
0x2b2: {  	v2 =	vadd.f32 v3, v2;
	v3 =	vmul.f32 v4, v10;
	v4 =	vld.idx.msk [tilespmem:v8+s14+$0x0], $0xffff;
	v8 =	vor.u32 $0x3B, v1  }
0x2b3: {  	v10 =	vld.idx.msk [tilespmem:v9+s13+$0x0], $0xffff  }
0x2b4: {  	v2 =	vadd.f32 v3, v2;
	v3 =	vmul.f32 v6, v11;
	v6 =	vld.idx.msk [tilespmem:v9+s14+$0x0], $0xffff;
	v9 =	vor.u32 $0x3C, v1  }
0x2b5: {  	v11 =	vld.idx.msk [tilespmem:v7+s13+$0x0], $0xffff  }
0x2b6: {  	v2 =	vadd.f32 v3, v2;
	v3 =	vmul.f32 v5, v12;
	v5 =	vld.idx.msk [tilespmem:v7+s14+$0x0], $0xffff;
	v7 =	vor.u32 $0x3D, v1  }
0x2b7: {  	v12 =	vld.idx.msk [tilespmem:v8+s13+$0x0], $0xffff  }
0x2b8: {  	v2 =	vadd.f32 v3, v2;
	v3 =	vmul.f32 v4, v13;
	v4 =	vld.idx.msk [tilespmem:v8+s14+$0x0], $0xffff;
	v8 =	vor.u32 $0x3E, v1  }
0x2b9: {  	v13 =	vld.idx.msk [tilespmem:v9+s13+$0x0], $0xffff  }
0x2ba: {  	v2 =	vadd.f32 v3, v2;
	v3 =	vmul.f32 v6, v10;
	v6 =	vld.idx.msk [tilespmem:v9+s14+$0x0], $0xffff;
	v9 =	vor.u32 $0x3F, v1  }
0x2bb: {  	v10 =	vld.idx.msk [tilespmem:v7+s13+$0x0], $0xffff  }
0x2bc: {  	v2 =	vadd.f32 v3, v2;
	v3 =	vmul.f32 v5, v11;
	v5 =	vld.idx.msk [tilespmem:v7+s14+$0x0], $0xffff;
	v7 =	vor.u32 $0x40, v1  }
0x2bd: {  	v11 =	vld.idx.msk [tilespmem:v8+s13+$0x0], $0xffff  }
0x2be: {  	v2 =	vadd.f32 v3, v2;
	v3 =	vmul.f32 v4, v12;
	v4 =	vld.idx.msk [tilespmem:v8+s14+$0x0], $0xffff;
	v8 =	vor.u32 $0x41, v1  }
0x2bf: {  	v12 =	vld.idx.msk [tilespmem:v9+s13+$0x0], $0xffff  }
0x2c0: {  	v2 =	vadd.f32 v3, v2;
	v3 =	vmul.f32 v6, v13;
	v6 =	vld.idx.msk [tilespmem:v9+s14+$0x0], $0xffff;
	v9 =	vor.u32 $0x42, v1  }
0x2c1: {  	v13 =	vld.idx.msk [tilespmem:v7+s13+$0x0], $0xffff  }
0x2c2: {  	v2 =	vadd.f32 v3, v2;
	v3 =	vmul.f32 v5, v10;
	v5 =	vld.idx.msk [tilespmem:v7+s14+$0x0], $0xffff;
	v7 =	vor.u32 $0x43, v1  }
0x2c3: {  	v10 =	vld.idx.msk [tilespmem:v8+s13+$0x0], $0xffff  }
0x2c4: {  	v2 =	vadd.f32 v3, v2;
	v3 =	vmul.f32 v4, v11;
	v4 =	vld.idx.msk [tilespmem:v8+s14+$0x0], $0xffff;
	v8 =	vor.u32 $0x44, v1  }
0x2c5: {  	v11 =	vld.idx.msk [tilespmem:v9+s13+$0x0], $0xffff  }
0x2c6: {  	v2 =	vadd.f32 v3, v2;
	v3 =	vmul.f32 v6, v12;
	v6 =	vld.idx.msk [tilespmem:v9+s14+$0x0], $0xffff;
	v9 =	vor.u32 $0x45, v1  }
0x2c7: {  	v12 =	vld.idx.msk [tilespmem:v7+s13+$0x0], $0xffff  }
0x2c8: {  	v2 =	vadd.f32 v3, v2;
	v3 =	vmul.f32 v5, v13;
	v5 =	vld.idx.msk [tilespmem:v7+s14+$0x0], $0xffff;
	v7 =	vor.u32 $0x46, v1  }
0x2c9: {  	v13 =	vld.idx.msk [tilespmem:v8+s13+$0x0], $0xffff  }
0x2ca: {  	v2 =	vadd.f32 v3, v2;
	v3 =	vmul.f32 v4, v10;
	v4 =	vld.idx.msk [tilespmem:v8+s14+$0x0], $0xffff;
	v8 =	vor.u32 $0x47, v1  }
0x2cb: {  	v10 =	vld.idx.msk [tilespmem:v9+s13+$0x0], $0xffff  }
0x2cc: {  	v2 =	vadd.f32 v3, v2;
	v3 =	vmul.f32 v6, v11;
	v6 =	vld.idx.msk [tilespmem:v9+s14+$0x0], $0xffff;
	v9 =	vor.u32 $0x48, v1  }
0x2cd: {  	v11 =	vld.idx.msk [tilespmem:v7+s13+$0x0], $0xffff  }
0x2ce: {  	v2 =	vadd.f32 v3, v2;
	v3 =	vmul.f32 v5, v12;
	v5 =	vld.idx.msk [tilespmem:v7+s14+$0x0], $0xffff;
	v7 =	vor.u32 $0x49, v1  }
0x2cf: {  	v12 =	vld.idx.msk [tilespmem:v8+s13+$0x0], $0xffff  }
0x2d0: {  	v2 =	vadd.f32 v3, v2;
	v3 =	vmul.f32 v4, v13;
	v4 =	vld.idx.msk [tilespmem:v8+s14+$0x0], $0xffff;
	v8 =	vor.u32 $0x4A, v1  }
0x2d1: {  	v13 =	vld.idx.msk [tilespmem:v9+s13+$0x0], $0xffff  }
0x2d2: {  	v2 =	vadd.f32 v3, v2;
	v3 =	vmul.f32 v6, v10;
	v6 =	vld.idx.msk [tilespmem:v9+s14+$0x0], $0xffff;
	v9 =	vor.u32 $0x4B, v1  }
0x2d3: {  	v10 =	vld.idx.msk [tilespmem:v7+s13+$0x0], $0xffff  }
0x2d4: {  	v2 =	vadd.f32 v3, v2;
	v3 =	vmul.f32 v5, v11;
	v5 =	vld.idx.msk [tilespmem:v7+s14+$0x0], $0xffff;
	v7 =	vor.u32 $0x4C, v1  }
0x2d5: {  	v11 =	vld.idx.msk [tilespmem:v8+s13+$0x0], $0xffff  }
0x2d6: {  	v2 =	vadd.f32 v3, v2;
	v3 =	vmul.f32 v4, v12;
	v4 =	vld.idx.msk [tilespmem:v8+s14+$0x0], $0xffff;
	v8 =	vor.u32 $0x4D, v1  }
0x2d7: {  	v12 =	vld.idx.msk [tilespmem:v9+s13+$0x0], $0xffff  }
0x2d8: {  	v2 =	vadd.f32 v3, v2;
	v3 =	vmul.f32 v6, v13;
	v6 =	vld.idx.msk [tilespmem:v9+s14+$0x0], $0xffff;
	v9 =	vor.u32 $0x4E, v1  }
0x2d9: {  	v13 =	vld.idx.msk [tilespmem:v7+s13+$0x0], $0xffff  }
0x2da: {  	v2 =	vadd.f32 v3, v2;
	v3 =	vmul.f32 v5, v10;
	v5 =	vld.idx.msk [tilespmem:v7+s14+$0x0], $0xffff;
	v7 =	vor.u32 $0x4F, v1  }
0x2db: {  	v10 =	vld.idx.msk [tilespmem:v8+s13+$0x0], $0xffff  }
0x2dc: {  	v2 =	vadd.f32 v3, v2;
	v3 =	vmul.f32 v4, v11;
	v4 =	vld.idx.msk [tilespmem:v8+s14+$0x0], $0xffff;
	v8 =	vor.u32 $0x50, v1  }
0x2dd: {  	v11 =	vld.idx.msk [tilespmem:v9+s13+$0x0], $0xffff  }
0x2de: {  	v2 =	vadd.f32 v3, v2;
	v3 =	vmul.f32 v6, v12;
	v6 =	vld.idx.msk [tilespmem:v9+s14+$0x0], $0xffff;
	v9 =	vor.u32 $0x51, v1  }
0x2df: {  	v12 =	vld.idx.msk [tilespmem:v7+s13+$0x0], $0xffff  }
0x2e0: {  	v2 =	vadd.f32 v3, v2;
	v3 =	vmul.f32 v5, v13;
	v5 =	vld.idx.msk [tilespmem:v7+s14+$0x0], $0xffff;
	v7 =	vor.u32 $0x52, v1  }
0x2e1: {  	v13 =	vld.idx.msk [tilespmem:v8+s13+$0x0], $0xffff  }
0x2e2: {  	v2 =	vadd.f32 v3, v2;
	v3 =	vmul.f32 v4, v10;
	v4 =	vld.idx.msk [tilespmem:v8+s14+$0x0], $0xffff;
	v8 =	vor.u32 $0x53, v1  }
0x2e3: {  	v10 =	vld.idx.msk [tilespmem:v9+s13+$0x0], $0xffff  }
0x2e4: {  	v2 =	vadd.f32 v3, v2;
	v3 =	vmul.f32 v6, v11;
	v6 =	vld.idx.msk [tilespmem:v9+s14+$0x0], $0xffff;
	v9 =	vor.u32 $0x54, v1  }
0x2e5: {  	v11 =	vld.idx.msk [tilespmem:v7+s13+$0x0], $0xffff  }
0x2e6: {  	v2 =	vadd.f32 v3, v2;
	v3 =	vmul.f32 v5, v12;
	v5 =	vld.idx.msk [tilespmem:v7+s14+$0x0], $0xffff;
	v7 =	vor.u32 $0x55, v1  }
0x2e7: {  	v12 =	vld.idx.msk [tilespmem:v8+s13+$0x0], $0xffff  }
0x2e8: {  	v2 =	vadd.f32 v3, v2;
	v3 =	vmul.f32 v4, v13;
	v4 =	vld.idx.msk [tilespmem:v8+s14+$0x0], $0xffff;
	v8 =	vor.u32 $0x56, v1  }
0x2e9: {  	v13 =	vld.idx.msk [tilespmem:v9+s13+$0x0], $0xffff  }
0x2ea: {  	v2 =	vadd.f32 v3, v2;
	v3 =	vmul.f32 v6, v10;
	v6 =	vld.idx.msk [tilespmem:v9+s14+$0x0], $0xffff;
	v9 =	vor.u32 $0x57, v1  }
0x2eb: {  	v10 =	vld.idx.msk [tilespmem:v7+s13+$0x0], $0xffff  }
0x2ec: {  	v2 =	vadd.f32 v3, v2;
	v3 =	vmul.f32 v5, v11;
	v5 =	vld.idx.msk [tilespmem:v7+s14+$0x0], $0xffff;
	v7 =	vor.u32 $0x58, v1  }
0x2ed: {  	v11 =	vld.idx.msk [tilespmem:v8+s13+$0x0], $0xffff  }
0x2ee: {  	v2 =	vadd.f32 v3, v2;
	v3 =	vmul.f32 v4, v12;
	v4 =	vld.idx.msk [tilespmem:v8+s14+$0x0], $0xffff;
	v8 =	vor.u32 $0x59, v1  }
0x2ef: {  	v12 =	vld.idx.msk [tilespmem:v9+s13+$0x0], $0xffff  }
0x2f0: {  	v2 =	vadd.f32 v3, v2;
	v3 =	vmul.f32 v6, v13;
	v6 =	vld.idx.msk [tilespmem:v9+s14+$0x0], $0xffff;
	v9 =	vor.u32 $0x5A, v1  }
0x2f1: {  	v13 =	vld.idx.msk [tilespmem:v7+s13+$0x0], $0xffff  }
0x2f2: {  	v2 =	vadd.f32 v3, v2;
	v3 =	vmul.f32 v5, v10;
	v5 =	vld.idx.msk [tilespmem:v7+s14+$0x0], $0xffff;
	v7 =	vor.u32 $0x5B, v1  }
0x2f3: {  	v10 =	vld.idx.msk [tilespmem:v8+s13+$0x0], $0xffff  }
0x2f4: {  	v2 =	vadd.f32 v3, v2;
	v3 =	vmul.f32 v4, v11;
	v4 =	vld.idx.msk [tilespmem:v8+s14+$0x0], $0xffff;
	v8 =	vor.u32 $0x5C, v1  }
0x2f5: {  	v11 =	vld.idx.msk [tilespmem:v9+s13+$0x0], $0xffff  }
0x2f6: {  	v2 =	vadd.f32 v3, v2;
	v3 =	vmul.f32 v6, v12;
	v6 =	vld.idx.msk [tilespmem:v9+s14+$0x0], $0xffff;
	v9 =	vor.u32 $0x5D, v1  }
0x2f7: {  	v12 =	vld.idx.msk [tilespmem:v7+s13+$0x0], $0xffff  }
0x2f8: {  	v2 =	vadd.f32 v3, v2;
	v3 =	vmul.f32 v5, v13;
	v5 =	vld.idx.msk [tilespmem:v7+s14+$0x0], $0xffff;
	v7 =	vor.u32 $0x5E, v1  }
0x2f9: {  	v13 =	vld.idx.msk [tilespmem:v8+s13+$0x0], $0xffff  }
0x2fa: {  	v2 =	vadd.f32 v3, v2;
	v3 =	vmul.f32 v4, v10;
	v4 =	vld.idx.msk [tilespmem:v8+s14+$0x0], $0xffff;
	v8 =	vor.u32 $0x5F, v1  }
0x2fb: {  	v10 =	vld.idx.msk [tilespmem:v9+s13+$0x0], $0xffff  }
0x2fc: {  	v2 =	vadd.f32 v3, v2;
	v3 =	vmul.f32 v6, v11;
	v6 =	vld.idx.msk [tilespmem:v9+s14+$0x0], $0xffff;
	v9 =	vor.u32 $0x60, v1  }
0x2fd: {  	v11 =	vld.idx.msk [tilespmem:v7+s13+$0x0], $0xffff  }
0x2fe: {  	v2 =	vadd.f32 v3, v2;
	v3 =	vmul.f32 v5, v12;
	v5 =	vld.idx.msk [tilespmem:v7+s14+$0x0], $0xffff;
	v7 =	vor.u32 $0x61, v1  }
0x2ff: {  	v12 =	vld.idx.msk [tilespmem:v8+s13+$0x0], $0xffff  }
0x300: {  	v2 =	vadd.f32 v3, v2;
	v3 =	vmul.f32 v4, v13;
	v4 =	vld.idx.msk [tilespmem:v8+s14+$0x0], $0xffff;
	v8 =	vor.u32 $0x62, v1  }
0x301: {  	v13 =	vld.idx.msk [tilespmem:v9+s13+$0x0], $0xffff  }
0x302: {  	v2 =	vadd.f32 v3, v2;
	v3 =	vmul.f32 v6, v10;
	v6 =	vld.idx.msk [tilespmem:v9+s14+$0x0], $0xffff;
	v9 =	vor.u32 $0x63, v1  }
0x303: {  	v10 =	vld.idx.msk [tilespmem:v7+s13+$0x0], $0xffff  }
0x304: {  	v2 =	vadd.f32 v3, v2;
	v3 =	vmul.f32 v5, v11;
	v5 =	vld.idx.msk [tilespmem:v7+s14+$0x0], $0xffff;
	v7 =	vor.u32 $0x64, v1  }
0x305: {  	v11 =	vld.idx.msk [tilespmem:v8+s13+$0x0], $0xffff  }
0x306: {  	v2 =	vadd.f32 v3, v2;
	v3 =	vmul.f32 v4, v12;
	v4 =	vld.idx.msk [tilespmem:v8+s14+$0x0], $0xffff;
	v8 =	vor.u32 $0x65, v1  }
0x307: {  	v12 =	vld.idx.msk [tilespmem:v9+s13+$0x0], $0xffff  }
0x308: {  	v2 =	vadd.f32 v3, v2;
	v3 =	vmul.f32 v6, v13;
	v6 =	vld.idx.msk [tilespmem:v9+s14+$0x0], $0xffff;
	v9 =	vor.u32 $0x66, v1  }
0x309: {  	v13 =	vld.idx.msk [tilespmem:v7+s13+$0x0], $0xffff  }
0x30a: {  	v2 =	vadd.f32 v3, v2;
	v3 =	vmul.f32 v5, v10;
	v5 =	vld.idx.msk [tilespmem:v7+s14+$0x0], $0xffff;
	v7 =	vor.u32 $0x67, v1  }
0x30b: {  	v10 =	vld.idx.msk [tilespmem:v8+s13+$0x0], $0xffff  }
0x30c: {  	v2 =	vadd.f32 v3, v2;
	v3 =	vmul.f32 v4, v11;
	v4 =	vld.idx.msk [tilespmem:v8+s14+$0x0], $0xffff;
	v8 =	vor.u32 $0x68, v1  }
0x30d: {  	v11 =	vld.idx.msk [tilespmem:v9+s13+$0x0], $0xffff  }
0x30e: {  	v2 =	vadd.f32 v3, v2;
	v3 =	vmul.f32 v6, v12;
	v6 =	vld.idx.msk [tilespmem:v9+s14+$0x0], $0xffff;
	v9 =	vor.u32 $0x69, v1  }
0x30f: {  	v12 =	vld.idx.msk [tilespmem:v7+s13+$0x0], $0xffff  }
0x310: {  	v2 =	vadd.f32 v3, v2;
	v3 =	vmul.f32 v5, v13;
	v5 =	vld.idx.msk [tilespmem:v7+s14+$0x0], $0xffff;
	v7 =	vor.u32 $0x6A, v1  }
0x311: {  	v13 =	vld.idx.msk [tilespmem:v8+s13+$0x0], $0xffff  }
0x312: {  	v2 =	vadd.f32 v3, v2;
	v3 =	vmul.f32 v4, v10;
	v4 =	vld.idx.msk [tilespmem:v8+s14+$0x0], $0xffff;
	v8 =	vor.u32 $0x6B, v1  }
0x313: {  	v10 =	vld.idx.msk [tilespmem:v9+s13+$0x0], $0xffff  }
0x314: {  	v2 =	vadd.f32 v3, v2;
	v3 =	vmul.f32 v6, v11;
	v6 =	vld.idx.msk [tilespmem:v9+s14+$0x0], $0xffff;
	v9 =	vor.u32 $0x6C, v1  }
0x315: {  	v11 =	vld.idx.msk [tilespmem:v7+s13+$0x0], $0xffff  }
0x316: {  	v2 =	vadd.f32 v3, v2;
	v3 =	vmul.f32 v5, v12;
	v5 =	vld.idx.msk [tilespmem:v7+s14+$0x0], $0xffff;
	v7 =	vor.u32 $0x6D, v1  }
0x317: {  	v12 =	vld.idx.msk [tilespmem:v8+s13+$0x0], $0xffff  }
0x318: {  	v2 =	vadd.f32 v3, v2;
	v3 =	vmul.f32 v4, v13;
	v4 =	vld.idx.msk [tilespmem:v8+s14+$0x0], $0xffff;
	v8 =	vor.u32 $0x6E, v1  }
0x319: {  	v13 =	vld.idx.msk [tilespmem:v9+s13+$0x0], $0xffff  }
0x31a: {  	v2 =	vadd.f32 v3, v2;
	v3 =	vmul.f32 v6, v10;
	v6 =	vld.idx.msk [tilespmem:v9+s14+$0x0], $0xffff;
	v9 =	vor.u32 $0x6F, v1  }
0x31b: {  	v10 =	vld.idx.msk [tilespmem:v7+s13+$0x0], $0xffff  }
0x31c: {  	v2 =	vadd.f32 v3, v2;
	v3 =	vmul.f32 v5, v11;
	v5 =	vld.idx.msk [tilespmem:v7+s14+$0x0], $0xffff;
	v7 =	vor.u32 $0x70, v1  }
0x31d: {  	v11 =	vld.idx.msk [tilespmem:v8+s13+$0x0], $0xffff  }
0x31e: {  	v2 =	vadd.f32 v3, v2;
	v3 =	vmul.f32 v4, v12;
	v4 =	vld.idx.msk [tilespmem:v8+s14+$0x0], $0xffff;
	v8 =	vor.u32 $0x71, v1  }
0x31f: {  	v12 =	vld.idx.msk [tilespmem:v9+s13+$0x0], $0xffff  }
0x320: {  	v2 =	vadd.f32 v3, v2;
	v3 =	vmul.f32 v6, v13;
	v6 =	vld.idx.msk [tilespmem:v9+s14+$0x0], $0xffff;
	v9 =	vor.u32 $0x72, v1  }
0x321: {  	v13 =	vld.idx.msk [tilespmem:v7+s13+$0x0], $0xffff  }
0x322: {  	v2 =	vadd.f32 v3, v2;
	v3 =	vmul.f32 v5, v10;
	v5 =	vld.idx.msk [tilespmem:v7+s14+$0x0], $0xffff;
	v7 =	vor.u32 $0x73, v1  }
0x323: {  	v10 =	vld.idx.msk [tilespmem:v8+s13+$0x0], $0xffff  }
0x324: {  	v2 =	vadd.f32 v3, v2;
	v3 =	vmul.f32 v4, v11;
	v4 =	vld.idx.msk [tilespmem:v8+s14+$0x0], $0xffff;
	v8 =	vor.u32 $0x74, v1  }
0x325: {  	v11 =	vld.idx.msk [tilespmem:v9+s13+$0x0], $0xffff  }
0x326: {  	v2 =	vadd.f32 v3, v2;
	v3 =	vmul.f32 v6, v12;
	v6 =	vld.idx.msk [tilespmem:v9+s14+$0x0], $0xffff;
	v9 =	vor.u32 $0x75, v1  }
0x327: {  	v12 =	vld.idx.msk [tilespmem:v7+s13+$0x0], $0xffff  }
0x328: {  	v2 =	vadd.f32 v3, v2;
	v3 =	vmul.f32 v5, v13;
	v5 =	vld.idx.msk [tilespmem:v7+s14+$0x0], $0xffff;
	v7 =	vor.u32 $0x76, v1  }
0x329: {  	v13 =	vld.idx.msk [tilespmem:v8+s13+$0x0], $0xffff  }
0x32a: {  	v2 =	vadd.f32 v3, v2;
	v3 =	vmul.f32 v4, v10;
	v4 =	vld.idx.msk [tilespmem:v8+s14+$0x0], $0xffff;
	v8 =	vor.u32 $0x77, v1  }
0x32b: {  	v10 =	vld.idx.msk [tilespmem:v9+s13+$0x0], $0xffff  }
0x32c: {  	v2 =	vadd.f32 v3, v2;
	v3 =	vmul.f32 v6, v11;
	v6 =	vld.idx.msk [tilespmem:v9+s14+$0x0], $0xffff;
	v9 =	vor.u32 $0x78, v1  }
0x32d: {  	v11 =	vld.idx.msk [tilespmem:v7+s13+$0x0], $0xffff  }
0x32e: {  	v2 =	vadd.f32 v3, v2;
	v3 =	vmul.f32 v5, v12;
	v5 =	vld.idx.msk [tilespmem:v7+s14+$0x0], $0xffff;
	v7 =	vor.u32 $0x79, v1  }
0x32f: {  	v12 =	vld.idx.msk [tilespmem:v8+s13+$0x0], $0xffff  }
0x330: {  	v2 =	vadd.f32 v3, v2;
	v3 =	vmul.f32 v4, v13;
	v4 =	vld.idx.msk [tilespmem:v8+s14+$0x0], $0xffff;
	v8 =	vor.u32 $0x7A, v1  }
0x331: {  	v13 =	vld.idx.msk [tilespmem:v9+s13+$0x0], $0xffff  }
0x332: {  	v2 =	vadd.f32 v3, v2;
	v3 =	vmul.f32 v6, v10;
	v6 =	vld.idx.msk [tilespmem:v9+s14+$0x0], $0xffff;
	v9 =	vor.u32 $0x7B, v1  }
0x333: {  	v10 =	vld.idx.msk [tilespmem:v7+s13+$0x0], $0xffff  }
0x334: {  	v2 =	vadd.f32 v3, v2;
	v3 =	vmul.f32 v5, v11;
	v5 =	vld.idx.msk [tilespmem:v7+s14+$0x0], $0xffff;
	v7 =	vor.u32 $0x7C, v1  }
0x335: {  	v11 =	vld.idx.msk [tilespmem:v8+s13+$0x0], $0xffff  }
0x336: {  	v2 =	vadd.f32 v3, v2;
	v3 =	vmul.f32 v4, v12;
	v4 =	vld.idx.msk [tilespmem:v8+s14+$0x0], $0xffff;
	v8 =	vor.u32 $0x7D, v1  }
0x337: {  	v12 =	vld.idx.msk [tilespmem:v9+s13+$0x0], $0xffff  }
0x338: {  	v2 =	vadd.f32 v3, v2;
	v3 =	vmul.f32 v6, v13;
	v6 =	vld.idx.msk [tilespmem:v9+s14+$0x0], $0xffff;
	v9 =	vor.u32 $0x7E, v1  }
0x339: {  	v13 =	vld.idx.msk [tilespmem:v7+s13+$0x0], $0xffff  }
0x33a: {  	v1 =	vor.u32 $0x7F, v1;
	v2 =	vadd.f32 v3, v2;
	v3 =	vmul.f32 v5, v10;
	v5 =	vld.idx.msk [tilespmem:v7+s14+$0x0], $0xffff  }
0x33b: {  	v7 =	vld.idx.msk [tilespmem:v8+s13+$0x0], $0xffff  }
0x33c: {  	v2 =	vadd.f32 v3, v2;
	v3 =	vmul.f32 v4, v11;
	v4 =	vld.idx.msk [tilespmem:v8+s14+$0x0], $0xffff  }
0x33d: {  	v8 =	vld.idx.msk [tilespmem:v9+s13+$0x0], $0xffff  }
0x33e: {  	v2 =	vadd.f32 v3, v2;
	v3 =	vmul.f32 v6, v12;
	v6 =	vld.idx.msk [tilespmem:v9+s14+$0x0], $0xffff  }
0x33f: {  	v9 =	vld.idx.msk [tilespmem:v1+s13+$0x0], $0xffff  }
0x340: {  	v2 =	vadd.f32 v3, v2;
	v3 =	vmul.f32 v5, v13;
	v5 =	vld.idx.msk [tilespmem:v1+s14+$0x0], $0xffff;
	_ =	sdelay $0x1  }
.Ltmp5:
0x341: {  	v1 =	vadd.f32 v3, v2;
	v2 =	vmul.f32 v4, v7;
	(pc) =	sbr.rel @p0 .LBB2_4-.Ltmp5, $4  }
0x342: {  	_ = 	snop  }
0x343: {  	v3 =	vmov s23;
	v2 =	vadd.f32 v2, v1;
	v4 =	vmul.f32 v6, v8  }
0x344: {  	v1 =	vshll.u32 v3, $0x7  }
0x345: {  	s23 =	sadd.s32 $0x10, s23;
	v1 =	vor.u32 v0, v1;
	v2 =	vadd.f32 v4, v2;
	v3 =	vmul.f32 v5, v9  }
0x346: {  	_ = 	snop  }
0x347: {  	v4 =	vor.u32 $0x1, v1;
	v2 =	vadd.f32 v3, v2  }
0x348: {  	s22 =	sadd.s32 $0x10, s22  }
0x349: {  	v3 =	vor.u32 $0x2, v1;
	[tilespmem:s22+$0x0] =	vst v2  }
0x34a: {  	v2 =	vld.idx.msk [tilespmem:v1+s14+$0x0], $0xffff  }
0x34b: {  	v6 =	vor.u32 $0x3, v1;
	v5 =	vld.idx.msk [tilespmem:v1+s13+$0x0], $0xffff  }
0x34c: {  	v7 =	vld.idx.msk [tilespmem:v4+s13+$0x0], $0xffff  }
0x34d: {  	v8 =	vor.u32 $0x4, v1;
	v4 =	vld.idx.msk [tilespmem:v4+s14+$0x0], $0xffff  }
0x34e: {  	v9 =	vld.idx.msk [tilespmem:v3+s13+$0x0], $0xffff  }
0x34f: {  	v10 =	vor.u32 $0x5, v1;
	v3 =	vld.idx.msk [tilespmem:v3+s14+$0x0], $0xffff  }
0x350: {  	v11 =	vld.idx.msk [tilespmem:v6+s13+$0x0], $0xffff  }
0x351: {  	v12 =	vor.u32 $0x6, v1;
	v6 =	vld.idx.msk [tilespmem:v6+s14+$0x0], $0xffff  }
0x352: {  	v13 =	vld.idx.msk [tilespmem:v8+s13+$0x0], $0xffff;
	v2 =	vmul.f32 v2, v5;
	v4 =	vmul.f32 v4, v7  }
0x353: {  	v35 =	vor.u32 $0x7, v1;
	v34 =	vld.idx.msk [tilespmem:v8+s14+$0x0], $0xffff  }
0x354: {  	v36 =	vld.idx.msk [tilespmem:v10+s13+$0x0], $0xffff;
	v3 =	vmul.f32 v3, v9;
	v2 =	vadd.f32 v4, v2  }
0x355: {  	v38 =	vor.u32 $0x8, v1;
	v37 =	vld.idx.msk [tilespmem:v10+s14+$0x0], $0xffff  }
0x356: {  	v39 =	vld.idx.msk [tilespmem:v12+s13+$0x0], $0xffff;
	v2 =	vadd.f32 v3, v2;
	v3 =	vmul.f32 v6, v11  }
0x357: {  	v41 =	vor.u32 $0x9, v1;
	v40 =	vld.idx.msk [tilespmem:v12+s14+$0x0], $0xffff  }
0x358: {  	v42 =	vld.idx.msk [tilespmem:v35+s13+$0x0], $0xffff;
	v2 =	vadd.f32 v3, v2;
	v3 =	vmul.f32 v34, v13  }
0x359: {  	v44 =	vor.u32 $0xA, v1;
	v43 =	vld.idx.msk [tilespmem:v35+s14+$0x0], $0xffff  }
0x35a: {  	v45 =	vld.idx.msk [tilespmem:v38+s13+$0x0], $0xffff;
	v2 =	vadd.f32 v3, v2;
	v3 =	vmul.f32 v37, v36  }
0x35b: {  	v47 =	vor.u32 $0xB, v1;
	v46 =	vld.idx.msk [tilespmem:v38+s14+$0x0], $0xffff  }
0x35c: {  	v48 =	vld.idx.msk [tilespmem:v41+s13+$0x0], $0xffff;
	v2 =	vadd.f32 v3, v2;
	v3 =	vmul.f32 v40, v39  }
0x35d: {  	v50 =	vor.u32 $0xC, v1;
	v49 =	vld.idx.msk [tilespmem:v41+s14+$0x0], $0xffff  }
0x35e: {  	v51 =	vld.idx.msk [tilespmem:v44+s13+$0x0], $0xffff;
	v2 =	vadd.f32 v3, v2;
	v3 =	vmul.f32 v43, v42  }
0x35f: {  	v53 =	vor.u32 $0xD, v1;
	v52 =	vld.idx.msk [tilespmem:v44+s14+$0x0], $0xffff  }
0x360: {  	v54 =	vld.idx.msk [tilespmem:v47+s13+$0x0], $0xffff;
	v2 =	vadd.f32 v3, v2;
	v3 =	vmul.f32 v46, v45  }
0x361: {  	v56 =	vor.u32 $0xE, v1;
	v55 =	vld.idx.msk [tilespmem:v47+s14+$0x0], $0xffff  }
0x362: {  	v57 =	vld.idx.msk [tilespmem:v50+s13+$0x0], $0xffff;
	v2 =	vadd.f32 v3, v2;
	v3 =	vmul.f32 v49, v48  }
0x363: {  	v59 =	vor.u32 $0xF, v1;
	v58 =	vld.idx.msk [tilespmem:v50+s14+$0x0], $0xffff  }
0x364: {  	v60 =	vld.idx.msk [tilespmem:v53+s13+$0x0], $0xffff;
	v2 =	vadd.f32 v3, v2;
	v3 =	vmul.f32 v52, v51  }
0x365: {  	v62 =	vor.u32 $0x10, v1;
	v61 =	vld.idx.msk [tilespmem:v53+s14+$0x0], $0xffff  }
0x366: {  	v63 =	vld.idx.msk [tilespmem:v56+s13+$0x0], $0xffff;
	v2 =	vadd.f32 v3, v2;
	v3 =	vmul.f32 v55, v54  }
0x367: {  	v17 =	vor.u32 $0x11, v1;
	v16 =	vld.idx.msk [tilespmem:v56+s14+$0x0], $0xffff  }
0x368: {  	v18 =	vld.idx.msk [tilespmem:v59+s13+$0x0], $0xffff;
	v2 =	vadd.f32 v3, v2;
	v3 =	vmul.f32 v58, v57  }
0x369: {  	v20 =	vor.u32 $0x12, v1;
	v19 =	vld.idx.msk [tilespmem:v59+s14+$0x0], $0xffff  }
0x36a: {  	v21 =	vld.idx.msk [tilespmem:v62+s13+$0x0], $0xffff;
	v2 =	vadd.f32 v3, v2;
	v3 =	vmul.f32 v61, v60  }
0x36b: {  	v23 =	vor.u32 $0x13, v1;
	v22 =	vld.idx.msk [tilespmem:v62+s14+$0x0], $0xffff  }
0x36c: {  	v24 =	vld.idx.msk [tilespmem:v17+s13+$0x0], $0xffff;
	v2 =	vadd.f32 v3, v2;
	v3 =	vmul.f32 v16, v63  }
0x36d: {  	v26 =	vor.u32 $0x14, v1;
	v25 =	vld.idx.msk [tilespmem:v17+s14+$0x0], $0xffff  }
0x36e: {  	v27 =	vld.idx.msk [tilespmem:v20+s13+$0x0], $0xffff;
	v2 =	vadd.f32 v3, v2;
	v3 =	vmul.f32 v19, v18  }
0x36f: {  	v29 =	vor.u32 $0x15, v1;
	v28 =	vld.idx.msk [tilespmem:v20+s14+$0x0], $0xffff  }
0x370: {  	v30 =	vld.idx.msk [tilespmem:v23+s13+$0x0], $0xffff;
	v2 =	vadd.f32 v3, v2;
	v3 =	vmul.f32 v22, v21  }
0x371: {  	v32 =	vor.u32 $0x16, v1;
	v31 =	vld.idx.msk [tilespmem:v23+s14+$0x0], $0xffff  }
0x372: {  	v33 =	vld.idx.msk [tilespmem:v26+s13+$0x0], $0xffff;
	v2 =	vadd.f32 v3, v2;
	v3 =	vmul.f32 v25, v24  }
0x373: {  	v35 =	vor.u32 $0x17, v1;
	v34 =	vld.idx.msk [tilespmem:v26+s14+$0x0], $0xffff  }
0x374: {  	v36 =	vld.idx.msk [tilespmem:v29+s13+$0x0], $0xffff;
	v2 =	vadd.f32 v3, v2;
	v3 =	vmul.f32 v28, v27  }
0x375: {  	v38 =	vor.u32 $0x18, v1;
	v37 =	vld.idx.msk [tilespmem:v29+s14+$0x0], $0xffff  }
0x376: {  	v39 =	vld.idx.msk [tilespmem:v32+s13+$0x0], $0xffff;
	v2 =	vadd.f32 v3, v2;
	v3 =	vmul.f32 v31, v30  }
0x377: {  	v41 =	vor.u32 $0x19, v1;
	v40 =	vld.idx.msk [tilespmem:v32+s14+$0x0], $0xffff  }
0x378: {  	v42 =	vld.idx.msk [tilespmem:v35+s13+$0x0], $0xffff;
	v2 =	vadd.f32 v3, v2;
	v3 =	vmul.f32 v34, v33  }
0x379: {  	v44 =	vor.u32 $0x1A, v1;
	v43 =	vld.idx.msk [tilespmem:v35+s14+$0x0], $0xffff  }
0x37a: {  	v45 =	vld.idx.msk [tilespmem:v38+s13+$0x0], $0xffff;
	v2 =	vadd.f32 v3, v2;
	v3 =	vmul.f32 v37, v36  }
0x37b: {  	v47 =	vor.u32 $0x1B, v1;
	v46 =	vld.idx.msk [tilespmem:v38+s14+$0x0], $0xffff  }
0x37c: {  	v48 =	vld.idx.msk [tilespmem:v41+s13+$0x0], $0xffff;
	v2 =	vadd.f32 v3, v2;
	v3 =	vmul.f32 v40, v39  }
0x37d: {  	v50 =	vor.u32 $0x1C, v1;
	v49 =	vld.idx.msk [tilespmem:v41+s14+$0x0], $0xffff  }
0x37e: {  	v51 =	vld.idx.msk [tilespmem:v44+s13+$0x0], $0xffff;
	v2 =	vadd.f32 v3, v2;
	v3 =	vmul.f32 v43, v42  }
0x37f: {  	v53 =	vor.u32 $0x1D, v1;
	v52 =	vld.idx.msk [tilespmem:v44+s14+$0x0], $0xffff  }
0x380: {  	v54 =	vld.idx.msk [tilespmem:v47+s13+$0x0], $0xffff;
	v2 =	vadd.f32 v3, v2;
	v3 =	vmul.f32 v46, v45  }
0x381: {  	v56 =	vor.u32 $0x1E, v1;
	v55 =	vld.idx.msk [tilespmem:v47+s14+$0x0], $0xffff  }
0x382: {  	v57 =	vld.idx.msk [tilespmem:v50+s13+$0x0], $0xffff;
	v2 =	vadd.f32 v3, v2;
	v3 =	vmul.f32 v49, v48  }
0x383: {  	v59 =	vor.u32 $0x1F, v1;
	v58 =	vld.idx.msk [tilespmem:v50+s14+$0x0], $0xffff  }
0x384: {  	v60 =	vld.idx.msk [tilespmem:v53+s13+$0x0], $0xffff;
	v2 =	vadd.f32 v3, v2;
	v3 =	vmul.f32 v52, v51  }
0x385: {  	v62 =	vor.u32 $0x20, v1;
	v61 =	vld.idx.msk [tilespmem:v53+s14+$0x0], $0xffff  }
0x386: {  	v63 =	vld.idx.msk [tilespmem:v56+s13+$0x0], $0xffff;
	v2 =	vadd.f32 v3, v2;
	v3 =	vmul.f32 v55, v54  }
0x387: {  	v17 =	vor.u32 $0x21, v1;
	v16 =	vld.idx.msk [tilespmem:v56+s14+$0x0], $0xffff  }
0x388: {  	v18 =	vld.idx.msk [tilespmem:v59+s13+$0x0], $0xffff;
	v2 =	vadd.f32 v3, v2;
	v3 =	vmul.f32 v58, v57  }
0x389: {  	v20 =	vor.u32 $0x22, v1;
	v19 =	vld.idx.msk [tilespmem:v59+s14+$0x0], $0xffff  }
0x38a: {  	v21 =	vld.idx.msk [tilespmem:v62+s13+$0x0], $0xffff;
	v2 =	vadd.f32 v3, v2;
	v3 =	vmul.f32 v61, v60  }
0x38b: {  	v23 =	vor.u32 $0x23, v1;
	v22 =	vld.idx.msk [tilespmem:v62+s14+$0x0], $0xffff  }
0x38c: {  	v24 =	vld.idx.msk [tilespmem:v17+s13+$0x0], $0xffff;
	v2 =	vadd.f32 v3, v2;
	v3 =	vmul.f32 v16, v63  }
0x38d: {  	v26 =	vor.u32 $0x24, v1;
	v25 =	vld.idx.msk [tilespmem:v17+s14+$0x0], $0xffff  }
0x38e: {  	v27 =	vld.idx.msk [tilespmem:v20+s13+$0x0], $0xffff;
	v2 =	vadd.f32 v3, v2;
	v3 =	vmul.f32 v19, v18  }
0x38f: {  	v29 =	vor.u32 $0x25, v1;
	v28 =	vld.idx.msk [tilespmem:v20+s14+$0x0], $0xffff  }
0x390: {  	v30 =	vld.idx.msk [tilespmem:v23+s13+$0x0], $0xffff;
	v2 =	vadd.f32 v3, v2;
	v3 =	vmul.f32 v22, v21  }
0x391: {  	v32 =	vor.u32 $0x26, v1;
	v31 =	vld.idx.msk [tilespmem:v23+s14+$0x0], $0xffff  }
0x392: {  	v33 =	vld.idx.msk [tilespmem:v26+s13+$0x0], $0xffff;
	v2 =	vadd.f32 v3, v2;
	v3 =	vmul.f32 v25, v24  }
0x393: {  	v35 =	vor.u32 $0x27, v1;
	v34 =	vld.idx.msk [tilespmem:v26+s14+$0x0], $0xffff  }
0x394: {  	v36 =	vld.idx.msk [tilespmem:v29+s13+$0x0], $0xffff;
	v2 =	vadd.f32 v3, v2;
	v3 =	vmul.f32 v28, v27  }
0x395: {  	v38 =	vor.u32 $0x28, v1;
	v37 =	vld.idx.msk [tilespmem:v29+s14+$0x0], $0xffff  }
0x396: {  	v39 =	vld.idx.msk [tilespmem:v32+s13+$0x0], $0xffff;
	v2 =	vadd.f32 v3, v2;
	v3 =	vmul.f32 v31, v30  }
0x397: {  	v41 =	vor.u32 $0x29, v1;
	v40 =	vld.idx.msk [tilespmem:v32+s14+$0x0], $0xffff  }
0x398: {  	v42 =	vld.idx.msk [tilespmem:v35+s13+$0x0], $0xffff;
	v2 =	vadd.f32 v3, v2;
	v3 =	vmul.f32 v34, v33  }
0x399: {  	v44 =	vor.u32 $0x2A, v1;
	v43 =	vld.idx.msk [tilespmem:v35+s14+$0x0], $0xffff  }
0x39a: {  	v45 =	vld.idx.msk [tilespmem:v38+s13+$0x0], $0xffff;
	v2 =	vadd.f32 v3, v2;
	v3 =	vmul.f32 v37, v36  }
0x39b: {  	v47 =	vor.u32 $0x2B, v1;
	v46 =	vld.idx.msk [tilespmem:v38+s14+$0x0], $0xffff  }
0x39c: {  	v48 =	vld.idx.msk [tilespmem:v41+s13+$0x0], $0xffff;
	v2 =	vadd.f32 v3, v2;
	v3 =	vmul.f32 v40, v39  }
0x39d: {  	v50 =	vor.u32 $0x2C, v1;
	v49 =	vld.idx.msk [tilespmem:v41+s14+$0x0], $0xffff  }
0x39e: {  	v51 =	vld.idx.msk [tilespmem:v44+s13+$0x0], $0xffff;
	v2 =	vadd.f32 v3, v2;
	v3 =	vmul.f32 v43, v42  }
0x39f: {  	v53 =	vor.u32 $0x2D, v1;
	v52 =	vld.idx.msk [tilespmem:v44+s14+$0x0], $0xffff  }
0x3a0: {  	v54 =	vld.idx.msk [tilespmem:v47+s13+$0x0], $0xffff;
	v2 =	vadd.f32 v3, v2;
	v3 =	vmul.f32 v46, v45  }
0x3a1: {  	v56 =	vor.u32 $0x2E, v1;
	v55 =	vld.idx.msk [tilespmem:v47+s14+$0x0], $0xffff  }
0x3a2: {  	v57 =	vld.idx.msk [tilespmem:v50+s13+$0x0], $0xffff;
	v2 =	vadd.f32 v3, v2;
	v3 =	vmul.f32 v49, v48  }
0x3a3: {  	v59 =	vor.u32 $0x2F, v1;
	v58 =	vld.idx.msk [tilespmem:v50+s14+$0x0], $0xffff  }
0x3a4: {  	v60 =	vld.idx.msk [tilespmem:v53+s13+$0x0], $0xffff;
	v2 =	vadd.f32 v3, v2;
	v3 =	vmul.f32 v52, v51  }
0x3a5: {  	v62 =	vor.u32 $0x30, v1;
	v61 =	vld.idx.msk [tilespmem:v53+s14+$0x0], $0xffff  }
0x3a6: {  	v63 =	vld.idx.msk [tilespmem:v56+s13+$0x0], $0xffff;
	v2 =	vadd.f32 v3, v2;
	v3 =	vmul.f32 v55, v54  }
0x3a7: {  	v17 =	vor.u32 $0x31, v1;
	v16 =	vld.idx.msk [tilespmem:v56+s14+$0x0], $0xffff  }
0x3a8: {  	v18 =	vld.idx.msk [tilespmem:v59+s13+$0x0], $0xffff;
	v2 =	vadd.f32 v3, v2;
	v3 =	vmul.f32 v58, v57  }
0x3a9: {  	v20 =	vor.u32 $0x32, v1;
	v19 =	vld.idx.msk [tilespmem:v59+s14+$0x0], $0xffff  }
0x3aa: {  	v21 =	vld.idx.msk [tilespmem:v62+s13+$0x0], $0xffff;
	v2 =	vadd.f32 v3, v2;
	v3 =	vmul.f32 v61, v60  }
0x3ab: {  	v23 =	vor.u32 $0x33, v1;
	v22 =	vld.idx.msk [tilespmem:v62+s14+$0x0], $0xffff  }
0x3ac: {  	v24 =	vld.idx.msk [tilespmem:v17+s13+$0x0], $0xffff;
	v2 =	vadd.f32 v3, v2;
	v3 =	vmul.f32 v16, v63  }
0x3ad: {  	v26 =	vor.u32 $0x34, v1;
	v25 =	vld.idx.msk [tilespmem:v17+s14+$0x0], $0xffff  }
0x3ae: {  	v27 =	vld.idx.msk [tilespmem:v20+s13+$0x0], $0xffff;
	v2 =	vadd.f32 v3, v2;
	v3 =	vmul.f32 v19, v18  }
0x3af: {  	v29 =	vor.u32 $0x35, v1;
	v28 =	vld.idx.msk [tilespmem:v20+s14+$0x0], $0xffff  }
0x3b0: {  	v30 =	vld.idx.msk [tilespmem:v23+s13+$0x0], $0xffff;
	v2 =	vadd.f32 v3, v2;
	v3 =	vmul.f32 v22, v21  }
0x3b1: {  	v32 =	vor.u32 $0x36, v1;
	v31 =	vld.idx.msk [tilespmem:v23+s14+$0x0], $0xffff  }
0x3b2: {  	v33 =	vld.idx.msk [tilespmem:v26+s13+$0x0], $0xffff;
	v2 =	vadd.f32 v3, v2;
	v3 =	vmul.f32 v25, v24  }
0x3b3: {  	v35 =	vor.u32 $0x37, v1;
	v34 =	vld.idx.msk [tilespmem:v26+s14+$0x0], $0xffff  }
0x3b4: {  	v36 =	vld.idx.msk [tilespmem:v29+s13+$0x0], $0xffff;
	v2 =	vadd.f32 v3, v2;
	v3 =	vmul.f32 v28, v27  }
0x3b5: {  	v38 =	vor.u32 $0x38, v1;
	v37 =	vld.idx.msk [tilespmem:v29+s14+$0x0], $0xffff  }
0x3b6: {  	v39 =	vld.idx.msk [tilespmem:v32+s13+$0x0], $0xffff;
	v2 =	vadd.f32 v3, v2;
	v3 =	vmul.f32 v31, v30  }
0x3b7: {  	v41 =	vor.u32 $0x39, v1;
	v40 =	vld.idx.msk [tilespmem:v32+s14+$0x0], $0xffff  }
0x3b8: {  	v42 =	vld.idx.msk [tilespmem:v35+s13+$0x0], $0xffff;
	v2 =	vadd.f32 v3, v2;
	v3 =	vmul.f32 v34, v33  }
0x3b9: {  	v44 =	vor.u32 $0x3A, v1;
	v43 =	vld.idx.msk [tilespmem:v35+s14+$0x0], $0xffff  }
0x3ba: {  	v45 =	vld.idx.msk [tilespmem:v38+s13+$0x0], $0xffff;
	v2 =	vadd.f32 v3, v2;
	v3 =	vmul.f32 v37, v36  }
0x3bb: {  	v47 =	vor.u32 $0x3B, v1;
	v46 =	vld.idx.msk [tilespmem:v38+s14+$0x0], $0xffff  }
0x3bc: {  	v48 =	vld.idx.msk [tilespmem:v41+s13+$0x0], $0xffff;
	v2 =	vadd.f32 v3, v2;
	v3 =	vmul.f32 v40, v39  }
0x3bd: {  	v50 =	vor.u32 $0x3C, v1;
	v49 =	vld.idx.msk [tilespmem:v41+s14+$0x0], $0xffff  }
0x3be: {  	v51 =	vld.idx.msk [tilespmem:v44+s13+$0x0], $0xffff;
	v2 =	vadd.f32 v3, v2;
	v3 =	vmul.f32 v43, v42  }
0x3bf: {  	v53 =	vor.u32 $0x3D, v1;
	v52 =	vld.idx.msk [tilespmem:v44+s14+$0x0], $0xffff  }
0x3c0: {  	v54 =	vld.idx.msk [tilespmem:v47+s13+$0x0], $0xffff;
	v2 =	vadd.f32 v3, v2;
	v3 =	vmul.f32 v46, v45  }
0x3c1: {  	v56 =	vor.u32 $0x3E, v1;
	v55 =	vld.idx.msk [tilespmem:v47+s14+$0x0], $0xffff  }
0x3c2: {  	v57 =	vld.idx.msk [tilespmem:v50+s13+$0x0], $0xffff;
	v2 =	vadd.f32 v3, v2;
	v3 =	vmul.f32 v49, v48  }
0x3c3: {  	v59 =	vor.u32 $0x3F, v1;
	v58 =	vld.idx.msk [tilespmem:v50+s14+$0x0], $0xffff  }
0x3c4: {  	v60 =	vld.idx.msk [tilespmem:v53+s13+$0x0], $0xffff;
	v2 =	vadd.f32 v3, v2;
	v3 =	vmul.f32 v52, v51  }
0x3c5: {  	v62 =	vor.u32 $0x40, v1;
	v61 =	vld.idx.msk [tilespmem:v53+s14+$0x0], $0xffff  }
0x3c6: {  	v63 =	vld.idx.msk [tilespmem:v56+s13+$0x0], $0xffff;
	v2 =	vadd.f32 v3, v2;
	v3 =	vmul.f32 v55, v54  }
0x3c7: {  	v17 =	vor.u32 $0x41, v1;
	v16 =	vld.idx.msk [tilespmem:v56+s14+$0x0], $0xffff  }
0x3c8: {  	v18 =	vld.idx.msk [tilespmem:v59+s13+$0x0], $0xffff;
	v2 =	vadd.f32 v3, v2;
	v3 =	vmul.f32 v58, v57  }
0x3c9: {  	v20 =	vor.u32 $0x42, v1;
	v19 =	vld.idx.msk [tilespmem:v59+s14+$0x0], $0xffff  }
0x3ca: {  	v21 =	vld.idx.msk [tilespmem:v62+s13+$0x0], $0xffff;
	v2 =	vadd.f32 v3, v2;
	v3 =	vmul.f32 v61, v60  }
0x3cb: {  	v23 =	vor.u32 $0x43, v1;
	v22 =	vld.idx.msk [tilespmem:v62+s14+$0x0], $0xffff  }
0x3cc: {  	v24 =	vld.idx.msk [tilespmem:v17+s13+$0x0], $0xffff;
	v2 =	vadd.f32 v3, v2;
	v3 =	vmul.f32 v16, v63  }
0x3cd: {  	v26 =	vor.u32 $0x44, v1;
	v25 =	vld.idx.msk [tilespmem:v17+s14+$0x0], $0xffff  }
0x3ce: {  	v27 =	vld.idx.msk [tilespmem:v20+s13+$0x0], $0xffff;
	v2 =	vadd.f32 v3, v2;
	v3 =	vmul.f32 v19, v18  }
0x3cf: {  	v29 =	vor.u32 $0x45, v1;
	v28 =	vld.idx.msk [tilespmem:v20+s14+$0x0], $0xffff  }
0x3d0: {  	v30 =	vld.idx.msk [tilespmem:v23+s13+$0x0], $0xffff;
	v2 =	vadd.f32 v3, v2;
	v3 =	vmul.f32 v22, v21  }
0x3d1: {  	v32 =	vor.u32 $0x46, v1;
	v31 =	vld.idx.msk [tilespmem:v23+s14+$0x0], $0xffff  }
0x3d2: {  	v33 =	vld.idx.msk [tilespmem:v26+s13+$0x0], $0xffff;
	v2 =	vadd.f32 v3, v2;
	v3 =	vmul.f32 v25, v24  }
0x3d3: {  	v35 =	vor.u32 $0x47, v1;
	v34 =	vld.idx.msk [tilespmem:v26+s14+$0x0], $0xffff  }
0x3d4: {  	v36 =	vld.idx.msk [tilespmem:v29+s13+$0x0], $0xffff;
	v2 =	vadd.f32 v3, v2;
	v3 =	vmul.f32 v28, v27  }
0x3d5: {  	v38 =	vor.u32 $0x48, v1;
	v37 =	vld.idx.msk [tilespmem:v29+s14+$0x0], $0xffff  }
0x3d6: {  	v39 =	vld.idx.msk [tilespmem:v32+s13+$0x0], $0xffff;
	v2 =	vadd.f32 v3, v2;
	v3 =	vmul.f32 v31, v30  }
0x3d7: {  	v41 =	vor.u32 $0x49, v1;
	v40 =	vld.idx.msk [tilespmem:v32+s14+$0x0], $0xffff  }
0x3d8: {  	v42 =	vld.idx.msk [tilespmem:v35+s13+$0x0], $0xffff;
	v2 =	vadd.f32 v3, v2;
	v3 =	vmul.f32 v34, v33  }
0x3d9: {  	v44 =	vor.u32 $0x4A, v1;
	v43 =	vld.idx.msk [tilespmem:v35+s14+$0x0], $0xffff  }
0x3da: {  	v45 =	vld.idx.msk [tilespmem:v38+s13+$0x0], $0xffff;
	v2 =	vadd.f32 v3, v2;
	v3 =	vmul.f32 v37, v36  }
0x3db: {  	v47 =	vor.u32 $0x4B, v1;
	v46 =	vld.idx.msk [tilespmem:v38+s14+$0x0], $0xffff  }
0x3dc: {  	v48 =	vld.idx.msk [tilespmem:v41+s13+$0x0], $0xffff;
	v2 =	vadd.f32 v3, v2;
	v3 =	vmul.f32 v40, v39  }
0x3dd: {  	v50 =	vor.u32 $0x4C, v1;
	v49 =	vld.idx.msk [tilespmem:v41+s14+$0x0], $0xffff  }
0x3de: {  	v51 =	vld.idx.msk [tilespmem:v44+s13+$0x0], $0xffff;
	v2 =	vadd.f32 v3, v2;
	v3 =	vmul.f32 v43, v42  }
0x3df: {  	v53 =	vor.u32 $0x4D, v1;
	v52 =	vld.idx.msk [tilespmem:v44+s14+$0x0], $0xffff  }
0x3e0: {  	v54 =	vld.idx.msk [tilespmem:v47+s13+$0x0], $0xffff;
	v2 =	vadd.f32 v3, v2;
	v3 =	vmul.f32 v46, v45  }
0x3e1: {  	v56 =	vor.u32 $0x4E, v1;
	v55 =	vld.idx.msk [tilespmem:v47+s14+$0x0], $0xffff  }
0x3e2: {  	v57 =	vld.idx.msk [tilespmem:v50+s13+$0x0], $0xffff;
	v2 =	vadd.f32 v3, v2;
	v3 =	vmul.f32 v49, v48  }
0x3e3: {  	v59 =	vor.u32 $0x4F, v1;
	v58 =	vld.idx.msk [tilespmem:v50+s14+$0x0], $0xffff  }
0x3e4: {  	v60 =	vld.idx.msk [tilespmem:v53+s13+$0x0], $0xffff;
	v2 =	vadd.f32 v3, v2;
	v3 =	vmul.f32 v52, v51  }
0x3e5: {  	v62 =	vor.u32 $0x50, v1;
	v61 =	vld.idx.msk [tilespmem:v53+s14+$0x0], $0xffff  }
0x3e6: {  	v63 =	vld.idx.msk [tilespmem:v56+s13+$0x0], $0xffff;
	v2 =	vadd.f32 v3, v2;
	v3 =	vmul.f32 v55, v54  }
0x3e7: {  	v17 =	vor.u32 $0x51, v1;
	v16 =	vld.idx.msk [tilespmem:v56+s14+$0x0], $0xffff  }
0x3e8: {  	v18 =	vld.idx.msk [tilespmem:v59+s13+$0x0], $0xffff;
	v2 =	vadd.f32 v3, v2;
	v3 =	vmul.f32 v58, v57  }
0x3e9: {  	v20 =	vor.u32 $0x52, v1;
	v19 =	vld.idx.msk [tilespmem:v59+s14+$0x0], $0xffff  }
0x3ea: {  	v21 =	vld.idx.msk [tilespmem:v62+s13+$0x0], $0xffff;
	v2 =	vadd.f32 v3, v2;
	v3 =	vmul.f32 v61, v60  }
0x3eb: {  	v23 =	vor.u32 $0x53, v1;
	v22 =	vld.idx.msk [tilespmem:v62+s14+$0x0], $0xffff  }
0x3ec: {  	v24 =	vld.idx.msk [tilespmem:v17+s13+$0x0], $0xffff;
	v2 =	vadd.f32 v3, v2;
	v3 =	vmul.f32 v16, v63  }
0x3ed: {  	v26 =	vor.u32 $0x54, v1;
	v25 =	vld.idx.msk [tilespmem:v17+s14+$0x0], $0xffff  }
0x3ee: {  	v27 =	vld.idx.msk [tilespmem:v20+s13+$0x0], $0xffff;
	v2 =	vadd.f32 v3, v2;
	v3 =	vmul.f32 v19, v18  }
0x3ef: {  	v29 =	vor.u32 $0x55, v1;
	v28 =	vld.idx.msk [tilespmem:v20+s14+$0x0], $0xffff  }
0x3f0: {  	v30 =	vld.idx.msk [tilespmem:v23+s13+$0x0], $0xffff;
	v2 =	vadd.f32 v3, v2;
	v3 =	vmul.f32 v22, v21  }
0x3f1: {  	v32 =	vor.u32 $0x56, v1;
	v31 =	vld.idx.msk [tilespmem:v23+s14+$0x0], $0xffff  }
0x3f2: {  	v33 =	vld.idx.msk [tilespmem:v26+s13+$0x0], $0xffff;
	v2 =	vadd.f32 v3, v2;
	v3 =	vmul.f32 v25, v24  }
0x3f3: {  	v35 =	vor.u32 $0x57, v1;
	v34 =	vld.idx.msk [tilespmem:v26+s14+$0x0], $0xffff  }
0x3f4: {  	v36 =	vld.idx.msk [tilespmem:v29+s13+$0x0], $0xffff;
	v2 =	vadd.f32 v3, v2;
	v3 =	vmul.f32 v28, v27  }
0x3f5: {  	v38 =	vor.u32 $0x58, v1;
	v37 =	vld.idx.msk [tilespmem:v29+s14+$0x0], $0xffff  }
0x3f6: {  	v39 =	vld.idx.msk [tilespmem:v32+s13+$0x0], $0xffff;
	v2 =	vadd.f32 v3, v2;
	v3 =	vmul.f32 v31, v30  }
0x3f7: {  	v41 =	vor.u32 $0x59, v1;
	v40 =	vld.idx.msk [tilespmem:v32+s14+$0x0], $0xffff  }
0x3f8: {  	v42 =	vld.idx.msk [tilespmem:v35+s13+$0x0], $0xffff;
	v2 =	vadd.f32 v3, v2;
	v3 =	vmul.f32 v34, v33  }
0x3f9: {  	v44 =	vor.u32 $0x5A, v1;
	v43 =	vld.idx.msk [tilespmem:v35+s14+$0x0], $0xffff  }
0x3fa: {  	v45 =	vld.idx.msk [tilespmem:v38+s13+$0x0], $0xffff;
	v2 =	vadd.f32 v3, v2;
	v3 =	vmul.f32 v37, v36  }
0x3fb: {  	v47 =	vor.u32 $0x5B, v1;
	v46 =	vld.idx.msk [tilespmem:v38+s14+$0x0], $0xffff  }
0x3fc: {  	v48 =	vld.idx.msk [tilespmem:v41+s13+$0x0], $0xffff;
	v2 =	vadd.f32 v3, v2;
	v3 =	vmul.f32 v40, v39  }
0x3fd: {  	v50 =	vor.u32 $0x5C, v1;
	v49 =	vld.idx.msk [tilespmem:v41+s14+$0x0], $0xffff  }
0x3fe: {  	v51 =	vld.idx.msk [tilespmem:v44+s13+$0x0], $0xffff;
	v2 =	vadd.f32 v3, v2;
	v3 =	vmul.f32 v43, v42  }
0x3ff: {  	v53 =	vor.u32 $0x5D, v1;
	v52 =	vld.idx.msk [tilespmem:v44+s14+$0x0], $0xffff  }
0x400: {  	v54 =	vld.idx.msk [tilespmem:v47+s13+$0x0], $0xffff;
	v2 =	vadd.f32 v3, v2;
	v3 =	vmul.f32 v46, v45  }
0x401: {  	v56 =	vor.u32 $0x5E, v1;
	v55 =	vld.idx.msk [tilespmem:v47+s14+$0x0], $0xffff  }
0x402: {  	v57 =	vld.idx.msk [tilespmem:v50+s13+$0x0], $0xffff;
	v2 =	vadd.f32 v3, v2;
	v3 =	vmul.f32 v49, v48  }
0x403: {  	v59 =	vor.u32 $0x5F, v1;
	v58 =	vld.idx.msk [tilespmem:v50+s14+$0x0], $0xffff  }
0x404: {  	v60 =	vld.idx.msk [tilespmem:v53+s13+$0x0], $0xffff;
	v2 =	vadd.f32 v3, v2;
	v3 =	vmul.f32 v52, v51  }
0x405: {  	v62 =	vor.u32 $0x60, v1;
	v61 =	vld.idx.msk [tilespmem:v53+s14+$0x0], $0xffff  }
0x406: {  	v63 =	vld.idx.msk [tilespmem:v56+s13+$0x0], $0xffff;
	v2 =	vadd.f32 v3, v2;
	v3 =	vmul.f32 v55, v54  }
0x407: {  	v17 =	vor.u32 $0x61, v1;
	v16 =	vld.idx.msk [tilespmem:v56+s14+$0x0], $0xffff  }
0x408: {  	v18 =	vld.idx.msk [tilespmem:v59+s13+$0x0], $0xffff;
	v2 =	vadd.f32 v3, v2;
	v3 =	vmul.f32 v58, v57  }
0x409: {  	v20 =	vor.u32 $0x62, v1;
	v19 =	vld.idx.msk [tilespmem:v59+s14+$0x0], $0xffff  }
0x40a: {  	v21 =	vld.idx.msk [tilespmem:v62+s13+$0x0], $0xffff;
	v2 =	vadd.f32 v3, v2;
	v3 =	vmul.f32 v61, v60  }
0x40b: {  	v23 =	vor.u32 $0x63, v1;
	v22 =	vld.idx.msk [tilespmem:v62+s14+$0x0], $0xffff  }
0x40c: {  	v24 =	vld.idx.msk [tilespmem:v17+s13+$0x0], $0xffff;
	v2 =	vadd.f32 v3, v2;
	v3 =	vmul.f32 v16, v63  }
0x40d: {  	v26 =	vor.u32 $0x64, v1;
	v25 =	vld.idx.msk [tilespmem:v17+s14+$0x0], $0xffff  }
0x40e: {  	v27 =	vld.idx.msk [tilespmem:v20+s13+$0x0], $0xffff;
	v2 =	vadd.f32 v3, v2;
	v3 =	vmul.f32 v19, v18  }
0x40f: {  	v29 =	vor.u32 $0x65, v1;
	v28 =	vld.idx.msk [tilespmem:v20+s14+$0x0], $0xffff  }
0x410: {  	v30 =	vld.idx.msk [tilespmem:v23+s13+$0x0], $0xffff;
	v2 =	vadd.f32 v3, v2;
	v3 =	vmul.f32 v22, v21  }
0x411: {  	v32 =	vor.u32 $0x66, v1;
	v31 =	vld.idx.msk [tilespmem:v23+s14+$0x0], $0xffff  }
0x412: {  	v33 =	vld.idx.msk [tilespmem:v26+s13+$0x0], $0xffff;
	v2 =	vadd.f32 v3, v2;
	v3 =	vmul.f32 v25, v24  }
0x413: {  	v35 =	vor.u32 $0x67, v1;
	v34 =	vld.idx.msk [tilespmem:v26+s14+$0x0], $0xffff  }
0x414: {  	v36 =	vld.idx.msk [tilespmem:v29+s13+$0x0], $0xffff;
	v2 =	vadd.f32 v3, v2;
	v3 =	vmul.f32 v28, v27  }
0x415: {  	v38 =	vor.u32 $0x68, v1;
	v37 =	vld.idx.msk [tilespmem:v29+s14+$0x0], $0xffff  }
0x416: {  	v39 =	vld.idx.msk [tilespmem:v32+s13+$0x0], $0xffff;
	v2 =	vadd.f32 v3, v2;
	v3 =	vmul.f32 v31, v30  }
0x417: {  	v41 =	vor.u32 $0x69, v1;
	v40 =	vld.idx.msk [tilespmem:v32+s14+$0x0], $0xffff  }
0x418: {  	v42 =	vld.idx.msk [tilespmem:v35+s13+$0x0], $0xffff;
	v2 =	vadd.f32 v3, v2;
	v3 =	vmul.f32 v34, v33  }
0x419: {  	v44 =	vor.u32 $0x6A, v1;
	v43 =	vld.idx.msk [tilespmem:v35+s14+$0x0], $0xffff  }
0x41a: {  	v45 =	vld.idx.msk [tilespmem:v38+s13+$0x0], $0xffff;
	v2 =	vadd.f32 v3, v2;
	v3 =	vmul.f32 v37, v36  }
0x41b: {  	v47 =	vor.u32 $0x6B, v1;
	v46 =	vld.idx.msk [tilespmem:v38+s14+$0x0], $0xffff  }
0x41c: {  	v48 =	vld.idx.msk [tilespmem:v41+s13+$0x0], $0xffff;
	v2 =	vadd.f32 v3, v2;
	v3 =	vmul.f32 v40, v39  }
0x41d: {  	v50 =	vor.u32 $0x6C, v1;
	v49 =	vld.idx.msk [tilespmem:v41+s14+$0x0], $0xffff  }
0x41e: {  	v51 =	vld.idx.msk [tilespmem:v44+s13+$0x0], $0xffff;
	v2 =	vadd.f32 v3, v2;
	v3 =	vmul.f32 v43, v42  }
0x41f: {  	v53 =	vor.u32 $0x6D, v1;
	v52 =	vld.idx.msk [tilespmem:v44+s14+$0x0], $0xffff  }
0x420: {  	v54 =	vld.idx.msk [tilespmem:v47+s13+$0x0], $0xffff;
	v2 =	vadd.f32 v3, v2;
	v3 =	vmul.f32 v46, v45  }
0x421: {  	v56 =	vor.u32 $0x6E, v1;
	v55 =	vld.idx.msk [tilespmem:v47+s14+$0x0], $0xffff  }
0x422: {  	v57 =	vld.idx.msk [tilespmem:v50+s13+$0x0], $0xffff;
	v2 =	vadd.f32 v3, v2;
	v3 =	vmul.f32 v49, v48  }
0x423: {  	v59 =	vor.u32 $0x6F, v1;
	v58 =	vld.idx.msk [tilespmem:v50+s14+$0x0], $0xffff  }
0x424: {  	v60 =	vld.idx.msk [tilespmem:v53+s13+$0x0], $0xffff;
	v2 =	vadd.f32 v3, v2;
	v3 =	vmul.f32 v52, v51  }
0x425: {  	v62 =	vor.u32 $0x70, v1;
	v61 =	vld.idx.msk [tilespmem:v53+s14+$0x0], $0xffff  }
0x426: {  	v63 =	vld.idx.msk [tilespmem:v56+s13+$0x0], $0xffff;
	v2 =	vadd.f32 v3, v2;
	v3 =	vmul.f32 v55, v54  }
0x427: {  	v17 =	vor.u32 $0x71, v1;
	v16 =	vld.idx.msk [tilespmem:v56+s14+$0x0], $0xffff  }
0x428: {  	v18 =	vld.idx.msk [tilespmem:v59+s13+$0x0], $0xffff;
	v2 =	vadd.f32 v3, v2;
	v3 =	vmul.f32 v58, v57  }
0x429: {  	v20 =	vor.u32 $0x72, v1;
	v19 =	vld.idx.msk [tilespmem:v59+s14+$0x0], $0xffff  }
0x42a: {  	v21 =	vld.idx.msk [tilespmem:v62+s13+$0x0], $0xffff;
	v2 =	vadd.f32 v3, v2;
	v3 =	vmul.f32 v61, v60  }
0x42b: {  	v23 =	vor.u32 $0x73, v1;
	v22 =	vld.idx.msk [tilespmem:v62+s14+$0x0], $0xffff  }
0x42c: {  	v24 =	vld.idx.msk [tilespmem:v17+s13+$0x0], $0xffff;
	v2 =	vadd.f32 v3, v2;
	v3 =	vmul.f32 v16, v63  }
0x42d: {  	v26 =	vor.u32 $0x74, v1;
	v25 =	vld.idx.msk [tilespmem:v17+s14+$0x0], $0xffff  }
0x42e: {  	v27 =	vld.idx.msk [tilespmem:v20+s13+$0x0], $0xffff;
	v2 =	vadd.f32 v3, v2;
	v3 =	vmul.f32 v19, v18  }
0x42f: {  	v29 =	vor.u32 $0x75, v1;
	v28 =	vld.idx.msk [tilespmem:v20+s14+$0x0], $0xffff  }
0x430: {  	v30 =	vld.idx.msk [tilespmem:v23+s13+$0x0], $0xffff;
	v2 =	vadd.f32 v3, v2;
	v3 =	vmul.f32 v22, v21  }
0x431: {  	v32 =	vor.u32 $0x76, v1;
	v31 =	vld.idx.msk [tilespmem:v23+s14+$0x0], $0xffff  }
0x432: {  	v33 =	vld.idx.msk [tilespmem:v26+s13+$0x0], $0xffff;
	v2 =	vadd.f32 v3, v2;
	v3 =	vmul.f32 v25, v24  }
0x433: {  	v35 =	vor.u32 $0x77, v1;
	v34 =	vld.idx.msk [tilespmem:v26+s14+$0x0], $0xffff  }
0x434: {  	v36 =	vld.idx.msk [tilespmem:v29+s13+$0x0], $0xffff;
	v2 =	vadd.f32 v3, v2;
	v3 =	vmul.f32 v28, v27  }
0x435: {  	v38 =	vor.u32 $0x78, v1;
	v37 =	vld.idx.msk [tilespmem:v29+s14+$0x0], $0xffff  }
0x436: {  	v39 =	vld.idx.msk [tilespmem:v32+s13+$0x0], $0xffff;
	v2 =	vadd.f32 v3, v2;
	v3 =	vmul.f32 v31, v30  }
0x437: {  	v41 =	vor.u32 $0x79, v1;
	v40 =	vld.idx.msk [tilespmem:v32+s14+$0x0], $0xffff  }
0x438: {  	v42 =	vld.idx.msk [tilespmem:v35+s13+$0x0], $0xffff;
	v2 =	vadd.f32 v3, v2;
	v3 =	vmul.f32 v34, v33  }
0x439: {  	v44 =	vor.u32 $0x7A, v1;
	v43 =	vld.idx.msk [tilespmem:v35+s14+$0x0], $0xffff  }
0x43a: {  	v45 =	vld.idx.msk [tilespmem:v38+s13+$0x0], $0xffff;
	v2 =	vadd.f32 v3, v2;
	v3 =	vmul.f32 v37, v36  }
0x43b: {  	v47 =	vor.u32 $0x7B, v1;
	v46 =	vld.idx.msk [tilespmem:v38+s14+$0x0], $0xffff  }
0x43c: {  	v48 =	vld.idx.msk [tilespmem:v41+s13+$0x0], $0xffff;
	v2 =	vadd.f32 v3, v2;
	v3 =	vmul.f32 v40, v39  }
0x43d: {  	v50 =	vor.u32 $0x7C, v1;
	v49 =	vld.idx.msk [tilespmem:v41+s14+$0x0], $0xffff  }
0x43e: {  	v51 =	vld.idx.msk [tilespmem:v44+s13+$0x0], $0xffff;
	v2 =	vadd.f32 v3, v2;
	v3 =	vmul.f32 v43, v42  }
0x43f: {  	v53 =	vor.u32 $0x7D, v1;
	v52 =	vld.idx.msk [tilespmem:v44+s14+$0x0], $0xffff  }
0x440: {  	v54 =	vld.idx.msk [tilespmem:v47+s13+$0x0], $0xffff;
	v2 =	vadd.f32 v3, v2;
	v3 =	vmul.f32 v46, v45  }
0x441: {  	v56 =	vor.u32 $0x7E, v1;
	v55 =	vld.idx.msk [tilespmem:v47+s14+$0x0], $0xffff  }
0x442: {  	v57 =	vld.idx.msk [tilespmem:v50+s13+$0x0], $0xffff;
	v2 =	vadd.f32 v3, v2;
	v3 =	vmul.f32 v49, v48  }
0x443: {  	v1 =	vor.u32 $0x7F, v1;
	v58 =	vld.idx.msk [tilespmem:v50+s14+$0x0], $0xffff  }
0x444: {  	v59 =	vld.idx.msk [tilespmem:v53+s13+$0x0], $0xffff;
	v2 =	vadd.f32 v3, v2;
	v3 =	vmul.f32 v52, v51  }
0x445: {  	v60 =	vld.idx.msk [tilespmem:v53+s14+$0x0], $0xffff  }
0x446: {  	v62 =	vld.idx.msk [tilespmem:v56+s14+$0x0], $0xffff;
	v2 =	vadd.f32 v3, v2;
	v3 =	vmul.f32 v55, v54  }
0x447: {  	v61 =	vld.idx.msk [tilespmem:v56+s13+$0x0], $0xffff  }
0x448: {  	v63 =	vld.idx.msk [tilespmem:v1+s13+$0x0], $0xffff;
	v2 =	vadd.f32 v3, v2;
	v3 =	vmul.f32 v58, v57  }
0x449: {  	v1 =	vld.idx.msk [tilespmem:v1+s14+$0x0], $0xffff  }
0x44a: {  	v2 =	vadd.f32 v3, v2;
	v3 =	vmul.f32 v60, v59;
	_ =	sdelay $0x1  }
0x44b: {  	v2 =	vadd.f32 v3, v2;
	v3 =	vmul.f32 v62, v61;
	_ =	sdelay $0x1  }
0x44c: {  	v1 =	vmul.f32 v1, v63;
	v2 =	vadd.f32 v3, v2;
	_ =	sdelay $0x1  }
0x44d: {  	v1 =	vadd.f32 v1, v2  }
0x44e: {  	s22 =	sadd.s32 $0x10, s22  }
.Ltmp6:
0x44f: {  	s21 =	sadd.s32 s1, s21;
	[tilespmem:s22+$0x0] =	vst v1;
	(pc) =	sbr.rel .LBB2_6-.Ltmp6, $4  }
0x450: {  	[hbm4b:s21+s2] =	stream.linear.scatter [tilespmem:s17], [sflag:$0x3], $0x80, $0x38;
	[tilespmem:$0x8180] =	vst v63  }
0x451: {  	_ =	swait.ge [sflag:s18], $0x80  }
0x452: {  	[sflag:s18] =	ssyncset.done $0x0  }
0x453: {  	[sflag:s18] =	ssyncadd.s32 $0xFFFFFF80  }
.LBB2_8:
0x454: {  	_ =	sfence.sel $0x180000  }
0x455: {  	[bflag:$0x0] =	sbarrier.arrive $0xFFFF  }
0x456: {  	p0 =	sne.s32 s4, $0x0;
	_ =	strace $0x9000004A  }
0x457: {  	s0 =	sadd.s32 @!p0 $0x100000, s0;
	[bflag:$0x2] =	sbarrier.arrive $0xFFFF  }
0x458: {  	[sflag:s0] =	ssyncadd.tile.s32 @!p0 $0x1;
	_ =	shalt  }
.Lfunc_end2:
_tile_overlayer_lowered:
.L_overlay_start_2:
0x459: {  	(tag) =	ssettag $0x2  }
0x45a: {  	s0 =	rddreg [dreg:$0x0];
	s2 =	stileid.u32  }
0x45b: {  	s1 =	rddreg [dreg:$0x1];
	p0 =	sne.s32 s2, $0x0  }
0x45c: {  	s3 =	rddreg [dreg:$0x2];
	[bflag:$0x3] =	sbarrier.arrive $0xFFFF;
	s2 =	simm.s32 @!p0 $0x1C03  }
0x45d: {  	[timem:s3], [sflag:s2] =	dma.local @!p0 [hbm:s0], s1  }
0x45e: {  	s0 =	simm.s32 @!p0 $0x3  }
0x45f: {  	_ =	swait.ge @!p0 [sflag:s0], s1  }
0x460: {  	s1 =	ssub.s32 @!p0 $0x0, s1;
	[sflag:s0] =	ssyncset.done @!p0 $0x0  }
0x461: {  	[sflag:s0] =	ssyncadd.s32 @!p0 s1  }
0x462: {  	[bflag:$0x3] =	sbarrier.arrive $0xFFFF  }
0x463: {  	_ =	shalt  }

</sc_bundles>
